<compile_context>
chip_gen: v7x
topology: tpu7x:2x2x1
jax: 0.10.2.dev20260603
libtpu: 0.0.44.dev20260713+nightly
codegen_flags: <defaults>
</compile_context>

<pallas_src>
import functools

import jax
import jax.numpy as jnp
from jax import lax
from jax.experimental import pallas as pl
from jax.experimental.pallas import tpu as pltpu
from jax.experimental.pallas import tpu_sc as plsc

N = 50000
D = 32
RC = 5.0
NC, NS = 2, 16
NW = NC * NS
NPAD = 51200
ROWS_PT = NPAD // NS
CH = 128
SUP = 256
GSUP = 256
CD = 16
BN = 3200
ST = BN // 4
A_OLD = 0.89442719
A_NEW = 0.4472


def _sc_mesh():
    return plsc.VectorSubcoreMesh(core_axis_name="c", subcore_axis_name="s",
                                  num_cores=NC, num_subcores=NS)


_SC_PARAMS = pltpu.CompilerParams(use_tc_tiling_on_sc=False)


def _stripe_perm(a):
    return a.reshape(-1, 4, ST).swapaxes(1, 2).reshape(-1)


def _seg_sum_partials(rows_src, idx2d, total_chunks):
    NMIN = total_chunks // NW
    npairs = NMIN // 2
    odd = NMIN % 2

    @functools.partial(
        pl.kernel,
        out_type=jax.ShapeDtypeStruct((NC, NPAD, D), jnp.float32),
        mesh=_sc_mesh(),
        compiler_params=_SC_PARAMS,
        scratch_types=[
            pltpu.VMEM((2, CH), jnp.int32),
            pltpu.VMEM((2, CH), jnp.int32),
            pltpu.VMEM((SUP, D), jnp.float32),
            pltpu.VMEM((SUP, D), jnp.float32),
            pltpu.VMEM_SHARED((NPAD, D), jnp.float32),
            pltpu.SemaphoreType.DMA,
            pltpu.SemaphoreType.DMA,
            pltpu.SemaphoreType.DMA,
            pltpu.SemaphoreType.DMA,
        ],
    )
    def k(rows_hbm, idx_hbm, out_hbm, idxv0, idxv1, rows0, rows1, acc,
          si0, si1, sr0, sr1):
        cid = lax.axis_index("c")
        sid = lax.axis_index("s")
        wid = cid * NS + sid
        tmax = total_chunks - 1
        zero16 = jnp.zeros((16,), jnp.float32)

        def _zb(i, carry):
            rows0[i, pl.ds(0, 16)] = zero16
            rows0[i, pl.ds(16, 16)] = zero16
            return carry
        lax.fori_loop(0, CH, _zb, 0)

        def _za(i, carry):
            pltpu.sync_copy(rows0.at[pl.ds(0, CH)],
                            acc.at[pl.ds(sid * ROWS_PT + i * CH, CH)])
            return carry
        lax.fori_loop(0, ROWS_PT // CH, _za, 0)
        plsc.subcore_barrier()

        def idx_sl(t):
            return idx_hbm.at[pl.ds(t * (SUP // CH), SUP // CH)]

        def row_sl(t):
            return rows_hbm.at[pl.ds(t * SUP, SUP)]

        def stage(t, ib, rb, s_i, s_r):
            tc = jnp.minimum(t, tmax)
            pltpu.async_copy(idx_sl(tc), ib, s_i)
            pltpu.async_copy(row_sl(tc), rb, s_r)

        def do_chunk(t, ib, rb, s_i, s_r, prefetch):
            pltpu.make_async_copy(idx_sl(t), ib, s_i).wait()
            pltpu.make_async_copy(row_sl(t), rb, s_r).wait()
            pltpu.sync_copy(rb.at[pl.ds(0, CH)], acc.at[ib.at[0]], add=True)
            pltpu.sync_copy(rb.at[pl.ds(CH, CH)], acc.at[ib.at[1]], add=True)
            if prefetch is True:
                stage(t + 2 * NW, ib, rb, s_i, s_r)
            elif prefetch is not False:
                @pl.when(prefetch)
                def _():
                    stage(t + 2 * NW, ib, rb, s_i, s_r)

        stage(wid, idxv0, rows0, si0, sr0)
        stage(wid + NW, idxv1, rows1, si1, sr1)

        def pair(kk, carry):
            t0 = wid + (2 * kk) * NW
            do_chunk(t0, idxv0, rows0, si0, sr0, True)
            pf1 = True if odd else kk < npairs - 1
            do_chunk(t0 + NW, idxv1, rows1, si1, sr1, pf1)
            return carry
        lax.fori_loop(0, npairs, pair, 0)

        if odd:
            do_chunk(wid + (NMIN - 1) * NW, idxv0, rows0, si0, sr0, False)
            ibe, rbe, sie, sre = idxv1, rows1, si1, sr1
        else:
            ibe, rbe, sie, sre = idxv0, rows0, si0, sr0

        tN = wid + NMIN * NW
        tNc = jnp.minimum(tN, tmax)
        pltpu.make_async_copy(idx_sl(tNc), ibe, sie).wait()
        pltpu.make_async_copy(row_sl(tNc), rbe, sre).wait()

        @pl.when(tN <= tmax)
        def _tail():
            pltpu.sync_copy(rbe.at[pl.ds(0, CH)], acc.at[ibe.at[0]], add=True)
            pltpu.sync_copy(rbe.at[pl.ds(CH, CH)], acc.at[ibe.at[1]], add=True)

        plsc.subcore_barrier()
        pltpu.sync_copy(acc.at[pl.ds(sid * ROWS_PT, ROWS_PT)],
                        out_hbm.at[cid, pl.ds(sid * ROWS_PT, ROWS_PT)])

    return k(rows_src, idx2d)


def _seg_cnt_partials(idx2d, total_chunks):
    NMIN = total_chunks // NW
    npairs = NMIN // 2
    odd = NMIN % 2

    @functools.partial(
        pl.kernel,
        out_type=jax.ShapeDtypeStruct((NC, NPAD, CD), jnp.float32),
        mesh=_sc_mesh(),
        compiler_params=_SC_PARAMS,
        scratch_types=[
            pltpu.VMEM((2, CH), jnp.int32),
            pltpu.VMEM((2, CH), jnp.int32),
            pltpu.VMEM((CH, CD), jnp.float32),
            pltpu.VMEM((CH, CD), jnp.float32),
            pltpu.VMEM_SHARED((NPAD, CD), jnp.float32),
            pltpu.SemaphoreType.DMA,
            pltpu.SemaphoreType.DMA,
        ],
    )
    def k(idx_hbm, out_hbm, idxv0, idxv1, ones_b, zbuf, acc, si0, si1):
        cid = lax.axis_index("c")
        sid = lax.axis_index("s")
        wid = cid * NS + sid
        tmax = total_chunks - 1
        zero16 = jnp.zeros((16,), jnp.float32)
        one16 = jnp.ones((16,), jnp.float32)

        def _fill(i, carry):
            ones_b[i, pl.ds(0, 16)] = one16
            zbuf[i, pl.ds(0, 16)] = zero16
            return carry
        lax.fori_loop(0, CH, _fill, 0)

        def _za(i, carry):
            pltpu.sync_copy(zbuf, acc.at[pl.ds(sid * ROWS_PT + i * CH, CH)])
            return carry
        lax.fori_loop(0, ROWS_PT // CH, _za, 0)
        plsc.subcore_barrier()

        def idx_sl(t):
            return idx_hbm.at[pl.ds(t * (SUP // CH), SUP // CH)]

        def do_chunk(t, ib, s_i, prefetch):
            pltpu.make_async_copy(idx_sl(t), ib, s_i).wait()
            pltpu.sync_copy(ones_b, acc.at[ib.at[0]], add=True)
            pltpu.sync_copy(ones_b, acc.at[ib.at[1]], add=True)
            if prefetch is True:
                pltpu.async_copy(idx_sl(jnp.minimum(t + 2 * NW, tmax)),
                                 ib, s_i)
            elif prefetch is not False:
                @pl.when(prefetch)
                def _():
                    pltpu.async_copy(idx_sl(jnp.minimum(t + 2 * NW, tmax)),
                                     ib, s_i)

        pltpu.async_copy(idx_sl(wid), idxv0, si0)
        pltpu.async_copy(idx_sl(wid + NW), idxv1, si1)

        def pair(kk, carry):
            t0 = wid + (2 * kk) * NW
            do_chunk(t0, idxv0, si0, True)
            pf1 = True if odd else kk < npairs - 1
            do_chunk(t0 + NW, idxv1, si1, pf1)
            return carry
        lax.fori_loop(0, npairs, pair, 0)

        if odd:
            do_chunk(wid + (NMIN - 1) * NW, idxv0, si0, False)
            ibe, sie = idxv1, si1
        else:
            ibe, sie = idxv0, si0

        tN = wid + NMIN * NW
        pltpu.make_async_copy(idx_sl(jnp.minimum(tN, tmax)), ibe, sie).wait()

        @pl.when(tN <= tmax)
        def _tail():
            pltpu.sync_copy(ones_b, acc.at[ibe.at[0]], add=True)
            pltpu.sync_copy(ones_b, acc.at[ibe.at[1]], add=True)

        plsc.subcore_barrier()
        pltpu.sync_copy(acc.at[pl.ds(sid * ROWS_PT, ROWS_PT)],
                        out_hbm.at[cid, pl.ds(sid * ROWS_PT, ROWS_PT)])

    return k(idx2d)


def _gather_rows(table, idx2d, total_chunks, sup):
    EP = idx2d.shape[0] * CH
    NMIN = total_chunks // NW
    npairs = NMIN // 2
    odd = NMIN % 2

    @functools.partial(
        pl.kernel,
        out_type=jax.ShapeDtypeStruct((EP, D), jnp.float32),
        mesh=_sc_mesh(),
        compiler_params=_SC_PARAMS,
        scratch_types=[
            pltpu.VMEM((sup // CH, CH), jnp.int32),
            pltpu.VMEM((sup // CH, CH), jnp.int32),
            pltpu.VMEM((sup, D), jnp.float32),
            pltpu.VMEM((sup, D), jnp.float32),
            pltpu.SemaphoreType.DMA,
            pltpu.SemaphoreType.DMA,
            pltpu.SemaphoreType.DMA,
            pltpu.SemaphoreType.DMA,
            pltpu.SemaphoreType.DMA,
        ],
    )
    def k(table_hbm, idx_hbm, out_hbm, idxv0, idxv1, rows0, rows1,
          si0, si1, sg, so0, so1):
        cid = lax.axis_index("c")
        sid = lax.axis_index("s")
        wid = cid * NS + sid
        tmax = total_chunks - 1

        def idx_sl(t):
            return idx_hbm.at[pl.ds(t * (sup // CH), sup // CH)]

        def out_sl(t):
            return out_hbm.at[pl.ds(t * sup, sup)]

        def do_chunk(t, ib, rb, s_i, s_o, wait_prev, prefetch):
            pltpu.make_async_copy(idx_sl(t), ib, s_i).wait()
            if wait_prev is True:
                pltpu.make_async_copy(rb, out_sl(t), s_o).wait()
            elif wait_prev is not False:
                @pl.when(wait_prev)
                def _():
                    pltpu.make_async_copy(rb, out_sl(t), s_o).wait()
            descs = [pltpu.async_copy(table_hbm.at[ib.at[j]],
                                      rb.at[pl.ds(j * CH, CH)], sg)
                     for j in range(sup // CH)]
            for d in descs:
                d.wait()
            if prefetch is True:
                pltpu.async_copy(idx_sl(jnp.minimum(t + 2 * NW, tmax)),
                                 ib, s_i)
            elif prefetch is not False:
                @pl.when(prefetch)
                def _():
                    pltpu.async_copy(idx_sl(jnp.minimum(t + 2 * NW, tmax)),
                                     ib, s_i)
            pltpu.async_copy(rb, out_sl(t), s_o)

        pltpu.async_copy(idx_sl(wid), idxv0, si0)
        pltpu.async_copy(idx_sl(wid + NW), idxv1, si1)

        def pair(kk, carry):
            t0 = wid + (2 * kk) * NW
            do_chunk(t0, idxv0, rows0, si0, so0, kk > 0, True)
            pf1 = True if odd else kk < npairs - 1
            do_chunk(t0 + NW, idxv1, rows1, si1, so1, kk > 0, pf1)
            return carry
        lax.fori_loop(0, npairs, pair, 0)

        if odd:
            do_chunk(wid + (NMIN - 1) * NW, idxv0, rows0, si0, so0,
                     True, False)
            ibe, rbe, sie, soe = idxv1, rows1, si1, so1
        else:
            ibe, rbe, sie, soe = idxv0, rows0, si0, so0

        tN = wid + NMIN * NW
        pltpu.make_async_copy(idx_sl(jnp.minimum(tN, tmax)), ibe, sie).wait()

        @pl.when(tN <= tmax)
        def _tail():
            pltpu.make_async_copy(rbe, out_sl(tN), soe).wait()
            descs = [pltpu.async_copy(table_hbm.at[ibe.at[j]],
                                      rbe.at[pl.ds(j * CH, CH)], sg)
                     for j in range(sup // CH)]
            for d in descs:
                d.wait()
            pltpu.async_copy(rbe, out_sl(tN), soe)

        pltpu.make_async_copy(rows0, out_sl(wid), so0).wait()
        pltpu.make_async_copy(rows1, out_sl(wid), so1).wait()

    return k(table, idx2d)


def _eye(n):
    return (lax.broadcasted_iota(jnp.int32, (n, n), 0) ==
            lax.broadcasted_iota(jnp.int32, (n, n), 1)).astype(jnp.float32)


def _repack_body(tref, oref):
    x = tref[...]
    parts = [jnp.swapaxes(x[:, r * ST:(r + 1) * ST], 0, 1) for r in range(4)]
    oref[...] = jnp.concatenate(parts, axis=1)


def _repack(radT, E):
    grid = (E // BN,)
    return pl.pallas_call(
        _repack_body,
        grid=grid,
        in_specs=[pl.BlockSpec((D, BN), lambda i: (0, i))],
        out_specs=pl.BlockSpec((ST, 4 * D), lambda i: (i, 0)),
        out_shape=jax.ShapeDtypeStruct((E // 4, 4 * D), jnp.float32),
    )(radT)


def _node_body(sref, cref, nref, wref, bref, gref, b2ref, oref):
    s = sref[0] + sref[1]
    c = cref[0, :, 0:1] + cref[1, :, 0:1]
    w = jnp.dot(s, wref[...], preferred_element_type=jnp.float32) + c * bref[...]
    ne = nref[...]
    agg = ne * (w / jnp.maximum(c, 1.0))
    m = jnp.mean(agg, axis=-1, keepdims=True)
    v = jnp.mean((agg - m) ** 2, axis=-1, keepdims=True)
    ln = (agg - m) * lax.rsqrt(v + 1e-5) * gref[...] + b2ref[...]
    oref[...] = A_OLD * ne + A_NEW * ln


def _node_update(sum_p, cnt_p, node_emb, W_emb, b_emb2, ln_g2, ln_b2):
    NBN = 2000
    grid = (N // NBN,)
    return pl.pallas_call(
        _node_body,
        grid=grid,
        in_specs=[
            pl.BlockSpec((NC, NBN, D), lambda i: (0, i, 0)),
            pl.BlockSpec((NC, NBN, CD), lambda i: (0, i, 0)),
            pl.BlockSpec((NBN, D), lambda i: (i, 0)),
            pl.BlockSpec((D, D), lambda i: (0, 0)),
            pl.BlockSpec((1, D), lambda i: (0, 0)),
            pl.BlockSpec((1, D), lambda i: (0, 0)),
            pl.BlockSpec((1, D), lambda i: (0, 0)),
        ],
        out_specs=pl.BlockSpec((NBN, D), lambda i: (i, 0)),
        out_shape=jax.ShapeDtypeStruct((N, D), jnp.float32),
    )(sum_p, cnt_p, node_emb, W_emb, b_emb2, ln_g2, ln_b2)


def _tmul(a, b):
    return lax.dot_general(a, b, (((0,), (0,)), ((), ())),
                           preferred_element_type=jnp.float32)


def _tmul16(a, b):
    return lax.dot_general(a.astype(jnp.bfloat16), b.astype(jnp.bfloat16),
                           (((0,), (0,)), ((), ())),
                           preferred_element_type=jnp.float32)


def _branch_body(gref, href, rref, lref,
                 hW1a, hW1b, hb1, hW2, hb2,
                 rW1a, rW1b, rb1, rW2, rb2,
                 lng, lnb, oh, orad):
    p = gref[...]
    eye = _eye(D)
    parts = [lax.dot_general(eye, p[:, r * D:(r + 1) * D],
                             (((1,), (1,)), ((), ())),
                             preferred_element_type=jnp.float32)
             for r in range(4)]
    gT = jnp.concatenate(parts, axis=1)
    hT = href[...]
    rT = rref[...]
    x = _tmul16(hW1a[...], gT) + _tmul16(hW1b[...], hT) + hb1[...]
    h1 = x / (1.0 + jnp.exp(-x))
    hn = _tmul16(hW2[...], h1) + hb2[...]
    oh[...] = hn
    y = _tmul16(rW1a[...], rT) + _tmul16(rW1b[...], hn) + rb1[...]
    r1 = y / (1.0 + jnp.exp(-y))
    r2 = _tmul16(rW2[...], r1) + rb2[...]
    m = jnp.mean(r2, axis=0, keepdims=True)
    v = jnp.mean((r2 - m) ** 2, axis=0, keepdims=True)
    ln = (r2 - m) * lax.rsqrt(v + 1e-5) * lng[...] + lnb[...]
    xl = lref[...]
    xr = xl * (1.0 / RC)
    xr2 = xr * xr
    xr3 = xr2 * xr
    xr6 = xr3 * xr3
    ud = (1.0 - 28.0 * xr6 + 48.0 * xr6 * xr - 21.0 * xr6 * xr2)
    ud = ud * (xl < RC).astype(jnp.float32)
    orad[...] = A_OLD * rT + A_NEW * ud * ln


def _branch_update(g_packed, hiddenT, radialT, lengthR, wts, E):
    grid = (E // BN,)
    colT = lambda i: (0, i)
    full = lambda i: (0, 0)
    wspecs = [
        pl.BlockSpec((D, 64), full), pl.BlockSpec((D, 64), full),
        pl.BlockSpec((64, 1), full), pl.BlockSpec((64, D), full),
        pl.BlockSpec((D, 1), full),
        pl.BlockSpec((D, 64), full), pl.BlockSpec((D, 64), full),
        pl.BlockSpec((64, 1), full), pl.BlockSpec((64, D), full),
        pl.BlockSpec((D, 1), full),
        pl.BlockSpec((D, 1), full), pl.BlockSpec((D, 1), full),
    ]
    return pl.pallas_call(
        _branch_body,
        grid=grid,
        in_specs=[
            pl.BlockSpec((ST, 4 * D), lambda i: (i, 0)),
            pl.BlockSpec((D, BN), colT),
            pl.BlockSpec((D, BN), colT),
            pl.BlockSpec((1, BN), colT),
        ] + wspecs,
        out_specs=[pl.BlockSpec((D, BN), colT), pl.BlockSpec((D, BN), colT)],
        out_shape=[jax.ShapeDtypeStruct((D, E), jnp.float32),
                   jax.ShapeDtypeStruct((D, E), jnp.float32)],
    )(g_packed, hiddenT, radialT, lengthR, *wts)


def kernel(env_length, edge_length, edge_index, env_index, env_radial,
           edge_radial, node_emb, env_hidden, edge_hidden,
           W_emb, b_emb, hW1, hb1, hW2, hb2, rW1, rb1, rW2, rb2,
           node_ln_g, node_ln_b, edge_ln_g, edge_ln_b):
    E_env = env_radial.shape[0]
    E_edge = edge_radial.shape[0]

    dst = env_index[1].astype(jnp.int32)
    src_env = env_index[0].astype(jnp.int32)
    src_edge = edge_index[0].astype(jnp.int32)

    rad_packed = _repack(jnp.transpose(env_radial), E_env)
    dst_perm = _stripe_perm(dst)
    dst2d = dst_perm.reshape(E_env // CH, CH)

    sum_p = _seg_sum_partials(rad_packed.reshape(E_env, D), dst2d,
                              E_env // SUP)
    cnt_p = _seg_cnt_partials(dst2d, E_env // SUP)

    node_emb_new = _node_update(
        sum_p, cnt_p, node_emb, W_emb,
        b_emb.reshape(1, D), node_ln_g.reshape(1, D), node_ln_b.reshape(1, D))

    EPg_edge = ((E_edge + GSUP - 1) // GSUP) * GSUP
    gidx_env = _stripe_perm(src_env).reshape(E_env // CH, CH)
    gidx_edge = _stripe_perm(src_edge)
    gidx_edge = jnp.concatenate(
        [gidx_edge, jnp.zeros((EPg_edge - E_edge,), jnp.int32)]
    ).reshape(EPg_edge // CH, CH)
    g_env = _gather_rows(node_emb_new, gidx_env, E_env // GSUP, GSUP)
    g_edge = _gather_rows(node_emb_new, gidx_edge, EPg_edge // GSUP, GSUP)
    g_env_packed = g_env.reshape(E_env // 4, 4 * D)
    g_edge_packed = g_edge.reshape(EPg_edge // 4, 4 * D)

    wts = [hW1[:D], hW1[D:], hb1.reshape(64, 1), hW2,
           hb2.reshape(D, 1),
           rW1[:D], rW1[D:], rb1.reshape(64, 1), rW2,
           rb2.reshape(D, 1),
           edge_ln_g.reshape(D, 1), edge_ln_b.reshape(D, 1)]

    env_hidden_newT, env_radial_newT = _branch_update(
        g_env_packed, jnp.transpose(env_hidden), jnp.transpose(env_radial),
        env_length.reshape(1, E_env), wts, E_env)
    edge_hidden_newT, edge_radial_newT = _branch_update(
        g_edge_packed, jnp.transpose(edge_hidden), jnp.transpose(edge_radial),
        edge_length.reshape(1, E_edge), wts, E_edge)

    return (jnp.transpose(env_radial_newT), jnp.transpose(env_hidden_newT),
            jnp.transpose(edge_radial_newT), jnp.transpose(edge_hidden_newT),
            node_emb_new)

# --- scband reference (transcript-rebuilt; emitter-appended) ---
"""Pipeline reference for scband-baseline-39573828666137 (READ-ONLY COPY).

The authoritative reference and input builder live on the scoring server;
editing this copy changes nothing except your own understanding.
"""

import jax, jax.numpy as jnp
import numpy as np

N = 50000
E_ENV = 800000
E_EDGE = 400000
D_R = 32   # n_radial
D_N = 32   # n_axis * n_sqrt_radial (node_emb dim)
D_H = 32   # n_hidden
D_HID = 64 # mlp hidden width
RC = 5.0
P = 6


def _layer_norm(x, g, b, eps=1e-5):
    m = x.mean(axis=-1, keepdims=True)
    v = ((x - m) ** 2).mean(axis=-1, keepdims=True)
    return (x - m) / jnp.sqrt(v + eps) * g + b


def _polynomial_cutoff(x, r_max, p):
    xr = x / r_max
    out = (1.0
           - ((p + 1.0) * (p + 2.0) / 2.0) * xr ** p
           + p * (p + 2.0) * xr ** (p + 1)
           - (p * (p + 1.0) / 2.0) * xr ** (p + 2))
    return out * (x < r_max).astype(x.dtype)


def _mlp(x, W1, b1, W2, b2):
    return jax.nn.silu(x @ W1 + b1) @ W2 + b2


def setup_inputs(seed: int = 0) -> dict:
    key = jax.random.key(seed)
    ks = [jax.random.fold_in(key, i) for i in range(24)]
    inp = {}
    inp['env_length'] = jax.random.uniform(ks[0], (E_ENV,), dtype=jnp.float32) * RC
    inp['edge_length'] = jax.random.uniform(ks[1], (E_EDGE,), dtype=jnp.float32) * RC
    inp['edge_index'] = jax.random.randint(ks[2], (2, E_EDGE), 0, N, dtype=jnp.int64)
    inp['env_index'] = jax.random.randint(ks[3], (2, E_ENV), 0, N, dtype=jnp.int64)
    inp['env_radial'] = jax.random.normal(ks[4], (E_ENV, D_R), dtype=jnp.float32)
    inp['edge_radial'] = jax.random.normal(ks[5], (E_EDGE, D_R), dtype=jnp.float32)
    inp['node_emb'] = jax.random.normal(ks[6], (N, D_N), dtype=jnp.float32)
    inp['env_hidden'] = jax.random.normal(ks[7], (E_ENV, D_H), dtype=jnp.float32)
    inp['edge_hidden'] = jax.random.normal(ks[8], (E_EDGE, D_H), dtype=jnp.float32)
    # parameters
    inp['W_emb'] = jax.random.normal(ks[9], (D_R, D_N), dtype=jnp.float32) * 0.05
    inp['b_emb'] = jnp.zeros((D_N,), dtype=jnp.float32)
    inp['hW1'] = jax.random.normal(ks[10], (D_N + D_H, D_HID), dtype=jnp.float32) * 0.05
    inp['hb1'] = jnp.zeros((D_HID,), dtype=jnp.float32)
    inp['hW2'] = jax.random.normal(ks[11], (D_HID, D_H), dtype=jnp.float32) * 0.05
    inp['hb2'] = jnp.zeros((D_H,), dtype=jnp.float32)
    inp['rW1'] = jax.random.normal(ks[12], (D_R + D_H, D_HID), dtype=jnp.float32) * 0.05
    inp['rb1'] = jnp.zeros((D_HID,), dtype=jnp.float32)
    inp['rW2'] = jax.random.normal(ks[13], (D_HID, D_R), dtype=jnp.float32) * 0.05
    inp['rb2'] = jnp.zeros((D_R,), dtype=jnp.float32)
    inp['node_ln_g'] = jnp.ones((D_N,), dtype=jnp.float32)
    inp['node_ln_b'] = jnp.zeros((D_N,), dtype=jnp.float32)
    inp['edge_ln_g'] = jnp.ones((D_R,), dtype=jnp.float32)
    inp['edge_ln_b'] = jnp.zeros((D_R,), dtype=jnp.float32)
    return inp


def reference(env_length, edge_length, edge_index, env_index, env_radial, edge_radial,
              node_emb, env_hidden, edge_hidden,
              W_emb, b_emb, hW1, hb1, hW2, hb2, rW1, rb1, rW2, rb2,
              node_ln_g, node_ln_b, edge_ln_g, edge_ln_b):
    # env_weight = mlp_emb(env_radial)
    env_weight = env_radial @ W_emb + b_emb
    # message passing: message = env_weight * node_emb[env_index[1]], mean-aggregated at env_index[1]
    dst = env_index[1]
    msg = env_weight * node_emb[dst]
    agg_sum = jax.ops.segment_sum(msg, dst, num_segments=N)
    cnt = jax.ops.segment_sum(jnp.ones((E_ENV,), dtype=msg.dtype), dst, num_segments=N)
    agg_mean = agg_sum / jnp.clip(cnt, 1.0)[:, None]
    aggr_out = _layer_norm(agg_mean, node_ln_g, node_ln_b)  # update()
    node_emb_new = 0.89442719 * node_emb + 0.4472 * aggr_out
    # hidden updates (shared mlp_hid)
    env_hidden_new = _mlp(jnp.concatenate([node_emb_new[env_index[0]], env_hidden], axis=-1),
                          hW1, hb1, hW2, hb2)
    edge_hidden_new = _mlp(jnp.concatenate([node_emb_new[edge_index[0]], edge_hidden], axis=-1),
                           hW1, hb1, hW2, hb2)
    # cutoffs
    ud_env = _polynomial_cutoff(env_length, RC, float(P)).reshape(-1, 1)
    ud_edge = _polynomial_cutoff(edge_length, RC, float(P)).reshape(-1, 1)
    # radial updates (shared mlp_radial + edge_layer_norm)
    env_radial_new = 0.89442719 * env_radial + 0.4472 * ud_env * _layer_norm(
        _mlp(jnp.concatenate([env_radial, env_hidden_new], axis=-1), rW1, rb1, rW2, rb2),
        edge_ln_g, edge_ln_b)
    edge_radial_new = 0.89442719 * edge_radial + 0.4472 * ud_edge * _layer_norm(
        _mlp(jnp.concatenate([edge_radial, edge_hidden_new], axis=-1), rW1, rb1, rW2, rb2),
        edge_ln_g, edge_ln_b)
    return (env_radial_new, env_hidden_new, edge_radial_new, edge_hidden_new, node_emb_new)

if __name__ == "__main__":
    import jax
    _d = setup_inputs()
    print(jax.jit(kernel)(*tuple(_d.values())))

</pallas_src>

<mosaic_0001>
#map = affine_map<(d0, d1) -> (0, 0)>
#map1 = affine_map<(d0, d1) -> (0, 0, 0)>
module attributes {stable_mosaic.version = 14 : i64} {
  func.func @k(%arg0: i32, %arg1: i32, %arg2: memref<800000x32xf32, #tpu.memory_space<hbm>>, %arg3: memref<6250x128xi32, #tpu.memory_space<hbm>>, %arg4: memref<2x51200x32xf32, #tpu.memory_space<hbm>>, %arg5: memref<2x128xi32, #tpu.memory_space<vmem>>, %arg6: memref<2x128xi32, #tpu.memory_space<vmem>>, %arg7: memref<256x32xf32, #tpu.memory_space<vmem>>, %arg8: memref<256x32xf32, #tpu.memory_space<vmem>>, %arg9: memref<51200x32xf32, #tpu.memory_space<vmem_shared>>, %arg10: memref<!tpu.dma_semaphore, #tpu.memory_space<semaphore_mem>>, %arg11: memref<!tpu.dma_semaphore, #tpu.memory_space<semaphore_mem>>, %arg12: memref<!tpu.dma_semaphore, #tpu.memory_space<semaphore_mem>>, %arg13: memref<!tpu.dma_semaphore, #tpu.memory_space<semaphore_mem>>) attributes {dimension_semantics = [#tpu.dimension_semantics<core_parallel>, #tpu.dimension_semantics<subcore_parallel>], iteration_bounds = array<i64: 2, 16>, scalar_prefetch = 0 : i64, scratch_operands = 9 : i64, tpu.core_type = #tpu.core_type<sc_vector_subcore>, window_params = [{transform_indices = #map}, {transform_indices = #map}, {transform_indices = #map1}]} {
    %mul3A = arith.constant 16 : i32
    %mul3A_0 = arith.muli %arg0, %mul3A : i32
    %add3A = arith.addi %mul3A_0, %arg1 : i32
    %broadcast_in_dim3A = arith.constant 0.000000e+00 : f32
    %broadcast_in_dim3A_1 = vector.broadcast %broadcast_in_dim3A : f32 to vector<16xf32>
    %scan3A = arith.constant 0 : i32
    %scan3A_2 = arith.constant 0 : i32
    %scan3A_3 = arith.constant 128 : i32
    %scan3A_4 = arith.addi %scan3A_2, %scan3A_3 : i32
    %scan3A_5 = arith.constant 1 : i32
    scf.for %scan3A_84 = %scan3A_2 to %scan3A_4 step %scan3A_5  : i32 {
      %swap3A = arith.index_cast %scan3A_84 : i32 to index
      %swap3A_85 = arith.constant 0 : index
      %swap3A_86 = tpu.vector_load %arg7[%swap3A, %swap3A_85] {strides = array<i32>} : memref<256x32xf32, #tpu.memory_space<vmem>>, vector<1x16xf32>,
      %swap3A_87 = vector.shape_cast %swap3A_86 : vector<1x16xf32> to vector<16xf32>
      %swap3A_88 = vector.shape_cast %broadcast_in_dim3A_1 : vector<16xf32> to vector<1x16xf32>
      tpu.vector_store %arg7[%swap3A, %swap3A_85], %swap3A_88 {strides = array<i32>} : memref<256x32xf32, #tpu.memory_space<vmem>>, vector<1x16xf32>,
      %swap3A_89 = arith.index_cast %scan3A_84 : i32 to index
      %swap3A_90 = arith.constant 16 : index
      %swap3A_91 = tpu.vector_load %arg7[%swap3A_89, %swap3A_90] {strides = array<i32>} : memref<256x32xf32, #tpu.memory_space<vmem>>, vector<1x16xf32>,
      %swap3A_92 = vector.shape_cast %swap3A_91 : vector<1x16xf32> to vector<16xf32>
      %swap3A_93 = vector.shape_cast %broadcast_in_dim3A_1 : vector<16xf32> to vector<1x16xf32>
      tpu.vector_store %arg7[%swap3A_89, %swap3A_90], %swap3A_93 {strides = array<i32>} : memref<256x32xf32, #tpu.memory_space<vmem>>, vector<1x16xf32>,
    }
    %scan3A_6 = arith.constant 128 : i32
    %scan3A_7 = arith.constant 0 : i32
    %scan3A_8 = arith.constant 0 : i32
    %scan3A_9 = arith.constant 25 : i32
    %scan3A_10 = arith.addi %scan3A_8, %scan3A_9 : i32
    %scan3A_11 = arith.constant 1 : i32
    scf.for %scan3A_84 = %scan3A_8 to %scan3A_10 step %scan3A_11  : i32 {
      %mul3A_85 = arith.constant 3200 : i32
      %mul3A_86 = arith.muli %arg1, %mul3A_85 : i32
      %mul3A_87 = arith.constant 128 : i32
      %mul3A_88 = arith.muli %scan3A_84, %mul3A_87 : i32
      %add3A_89 = arith.addi %mul3A_86, %mul3A_88 : i32
      "tpu.region"() ({
        %run_scoped3A_90 = tpu.sem_alloc : memref<!tpu.dma_semaphore, #tpu.memory_space<semaphore_mem>>
        %dma_start3A_91 = arith.constant 0 : i32
        %dma_start3A_92 = arith.constant 0 : i32
        %dma_start3A_93 = tpu.memref_slice %arg7[%dma_start3A_91, %dma_start3A_92] : memref<256x32xf32, #tpu.memory_space<vmem>> -> memref<128x32xf32, #tpu.memory_space<vmem>>
        %dma_start3A_94 = arith.constant 0 : i32
        %dma_start3A_95 = tpu.memref_slice %arg9[%add3A_89, %dma_start3A_94] : memref<51200x32xf32, #tpu.memory_space<vmem_shared>> -> memref<128x32xf32, #tpu.memory_space<vmem_shared>>
        %dma_start3A_96 = arith.constant 0 : i32
        %dma_start3A_97 = tpu.memref_slice %arg9[%add3A_89, %dma_start3A_96] : memref<51200x32xf32, #tpu.memory_space<vmem_shared>> -> memref<128x32xf32, #tpu.memory_space<vmem_shared>>
        %dma_start3A_98 = arith.constant 0 : i32
        %dma_start3A_99 = arith.constant 0 : i32
        %dma_start3A_100 = tpu.memref_slice %arg7[%dma_start3A_98, %dma_start3A_99] : memref<256x32xf32, #tpu.memory_space<vmem>> -> memref<128x32xf32, #tpu.memory_space<vmem>>
        tpu.enqueue_dma source(%dma_start3A_100 : memref<128x32xf32, #tpu.memory_space<vmem>>) target(%dma_start3A_97 : memref<128x32xf32, #tpu.memory_space<vmem_shared>>) target_semaphore(%run_scoped3A_90 : memref<!tpu.dma_semaphore, #tpu.memory_space<semaphore_mem>>)
        %dma_wait3A_101 = arith.constant 0 : i32
        %dma_wait3A_102 = arith.constant 0 : i32
        %dma_wait3A_103 = tpu.memref_slice %arg7[%dma_wait3A_101, %dma_wait3A_102] : memref<256x32xf32, #tpu.memory_space<vmem>> -> memref<128x32xf32, #tpu.memory_space<vmem>>
        %dma_wait3A_104 = arith.constant 0 : i32
        %dma_wait3A_105 = tpu.memref_slice %arg9[%add3A_89, %dma_wait3A_104] : memref<51200x32xf32, #tpu.memory_space<vmem_shared>> -> memref<128x32xf32, #tpu.memory_space<vmem_shared>>
        %dma_wait3A_106 = arith.constant 0 : i32
        %dma_wait3A_107 = tpu.memref_slice %arg9[%add3A_89, %dma_wait3A_106] : memref<51200x32xf32, #tpu.memory_space<vmem_shared>> -> memref<128x32xf32, #tpu.memory_space<vmem_shared>>
        %dma_wait3A_108 = arith.constant 0 : i32
        %dma_wait3A_109 = arith.constant 0 : i32
        %dma_wait3A_110 = tpu.memref_slice %arg7[%dma_wait3A_108, %dma_wait3A_109] : memref<256x32xf32, #tpu.memory_space<vmem>> -> memref<128x32xf32, #tpu.memory_space<vmem>>
        tpu.wait_dma2 semaphore(%run_scoped3A_90 : memref<!tpu.dma_semaphore, #tpu.memory_space<semaphore_mem>>) src(%dma_wait3A_110 : memref<128x32xf32, #tpu.memory_space<vmem>>) dst(%dma_wait3A_107 : memref<128x32xf32, #tpu.memory_space<vmem_shared>>)
        tpu.yield
      }) : () -> ()
    }
    %scan3A_12 = arith.constant 25 : i32
    %barrier3A = arith.constant 0 : index
    tpu.barrier barrier_id(%barrier3A)
    %min3A = arith.constant 3124 : i32
    %min3A_13 = arith.minsi %add3A, %min3A : i32
    %mul3A_14 = arith.constant 2 : i32
    %mul3A_15 = arith.muli %min3A_13, %mul3A_14 : i32
    %dma_start3A = arith.constant 0 : i32
    %dma_start3A_16 = tpu.memref_slice %arg3[%mul3A_15, %dma_start3A] : memref<6250x128xi32, #tpu.memory_space<hbm>> -> memref<2x128xi32, #tpu.memory_space<hbm>>
    %dma_start3A_17 = arith.constant 0 : i32
    %dma_start3A_18 = tpu.memref_slice %arg3[%mul3A_15, %dma_start3A_17] : memref<6250x128xi32, #tpu.memory_space<hbm>> -> memref<2x128xi32, #tpu.memory_space<hbm>>
    tpu.enqueue_dma source(%dma_start3A_18 : memref<2x128xi32, #tpu.memory_space<hbm>>) target(%arg5 : memref<2x128xi32, #tpu.memory_space<vmem>>) target_semaphore(%arg10 : memref<!tpu.dma_semaphore, #tpu.memory_space<semaphore_mem>>)
    %mul3A_19 = arith.constant 256 : i32
    %mul3A_20 = arith.muli %min3A_13, %mul3A_19 : i32
    %dma_start3A_21 = arith.constant 0 : i32
    %dma_start3A_22 = tpu.memref_slice %arg2[%mul3A_20, %dma_start3A_21] : memref<800000x32xf32, #tpu.memory_space<hbm>> -> memref<256x32xf32, #tpu.memory_space<hbm>>
    %dma_start3A_23 = arith.constant 0 : i32
    %dma_start3A_24 = tpu.memref_slice %arg2[%mul3A_20, %dma_start3A_23] : memref<800000x32xf32, #tpu.memory_space<hbm>> -> memref<256x32xf32, #tpu.memory_space<hbm>>
    tpu.enqueue_dma source(%dma_start3A_24 : memref<256x32xf32, #tpu.memory_space<hbm>>) target(%arg7 : memref<256x32xf32, #tpu.memory_space<vmem>>) target_semaphore(%arg12 : memref<!tpu.dma_semaphore, #tpu.memory_space<semaphore_mem>>)
    %add3A_25 = arith.constant 32 : i32
    %add3A_26 = arith.addi %add3A, %add3A_25 : i32
    %min3A_27 = arith.constant 3124 : i32
    %min3A_28 = arith.minsi %add3A_26, %min3A_27 : i32
    %mul3A_29 = arith.constant 2 : i32
    %mul3A_30 = arith.muli %min3A_28, %mul3A_29 : i32
    %dma_start3A_31 = arith.constant 0 : i32
    %dma_start3A_32 = tpu.memref_slice %arg3[%mul3A_30, %dma_start3A_31] : memref<6250x128xi32, #tpu.memory_space<hbm>> -> memref<2x128xi32, #tpu.memory_space<hbm>>
    %dma_start3A_33 = arith.constant 0 : i32
    %dma_start3A_34 = tpu.memref_slice %arg3[%mul3A_30, %dma_start3A_33] : memref<6250x128xi32, #tpu.memory_space<hbm>> -> memref<2x128xi32, #tpu.memory_space<hbm>>
    tpu.enqueue_dma source(%dma_start3A_34 : memref<2x128xi32, #tpu.memory_space<hbm>>) target(%arg6 : memref<2x128xi32, #tpu.memory_space<vmem>>) target_semaphore(%arg11 : memref<!tpu.dma_semaphore, #tpu.memory_space<semaphore_mem>>)
    %mul3A_35 = arith.constant 256 : i32
    %mul3A_36 = arith.muli %min3A_28, %mul3A_35 : i32
    %dma_start3A_37 = arith.constant 0 : i32
    %dma_start3A_38 = tpu.memref_slice %arg2[%mul3A_36, %dma_start3A_37] : memref<800000x32xf32, #tpu.memory_space<hbm>> -> memref<256x32xf32, #tpu.memory_space<hbm>>
    %dma_start3A_39 = arith.constant 0 : i32
    %dma_start3A_40 = tpu.memref_slice %arg2[%mul3A_36, %dma_start3A_39] : memref<800000x32xf32, #tpu.memory_space<hbm>> -> memref<256x32xf32, #tpu.memory_space<hbm>>
    tpu.enqueue_dma source(%dma_start3A_40 : memref<256x32xf32, #tpu.memory_space<hbm>>) target(%arg8 : memref<256x32xf32, #tpu.memory_space<vmem>>) target_semaphore(%arg13 : memref<!tpu.dma_semaphore, #tpu.memory_space<semaphore_mem>>)
    %scan3A_41 = arith.constant 0 : i32
    %scan3A_42 = arith.constant 0 : i32
    %scan3A_43 = arith.constant 48 : i32
    %scan3A_44 = arith.addi %scan3A_42, %scan3A_43 : i32
    %scan3A_45 = arith.constant 1 : i32
    scf.for %scan3A_84 = %scan3A_42 to %scan3A_44 step %scan3A_45  : i32 {
      %mul3A_85 = arith.constant 2 : i32
      %mul3A_86 = arith.muli %mul3A_85, %scan3A_84 : i32
      %mul3A_87 = arith.constant 32 : i32
      %mul3A_88 = arith.muli %mul3A_86, %mul3A_87 : i32
      %add3A_89 = arith.addi %add3A, %mul3A_88 : i32
      %mul3A_90 = arith.constant 2 : i32
      %mul3A_91 = arith.muli %add3A_89, %mul3A_90 : i32
      %dma_wait3A_92 = arith.constant 0 : i32
      %dma_wait3A_93 = tpu.memref_slice %arg3[%mul3A_91, %dma_wait3A_92] : memref<6250x128xi32, #tpu.memory_space<hbm>> -> memref<2x128xi32, #tpu.memory_space<hbm>>
      %dma_wait3A_94 = arith.constant 0 : i32
      %dma_wait3A_95 = tpu.memref_slice %arg3[%mul3A_91, %dma_wait3A_94] : memref<6250x128xi32, #tpu.memory_space<hbm>> -> memref<2x128xi32, #tpu.memory_space<hbm>>
      tpu.wait_dma2 semaphore(%arg10 : memref<!tpu.dma_semaphore, #tpu.memory_space<semaphore_mem>>) src(%dma_wait3A_95 : memref<2x128xi32, #tpu.memory_space<hbm>>) dst(%arg5 : memref<2x128xi32, #tpu.memory_space<vmem>>)
      %mul3A_96 = arith.constant 256 : i32
      %mul3A_97 = arith.muli %add3A_89, %mul3A_96 : i32
      %dma_wait3A_98 = arith.constant 0 : i32
      %dma_wait3A_99 = tpu.memref_slice %arg2[%mul3A_97, %dma_wait3A_98] : memref<800000x32xf32, #tpu.memory_space<hbm>> -> memref<256x32xf32, #tpu.memory_space<hbm>>
      %dma_wait3A_100 = arith.constant 0 : i32
      %dma_wait3A_101 = tpu.memref_slice %arg2[%mul3A_97, %dma_wait3A_100] : memref<800000x32xf32, #tpu.memory_space<hbm>> -> memref<256x32xf32, #tpu.memory_space<hbm>>
      tpu.wait_dma2 semaphore(%arg12 : memref<!tpu.dma_semaphore, #tpu.memory_space<semaphore_mem>>) src(%dma_wait3A_101 : memref<256x32xf32, #tpu.memory_space<hbm>>) dst(%arg7 : memref<256x32xf32, #tpu.memory_space<vmem>>)
      %run_scoped3A_102 = arith.constant 0 : i32
      "tpu.region"() ({
        %run_scoped3A_152 = tpu.sem_alloc : memref<!tpu.dma_semaphore, #tpu.memory_space<semaphore_mem>>
        %dma_start3A_153 = arith.constant 0 : i32
        %dma_start3A_154 = arith.constant 0 : i32
        %dma_start3A_155 = tpu.memref_slice %arg7[%dma_start3A_153, %dma_start3A_154] : memref<256x32xf32, #tpu.memory_space<vmem>> -> memref<128x32xf32, #tpu.memory_space<vmem>>
        %dma_start3A_156 = arith.constant 0 : i32
        %dma_start3A_157 = tpu.memref_slice %arg5[%run_scoped3A_102, %dma_start3A_156] : memref<2x128xi32, #tpu.memory_space<vmem>> -> memref<1x128xi32, #tpu.memory_space<vmem>>
        %dma_start3A_158 = tpu.memref_squeeze %dma_start3A_157 : memref<1x128xi32, #tpu.memory_space<vmem>> -> memref<128xi32, #tpu.memory_space<vmem>>
        %dma_start3A_159 = arith.constant 0 : i32
        %dma_start3A_160 = arith.constant 0 : i32
        %dma_start3A_161 = tpu.memref_slice %arg9[%dma_start3A_159, %dma_start3A_160] : memref<51200x32xf32, #tpu.memory_space<vmem_shared>> -> memref<51200x32xf32, #tpu.memory_space<vmem_shared>>
        tpu.enqueue_indirect_dma source(%dma_start3A_155 : memref<128x32xf32, #tpu.memory_space<vmem>>) target(%dma_start3A_161 : memref<51200x32xf32, #tpu.memory_space<vmem_shared>>) offsets(%dma_start3A_158 : memref<128xi32, #tpu.memory_space<vmem>>) semaphore(%run_scoped3A_152 : memref<!tpu.dma_semaphore, #tpu.memory_space<semaphore_mem>>) {add = true}
        %dma_wait3A_162 = arith.constant 0 : i32
        %dma_wait3A_163 = arith.constant 0 : i32
        %dma_wait3A_164 = tpu.memref_slice %arg7[%dma_wait3A_162, %dma_wait3A_163] : memref<256x32xf32, #tpu.memory_space<vmem>> -> memref<128x32xf32, #tpu.memory_space<vmem>>
        %dma_wait3A_165 = arith.constant 0 : i32
        %dma_wait3A_166 = tpu.memref_slice %arg5[%run_scoped3A_102, %dma_wait3A_165] : memref<2x128xi32, #tpu.memory_space<vmem>> -> memref<1x128xi32, #tpu.memory_space<vmem>>
        %dma_wait3A_167 = tpu.memref_squeeze %dma_wait3A_166 : memref<1x128xi32, #tpu.memory_space<vmem>> -> memref<128xi32, #tpu.memory_space<vmem>>
        %dma_wait3A_168 = arith.constant 0 : i32
        %dma_wait3A_169 = arith.constant 0 : i32
        %dma_wait3A_170 = tpu.memref_slice %arg9[%dma_wait3A_168, %dma_wait3A_169] : memref<51200x32xf32, #tpu.memory_space<vmem_shared>> -> memref<51200x32xf32, #tpu.memory_space<vmem_shared>>
        tpu.wait_indirect_dma semaphore(%run_scoped3A_152 : memref<!tpu.dma_semaphore, #tpu.memory_space<semaphore_mem>>) src(%dma_wait3A_164 : memref<128x32xf32, #tpu.memory_space<vmem>>) dst(%dma_wait3A_170 : memref<51200x32xf32, #tpu.memory_space<vmem_shared>>)
        tpu.yield
      }) : () -> ()
      %run_scoped3A_103 = arith.constant 1 : i32
      "tpu.region"() ({
        %run_scoped3A_152 = tpu.sem_alloc : memref<!tpu.dma_semaphore, #tpu.memory_space<semaphore_mem>>
        %dma_start3A_153 = arith.constant 128 : i32
        %dma_start3A_154 = arith.constant 0 : i32
        %dma_start3A_155 = tpu.memref_slice %arg7[%dma_start3A_153, %dma_start3A_154] : memref<256x32xf32, #tpu.memory_space<vmem>> -> memref<128x32xf32, #tpu.memory_space<vmem>>
        %dma_start3A_156 = arith.constant 0 : i32
        %dma_start3A_157 = tpu.memref_slice %arg5[%run_scoped3A_103, %dma_start3A_156] : memref<2x128xi32, #tpu.memory_space<vmem>> -> memref<1x128xi32, #tpu.memory_space<vmem>>
        %dma_start3A_158 = tpu.memref_squeeze %dma_start3A_157 : memref<1x128xi32, #tpu.memory_space<vmem>> -> memref<128xi32, #tpu.memory_space<vmem>>
        %dma_start3A_159 = arith.constant 0 : i32
        %dma_start3A_160 = arith.constant 0 : i32
        %dma_start3A_161 = tpu.memref_slice %arg9[%dma_start3A_159, %dma_start3A_160] : memref<51200x32xf32, #tpu.memory_space<vmem_shared>> -> memref<51200x32xf32, #tpu.memory_space<vmem_shared>>
        tpu.enqueue_indirect_dma source(%dma_start3A_155 : memref<128x32xf32, #tpu.memory_space<vmem>>) target(%dma_start3A_161 : memref<51200x32xf32, #tpu.memory_space<vmem_shared>>) offsets(%dma_start3A_158 : memref<128xi32, #tpu.memory_space<vmem>>) semaphore(%run_scoped3A_152 : memref<!tpu.dma_semaphore, #tpu.memory_space<semaphore_mem>>) {add = true}
        %dma_wait3A_162 = arith.constant 128 : i32
        %dma_wait3A_163 = arith.constant 0 : i32
        %dma_wait3A_164 = tpu.memref_slice %arg7[%dma_wait3A_162, %dma_wait3A_163] : memref<256x32xf32, #tpu.memory_space<vmem>> -> memref<128x32xf32, #tpu.memory_space<vmem>>
        %dma_wait3A_165 = arith.constant 0 : i32
        %dma_wait3A_166 = tpu.memref_slice %arg5[%run_scoped3A_103, %dma_wait3A_165] : memref<2x128xi32, #tpu.memory_space<vmem>> -> memref<1x128xi32, #tpu.memory_space<vmem>>
        %dma_wait3A_167 = tpu.memref_squeeze %dma_wait3A_166 : memref<1x128xi32, #tpu.memory_space<vmem>> -> memref<128xi32, #tpu.memory_space<vmem>>
        %dma_wait3A_168 = arith.constant 0 : i32
        %dma_wait3A_169 = arith.constant 0 : i32
        %dma_wait3A_170 = tpu.memref_slice %arg9[%dma_wait3A_168, %dma_wait3A_169] : memref<51200x32xf32, #tpu.memory_space<vmem_shared>> -> memref<51200x32xf32, #tpu.memory_space<vmem_shared>>
        tpu.wait_indirect_dma semaphore(%run_scoped3A_152 : memref<!tpu.dma_semaphore, #tpu.memory_space<semaphore_mem>>) src(%dma_wait3A_164 : memref<128x32xf32, #tpu.memory_space<vmem>>) dst(%dma_wait3A_170 : memref<51200x32xf32, #tpu.memory_space<vmem_shared>>)
        tpu.yield
      }) : () -> ()
      %add3A_104 = arith.constant 64 : i32
      %add3A_105 = arith.addi %add3A_89, %add3A_104 : i32
      %min3A_106 = arith.constant 3124 : i32
      %min3A_107 = arith.minsi %add3A_105, %min3A_106 : i32
      %mul3A_108 = arith.constant 2 : i32
      %mul3A_109 = arith.muli %min3A_107, %mul3A_108 : i32
      %dma_start3A_110 = arith.constant 0 : i32
      %dma_start3A_111 = tpu.memref_slice %arg3[%mul3A_109, %dma_start3A_110] : memref<6250x128xi32, #tpu.memory_space<hbm>> -> memref<2x128xi32, #tpu.memory_space<hbm>>
      %dma_start3A_112 = arith.constant 0 : i32
      %dma_start3A_113 = tpu.memref_slice %arg3[%mul3A_109, %dma_start3A_112] : memref<6250x128xi32, #tpu.memory_space<hbm>> -> memref<2x128xi32, #tpu.memory_space<hbm>>
      tpu.enqueue_dma source(%dma_start3A_113 : memref<2x128xi32, #tpu.memory_space<hbm>>) target(%arg5 : memref<2x128xi32, #tpu.memory_space<vmem>>) target_semaphore(%arg10 : memref<!tpu.dma_semaphore, #tpu.memory_space<semaphore_mem>>)
      %mul3A_114 = arith.constant 256 : i32
      %mul3A_115 = arith.muli %min3A_107, %mul3A_114 : i32
      %dma_start3A_116 = arith.constant 0 : i32
      %dma_start3A_117 = tpu.memref_slice %arg2[%mul3A_115, %dma_start3A_116] : memref<800000x32xf32, #tpu.memory_space<hbm>> -> memref<256x32xf32, #tpu.memory_space<hbm>>
      %dma_start3A_118 = arith.constant 0 : i32
      %dma_start3A_119 = tpu.memref_slice %arg2[%mul3A_115, %dma_start3A_118] : memref<800000x32xf32, #tpu.memory_space<hbm>> -> memref<256x32xf32, #tpu.memory_space<hbm>>
      tpu.enqueue_dma source(%dma_start3A_119 : memref<256x32xf32, #tpu.memory_space<hbm>>) target(%arg7 : memref<256x32xf32, #tpu.memory_space<vmem>>) target_semaphore(%arg12 : memref<!tpu.dma_semaphore, #tpu.memory_space<semaphore_mem>>)
      %add3A_120 = arith.constant 32 : i32
      %add3A_121 = arith.addi %add3A_89, %add3A_120 : i32
      %mul3A_122 = arith.constant 2 : i32
      %mul3A_123 = arith.muli %add3A_121, %mul3A_122 : i32
      %dma_wait3A_124 = arith.constant 0 : i32
      %dma_wait3A_125 = tpu.memref_slice %arg3[%mul3A_123, %dma_wait3A_124] : memref<6250x128xi32, #tpu.memory_space<hbm>> -> memref<2x128xi32, #tpu.memory_space<hbm>>
      %dma_wait3A_126 = arith.constant 0 : i32
      %dma_wait3A_127 = tpu.memref_slice %arg3[%mul3A_123, %dma_wait3A_126] : memref<6250x128xi32, #tpu.memory_space<hbm>> -> memref<2x128xi32, #tpu.memory_space<hbm>>
      tpu.wait_dma2 semaphore(%arg11 : memref<!tpu.dma_semaphore, #tpu.memory_space<semaphore_mem>>) src(%dma_wait3A_127 : memref<2x128xi32, #tpu.memory_space<hbm>>) dst(%arg6 : memref<2x128xi32, #tpu.memory_space<vmem>>)
      %mul3A_128 = arith.constant 256 : i32
      %mul3A_129 = arith.muli %add3A_121, %mul3A_128 : i32
      %dma_wait3A_130 = arith.constant 0 : i32
      %dma_wait3A_131 = tpu.memref_slice %arg2[%mul3A_129, %dma_wait3A_130] : memref<800000x32xf32, #tpu.memory_space<hbm>> -> memref<256x32xf32, #tpu.memory_space<hbm>>
      %dma_wait3A_132 = arith.constant 0 : i32
      %dma_wait3A_133 = tpu.memref_slice %arg2[%mul3A_129, %dma_wait3A_132] : memref<800000x32xf32, #tpu.memory_space<hbm>> -> memref<256x32xf32, #tpu.memory_space<hbm>>
      tpu.wait_dma2 semaphore(%arg13 : memref<!tpu.dma_semaphore, #tpu.memory_space<semaphore_mem>>) src(%dma_wait3A_133 : memref<256x32xf32, #tpu.memory_space<hbm>>) dst(%arg8 : memref<256x32xf32, #tpu.memory_space<vmem>>)
      %run_scoped3A_134 = arith.constant 0 : i32
      "tpu.region"() ({
        %run_scoped3A_152 = tpu.sem_alloc : memref<!tpu.dma_semaphore, #tpu.memory_space<semaphore_mem>>
        %dma_start3A_153 = arith.constant 0 : i32
        %dma_start3A_154 = arith.constant 0 : i32
        %dma_start3A_155 = tpu.memref_slice %arg8[%dma_start3A_153, %dma_start3A_154] : memref<256x32xf32, #tpu.memory_space<vmem>> -> memref<128x32xf32, #tpu.memory_space<vmem>>
        %dma_start3A_156 = arith.constant 0 : i32
        %dma_start3A_157 = tpu.memref_slice %arg6[%run_scoped3A_134, %dma_start3A_156] : memref<2x128xi32, #tpu.memory_space<vmem>> -> memref<1x128xi32, #tpu.memory_space<vmem>>
        %dma_start3A_158 = tpu.memref_squeeze %dma_start3A_157 : memref<1x128xi32, #tpu.memory_space<vmem>> -> memref<128xi32, #tpu.memory_space<vmem>>
        %dma_start3A_159 = arith.constant 0 : i32
        %dma_start3A_160 = arith.constant 0 : i32
        %dma_start3A_161 = tpu.memref_slice %arg9[%dma_start3A_159, %dma_start3A_160] : memref<51200x32xf32, #tpu.memory_space<vmem_shared>> -> memref<51200x32xf32, #tpu.memory_space<vmem_shared>>
        tpu.enqueue_indirect_dma source(%dma_start3A_155 : memref<128x32xf32, #tpu.memory_space<vmem>>) target(%dma_start3A_161 : memref<51200x32xf32, #tpu.memory_space<vmem_shared>>) offsets(%dma_start3A_158 : memref<128xi32, #tpu.memory_space<vmem>>) semaphore(%run_scoped3A_152 : memref<!tpu.dma_semaphore, #tpu.memory_space<semaphore_mem>>) {add = true}
        %dma_wait3A_162 = arith.constant 0 : i32
        %dma_wait3A_163 = arith.constant 0 : i32
        %dma_wait3A_164 = tpu.memref_slice %arg8[%dma_wait3A_162, %dma_wait3A_163] : memref<256x32xf32, #tpu.memory_space<vmem>> -> memref<128x32xf32, #tpu.memory_space<vmem>>
        %dma_wait3A_165 = arith.constant 0 : i32
        %dma_wait3A_166 = tpu.memref_slice %arg6[%run_scoped3A_134, %dma_wait3A_165] : memref<2x128xi32, #tpu.memory_space<vmem>> -> memref<1x128xi32, #tpu.memory_space<vmem>>
        %dma_wait3A_167 = tpu.memref_squeeze %dma_wait3A_166 : memref<1x128xi32, #tpu.memory_space<vmem>> -> memref<128xi32, #tpu.memory_space<vmem>>
        %dma_wait3A_168 = arith.constant 0 : i32
        %dma_wait3A_169 = arith.constant 0 : i32
        %dma_wait3A_170 = tpu.memref_slice %arg9[%dma_wait3A_168, %dma_wait3A_169] : memref<51200x32xf32, #tpu.memory_space<vmem_shared>> -> memref<51200x32xf32, #tpu.memory_space<vmem_shared>>
        tpu.wait_indirect_dma semaphore(%run_scoped3A_152 : memref<!tpu.dma_semaphore, #tpu.memory_space<semaphore_mem>>) src(%dma_wait3A_164 : memref<128x32xf32, #tpu.memory_space<vmem>>) dst(%dma_wait3A_170 : memref<51200x32xf32, #tpu.memory_space<vmem_shared>>)
        tpu.yield
      }) : () -> ()
      %run_scoped3A_135 = arith.constant 1 : i32
      "tpu.region"() ({
        %run_scoped3A_152 = tpu.sem_alloc : memref<!tpu.dma_semaphore, #tpu.memory_space<semaphore_mem>>
        %dma_start3A_153 = arith.constant 128 : i32
        %dma_start3A_154 = arith.constant 0 : i32
        %dma_start3A_155 = tpu.memref_slice %arg8[%dma_start3A_153, %dma_start3A_154] : memref<256x32xf32, #tpu.memory_space<vmem>> -> memref<128x32xf32, #tpu.memory_space<vmem>>
        %dma_start3A_156 = arith.constant 0 : i32
        %dma_start3A_157 = tpu.memref_slice %arg6[%run_scoped3A_135, %dma_start3A_156] : memref<2x128xi32, #tpu.memory_space<vmem>> -> memref<1x128xi32, #tpu.memory_space<vmem>>
        %dma_start3A_158 = tpu.memref_squeeze %dma_start3A_157 : memref<1x128xi32, #tpu.memory_space<vmem>> -> memref<128xi32, #tpu.memory_space<vmem>>
        %dma_start3A_159 = arith.constant 0 : i32
        %dma_start3A_160 = arith.constant 0 : i32
        %dma_start3A_161 = tpu.memref_slice %arg9[%dma_start3A_159, %dma_start3A_160] : memref<51200x32xf32, #tpu.memory_space<vmem_shared>> -> memref<51200x32xf32, #tpu.memory_space<vmem_shared>>
        tpu.enqueue_indirect_dma source(%dma_start3A_155 : memref<128x32xf32, #tpu.memory_space<vmem>>) target(%dma_start3A_161 : memref<51200x32xf32, #tpu.memory_space<vmem_shared>>) offsets(%dma_start3A_158 : memref<128xi32, #tpu.memory_space<vmem>>) semaphore(%run_scoped3A_152 : memref<!tpu.dma_semaphore, #tpu.memory_space<semaphore_mem>>) {add = true}
        %dma_wait3A_162 = arith.constant 128 : i32
        %dma_wait3A_163 = arith.constant 0 : i32
        %dma_wait3A_164 = tpu.memref_slice %arg8[%dma_wait3A_162, %dma_wait3A_163] : memref<256x32xf32, #tpu.memory_space<vmem>> -> memref<128x32xf32, #tpu.memory_space<vmem>>
        %dma_wait3A_165 = arith.constant 0 : i32
        %dma_wait3A_166 = tpu.memref_slice %arg6[%run_scoped3A_135, %dma_wait3A_165] : memref<2x128xi32, #tpu.memory_space<vmem>> -> memref<1x128xi32, #tpu.memory_space<vmem>>
        %dma_wait3A_167 = tpu.memref_squeeze %dma_wait3A_166 : memref<1x128xi32, #tpu.memory_space<vmem>> -> memref<128xi32, #tpu.memory_space<vmem>>
        %dma_wait3A_168 = arith.constant 0 : i32
        %dma_wait3A_169 = arith.constant 0 : i32
        %dma_wait3A_170 = tpu.memref_slice %arg9[%dma_wait3A_168, %dma_wait3A_169] : memref<51200x32xf32, #tpu.memory_space<vmem_shared>> -> memref<51200x32xf32, #tpu.memory_space<vmem_shared>>
        tpu.wait_indirect_dma semaphore(%run_scoped3A_152 : memref<!tpu.dma_semaphore, #tpu.memory_space<semaphore_mem>>) src(%dma_wait3A_164 : memref<128x32xf32, #tpu.memory_space<vmem>>) dst(%dma_wait3A_170 : memref<51200x32xf32, #tpu.memory_space<vmem_shared>>)
        tpu.yield
      }) : () -> ()
      %add3A_136 = arith.constant 64 : i32
      %add3A_137 = arith.addi %add3A_121, %add3A_136 : i32
      %min3A_138 = arith.constant 3124 : i32
      %min3A_139 = arith.minsi %add3A_137, %min3A_138 : i32
      %mul3A_140 = arith.constant 2 : i32
      %mul3A_141 = arith.muli %min3A_139, %mul3A_140 : i32
      %dma_start3A_142 = arith.constant 0 : i32
      %dma_start3A_143 = tpu.memref_slice %arg3[%mul3A_141, %dma_start3A_142] : memref<6250x128xi32, #tpu.memory_space<hbm>> -> memref<2x128xi32, #tpu.memory_space<hbm>>
      %dma_start3A_144 = arith.constant 0 : i32
      %dma_start3A_145 = tpu.memref_slice %arg3[%mul3A_141, %dma_start3A_144] : memref<6250x128xi32, #tpu.memory_space<hbm>> -> memref<2x128xi32, #tpu.memory_space<hbm>>
      tpu.enqueue_dma source(%dma_start3A_145 : memref<2x128xi32, #tpu.memory_space<hbm>>) target(%arg6 : memref<2x128xi32, #tpu.memory_space<vmem>>) target_semaphore(%arg11 : memref<!tpu.dma_semaphore, #tpu.memory_space<semaphore_mem>>)
      %mul3A_146 = arith.constant 256 : i32
      %mul3A_147 = arith.muli %min3A_139, %mul3A_146 : i32
      %dma_start3A_148 = arith.constant 0 : i32
      %dma_start3A_149 = tpu.memref_slice %arg2[%mul3A_147, %dma_start3A_148] : memref<800000x32xf32, #tpu.memory_space<hbm>> -> memref<256x32xf32, #tpu.memory_space<hbm>>
      %dma_start3A_150 = arith.constant 0 : i32
      %dma_start3A_151 = tpu.memref_slice %arg2[%mul3A_147, %dma_start3A_150] : memref<800000x32xf32, #tpu.memory_space<hbm>> -> memref<256x32xf32, #tpu.memory_space<hbm>>
      tpu.enqueue_dma source(%dma_start3A_151 : memref<256x32xf32, #tpu.memory_space<hbm>>) target(%arg8 : memref<256x32xf32, #tpu.memory_space<vmem>>) target_semaphore(%arg13 : memref<!tpu.dma_semaphore, #tpu.memory_space<semaphore_mem>>)
    }
    %scan3A_46 = arith.constant 48 : i32
    %add3A_47 = arith.constant 3072 : i32
    %add3A_48 = arith.addi %add3A, %add3A_47 : i32
    %mul3A_49 = arith.constant 2 : i32
    %mul3A_50 = arith.muli %add3A_48, %mul3A_49 : i32
    %dma_wait3A = arith.constant 0 : i32
    %dma_wait3A_51 = tpu.memref_slice %arg3[%mul3A_50, %dma_wait3A] : memref<6250x128xi32, #tpu.memory_space<hbm>> -> memref<2x128xi32, #tpu.memory_space<hbm>>
    %dma_wait3A_52 = arith.constant 0 : i32
    %dma_wait3A_53 = tpu.memref_slice %arg3[%mul3A_50, %dma_wait3A_52] : memref<6250x128xi32, #tpu.memory_space<hbm>> -> memref<2x128xi32, #tpu.memory_space<hbm>>
    tpu.wait_dma2 semaphore(%arg10 : memref<!tpu.dma_semaphore, #tpu.memory_space<semaphore_mem>>) src(%dma_wait3A_53 : memref<2x128xi32, #tpu.memory_space<hbm>>) dst(%arg5 : memref<2x128xi32, #tpu.memory_space<vmem>>)
    %mul3A_54 = arith.constant 256 : i32
    %mul3A_55 = arith.muli %add3A_48, %mul3A_54 : i32
    %dma_wait3A_56 = arith.constant 0 : i32
    %dma_wait3A_57 = tpu.memref_slice %arg2[%mul3A_55, %dma_wait3A_56] : memref<800000x32xf32, #tpu.memory_space<hbm>> -> memref<256x32xf32, #tpu.memory_space<hbm>>
    %dma_wait3A_58 = arith.constant 0 : i32
    %dma_wait3A_59 = tpu.memref_slice %arg2[%mul3A_55, %dma_wait3A_58] : memref<800000x32xf32, #tpu.memory_space<hbm>> -> memref<256x32xf32, #tpu.memory_space<hbm>>
    tpu.wait_dma2 semaphore(%arg12 : memref<!tpu.dma_semaphore, #tpu.memory_space<semaphore_mem>>) src(%dma_wait3A_59 : memref<256x32xf32, #tpu.memory_space<hbm>>) dst(%arg7 : memref<256x32xf32, #tpu.memory_space<vmem>>)
    %run_scoped3A = arith.constant 0 : i32
    "tpu.region"() ({
      %run_scoped3A_84 = tpu.sem_alloc : memref<!tpu.dma_semaphore, #tpu.memory_space<semaphore_mem>>
      %dma_start3A_85 = arith.constant 0 : i32
      %dma_start3A_86 = arith.constant 0 : i32
      %dma_start3A_87 = tpu.memref_slice %arg7[%dma_start3A_85, %dma_start3A_86] : memref<256x32xf32, #tpu.memory_space<vmem>> -> memref<128x32xf32, #tpu.memory_space<vmem>>
      %dma_start3A_88 = arith.constant 0 : i32
      %dma_start3A_89 = tpu.memref_slice %arg5[%run_scoped3A, %dma_start3A_88] : memref<2x128xi32, #tpu.memory_space<vmem>> -> memref<1x128xi32, #tpu.memory_space<vmem>>
      %dma_start3A_90 = tpu.memref_squeeze %dma_start3A_89 : memref<1x128xi32, #tpu.memory_space<vmem>> -> memref<128xi32, #tpu.memory_space<vmem>>
      %dma_start3A_91 = arith.constant 0 : i32
      %dma_start3A_92 = arith.constant 0 : i32
      %dma_start3A_93 = tpu.memref_slice %arg9[%dma_start3A_91, %dma_start3A_92] : memref<51200x32xf32, #tpu.memory_space<vmem_shared>> -> memref<51200x32xf32, #tpu.memory_space<vmem_shared>>
      tpu.enqueue_indirect_dma source(%dma_start3A_87 : memref<128x32xf32, #tpu.memory_space<vmem>>) target(%dma_start3A_93 : memref<51200x32xf32, #tpu.memory_space<vmem_shared>>) offsets(%dma_start3A_90 : memref<128xi32, #tpu.memory_space<vmem>>) semaphore(%run_scoped3A_84 : memref<!tpu.dma_semaphore, #tpu.memory_space<semaphore_mem>>) {add = true}
      %dma_wait3A_94 = arith.constant 0 : i32
      %dma_wait3A_95 = arith.constant 0 : i32
      %dma_wait3A_96 = tpu.memref_slice %arg7[%dma_wait3A_94, %dma_wait3A_95] : memref<256x32xf32, #tpu.memory_space<vmem>> -> memref<128x32xf32, #tpu.memory_space<vmem>>
      %dma_wait3A_97 = arith.constant 0 : i32
      %dma_wait3A_98 = tpu.memref_slice %arg5[%run_scoped3A, %dma_wait3A_97] : memref<2x128xi32, #tpu.memory_space<vmem>> -> memref<1x128xi32, #tpu.memory_space<vmem>>
      %dma_wait3A_99 = tpu.memref_squeeze %dma_wait3A_98 : memref<1x128xi32, #tpu.memory_space<vmem>> -> memref<128xi32, #tpu.memory_space<vmem>>
      %dma_wait3A_100 = arith.constant 0 : i32
      %dma_wait3A_101 = arith.constant 0 : i32
      %dma_wait3A_102 = tpu.memref_slice %arg9[%dma_wait3A_100, %dma_wait3A_101] : memref<51200x32xf32, #tpu.memory_space<vmem_shared>> -> memref<51200x32xf32, #tpu.memory_space<vmem_shared>>
      tpu.wait_indirect_dma semaphore(%run_scoped3A_84 : memref<!tpu.dma_semaphore, #tpu.memory_space<semaphore_mem>>) src(%dma_wait3A_96 : memref<128x32xf32, #tpu.memory_space<vmem>>) dst(%dma_wait3A_102 : memref<51200x32xf32, #tpu.memory_space<vmem_shared>>)
      tpu.yield
    }) : () -> ()
    %run_scoped3A_60 = arith.constant 1 : i32
    "tpu.region"() ({
      %run_scoped3A_84 = tpu.sem_alloc : memref<!tpu.dma_semaphore, #tpu.memory_space<semaphore_mem>>
      %dma_start3A_85 = arith.constant 128 : i32
      %dma_start3A_86 = arith.constant 0 : i32
      %dma_start3A_87 = tpu.memref_slice %arg7[%dma_start3A_85, %dma_start3A_86] : memref<256x32xf32, #tpu.memory_space<vmem>> -> memref<128x32xf32, #tpu.memory_space<vmem>>
      %dma_start3A_88 = arith.constant 0 : i32
      %dma_start3A_89 = tpu.memref_slice %arg5[%run_scoped3A_60, %dma_start3A_88] : memref<2x128xi32, #tpu.memory_space<vmem>> -> memref<1x128xi32, #tpu.memory_space<vmem>>
      %dma_start3A_90 = tpu.memref_squeeze %dma_start3A_89 : memref<1x128xi32, #tpu.memory_space<vmem>> -> memref<128xi32, #tpu.memory_space<vmem>>
      %dma_start3A_91 = arith.constant 0 : i32
      %dma_start3A_92 = arith.constant 0 : i32
      %dma_start3A_93 = tpu.memref_slice %arg9[%dma_start3A_91, %dma_start3A_92] : memref<51200x32xf32, #tpu.memory_space<vmem_shared>> -> memref<51200x32xf32, #tpu.memory_space<vmem_shared>>
      tpu.enqueue_indirect_dma source(%dma_start3A_87 : memref<128x32xf32, #tpu.memory_space<vmem>>) target(%dma_start3A_93 : memref<51200x32xf32, #tpu.memory_space<vmem_shared>>) offsets(%dma_start3A_90 : memref<128xi32, #tpu.memory_space<vmem>>) semaphore(%run_scoped3A_84 : memref<!tpu.dma_semaphore, #tpu.memory_space<semaphore_mem>>) {add = true}
      %dma_wait3A_94 = arith.constant 128 : i32
      %dma_wait3A_95 = arith.constant 0 : i32
      %dma_wait3A_96 = tpu.memref_slice %arg7[%dma_wait3A_94, %dma_wait3A_95] : memref<256x32xf32, #tpu.memory_space<vmem>> -> memref<128x32xf32, #tpu.memory_space<vmem>>
      %dma_wait3A_97 = arith.constant 0 : i32
      %dma_wait3A_98 = tpu.memref_slice %arg5[%run_scoped3A_60, %dma_wait3A_97] : memref<2x128xi32, #tpu.memory_space<vmem>> -> memref<1x128xi32, #tpu.memory_space<vmem>>
      %dma_wait3A_99 = tpu.memref_squeeze %dma_wait3A_98 : memref<1x128xi32, #tpu.memory_space<vmem>> -> memref<128xi32, #tpu.memory_space<vmem>>
      %dma_wait3A_100 = arith.constant 0 : i32
      %dma_wait3A_101 = arith.constant 0 : i32
      %dma_wait3A_102 = tpu.memref_slice %arg9[%dma_wait3A_100, %dma_wait3A_101] : memref<51200x32xf32, #tpu.memory_space<vmem_shared>> -> memref<51200x32xf32, #tpu.memory_space<vmem_shared>>
      tpu.wait_indirect_dma semaphore(%run_scoped3A_84 : memref<!tpu.dma_semaphore, #tpu.memory_space<semaphore_mem>>) src(%dma_wait3A_96 : memref<128x32xf32, #tpu.memory_space<vmem>>) dst(%dma_wait3A_102 : memref<51200x32xf32, #tpu.memory_space<vmem_shared>>)
      tpu.yield
    }) : () -> ()
    %add3A_61 = arith.constant 3104 : i32
    %add3A_62 = arith.addi %add3A, %add3A_61 : i32
    %min3A_63 = arith.constant 3124 : i32
    %min3A_64 = arith.minsi %add3A_62, %min3A_63 : i32
    %mul3A_65 = arith.constant 2 : i32
    %mul3A_66 = arith.muli %min3A_64, %mul3A_65 : i32
    %dma_wait3A_67 = arith.constant 0 : i32
    %dma_wait3A_68 = tpu.memref_slice %arg3[%mul3A_66, %dma_wait3A_67] : memref<6250x128xi32, #tpu.memory_space<hbm>> -> memref<2x128xi32, #tpu.memory_space<hbm>>
    %dma_wait3A_69 = arith.constant 0 : i32
    %dma_wait3A_70 = tpu.memref_slice %arg3[%mul3A_66, %dma_wait3A_69] : memref<6250x128xi32, #tpu.memory_space<hbm>> -> memref<2x128xi32, #tpu.memory_space<hbm>>
    tpu.wait_dma2 semaphore(%arg11 : memref<!tpu.dma_semaphore, #tpu.memory_space<semaphore_mem>>) src(%dma_wait3A_70 : memref<2x128xi32, #tpu.memory_space<hbm>>) dst(%arg6 : memref<2x128xi32, #tpu.memory_space<vmem>>)
    %mul3A_71 = arith.constant 256 : i32
    %mul3A_72 = arith.muli %min3A_64, %mul3A_71 : i32
    %dma_wait3A_73 = arith.constant 0 : i32
    %dma_wait3A_74 = tpu.memref_slice %arg2[%mul3A_72, %dma_wait3A_73] : memref<800000x32xf32, #tpu.memory_space<hbm>> -> memref<256x32xf32, #tpu.memory_space<hbm>>
    %dma_wait3A_75 = arith.constant 0 : i32
    %dma_wait3A_76 = tpu.memref_slice %arg2[%mul3A_72, %dma_wait3A_75] : memref<800000x32xf32, #tpu.memory_space<hbm>> -> memref<256x32xf32, #tpu.memory_space<hbm>>
    tpu.wait_dma2 semaphore(%arg13 : memref<!tpu.dma_semaphore, #tpu.memory_space<semaphore_mem>>) src(%dma_wait3A_76 : memref<256x32xf32, #tpu.memory_space<hbm>>) dst(%arg8 : memref<256x32xf32, #tpu.memory_space<vmem>>)
    %le3A = arith.constant 3124 : i32
    %le3A_77 = arith.cmpi sle, %add3A_62, %le3A : i32
    %convert_element_type3A = arith.extui %le3A_77 : i1 to i32
    %cond3A = arith.constant 0 : i32
    %cond3A_78 = arith.cmpi ne, %convert_element_type3A, %cond3A : i32
    scf.if %cond3A_78 {
      %run_scoped3A_84 = arith.constant 0 : i32
      "tpu.region"() ({
        %run_scoped3A_86 = tpu.sem_alloc : memref<!tpu.dma_semaphore, #tpu.memory_space<semaphore_mem>>
        %dma_start3A_87 = arith.constant 0 : i32
        %dma_start3A_88 = arith.constant 0 : i32
        %dma_start3A_89 = tpu.memref_slice %arg8[%dma_start3A_87, %dma_start3A_88] : memref<256x32xf32, #tpu.memory_space<vmem>> -> memref<128x32xf32, #tpu.memory_space<vmem>>
        %dma_start3A_90 = arith.constant 0 : i32
        %dma_start3A_91 = tpu.memref_slice %arg6[%run_scoped3A_84, %dma_start3A_90] : memref<2x128xi32, #tpu.memory_space<vmem>> -> memref<1x128xi32, #tpu.memory_space<vmem>>
        %dma_start3A_92 = tpu.memref_squeeze %dma_start3A_91 : memref<1x128xi32, #tpu.memory_space<vmem>> -> memref<128xi32, #tpu.memory_space<vmem>>
        %dma_start3A_93 = arith.constant 0 : i32
        %dma_start3A_94 = arith.constant 0 : i32
        %dma_start3A_95 = tpu.memref_slice %arg9[%dma_start3A_93, %dma_start3A_94] : memref<51200x32xf32, #tpu.memory_space<vmem_shared>> -> memref<51200x32xf32, #tpu.memory_space<vmem_shared>>
        tpu.enqueue_indirect_dma source(%dma_start3A_89 : memref<128x32xf32, #tpu.memory_space<vmem>>) target(%dma_start3A_95 : memref<51200x32xf32, #tpu.memory_space<vmem_shared>>) offsets(%dma_start3A_92 : memref<128xi32, #tpu.memory_space<vmem>>) semaphore(%run_scoped3A_86 : memref<!tpu.dma_semaphore, #tpu.memory_space<semaphore_mem>>) {add = true}
        %dma_wait3A_96 = arith.constant 0 : i32
        %dma_wait3A_97 = arith.constant 0 : i32
        %dma_wait3A_98 = tpu.memref_slice %arg8[%dma_wait3A_96, %dma_wait3A_97] : memref<256x32xf32, #tpu.memory_space<vmem>> -> memref<128x32xf32, #tpu.memory_space<vmem>>
        %dma_wait3A_99 = arith.constant 0 : i32
        %dma_wait3A_100 = tpu.memref_slice %arg6[%run_scoped3A_84, %dma_wait3A_99] : memref<2x128xi32, #tpu.memory_space<vmem>> -> memref<1x128xi32, #tpu.memory_space<vmem>>
        %dma_wait3A_101 = tpu.memref_squeeze %dma_wait3A_100 : memref<1x128xi32, #tpu.memory_space<vmem>> -> memref<128xi32, #tpu.memory_space<vmem>>
        %dma_wait3A_102 = arith.constant 0 : i32
        %dma_wait3A_103 = arith.constant 0 : i32
        %dma_wait3A_104 = tpu.memref_slice %arg9[%dma_wait3A_102, %dma_wait3A_103] : memref<51200x32xf32, #tpu.memory_space<vmem_shared>> -> memref<51200x32xf32, #tpu.memory_space<vmem_shared>>
        tpu.wait_indirect_dma semaphore(%run_scoped3A_86 : memref<!tpu.dma_semaphore, #tpu.memory_space<semaphore_mem>>) src(%dma_wait3A_98 : memref<128x32xf32, #tpu.memory_space<vmem>>) dst(%dma_wait3A_104 : memref<51200x32xf32, #tpu.memory_space<vmem_shared>>)
        tpu.yield
      }) : () -> ()
      %run_scoped3A_85 = arith.constant 1 : i32
      "tpu.region"() ({
        %run_scoped3A_86 = tpu.sem_alloc : memref<!tpu.dma_semaphore, #tpu.memory_space<semaphore_mem>>
        %dma_start3A_87 = arith.constant 128 : i32
        %dma_start3A_88 = arith.constant 0 : i32
        %dma_start3A_89 = tpu.memref_slice %arg8[%dma_start3A_87, %dma_start3A_88] : memref<256x32xf32, #tpu.memory_space<vmem>> -> memref<128x32xf32, #tpu.memory_space<vmem>>
        %dma_start3A_90 = arith.constant 0 : i32
        %dma_start3A_91 = tpu.memref_slice %arg6[%run_scoped3A_85, %dma_start3A_90] : memref<2x128xi32, #tpu.memory_space<vmem>> -> memref<1x128xi32, #tpu.memory_space<vmem>>
        %dma_start3A_92 = tpu.memref_squeeze %dma_start3A_91 : memref<1x128xi32, #tpu.memory_space<vmem>> -> memref<128xi32, #tpu.memory_space<vmem>>
        %dma_start3A_93 = arith.constant 0 : i32
        %dma_start3A_94 = arith.constant 0 : i32
        %dma_start3A_95 = tpu.memref_slice %arg9[%dma_start3A_93, %dma_start3A_94] : memref<51200x32xf32, #tpu.memory_space<vmem_shared>> -> memref<51200x32xf32, #tpu.memory_space<vmem_shared>>
        tpu.enqueue_indirect_dma source(%dma_start3A_89 : memref<128x32xf32, #tpu.memory_space<vmem>>) target(%dma_start3A_95 : memref<51200x32xf32, #tpu.memory_space<vmem_shared>>) offsets(%dma_start3A_92 : memref<128xi32, #tpu.memory_space<vmem>>) semaphore(%run_scoped3A_86 : memref<!tpu.dma_semaphore, #tpu.memory_space<semaphore_mem>>) {add = true}
        %dma_wait3A_96 = arith.constant 128 : i32
        %dma_wait3A_97 = arith.constant 0 : i32
        %dma_wait3A_98 = tpu.memref_slice %arg8[%dma_wait3A_96, %dma_wait3A_97] : memref<256x32xf32, #tpu.memory_space<vmem>> -> memref<128x32xf32, #tpu.memory_space<vmem>>
        %dma_wait3A_99 = arith.constant 0 : i32
        %dma_wait3A_100 = tpu.memref_slice %arg6[%run_scoped3A_85, %dma_wait3A_99] : memref<2x128xi32, #tpu.memory_space<vmem>> -> memref<1x128xi32, #tpu.memory_space<vmem>>
        %dma_wait3A_101 = tpu.memref_squeeze %dma_wait3A_100 : memref<1x128xi32, #tpu.memory_space<vmem>> -> memref<128xi32, #tpu.memory_space<vmem>>
        %dma_wait3A_102 = arith.constant 0 : i32
        %dma_wait3A_103 = arith.constant 0 : i32
        %dma_wait3A_104 = tpu.memref_slice %arg9[%dma_wait3A_102, %dma_wait3A_103] : memref<51200x32xf32, #tpu.memory_space<vmem_shared>> -> memref<51200x32xf32, #tpu.memory_space<vmem_shared>>
        tpu.wait_indirect_dma semaphore(%run_scoped3A_86 : memref<!tpu.dma_semaphore, #tpu.memory_space<semaphore_mem>>) src(%dma_wait3A_98 : memref<128x32xf32, #tpu.memory_space<vmem>>) dst(%dma_wait3A_104 : memref<51200x32xf32, #tpu.memory_space<vmem_shared>>)
        tpu.yield
      }) : () -> ()
    } else {
    }
    %barrier3A_79 = arith.constant 0 : index
    tpu.barrier barrier_id(%barrier3A_79)
    %mul3A_80 = arith.constant 3200 : i32
    %mul3A_81 = arith.muli %arg1, %mul3A_80 : i32
    %mul3A_82 = arith.constant 3200 : i32
    %mul3A_83 = arith.muli %arg1, %mul3A_82 : i32
    "tpu.region"() ({
      %run_scoped3A_84 = tpu.sem_alloc : memref<!tpu.dma_semaphore, #tpu.memory_space<semaphore_mem>>
      %dma_start3A_85 = arith.constant 0 : i32
      %dma_start3A_86 = tpu.memref_slice %arg4[%arg0, %mul3A_83, %dma_start3A_85] : memref<2x51200x32xf32, #tpu.memory_space<hbm>> -> memref<1x3200x32xf32, #tpu.memory_space<hbm>>
      %dma_start3A_87 = tpu.memref_squeeze %dma_start3A_86 : memref<1x3200x32xf32, #tpu.memory_space<hbm>> -> memref<3200x32xf32, #tpu.memory_space<hbm>>
      %dma_start3A_88 = arith.constant 0 : i32
      %dma_start3A_89 = tpu.memref_slice %arg9[%mul3A_81, %dma_start3A_88] : memref<51200x32xf32, #tpu.memory_space<vmem_shared>> -> memref<3200x32xf32, #tpu.memory_space<vmem_shared>>
      tpu.enqueue_dma source(%dma_start3A_89 : memref<3200x32xf32, #tpu.memory_space<vmem_shared>>) target(%dma_start3A_87 : memref<3200x32xf32, #tpu.memory_space<hbm>>) target_semaphore(%run_scoped3A_84 : memref<!tpu.dma_semaphore, #tpu.memory_space<semaphore_mem>>)
      %dma_wait3A_90 = arith.constant 0 : i32
      %dma_wait3A_91 = tpu.memref_slice %arg4[%arg0, %mul3A_83, %dma_wait3A_90] : memref<2x51200x32xf32, #tpu.memory_space<hbm>> -> memref<1x3200x32xf32, #tpu.memory_space<hbm>>
      %dma_wait3A_92 = tpu.memref_squeeze %dma_wait3A_91 : memref<1x3200x32xf32, #tpu.memory_space<hbm>> -> memref<3200x32xf32, #tpu.memory_space<hbm>>
      %dma_wait3A_93 = arith.constant 0 : i32
      %dma_wait3A_94 = tpu.memref_slice %arg9[%mul3A_81, %dma_wait3A_93] : memref<51200x32xf32, #tpu.memory_space<vmem_shared>> -> memref<3200x32xf32, #tpu.memory_space<vmem_shared>>
      tpu.wait_dma2 semaphore(%run_scoped3A_84 : memref<!tpu.dma_semaphore, #tpu.memory_space<semaphore_mem>>) src(%dma_wait3A_94 : memref<3200x32xf32, #tpu.memory_space<vmem_shared>>) dst(%dma_wait3A_92 : memref<3200x32xf32, #tpu.memory_space<hbm>>)
      tpu.yield
    }) : () -> ()
    return
  }
}

#map = affine_map<(d0, d1) -> (0, 0)>
#map1 = affine_map<(d0, d1) -> (0, 0, 0)>
module attributes {stable_mosaic.version = 14 : i64} {
  func.func @k(%arg0: i32, %arg1: i32, %arg2: memref<6250x128xi32, #tpu.memory_space<hbm>>, %arg3: memref<2x51200x16xf32, #tpu.memory_space<hbm>>, %arg4: memref<2x128xi32, #tpu.memory_space<vmem>>, %arg5: memref<2x128xi32, #tpu.memory_space<vmem>>, %arg6: memref<128x16xf32, #tpu.memory_space<vmem>>, %arg7: memref<128x16xf32, #tpu.memory_space<vmem>>, %arg8: memref<51200x16xf32, #tpu.memory_space<vmem_shared>>, %arg9: memref<!tpu.dma_semaphore, #tpu.memory_space<semaphore_mem>>, %arg10: memref<!tpu.dma_semaphore, #tpu.memory_space<semaphore_mem>>) attributes {dimension_semantics = [#tpu.dimension_semantics<core_parallel>, #tpu.dimension_semantics<subcore_parallel>], iteration_bounds = array<i64: 2, 16>, scalar_prefetch = 0 : i64, scratch_operands = 7 : i64, tpu.core_type = #tpu.core_type<sc_vector_subcore>, window_params = [{transform_indices = #map}, {transform_indices = #map1}]} {
    %mul3A = arith.constant 16 : i32
    %mul3A_0 = arith.muli %arg0, %mul3A : i32
    %add3A = arith.addi %mul3A_0, %arg1 : i32
    %broadcast_in_dim3A = arith.constant 0.000000e+00 : f32
    %broadcast_in_dim3A_1 = vector.broadcast %broadcast_in_dim3A : f32 to vector<16xf32>
    %broadcast_in_dim3A_2 = arith.constant 1.000000e+00 : f32
    %broadcast_in_dim3A_3 = vector.broadcast %broadcast_in_dim3A_2 : f32 to vector<16xf32>
    %scan3A = arith.constant 0 : i32
    %scan3A_4 = arith.constant 0 : i32
    %scan3A_5 = arith.constant 128 : i32
    %scan3A_6 = arith.addi %scan3A_4, %scan3A_5 : i32
    %scan3A_7 = arith.constant 1 : i32
    scf.for %scan3A_58 = %scan3A_4 to %scan3A_6 step %scan3A_7  : i32 {
      %swap3A = arith.index_cast %scan3A_58 : i32 to index
      %swap3A_59 = arith.constant 0 : index
      %swap3A_60 = tpu.vector_load %arg6[%swap3A, %swap3A_59] {strides = array<i32>} : memref<128x16xf32, #tpu.memory_space<vmem>>, vector<1x16xf32>,
      %swap3A_61 = vector.shape_cast %swap3A_60 : vector<1x16xf32> to vector<16xf32>
      %swap3A_62 = vector.shape_cast %broadcast_in_dim3A_3 : vector<16xf32> to vector<1x16xf32>
      tpu.vector_store %arg6[%swap3A, %swap3A_59], %swap3A_62 {strides = array<i32>} : memref<128x16xf32, #tpu.memory_space<vmem>>, vector<1x16xf32>,
      %swap3A_63 = arith.index_cast %scan3A_58 : i32 to index
      %swap3A_64 = arith.constant 0 : index
      %swap3A_65 = tpu.vector_load %arg7[%swap3A_63, %swap3A_64] {strides = array<i32>} : memref<128x16xf32, #tpu.memory_space<vmem>>, vector<1x16xf32>,
      %swap3A_66 = vector.shape_cast %swap3A_65 : vector<1x16xf32> to vector<16xf32>
      %swap3A_67 = vector.shape_cast %broadcast_in_dim3A_1 : vector<16xf32> to vector<1x16xf32>
      tpu.vector_store %arg7[%swap3A_63, %swap3A_64], %swap3A_67 {strides = array<i32>} : memref<128x16xf32, #tpu.memory_space<vmem>>, vector<1x16xf32>,
    }
    %scan3A_8 = arith.constant 128 : i32
    %scan3A_9 = arith.constant 0 : i32
    %scan3A_10 = arith.constant 0 : i32
    %scan3A_11 = arith.constant 25 : i32
    %scan3A_12 = arith.addi %scan3A_10, %scan3A_11 : i32
    %scan3A_13 = arith.constant 1 : i32
    scf.for %scan3A_58 = %scan3A_10 to %scan3A_12 step %scan3A_13  : i32 {
      %mul3A_59 = arith.constant 3200 : i32
      %mul3A_60 = arith.muli %arg1, %mul3A_59 : i32
      %mul3A_61 = arith.constant 128 : i32
      %mul3A_62 = arith.muli %scan3A_58, %mul3A_61 : i32
      %add3A_63 = arith.addi %mul3A_60, %mul3A_62 : i32
      "tpu.region"() ({
        %run_scoped3A_64 = tpu.sem_alloc : memref<!tpu.dma_semaphore, #tpu.memory_space<semaphore_mem>>
        %dma_start3A_65 = arith.constant 0 : i32
        %dma_start3A_66 = tpu.memref_slice %arg8[%add3A_63, %dma_start3A_65] : memref<51200x16xf32, #tpu.memory_space<vmem_shared>> -> memref<128x16xf32, #tpu.memory_space<vmem_shared>>
        %dma_start3A_67 = arith.constant 0 : i32
        %dma_start3A_68 = tpu.memref_slice %arg8[%add3A_63, %dma_start3A_67] : memref<51200x16xf32, #tpu.memory_space<vmem_shared>> -> memref<128x16xf32, #tpu.memory_space<vmem_shared>>
        tpu.enqueue_dma source(%arg7 : memref<128x16xf32, #tpu.memory_space<vmem>>) target(%dma_start3A_68 : memref<128x16xf32, #tpu.memory_space<vmem_shared>>) target_semaphore(%run_scoped3A_64 : memref<!tpu.dma_semaphore, #tpu.memory_space<semaphore_mem>>)
        %dma_wait3A_69 = arith.constant 0 : i32
        %dma_wait3A_70 = tpu.memref_slice %arg8[%add3A_63, %dma_wait3A_69] : memref<51200x16xf32, #tpu.memory_space<vmem_shared>> -> memref<128x16xf32, #tpu.memory_space<vmem_shared>>
        %dma_wait3A_71 = arith.constant 0 : i32
        %dma_wait3A_72 = tpu.memref_slice %arg8[%add3A_63, %dma_wait3A_71] : memref<51200x16xf32, #tpu.memory_space<vmem_shared>> -> memref<128x16xf32, #tpu.memory_space<vmem_shared>>
        tpu.wait_dma2 semaphore(%run_scoped3A_64 : memref<!tpu.dma_semaphore, #tpu.memory_space<semaphore_mem>>) src(%arg7 : memref<128x16xf32, #tpu.memory_space<vmem>>) dst(%dma_wait3A_72 : memref<128x16xf32, #tpu.memory_space<vmem_shared>>)
        tpu.yield
      }) : () -> ()
    }
    %scan3A_14 = arith.constant 25 : i32
    %barrier3A = arith.constant 0 : index
    tpu.barrier barrier_id(%barrier3A)
    %mul3A_15 = arith.constant 2 : i32
    %mul3A_16 = arith.muli %add3A, %mul3A_15 : i32
    %dma_start3A = arith.constant 0 : i32
    %dma_start3A_17 = tpu.memref_slice %arg2[%mul3A_16, %dma_start3A] : memref<6250x128xi32, #tpu.memory_space<hbm>> -> memref<2x128xi32, #tpu.memory_space<hbm>>
    %dma_start3A_18 = arith.constant 0 : i32
    %dma_start3A_19 = tpu.memref_slice %arg2[%mul3A_16, %dma_start3A_18] : memref<6250x128xi32, #tpu.memory_space<hbm>> -> memref<2x128xi32, #tpu.memory_space<hbm>>
    tpu.enqueue_dma source(%dma_start3A_19 : memref<2x128xi32, #tpu.memory_space<hbm>>) target(%arg4 : memref<2x128xi32, #tpu.memory_space<vmem>>) target_semaphore(%arg9 : memref<!tpu.dma_semaphore, #tpu.memory_space<semaphore_mem>>)
    %add3A_20 = arith.constant 32 : i32
    %add3A_21 = arith.addi %add3A, %add3A_20 : i32
    %mul3A_22 = arith.constant 2 : i32
    %mul3A_23 = arith.muli %add3A_21, %mul3A_22 : i32
    %dma_start3A_24 = arith.constant 0 : i32
    %dma_start3A_25 = tpu.memref_slice %arg2[%mul3A_23, %dma_start3A_24] : memref<6250x128xi32, #tpu.memory_space<hbm>> -> memref<2x128xi32, #tpu.memory_space<hbm>>
    %dma_start3A_26 = arith.constant 0 : i32
    %dma_start3A_27 = tpu.memref_slice %arg2[%mul3A_23, %dma_start3A_26] : memref<6250x128xi32, #tpu.memory_space<hbm>> -> memref<2x128xi32, #tpu.memory_space<hbm>>
    tpu.enqueue_dma source(%dma_start3A_27 : memref<2x128xi32, #tpu.memory_space<hbm>>) target(%arg5 : memref<2x128xi32, #tpu.memory_space<vmem>>) target_semaphore(%arg10 : memref<!tpu.dma_semaphore, #tpu.memory_space<semaphore_mem>>)
    %scan3A_28 = arith.constant 0 : i32
    %scan3A_29 = arith.constant 0 : i32
    %scan3A_30 = arith.constant 48 : i32
    %scan3A_31 = arith.addi %scan3A_29, %scan3A_30 : i32
    %scan3A_32 = arith.constant 1 : i32
    scf.for %scan3A_58 = %scan3A_29 to %scan3A_31 step %scan3A_32  : i32 {
      %mul3A_59 = arith.constant 2 : i32
      %mul3A_60 = arith.muli %mul3A_59, %scan3A_58 : i32
      %mul3A_61 = arith.constant 32 : i32
      %mul3A_62 = arith.muli %mul3A_60, %mul3A_61 : i32
      %add3A_63 = arith.addi %add3A, %mul3A_62 : i32
      %mul3A_64 = arith.constant 2 : i32
      %mul3A_65 = arith.muli %add3A_63, %mul3A_64 : i32
      %dma_wait3A_66 = arith.constant 0 : i32
      %dma_wait3A_67 = tpu.memref_slice %arg2[%mul3A_65, %dma_wait3A_66] : memref<6250x128xi32, #tpu.memory_space<hbm>> -> memref<2x128xi32, #tpu.memory_space<hbm>>
      %dma_wait3A_68 = arith.constant 0 : i32
      %dma_wait3A_69 = tpu.memref_slice %arg2[%mul3A_65, %dma_wait3A_68] : memref<6250x128xi32, #tpu.memory_space<hbm>> -> memref<2x128xi32, #tpu.memory_space<hbm>>
      tpu.wait_dma2 semaphore(%arg9 : memref<!tpu.dma_semaphore, #tpu.memory_space<semaphore_mem>>) src(%dma_wait3A_69 : memref<2x128xi32, #tpu.memory_space<hbm>>) dst(%arg4 : memref<2x128xi32, #tpu.memory_space<vmem>>)
      %run_scoped3A_70 = arith.constant 0 : i32
      "tpu.region"() ({
        %run_scoped3A_102 = tpu.sem_alloc : memref<!tpu.dma_semaphore, #tpu.memory_space<semaphore_mem>>
        %dma_start3A_103 = arith.constant 0 : i32
        %dma_start3A_104 = tpu.memref_slice %arg4[%run_scoped3A_70, %dma_start3A_103] : memref<2x128xi32, #tpu.memory_space<vmem>> -> memref<1x128xi32, #tpu.memory_space<vmem>>
        %dma_start3A_105 = tpu.memref_squeeze %dma_start3A_104 : memref<1x128xi32, #tpu.memory_space<vmem>> -> memref<128xi32, #tpu.memory_space<vmem>>
        %dma_start3A_106 = arith.constant 0 : i32
        %dma_start3A_107 = arith.constant 0 : i32
        %dma_start3A_108 = tpu.memref_slice %arg8[%dma_start3A_106, %dma_start3A_107] : memref<51200x16xf32, #tpu.memory_space<vmem_shared>> -> memref<51200x16xf32, #tpu.memory_space<vmem_shared>>
        tpu.enqueue_indirect_dma source(%arg6 : memref<128x16xf32, #tpu.memory_space<vmem>>) target(%dma_start3A_108 : memref<51200x16xf32, #tpu.memory_space<vmem_shared>>) offsets(%dma_start3A_105 : memref<128xi32, #tpu.memory_space<vmem>>) semaphore(%run_scoped3A_102 : memref<!tpu.dma_semaphore, #tpu.memory_space<semaphore_mem>>) {add = true}
        %dma_wait3A_109 = arith.constant 0 : i32
        %dma_wait3A_110 = tpu.memref_slice %arg4[%run_scoped3A_70, %dma_wait3A_109] : memref<2x128xi32, #tpu.memory_space<vmem>> -> memref<1x128xi32, #tpu.memory_space<vmem>>
        %dma_wait3A_111 = tpu.memref_squeeze %dma_wait3A_110 : memref<1x128xi32, #tpu.memory_space<vmem>> -> memref<128xi32, #tpu.memory_space<vmem>>
        %dma_wait3A_112 = arith.constant 0 : i32
        %dma_wait3A_113 = arith.constant 0 : i32
        %dma_wait3A_114 = tpu.memref_slice %arg8[%dma_wait3A_112, %dma_wait3A_113] : memref<51200x16xf32, #tpu.memory_space<vmem_shared>> -> memref<51200x16xf32, #tpu.memory_space<vmem_shared>>
        tpu.wait_indirect_dma semaphore(%run_scoped3A_102 : memref<!tpu.dma_semaphore, #tpu.memory_space<semaphore_mem>>) src(%arg6 : memref<128x16xf32, #tpu.memory_space<vmem>>) dst(%dma_wait3A_114 : memref<51200x16xf32, #tpu.memory_space<vmem_shared>>)
        tpu.yield
      }) : () -> ()
      %run_scoped3A_71 = arith.constant 1 : i32
      "tpu.region"() ({
        %run_scoped3A_102 = tpu.sem_alloc : memref<!tpu.dma_semaphore, #tpu.memory_space<semaphore_mem>>
        %dma_start3A_103 = arith.constant 0 : i32
        %dma_start3A_104 = tpu.memref_slice %arg4[%run_scoped3A_71, %dma_start3A_103] : memref<2x128xi32, #tpu.memory_space<vmem>> -> memref<1x128xi32, #tpu.memory_space<vmem>>
        %dma_start3A_105 = tpu.memref_squeeze %dma_start3A_104 : memref<1x128xi32, #tpu.memory_space<vmem>> -> memref<128xi32, #tpu.memory_space<vmem>>
        %dma_start3A_106 = arith.constant 0 : i32
        %dma_start3A_107 = arith.constant 0 : i32
        %dma_start3A_108 = tpu.memref_slice %arg8[%dma_start3A_106, %dma_start3A_107] : memref<51200x16xf32, #tpu.memory_space<vmem_shared>> -> memref<51200x16xf32, #tpu.memory_space<vmem_shared>>
        tpu.enqueue_indirect_dma source(%arg6 : memref<128x16xf32, #tpu.memory_space<vmem>>) target(%dma_start3A_108 : memref<51200x16xf32, #tpu.memory_space<vmem_shared>>) offsets(%dma_start3A_105 : memref<128xi32, #tpu.memory_space<vmem>>) semaphore(%run_scoped3A_102 : memref<!tpu.dma_semaphore, #tpu.memory_space<semaphore_mem>>) {add = true}
        %dma_wait3A_109 = arith.constant 0 : i32
        %dma_wait3A_110 = tpu.memref_slice %arg4[%run_scoped3A_71, %dma_wait3A_109] : memref<2x128xi32, #tpu.memory_space<vmem>> -> memref<1x128xi32, #tpu.memory_space<vmem>>
        %dma_wait3A_111 = tpu.memref_squeeze %dma_wait3A_110 : memref<1x128xi32, #tpu.memory_space<vmem>> -> memref<128xi32, #tpu.memory_space<vmem>>
        %dma_wait3A_112 = arith.constant 0 : i32
        %dma_wait3A_113 = arith.constant 0 : i32
        %dma_wait3A_114 = tpu.memref_slice %arg8[%dma_wait3A_112, %dma_wait3A_113] : memref<51200x16xf32, #tpu.memory_space<vmem_shared>> -> memref<51200x16xf32, #tpu.memory_space<vmem_shared>>
        tpu.wait_indirect_dma semaphore(%run_scoped3A_102 : memref<!tpu.dma_semaphore, #tpu.memory_space<semaphore_mem>>) src(%arg6 : memref<128x16xf32, #tpu.memory_space<vmem>>) dst(%dma_wait3A_114 : memref<51200x16xf32, #tpu.memory_space<vmem_shared>>)
        tpu.yield
      }) : () -> ()
      %add3A_72 = arith.constant 64 : i32
      %add3A_73 = arith.addi %add3A_63, %add3A_72 : i32
      %min3A_74 = arith.constant 3124 : i32
      %min3A_75 = arith.minsi %add3A_73, %min3A_74 : i32
      %mul3A_76 = arith.constant 2 : i32
      %mul3A_77 = arith.muli %min3A_75, %mul3A_76 : i32
      %dma_start3A_78 = arith.constant 0 : i32
      %dma_start3A_79 = tpu.memref_slice %arg2[%mul3A_77, %dma_start3A_78] : memref<6250x128xi32, #tpu.memory_space<hbm>> -> memref<2x128xi32, #tpu.memory_space<hbm>>
      %dma_start3A_80 = arith.constant 0 : i32
      %dma_start3A_81 = tpu.memref_slice %arg2[%mul3A_77, %dma_start3A_80] : memref<6250x128xi32, #tpu.memory_space<hbm>> -> memref<2x128xi32, #tpu.memory_space<hbm>>
      tpu.enqueue_dma source(%dma_start3A_81 : memref<2x128xi32, #tpu.memory_space<hbm>>) target(%arg4 : memref<2x128xi32, #tpu.memory_space<vmem>>) target_semaphore(%arg9 : memref<!tpu.dma_semaphore, #tpu.memory_space<semaphore_mem>>)
      %add3A_82 = arith.constant 32 : i32
      %add3A_83 = arith.addi %add3A_63, %add3A_82 : i32
      %mul3A_84 = arith.constant 2 : i32
      %mul3A_85 = arith.muli %add3A_83, %mul3A_84 : i32
      %dma_wait3A_86 = arith.constant 0 : i32
      %dma_wait3A_87 = tpu.memref_slice %arg2[%mul3A_85, %dma_wait3A_86] : memref<6250x128xi32, #tpu.memory_space<hbm>> -> memref<2x128xi32, #tpu.memory_space<hbm>>
      %dma_wait3A_88 = arith.constant 0 : i32
      %dma_wait3A_89 = tpu.memref_slice %arg2[%mul3A_85, %dma_wait3A_88] : memref<6250x128xi32, #tpu.memory_space<hbm>> -> memref<2x128xi32, #tpu.memory_space<hbm>>
      tpu.wait_dma2 semaphore(%arg10 : memref<!tpu.dma_semaphore, #tpu.memory_space<semaphore_mem>>) src(%dma_wait3A_89 : memref<2x128xi32, #tpu.memory_space<hbm>>) dst(%arg5 : memref<2x128xi32, #tpu.memory_space<vmem>>)
      %run_scoped3A_90 = arith.constant 0 : i32
      "tpu.region"() ({
        %run_scoped3A_102 = tpu.sem_alloc : memref<!tpu.dma_semaphore, #tpu.memory_space<semaphore_mem>>
        %dma_start3A_103 = arith.constant 0 : i32
        %dma_start3A_104 = tpu.memref_slice %arg5[%run_scoped3A_90, %dma_start3A_103] : memref<2x128xi32, #tpu.memory_space<vmem>> -> memref<1x128xi32, #tpu.memory_space<vmem>>
        %dma_start3A_105 = tpu.memref_squeeze %dma_start3A_104 : memref<1x128xi32, #tpu.memory_space<vmem>> -> memref<128xi32, #tpu.memory_space<vmem>>
        %dma_start3A_106 = arith.constant 0 : i32
        %dma_start3A_107 = arith.constant 0 : i32
        %dma_start3A_108 = tpu.memref_slice %arg8[%dma_start3A_106, %dma_start3A_107] : memref<51200x16xf32, #tpu.memory_space<vmem_shared>> -> memref<51200x16xf32, #tpu.memory_space<vmem_shared>>
        tpu.enqueue_indirect_dma source(%arg6 : memref<128x16xf32, #tpu.memory_space<vmem>>) target(%dma_start3A_108 : memref<51200x16xf32, #tpu.memory_space<vmem_shared>>) offsets(%dma_start3A_105 : memref<128xi32, #tpu.memory_space<vmem>>) semaphore(%run_scoped3A_102 : memref<!tpu.dma_semaphore, #tpu.memory_space<semaphore_mem>>) {add = true}
        %dma_wait3A_109 = arith.constant 0 : i32
        %dma_wait3A_110 = tpu.memref_slice %arg5[%run_scoped3A_90, %dma_wait3A_109] : memref<2x128xi32, #tpu.memory_space<vmem>> -> memref<1x128xi32, #tpu.memory_space<vmem>>
        %dma_wait3A_111 = tpu.memref_squeeze %dma_wait3A_110 : memref<1x128xi32, #tpu.memory_space<vmem>> -> memref<128xi32, #tpu.memory_space<vmem>>
        %dma_wait3A_112 = arith.constant 0 : i32
        %dma_wait3A_113 = arith.constant 0 : i32
        %dma_wait3A_114 = tpu.memref_slice %arg8[%dma_wait3A_112, %dma_wait3A_113] : memref<51200x16xf32, #tpu.memory_space<vmem_shared>> -> memref<51200x16xf32, #tpu.memory_space<vmem_shared>>
        tpu.wait_indirect_dma semaphore(%run_scoped3A_102 : memref<!tpu.dma_semaphore, #tpu.memory_space<semaphore_mem>>) src(%arg6 : memref<128x16xf32, #tpu.memory_space<vmem>>) dst(%dma_wait3A_114 : memref<51200x16xf32, #tpu.memory_space<vmem_shared>>)
        tpu.yield
      }) : () -> ()
      %run_scoped3A_91 = arith.constant 1 : i32
      "tpu.region"() ({
        %run_scoped3A_102 = tpu.sem_alloc : memref<!tpu.dma_semaphore, #tpu.memory_space<semaphore_mem>>
        %dma_start3A_103 = arith.constant 0 : i32
        %dma_start3A_104 = tpu.memref_slice %arg5[%run_scoped3A_91, %dma_start3A_103] : memref<2x128xi32, #tpu.memory_space<vmem>> -> memref<1x128xi32, #tpu.memory_space<vmem>>
        %dma_start3A_105 = tpu.memref_squeeze %dma_start3A_104 : memref<1x128xi32, #tpu.memory_space<vmem>> -> memref<128xi32, #tpu.memory_space<vmem>>
        %dma_start3A_106 = arith.constant 0 : i32
        %dma_start3A_107 = arith.constant 0 : i32
        %dma_start3A_108 = tpu.memref_slice %arg8[%dma_start3A_106, %dma_start3A_107] : memref<51200x16xf32, #tpu.memory_space<vmem_shared>> -> memref<51200x16xf32, #tpu.memory_space<vmem_shared>>
        tpu.enqueue_indirect_dma source(%arg6 : memref<128x16xf32, #tpu.memory_space<vmem>>) target(%dma_start3A_108 : memref<51200x16xf32, #tpu.memory_space<vmem_shared>>) offsets(%dma_start3A_105 : memref<128xi32, #tpu.memory_space<vmem>>) semaphore(%run_scoped3A_102 : memref<!tpu.dma_semaphore, #tpu.memory_space<semaphore_mem>>) {add = true}
        %dma_wait3A_109 = arith.constant 0 : i32
        %dma_wait3A_110 = tpu.memref_slice %arg5[%run_scoped3A_91, %dma_wait3A_109] : memref<2x128xi32, #tpu.memory_space<vmem>> -> memref<1x128xi32, #tpu.memory_space<vmem>>
        %dma_wait3A_111 = tpu.memref_squeeze %dma_wait3A_110 : memref<1x128xi32, #tpu.memory_space<vmem>> -> memref<128xi32, #tpu.memory_space<vmem>>
        %dma_wait3A_112 = arith.constant 0 : i32
        %dma_wait3A_113 = arith.constant 0 : i32
        %dma_wait3A_114 = tpu.memref_slice %arg8[%dma_wait3A_112, %dma_wait3A_113] : memref<51200x16xf32, #tpu.memory_space<vmem_shared>> -> memref<51200x16xf32, #tpu.memory_space<vmem_shared>>
        tpu.wait_indirect_dma semaphore(%run_scoped3A_102 : memref<!tpu.dma_semaphore, #tpu.memory_space<semaphore_mem>>) src(%arg6 : memref<128x16xf32, #tpu.memory_space<vmem>>) dst(%dma_wait3A_114 : memref<51200x16xf32, #tpu.memory_space<vmem_shared>>)
        tpu.yield
      }) : () -> ()
      %add3A_92 = arith.constant 64 : i32
      %add3A_93 = arith.addi %add3A_83, %add3A_92 : i32
      %min3A_94 = arith.constant 3124 : i32
      %min3A_95 = arith.minsi %add3A_93, %min3A_94 : i32
      %mul3A_96 = arith.constant 2 : i32
      %mul3A_97 = arith.muli %min3A_95, %mul3A_96 : i32
      %dma_start3A_98 = arith.constant 0 : i32
      %dma_start3A_99 = tpu.memref_slice %arg2[%mul3A_97, %dma_start3A_98] : memref<6250x128xi32, #tpu.memory_space<hbm>> -> memref<2x128xi32, #tpu.memory_space<hbm>>
      %dma_start3A_100 = arith.constant 0 : i32
      %dma_start3A_101 = tpu.memref_slice %arg2[%mul3A_97, %dma_start3A_100] : memref<6250x128xi32, #tpu.memory_space<hbm>> -> memref<2x128xi32, #tpu.memory_space<hbm>>
      tpu.enqueue_dma source(%dma_start3A_101 : memref<2x128xi32, #tpu.memory_space<hbm>>) target(%arg5 : memref<2x128xi32, #tpu.memory_space<vmem>>) target_semaphore(%arg10 : memref<!tpu.dma_semaphore, #tpu.memory_space<semaphore_mem>>)
    }
    %scan3A_33 = arith.constant 48 : i32
    %add3A_34 = arith.constant 3072 : i32
    %add3A_35 = arith.addi %add3A, %add3A_34 : i32
    %mul3A_36 = arith.constant 2 : i32
    %mul3A_37 = arith.muli %add3A_35, %mul3A_36 : i32
    %dma_wait3A = arith.constant 0 : i32
    %dma_wait3A_38 = tpu.memref_slice %arg2[%mul3A_37, %dma_wait3A] : memref<6250x128xi32, #tpu.memory_space<hbm>> -> memref<2x128xi32, #tpu.memory_space<hbm>>
    %dma_wait3A_39 = arith.constant 0 : i32
    %dma_wait3A_40 = tpu.memref_slice %arg2[%mul3A_37, %dma_wait3A_39] : memref<6250x128xi32, #tpu.memory_space<hbm>> -> memref<2x128xi32, #tpu.memory_space<hbm>>
    tpu.wait_dma2 semaphore(%arg9 : memref<!tpu.dma_semaphore, #tpu.memory_space<semaphore_mem>>) src(%dma_wait3A_40 : memref<2x128xi32, #tpu.memory_space<hbm>>) dst(%arg4 : memref<2x128xi32, #tpu.memory_space<vmem>>)
    %run_scoped3A = arith.constant 0 : i32
    "tpu.region"() ({
      %run_scoped3A_58 = tpu.sem_alloc : memref<!tpu.dma_semaphore, #tpu.memory_space<semaphore_mem>>
      %dma_start3A_59 = arith.constant 0 : i32
      %dma_start3A_60 = tpu.memref_slice %arg4[%run_scoped3A, %dma_start3A_59] : memref<2x128xi32, #tpu.memory_space<vmem>> -> memref<1x128xi32, #tpu.memory_space<vmem>>
      %dma_start3A_61 = tpu.memref_squeeze %dma_start3A_60 : memref<1x128xi32, #tpu.memory_space<vmem>> -> memref<128xi32, #tpu.memory_space<vmem>>
      %dma_start3A_62 = arith.constant 0 : i32
      %dma_start3A_63 = arith.constant 0 : i32
      %dma_start3A_64 = tpu.memref_slice %arg8[%dma_start3A_62, %dma_start3A_63] : memref<51200x16xf32, #tpu.memory_space<vmem_shared>> -> memref<51200x16xf32, #tpu.memory_space<vmem_shared>>
      tpu.enqueue_indirect_dma source(%arg6 : memref<128x16xf32, #tpu.memory_space<vmem>>) target(%dma_start3A_64 : memref<51200x16xf32, #tpu.memory_space<vmem_shared>>) offsets(%dma_start3A_61 : memref<128xi32, #tpu.memory_space<vmem>>) semaphore(%run_scoped3A_58 : memref<!tpu.dma_semaphore, #tpu.memory_space<semaphore_mem>>) {add = true}
      %dma_wait3A_65 = arith.constant 0 : i32
      %dma_wait3A_66 = tpu.memref_slice %arg4[%run_scoped3A, %dma_wait3A_65] : memref<2x128xi32, #tpu.memory_space<vmem>> -> memref<1x128xi32, #tpu.memory_space<vmem>>
      %dma_wait3A_67 = tpu.memref_squeeze %dma_wait3A_66 : memref<1x128xi32, #tpu.memory_space<vmem>> -> memref<128xi32, #tpu.memory_space<vmem>>
      %dma_wait3A_68 = arith.constant 0 : i32
      %dma_wait3A_69 = arith.constant 0 : i32
      %dma_wait3A_70 = tpu.memref_slice %arg8[%dma_wait3A_68, %dma_wait3A_69] : memref<51200x16xf32, #tpu.memory_space<vmem_shared>> -> memref<51200x16xf32, #tpu.memory_space<vmem_shared>>
      tpu.wait_indirect_dma semaphore(%run_scoped3A_58 : memref<!tpu.dma_semaphore, #tpu.memory_space<semaphore_mem>>) src(%arg6 : memref<128x16xf32, #tpu.memory_space<vmem>>) dst(%dma_wait3A_70 : memref<51200x16xf32, #tpu.memory_space<vmem_shared>>)
      tpu.yield
    }) : () -> ()
    %run_scoped3A_41 = arith.constant 1 : i32
    "tpu.region"() ({
      %run_scoped3A_58 = tpu.sem_alloc : memref<!tpu.dma_semaphore, #tpu.memory_space<semaphore_mem>>
      %dma_start3A_59 = arith.constant 0 : i32
      %dma_start3A_60 = tpu.memref_slice %arg4[%run_scoped3A_41, %dma_start3A_59] : memref<2x128xi32, #tpu.memory_space<vmem>> -> memref<1x128xi32, #tpu.memory_space<vmem>>
      %dma_start3A_61 = tpu.memref_squeeze %dma_start3A_60 : memref<1x128xi32, #tpu.memory_space<vmem>> -> memref<128xi32, #tpu.memory_space<vmem>>
      %dma_start3A_62 = arith.constant 0 : i32
      %dma_start3A_63 = arith.constant 0 : i32
      %dma_start3A_64 = tpu.memref_slice %arg8[%dma_start3A_62, %dma_start3A_63] : memref<51200x16xf32, #tpu.memory_space<vmem_shared>> -> memref<51200x16xf32, #tpu.memory_space<vmem_shared>>
      tpu.enqueue_indirect_dma source(%arg6 : memref<128x16xf32, #tpu.memory_space<vmem>>) target(%dma_start3A_64 : memref<51200x16xf32, #tpu.memory_space<vmem_shared>>) offsets(%dma_start3A_61 : memref<128xi32, #tpu.memory_space<vmem>>) semaphore(%run_scoped3A_58 : memref<!tpu.dma_semaphore, #tpu.memory_space<semaphore_mem>>) {add = true}
      %dma_wait3A_65 = arith.constant 0 : i32
      %dma_wait3A_66 = tpu.memref_slice %arg4[%run_scoped3A_41, %dma_wait3A_65] : memref<2x128xi32, #tpu.memory_space<vmem>> -> memref<1x128xi32, #tpu.memory_space<vmem>>
      %dma_wait3A_67 = tpu.memref_squeeze %dma_wait3A_66 : memref<1x128xi32, #tpu.memory_space<vmem>> -> memref<128xi32, #tpu.memory_space<vmem>>
      %dma_wait3A_68 = arith.constant 0 : i32
      %dma_wait3A_69 = arith.constant 0 : i32
      %dma_wait3A_70 = tpu.memref_slice %arg8[%dma_wait3A_68, %dma_wait3A_69] : memref<51200x16xf32, #tpu.memory_space<vmem_shared>> -> memref<51200x16xf32, #tpu.memory_space<vmem_shared>>
      tpu.wait_indirect_dma semaphore(%run_scoped3A_58 : memref<!tpu.dma_semaphore, #tpu.memory_space<semaphore_mem>>) src(%arg6 : memref<128x16xf32, #tpu.memory_space<vmem>>) dst(%dma_wait3A_70 : memref<51200x16xf32, #tpu.memory_space<vmem_shared>>)
      tpu.yield
    }) : () -> ()
    %add3A_42 = arith.constant 3104 : i32
    %add3A_43 = arith.addi %add3A, %add3A_42 : i32
    %min3A = arith.constant 3124 : i32
    %min3A_44 = arith.minsi %add3A_43, %min3A : i32
    %mul3A_45 = arith.constant 2 : i32
    %mul3A_46 = arith.muli %min3A_44, %mul3A_45 : i32
    %dma_wait3A_47 = arith.constant 0 : i32
    %dma_wait3A_48 = tpu.memref_slice %arg2[%mul3A_46, %dma_wait3A_47] : memref<6250x128xi32, #tpu.memory_space<hbm>> -> memref<2x128xi32, #tpu.memory_space<hbm>>
    %dma_wait3A_49 = arith.constant 0 : i32
    %dma_wait3A_50 = tpu.memref_slice %arg2[%mul3A_46, %dma_wait3A_49] : memref<6250x128xi32, #tpu.memory_space<hbm>> -> memref<2x128xi32, #tpu.memory_space<hbm>>
    tpu.wait_dma2 semaphore(%arg10 : memref<!tpu.dma_semaphore, #tpu.memory_space<semaphore_mem>>) src(%dma_wait3A_50 : memref<2x128xi32, #tpu.memory_space<hbm>>) dst(%arg5 : memref<2x128xi32, #tpu.memory_space<vmem>>)
    %le3A = arith.constant 3124 : i32
    %le3A_51 = arith.cmpi sle, %add3A_43, %le3A : i32
    %convert_element_type3A = arith.extui %le3A_51 : i1 to i32
    %cond3A = arith.constant 0 : i32
    %cond3A_52 = arith.cmpi ne, %convert_element_type3A, %cond3A : i32
    scf.if %cond3A_52 {
      %run_scoped3A_58 = arith.constant 0 : i32
      "tpu.region"() ({
        %run_scoped3A_60 = tpu.sem_alloc : memref<!tpu.dma_semaphore, #tpu.memory_space<semaphore_mem>>
        %dma_start3A_61 = arith.constant 0 : i32
        %dma_start3A_62 = tpu.memref_slice %arg5[%run_scoped3A_58, %dma_start3A_61] : memref<2x128xi32, #tpu.memory_space<vmem>> -> memref<1x128xi32, #tpu.memory_space<vmem>>
        %dma_start3A_63 = tpu.memref_squeeze %dma_start3A_62 : memref<1x128xi32, #tpu.memory_space<vmem>> -> memref<128xi32, #tpu.memory_space<vmem>>
        %dma_start3A_64 = arith.constant 0 : i32
        %dma_start3A_65 = arith.constant 0 : i32
        %dma_start3A_66 = tpu.memref_slice %arg8[%dma_start3A_64, %dma_start3A_65] : memref<51200x16xf32, #tpu.memory_space<vmem_shared>> -> memref<51200x16xf32, #tpu.memory_space<vmem_shared>>
        tpu.enqueue_indirect_dma source(%arg6 : memref<128x16xf32, #tpu.memory_space<vmem>>) target(%dma_start3A_66 : memref<51200x16xf32, #tpu.memory_space<vmem_shared>>) offsets(%dma_start3A_63 : memref<128xi32, #tpu.memory_space<vmem>>) semaphore(%run_scoped3A_60 : memref<!tpu.dma_semaphore, #tpu.memory_space<semaphore_mem>>) {add = true}
        %dma_wait3A_67 = arith.constant 0 : i32
        %dma_wait3A_68 = tpu.memref_slice %arg5[%run_scoped3A_58, %dma_wait3A_67] : memref<2x128xi32, #tpu.memory_space<vmem>> -> memref<1x128xi32, #tpu.memory_space<vmem>>
        %dma_wait3A_69 = tpu.memref_squeeze %dma_wait3A_68 : memref<1x128xi32, #tpu.memory_space<vmem>> -> memref<128xi32, #tpu.memory_space<vmem>>
        %dma_wait3A_70 = arith.constant 0 : i32
        %dma_wait3A_71 = arith.constant 0 : i32
        %dma_wait3A_72 = tpu.memref_slice %arg8[%dma_wait3A_70, %dma_wait3A_71] : memref<51200x16xf32, #tpu.memory_space<vmem_shared>> -> memref<51200x16xf32, #tpu.memory_space<vmem_shared>>
        tpu.wait_indirect_dma semaphore(%run_scoped3A_60 : memref<!tpu.dma_semaphore, #tpu.memory_space<semaphore_mem>>) src(%arg6 : memref<128x16xf32, #tpu.memory_space<vmem>>) dst(%dma_wait3A_72 : memref<51200x16xf32, #tpu.memory_space<vmem_shared>>)
        tpu.yield
      }) : () -> ()
      %run_scoped3A_59 = arith.constant 1 : i32
      "tpu.region"() ({
        %run_scoped3A_60 = tpu.sem_alloc : memref<!tpu.dma_semaphore, #tpu.memory_space<semaphore_mem>>
        %dma_start3A_61 = arith.constant 0 : i32
        %dma_start3A_62 = tpu.memref_slice %arg5[%run_scoped3A_59, %dma_start3A_61] : memref<2x128xi32, #tpu.memory_space<vmem>> -> memref<1x128xi32, #tpu.memory_space<vmem>>
        %dma_start3A_63 = tpu.memref_squeeze %dma_start3A_62 : memref<1x128xi32, #tpu.memory_space<vmem>> -> memref<128xi32, #tpu.memory_space<vmem>>
        %dma_start3A_64 = arith.constant 0 : i32
        %dma_start3A_65 = arith.constant 0 : i32
        %dma_start3A_66 = tpu.memref_slice %arg8[%dma_start3A_64, %dma_start3A_65] : memref<51200x16xf32, #tpu.memory_space<vmem_shared>> -> memref<51200x16xf32, #tpu.memory_space<vmem_shared>>
        tpu.enqueue_indirect_dma source(%arg6 : memref<128x16xf32, #tpu.memory_space<vmem>>) target(%dma_start3A_66 : memref<51200x16xf32, #tpu.memory_space<vmem_shared>>) offsets(%dma_start3A_63 : memref<128xi32, #tpu.memory_space<vmem>>) semaphore(%run_scoped3A_60 : memref<!tpu.dma_semaphore, #tpu.memory_space<semaphore_mem>>) {add = true}
        %dma_wait3A_67 = arith.constant 0 : i32
        %dma_wait3A_68 = tpu.memref_slice %arg5[%run_scoped3A_59, %dma_wait3A_67] : memref<2x128xi32, #tpu.memory_space<vmem>> -> memref<1x128xi32, #tpu.memory_space<vmem>>
        %dma_wait3A_69 = tpu.memref_squeeze %dma_wait3A_68 : memref<1x128xi32, #tpu.memory_space<vmem>> -> memref<128xi32, #tpu.memory_space<vmem>>
        %dma_wait3A_70 = arith.constant 0 : i32
        %dma_wait3A_71 = arith.constant 0 : i32
        %dma_wait3A_72 = tpu.memref_slice %arg8[%dma_wait3A_70, %dma_wait3A_71] : memref<51200x16xf32, #tpu.memory_space<vmem_shared>> -> memref<51200x16xf32, #tpu.memory_space<vmem_shared>>
        tpu.wait_indirect_dma semaphore(%run_scoped3A_60 : memref<!tpu.dma_semaphore, #tpu.memory_space<semaphore_mem>>) src(%arg6 : memref<128x16xf32, #tpu.memory_space<vmem>>) dst(%dma_wait3A_72 : memref<51200x16xf32, #tpu.memory_space<vmem_shared>>)
        tpu.yield
      }) : () -> ()
    } else {
    }
    %barrier3A_53 = arith.constant 0 : index
    tpu.barrier barrier_id(%barrier3A_53)
    %mul3A_54 = arith.constant 3200 : i32
    %mul3A_55 = arith.muli %arg1, %mul3A_54 : i32
    %mul3A_56 = arith.constant 3200 : i32
    %mul3A_57 = arith.muli %arg1, %mul3A_56 : i32
    "tpu.region"() ({
      %run_scoped3A_58 = tpu.sem_alloc : memref<!tpu.dma_semaphore, #tpu.memory_space<semaphore_mem>>
      %dma_start3A_59 = arith.constant 0 : i32
      %dma_start3A_60 = tpu.memref_slice %arg3[%arg0, %mul3A_57, %dma_start3A_59] : memref<2x51200x16xf32, #tpu.memory_space<hbm>> -> memref<1x3200x16xf32, #tpu.memory_space<hbm>>
      %dma_start3A_61 = tpu.memref_squeeze %dma_start3A_60 : memref<1x3200x16xf32, #tpu.memory_space<hbm>> -> memref<3200x16xf32, #tpu.memory_space<hbm>>
      %dma_start3A_62 = arith.constant 0 : i32
      %dma_start3A_63 = tpu.memref_slice %arg8[%mul3A_55, %dma_start3A_62] : memref<51200x16xf32, #tpu.memory_space<vmem_shared>> -> memref<3200x16xf32, #tpu.memory_space<vmem_shared>>
      tpu.enqueue_dma source(%dma_start3A_63 : memref<3200x16xf32, #tpu.memory_space<vmem_shared>>) target(%dma_start3A_61 : memref<3200x16xf32, #tpu.memory_space<hbm>>) target_semaphore(%run_scoped3A_58 : memref<!tpu.dma_semaphore, #tpu.memory_space<semaphore_mem>>)
      %dma_wait3A_64 = arith.constant 0 : i32
      %dma_wait3A_65 = tpu.memref_slice %arg3[%arg0, %mul3A_57, %dma_wait3A_64] : memref<2x51200x16xf32, #tpu.memory_space<hbm>> -> memref<1x3200x16xf32, #tpu.memory_space<hbm>>
      %dma_wait3A_66 = tpu.memref_squeeze %dma_wait3A_65 : memref<1x3200x16xf32, #tpu.memory_space<hbm>> -> memref<3200x16xf32, #tpu.memory_space<hbm>>
      %dma_wait3A_67 = arith.constant 0 : i32
      %dma_wait3A_68 = tpu.memref_slice %arg8[%mul3A_55, %dma_wait3A_67] : memref<51200x16xf32, #tpu.memory_space<vmem_shared>> -> memref<3200x16xf32, #tpu.memory_space<vmem_shared>>
      tpu.wait_dma2 semaphore(%run_scoped3A_58 : memref<!tpu.dma_semaphore, #tpu.memory_space<semaphore_mem>>) src(%dma_wait3A_68 : memref<3200x16xf32, #tpu.memory_space<vmem_shared>>) dst(%dma_wait3A_66 : memref<3200x16xf32, #tpu.memory_space<hbm>>)
      tpu.yield
    }) : () -> ()
    return
  }
}

#map = affine_map<(d0, d1) -> (0, 0)>
module attributes {stable_mosaic.version = 14 : i64} {
  func.func @k(%arg0: i32, %arg1: i32, %arg2: memref<50000x32xf32, #tpu.memory_space<hbm>>, %arg3: memref<6250x128xi32, #tpu.memory_space<hbm>>, %arg4: memref<800000x32xf32, #tpu.memory_space<hbm>>, %arg5: memref<2x128xi32, #tpu.memory_space<vmem>>, %arg6: memref<2x128xi32, #tpu.memory_space<vmem>>, %arg7: memref<256x32xf32, #tpu.memory_space<vmem>>, %arg8: memref<256x32xf32, #tpu.memory_space<vmem>>, %arg9: memref<!tpu.dma_semaphore, #tpu.memory_space<semaphore_mem>>, %arg10: memref<!tpu.dma_semaphore, #tpu.memory_space<semaphore_mem>>, %arg11: memref<!tpu.dma_semaphore, #tpu.memory_space<semaphore_mem>>, %arg12: memref<!tpu.dma_semaphore, #tpu.memory_space<semaphore_mem>>, %arg13: memref<!tpu.dma_semaphore, #tpu.memory_space<semaphore_mem>>) attributes {dimension_semantics = [#tpu.dimension_semantics<core_parallel>, #tpu.dimension_semantics<subcore_parallel>], iteration_bounds = array<i64: 2, 16>, scalar_prefetch = 0 : i64, scratch_operands = 9 : i64, tpu.core_type = #tpu.core_type<sc_vector_subcore>, window_params = [{transform_indices = #map}, {transform_indices = #map}, {transform_indices = #map}]} {
    %mul3A = arith.constant 16 : i32
    %mul3A_0 = arith.muli %arg0, %mul3A : i32
    %add3A = arith.addi %mul3A_0, %arg1 : i32
    %mul3A_1 = arith.constant 2 : i32
    %mul3A_2 = arith.muli %add3A, %mul3A_1 : i32
    %dma_start3A = arith.constant 0 : i32
    %dma_start3A_3 = tpu.memref_slice %arg3[%mul3A_2, %dma_start3A] : memref<6250x128xi32, #tpu.memory_space<hbm>> -> memref<2x128xi32, #tpu.memory_space<hbm>>
    %dma_start3A_4 = arith.constant 0 : i32
    %dma_start3A_5 = tpu.memref_slice %arg3[%mul3A_2, %dma_start3A_4] : memref<6250x128xi32, #tpu.memory_space<hbm>> -> memref<2x128xi32, #tpu.memory_space<hbm>>
    tpu.enqueue_dma source(%dma_start3A_5 : memref<2x128xi32, #tpu.memory_space<hbm>>) target(%arg5 : memref<2x128xi32, #tpu.memory_space<vmem>>) target_semaphore(%arg9 : memref<!tpu.dma_semaphore, #tpu.memory_space<semaphore_mem>>)
    %add3A_6 = arith.constant 32 : i32
    %add3A_7 = arith.addi %add3A, %add3A_6 : i32
    %mul3A_8 = arith.constant 2 : i32
    %mul3A_9 = arith.muli %add3A_7, %mul3A_8 : i32
    %dma_start3A_10 = arith.constant 0 : i32
    %dma_start3A_11 = tpu.memref_slice %arg3[%mul3A_9, %dma_start3A_10] : memref<6250x128xi32, #tpu.memory_space<hbm>> -> memref<2x128xi32, #tpu.memory_space<hbm>>
    %dma_start3A_12 = arith.constant 0 : i32
    %dma_start3A_13 = tpu.memref_slice %arg3[%mul3A_9, %dma_start3A_12] : memref<6250x128xi32, #tpu.memory_space<hbm>> -> memref<2x128xi32, #tpu.memory_space<hbm>>
    tpu.enqueue_dma source(%dma_start3A_13 : memref<2x128xi32, #tpu.memory_space<hbm>>) target(%arg6 : memref<2x128xi32, #tpu.memory_space<vmem>>) target_semaphore(%arg10 : memref<!tpu.dma_semaphore, #tpu.memory_space<semaphore_mem>>)
    %scan3A = arith.constant 0 : i32
    %scan3A_14 = arith.constant 0 : i32
    %scan3A_15 = arith.constant 48 : i32
    %scan3A_16 = arith.addi %scan3A_14, %scan3A_15 : i32
    %scan3A_17 = arith.constant 1 : i32
    scf.for %scan3A_101 = %scan3A_14 to %scan3A_16 step %scan3A_17  : i32 {
      %mul3A_102 = arith.constant 2 : i32
      %mul3A_103 = arith.muli %mul3A_102, %scan3A_101 : i32
      %mul3A_104 = arith.constant 32 : i32
      %mul3A_105 = arith.muli %mul3A_103, %mul3A_104 : i32
      %add3A_106 = arith.addi %add3A, %mul3A_105 : i32
      %gt3A = arith.constant 0 : i32
      %gt3A_107 = arith.cmpi sgt, %scan3A_101, %gt3A : i32
      %mul3A_108 = arith.constant 2 : i32
      %mul3A_109 = arith.muli %add3A_106, %mul3A_108 : i32
      %dma_wait3A_110 = arith.constant 0 : i32
      %dma_wait3A_111 = tpu.memref_slice %arg3[%mul3A_109, %dma_wait3A_110] : memref<6250x128xi32, #tpu.memory_space<hbm>> -> memref<2x128xi32, #tpu.memory_space<hbm>>
      %dma_wait3A_112 = arith.constant 0 : i32
      %dma_wait3A_113 = tpu.memref_slice %arg3[%mul3A_109, %dma_wait3A_112] : memref<6250x128xi32, #tpu.memory_space<hbm>> -> memref<2x128xi32, #tpu.memory_space<hbm>>
      tpu.wait_dma2 semaphore(%arg9 : memref<!tpu.dma_semaphore, #tpu.memory_space<semaphore_mem>>) src(%dma_wait3A_113 : memref<2x128xi32, #tpu.memory_space<hbm>>) dst(%arg5 : memref<2x128xi32, #tpu.memory_space<vmem>>)
      %convert_element_type3A_114 = arith.extui %gt3A_107 : i1 to i32
      %cond3A_115 = arith.constant 0 : i32
      %cond3A_116 = arith.cmpi ne, %convert_element_type3A_114, %cond3A_115 : i32
      scf.if %cond3A_116 {
        %mul3A_242 = arith.constant 256 : i32
        %mul3A_243 = arith.muli %add3A_106, %mul3A_242 : i32
        %dma_wait3A_244 = arith.constant 0 : i32
        %dma_wait3A_245 = tpu.memref_slice %arg4[%mul3A_243, %dma_wait3A_244] : memref<800000x32xf32, #tpu.memory_space<hbm>> -> memref<256x32xf32, #tpu.memory_space<hbm>>
        %dma_wait3A_246 = arith.constant 0 : i32
        %dma_wait3A_247 = tpu.memref_slice %arg4[%mul3A_243, %dma_wait3A_246] : memref<800000x32xf32, #tpu.memory_space<hbm>> -> memref<256x32xf32, #tpu.memory_space<hbm>>
        tpu.wait_dma2 semaphore(%arg12 : memref<!tpu.dma_semaphore, #tpu.memory_space<semaphore_mem>>) src(%arg7 : memref<256x32xf32, #tpu.memory_space<vmem>>) dst(%dma_wait3A_247 : memref<256x32xf32, #tpu.memory_space<hbm>>)
      } else {
      }
      %dma_start3A_117 = arith.constant 0 : i32
      %dma_start3A_118 = arith.constant 0 : i32
      %dma_start3A_119 = arith.constant 0 : i32
      %dma_start3A_120 = tpu.memref_slice %arg7[%dma_start3A_118, %dma_start3A_119] : memref<256x32xf32, #tpu.memory_space<vmem>> -> memref<128x32xf32, #tpu.memory_space<vmem>>
      %dma_start3A_121 = arith.constant 0 : i32
      %dma_start3A_122 = tpu.memref_slice %arg5[%dma_start3A_117, %dma_start3A_121] : memref<2x128xi32, #tpu.memory_space<vmem>> -> memref<1x128xi32, #tpu.memory_space<vmem>>
      %dma_start3A_123 = tpu.memref_squeeze %dma_start3A_122 : memref<1x128xi32, #tpu.memory_space<vmem>> -> memref<128xi32, #tpu.memory_space<vmem>>
      %dma_start3A_124 = arith.constant 0 : i32
      %dma_start3A_125 = arith.constant 0 : i32
      %dma_start3A_126 = tpu.memref_slice %arg2[%dma_start3A_124, %dma_start3A_125] : memref<50000x32xf32, #tpu.memory_space<hbm>> -> memref<50000x32xf32, #tpu.memory_space<hbm>>
      tpu.enqueue_indirect_dma source(%dma_start3A_126 : memref<50000x32xf32, #tpu.memory_space<hbm>>) target(%dma_start3A_120 : memref<128x32xf32, #tpu.memory_space<vmem>>) offsets(%dma_start3A_123 : memref<128xi32, #tpu.memory_space<vmem>>) semaphore(%arg11 : memref<!tpu.dma_semaphore, #tpu.memory_space<semaphore_mem>>)
      %dma_start3A_127 = arith.constant 1 : i32
      %dma_start3A_128 = arith.constant 128 : i32
      %dma_start3A_129 = arith.constant 0 : i32
      %dma_start3A_130 = tpu.memref_slice %arg7[%dma_start3A_128, %dma_start3A_129] : memref<256x32xf32, #tpu.memory_space<vmem>> -> memref<128x32xf32, #tpu.memory_space<vmem>>
      %dma_start3A_131 = arith.constant 0 : i32
      %dma_start3A_132 = tpu.memref_slice %arg5[%dma_start3A_127, %dma_start3A_131] : memref<2x128xi32, #tpu.memory_space<vmem>> -> memref<1x128xi32, #tpu.memory_space<vmem>>
      %dma_start3A_133 = tpu.memref_squeeze %dma_start3A_132 : memref<1x128xi32, #tpu.memory_space<vmem>> -> memref<128xi32, #tpu.memory_space<vmem>>
      %dma_start3A_134 = arith.constant 0 : i32
      %dma_start3A_135 = arith.constant 0 : i32
      %dma_start3A_136 = tpu.memref_slice %arg2[%dma_start3A_134, %dma_start3A_135] : memref<50000x32xf32, #tpu.memory_space<hbm>> -> memref<50000x32xf32, #tpu.memory_space<hbm>>
      tpu.enqueue_indirect_dma source(%dma_start3A_136 : memref<50000x32xf32, #tpu.memory_space<hbm>>) target(%dma_start3A_130 : memref<128x32xf32, #tpu.memory_space<vmem>>) offsets(%dma_start3A_133 : memref<128xi32, #tpu.memory_space<vmem>>) semaphore(%arg11 : memref<!tpu.dma_semaphore, #tpu.memory_space<semaphore_mem>>)
      %dma_wait3A_137 = arith.constant 0 : i32
      %dma_wait3A_138 = arith.constant 0 : i32
      %dma_wait3A_139 = arith.constant 0 : i32
      %dma_wait3A_140 = tpu.memref_slice %arg7[%dma_wait3A_138, %dma_wait3A_139] : memref<256x32xf32, #tpu.memory_space<vmem>> -> memref<128x32xf32, #tpu.memory_space<vmem>>
      %dma_wait3A_141 = arith.constant 0 : i32
      %dma_wait3A_142 = tpu.memref_slice %arg5[%dma_wait3A_137, %dma_wait3A_141] : memref<2x128xi32, #tpu.memory_space<vmem>> -> memref<1x128xi32, #tpu.memory_space<vmem>>
      %dma_wait3A_143 = tpu.memref_squeeze %dma_wait3A_142 : memref<1x128xi32, #tpu.memory_space<vmem>> -> memref<128xi32, #tpu.memory_space<vmem>>
      %dma_wait3A_144 = arith.constant 0 : i32
      %dma_wait3A_145 = arith.constant 0 : i32
      %dma_wait3A_146 = tpu.memref_slice %arg2[%dma_wait3A_144, %dma_wait3A_145] : memref<50000x32xf32, #tpu.memory_space<hbm>> -> memref<50000x32xf32, #tpu.memory_space<hbm>>
      tpu.wait_indirect_dma semaphore(%arg11 : memref<!tpu.dma_semaphore, #tpu.memory_space<semaphore_mem>>) src(%dma_wait3A_146 : memref<50000x32xf32, #tpu.memory_space<hbm>>) dst(%dma_wait3A_140 : memref<128x32xf32, #tpu.memory_space<vmem>>)
      %dma_wait3A_147 = arith.constant 1 : i32
      %dma_wait3A_148 = arith.constant 128 : i32
      %dma_wait3A_149 = arith.constant 0 : i32
      %dma_wait3A_150 = tpu.memref_slice %arg7[%dma_wait3A_148, %dma_wait3A_149] : memref<256x32xf32, #tpu.memory_space<vmem>> -> memref<128x32xf32, #tpu.memory_space<vmem>>
      %dma_wait3A_151 = arith.constant 0 : i32
      %dma_wait3A_152 = tpu.memref_slice %arg5[%dma_wait3A_147, %dma_wait3A_151] : memref<2x128xi32, #tpu.memory_space<vmem>> -> memref<1x128xi32, #tpu.memory_space<vmem>>
      %dma_wait3A_153 = tpu.memref_squeeze %dma_wait3A_152 : memref<1x128xi32, #tpu.memory_space<vmem>> -> memref<128xi32, #tpu.memory_space<vmem>>
      %dma_wait3A_154 = arith.constant 0 : i32
      %dma_wait3A_155 = arith.constant 0 : i32
      %dma_wait3A_156 = tpu.memref_slice %arg2[%dma_wait3A_154, %dma_wait3A_155] : memref<50000x32xf32, #tpu.memory_space<hbm>> -> memref<50000x32xf32, #tpu.memory_space<hbm>>
      tpu.wait_indirect_dma semaphore(%arg11 : memref<!tpu.dma_semaphore, #tpu.memory_space<semaphore_mem>>) src(%dma_wait3A_156 : memref<50000x32xf32, #tpu.memory_space<hbm>>) dst(%dma_wait3A_150 : memref<128x32xf32, #tpu.memory_space<vmem>>)
      %add3A_157 = arith.constant 64 : i32
      %add3A_158 = arith.addi %add3A_106, %add3A_157 : i32
      %min3A_159 = arith.constant 3124 : i32
      %min3A_160 = arith.minsi %add3A_158, %min3A_159 : i32
      %mul3A_161 = arith.constant 2 : i32
      %mul3A_162 = arith.muli %min3A_160, %mul3A_161 : i32
      %dma_start3A_163 = arith.constant 0 : i32
      %dma_start3A_164 = tpu.memref_slice %arg3[%mul3A_162, %dma_start3A_163] : memref<6250x128xi32, #tpu.memory_space<hbm>> -> memref<2x128xi32, #tpu.memory_space<hbm>>
      %dma_start3A_165 = arith.constant 0 : i32
      %dma_start3A_166 = tpu.memref_slice %arg3[%mul3A_162, %dma_start3A_165] : memref<6250x128xi32, #tpu.memory_space<hbm>> -> memref<2x128xi32, #tpu.memory_space<hbm>>
      tpu.enqueue_dma source(%dma_start3A_166 : memref<2x128xi32, #tpu.memory_space<hbm>>) target(%arg5 : memref<2x128xi32, #tpu.memory_space<vmem>>) target_semaphore(%arg9 : memref<!tpu.dma_semaphore, #tpu.memory_space<semaphore_mem>>)
      %mul3A_167 = arith.constant 256 : i32
      %mul3A_168 = arith.muli %add3A_106, %mul3A_167 : i32
      %dma_start3A_169 = arith.constant 0 : i32
      %dma_start3A_170 = tpu.memref_slice %arg4[%mul3A_168, %dma_start3A_169] : memref<800000x32xf32, #tpu.memory_space<hbm>> -> memref<256x32xf32, #tpu.memory_space<hbm>>
      %dma_start3A_171 = arith.constant 0 : i32
      %dma_start3A_172 = tpu.memref_slice %arg4[%mul3A_168, %dma_start3A_171] : memref<800000x32xf32, #tpu.memory_space<hbm>> -> memref<256x32xf32, #tpu.memory_space<hbm>>
      tpu.enqueue_dma source(%arg7 : memref<256x32xf32, #tpu.memory_space<vmem>>) target(%dma_start3A_172 : memref<256x32xf32, #tpu.memory_space<hbm>>) target_semaphore(%arg12 : memref<!tpu.dma_semaphore, #tpu.memory_space<semaphore_mem>>)
      %add3A_173 = arith.constant 32 : i32
      %add3A_174 = arith.addi %add3A_106, %add3A_173 : i32
      %gt3A_175 = arith.constant 0 : i32
      %gt3A_176 = arith.cmpi sgt, %scan3A_101, %gt3A_175 : i32
      %mul3A_177 = arith.constant 2 : i32
      %mul3A_178 = arith.muli %add3A_174, %mul3A_177 : i32
      %dma_wait3A_179 = arith.constant 0 : i32
      %dma_wait3A_180 = tpu.memref_slice %arg3[%mul3A_178, %dma_wait3A_179] : memref<6250x128xi32, #tpu.memory_space<hbm>> -> memref<2x128xi32, #tpu.memory_space<hbm>>
      %dma_wait3A_181 = arith.constant 0 : i32
      %dma_wait3A_182 = tpu.memref_slice %arg3[%mul3A_178, %dma_wait3A_181] : memref<6250x128xi32, #tpu.memory_space<hbm>> -> memref<2x128xi32, #tpu.memory_space<hbm>>
      tpu.wait_dma2 semaphore(%arg10 : memref<!tpu.dma_semaphore, #tpu.memory_space<semaphore_mem>>) src(%dma_wait3A_182 : memref<2x128xi32, #tpu.memory_space<hbm>>) dst(%arg6 : memref<2x128xi32, #tpu.memory_space<vmem>>)
      %convert_element_type3A_183 = arith.extui %gt3A_176 : i1 to i32
      %cond3A_184 = arith.constant 0 : i32
      %cond3A_185 = arith.cmpi ne, %convert_element_type3A_183, %cond3A_184 : i32
      scf.if %cond3A_185 {
        %mul3A_242 = arith.constant 256 : i32
        %mul3A_243 = arith.muli %add3A_174, %mul3A_242 : i32
        %dma_wait3A_244 = arith.constant 0 : i32
        %dma_wait3A_245 = tpu.memref_slice %arg4[%mul3A_243, %dma_wait3A_244] : memref<800000x32xf32, #tpu.memory_space<hbm>> -> memref<256x32xf32, #tpu.memory_space<hbm>>
        %dma_wait3A_246 = arith.constant 0 : i32
        %dma_wait3A_247 = tpu.memref_slice %arg4[%mul3A_243, %dma_wait3A_246] : memref<800000x32xf32, #tpu.memory_space<hbm>> -> memref<256x32xf32, #tpu.memory_space<hbm>>
        tpu.wait_dma2 semaphore(%arg13 : memref<!tpu.dma_semaphore, #tpu.memory_space<semaphore_mem>>) src(%arg8 : memref<256x32xf32, #tpu.memory_space<vmem>>) dst(%dma_wait3A_247 : memref<256x32xf32, #tpu.memory_space<hbm>>)
      } else {
      }
      %dma_start3A_186 = arith.constant 0 : i32
      %dma_start3A_187 = arith.constant 0 : i32
      %dma_start3A_188 = arith.constant 0 : i32
      %dma_start3A_189 = tpu.memref_slice %arg8[%dma_start3A_187, %dma_start3A_188] : memref<256x32xf32, #tpu.memory_space<vmem>> -> memref<128x32xf32, #tpu.memory_space<vmem>>
      %dma_start3A_190 = arith.constant 0 : i32
      %dma_start3A_191 = tpu.memref_slice %arg6[%dma_start3A_186, %dma_start3A_190] : memref<2x128xi32, #tpu.memory_space<vmem>> -> memref<1x128xi32, #tpu.memory_space<vmem>>
      %dma_start3A_192 = tpu.memref_squeeze %dma_start3A_191 : memref<1x128xi32, #tpu.memory_space<vmem>> -> memref<128xi32, #tpu.memory_space<vmem>>
      %dma_start3A_193 = arith.constant 0 : i32
      %dma_start3A_194 = arith.constant 0 : i32
      %dma_start3A_195 = tpu.memref_slice %arg2[%dma_start3A_193, %dma_start3A_194] : memref<50000x32xf32, #tpu.memory_space<hbm>> -> memref<50000x32xf32, #tpu.memory_space<hbm>>
      tpu.enqueue_indirect_dma source(%dma_start3A_195 : memref<50000x32xf32, #tpu.memory_space<hbm>>) target(%dma_start3A_189 : memref<128x32xf32, #tpu.memory_space<vmem>>) offsets(%dma_start3A_192 : memref<128xi32, #tpu.memory_space<vmem>>) semaphore(%arg11 : memref<!tpu.dma_semaphore, #tpu.memory_space<semaphore_mem>>)
      %dma_start3A_196 = arith.constant 1 : i32
      %dma_start3A_197 = arith.constant 128 : i32
      %dma_start3A_198 = arith.constant 0 : i32
      %dma_start3A_199 = tpu.memref_slice %arg8[%dma_start3A_197, %dma_start3A_198] : memref<256x32xf32, #tpu.memory_space<vmem>> -> memref<128x32xf32, #tpu.memory_space<vmem>>
      %dma_start3A_200 = arith.constant 0 : i32
      %dma_start3A_201 = tpu.memref_slice %arg6[%dma_start3A_196, %dma_start3A_200] : memref<2x128xi32, #tpu.memory_space<vmem>> -> memref<1x128xi32, #tpu.memory_space<vmem>>
      %dma_start3A_202 = tpu.memref_squeeze %dma_start3A_201 : memref<1x128xi32, #tpu.memory_space<vmem>> -> memref<128xi32, #tpu.memory_space<vmem>>
      %dma_start3A_203 = arith.constant 0 : i32
      %dma_start3A_204 = arith.constant 0 : i32
      %dma_start3A_205 = tpu.memref_slice %arg2[%dma_start3A_203, %dma_start3A_204] : memref<50000x32xf32, #tpu.memory_space<hbm>> -> memref<50000x32xf32, #tpu.memory_space<hbm>>
      tpu.enqueue_indirect_dma source(%dma_start3A_205 : memref<50000x32xf32, #tpu.memory_space<hbm>>) target(%dma_start3A_199 : memref<128x32xf32, #tpu.memory_space<vmem>>) offsets(%dma_start3A_202 : memref<128xi32, #tpu.memory_space<vmem>>) semaphore(%arg11 : memref<!tpu.dma_semaphore, #tpu.memory_space<semaphore_mem>>)
      %dma_wait3A_206 = arith.constant 0 : i32
      %dma_wait3A_207 = arith.constant 0 : i32
      %dma_wait3A_208 = arith.constant 0 : i32
      %dma_wait3A_209 = tpu.memref_slice %arg8[%dma_wait3A_207, %dma_wait3A_208] : memref<256x32xf32, #tpu.memory_space<vmem>> -> memref<128x32xf32, #tpu.memory_space<vmem>>
      %dma_wait3A_210 = arith.constant 0 : i32
      %dma_wait3A_211 = tpu.memref_slice %arg6[%dma_wait3A_206, %dma_wait3A_210] : memref<2x128xi32, #tpu.memory_space<vmem>> -> memref<1x128xi32, #tpu.memory_space<vmem>>
      %dma_wait3A_212 = tpu.memref_squeeze %dma_wait3A_211 : memref<1x128xi32, #tpu.memory_space<vmem>> -> memref<128xi32, #tpu.memory_space<vmem>>
      %dma_wait3A_213 = arith.constant 0 : i32
      %dma_wait3A_214 = arith.constant 0 : i32
      %dma_wait3A_215 = tpu.memref_slice %arg2[%dma_wait3A_213, %dma_wait3A_214] : memref<50000x32xf32, #tpu.memory_space<hbm>> -> memref<50000x32xf32, #tpu.memory_space<hbm>>
      tpu.wait_indirect_dma semaphore(%arg11 : memref<!tpu.dma_semaphore, #tpu.memory_space<semaphore_mem>>) src(%dma_wait3A_215 : memref<50000x32xf32, #tpu.memory_space<hbm>>) dst(%dma_wait3A_209 : memref<128x32xf32, #tpu.memory_space<vmem>>)
      %dma_wait3A_216 = arith.constant 1 : i32
      %dma_wait3A_217 = arith.constant 128 : i32
      %dma_wait3A_218 = arith.constant 0 : i32
      %dma_wait3A_219 = tpu.memref_slice %arg8[%dma_wait3A_217, %dma_wait3A_218] : memref<256x32xf32, #tpu.memory_space<vmem>> -> memref<128x32xf32, #tpu.memory_space<vmem>>
      %dma_wait3A_220 = arith.constant 0 : i32
      %dma_wait3A_221 = tpu.memref_slice %arg6[%dma_wait3A_216, %dma_wait3A_220] : memref<2x128xi32, #tpu.memory_space<vmem>> -> memref<1x128xi32, #tpu.memory_space<vmem>>
      %dma_wait3A_222 = tpu.memref_squeeze %dma_wait3A_221 : memref<1x128xi32, #tpu.memory_space<vmem>> -> memref<128xi32, #tpu.memory_space<vmem>>
      %dma_wait3A_223 = arith.constant 0 : i32
      %dma_wait3A_224 = arith.constant 0 : i32
      %dma_wait3A_225 = tpu.memref_slice %arg2[%dma_wait3A_223, %dma_wait3A_224] : memref<50000x32xf32, #tpu.memory_space<hbm>> -> memref<50000x32xf32, #tpu.memory_space<hbm>>
      tpu.wait_indirect_dma semaphore(%arg11 : memref<!tpu.dma_semaphore, #tpu.memory_space<semaphore_mem>>) src(%dma_wait3A_225 : memref<50000x32xf32, #tpu.memory_space<hbm>>) dst(%dma_wait3A_219 : memref<128x32xf32, #tpu.memory_space<vmem>>)
      %add3A_226 = arith.constant 64 : i32
      %add3A_227 = arith.addi %add3A_174, %add3A_226 : i32
      %min3A_228 = arith.constant 3124 : i32
      %min3A_229 = arith.minsi %add3A_227, %min3A_228 : i32
      %mul3A_230 = arith.constant 2 : i32
      %mul3A_231 = arith.muli %min3A_229, %mul3A_230 : i32
      %dma_start3A_232 = arith.constant 0 : i32
      %dma_start3A_233 = tpu.memref_slice %arg3[%mul3A_231, %dma_start3A_232] : memref<6250x128xi32, #tpu.memory_space<hbm>> -> memref<2x128xi32, #tpu.memory_space<hbm>>
      %dma_start3A_234 = arith.constant 0 : i32
      %dma_start3A_235 = tpu.memref_slice %arg3[%mul3A_231, %dma_start3A_234] : memref<6250x128xi32, #tpu.memory_space<hbm>> -> memref<2x128xi32, #tpu.memory_space<hbm>>
      tpu.enqueue_dma source(%dma_start3A_235 : memref<2x128xi32, #tpu.memory_space<hbm>>) target(%arg6 : memref<2x128xi32, #tpu.memory_space<vmem>>) target_semaphore(%arg10 : memref<!tpu.dma_semaphore, #tpu.memory_space<semaphore_mem>>)
      %mul3A_236 = arith.constant 256 : i32
      %mul3A_237 = arith.muli %add3A_174, %mul3A_236 : i32
      %dma_start3A_238 = arith.constant 0 : i32
      %dma_start3A_239 = tpu.memref_slice %arg4[%mul3A_237, %dma_start3A_238] : memref<800000x32xf32, #tpu.memory_space<hbm>> -> memref<256x32xf32, #tpu.memory_space<hbm>>
      %dma_start3A_240 = arith.constant 0 : i32
      %dma_start3A_241 = tpu.memref_slice %arg4[%mul3A_237, %dma_start3A_240] : memref<800000x32xf32, #tpu.memory_space<hbm>> -> memref<256x32xf32, #tpu.memory_space<hbm>>
      tpu.enqueue_dma source(%arg8 : memref<256x32xf32, #tpu.memory_space<vmem>>) target(%dma_start3A_241 : memref<256x32xf32, #tpu.memory_space<hbm>>) target_semaphore(%arg13 : memref<!tpu.dma_semaphore, #tpu.memory_space<semaphore_mem>>)
    }
    %scan3A_18 = arith.constant 48 : i32
    %add3A_19 = arith.constant 3072 : i32
    %add3A_20 = arith.addi %add3A, %add3A_19 : i32
    %mul3A_21 = arith.constant 2 : i32
    %mul3A_22 = arith.muli %add3A_20, %mul3A_21 : i32
    %dma_wait3A = arith.constant 0 : i32
    %dma_wait3A_23 = tpu.memref_slice %arg3[%mul3A_22, %dma_wait3A] : memref<6250x128xi32, #tpu.memory_space<hbm>> -> memref<2x128xi32, #tpu.memory_space<hbm>>
    %dma_wait3A_24 = arith.constant 0 : i32
    %dma_wait3A_25 = tpu.memref_slice %arg3[%mul3A_22, %dma_wait3A_24] : memref<6250x128xi32, #tpu.memory_space<hbm>> -> memref<2x128xi32, #tpu.memory_space<hbm>>
    tpu.wait_dma2 semaphore(%arg9 : memref<!tpu.dma_semaphore, #tpu.memory_space<semaphore_mem>>) src(%dma_wait3A_25 : memref<2x128xi32, #tpu.memory_space<hbm>>) dst(%arg5 : memref<2x128xi32, #tpu.memory_space<vmem>>)
    %mul3A_26 = arith.constant 256 : i32
    %mul3A_27 = arith.muli %add3A_20, %mul3A_26 : i32
    %dma_wait3A_28 = arith.constant 0 : i32
    %dma_wait3A_29 = tpu.memref_slice %arg4[%mul3A_27, %dma_wait3A_28] : memref<800000x32xf32, #tpu.memory_space<hbm>> -> memref<256x32xf32, #tpu.memory_space<hbm>>
    %dma_wait3A_30 = arith.constant 0 : i32
    %dma_wait3A_31 = tpu.memref_slice %arg4[%mul3A_27, %dma_wait3A_30] : memref<800000x32xf32, #tpu.memory_space<hbm>> -> memref<256x32xf32, #tpu.memory_space<hbm>>
    tpu.wait_dma2 semaphore(%arg12 : memref<!tpu.dma_semaphore, #tpu.memory_space<semaphore_mem>>) src(%arg7 : memref<256x32xf32, #tpu.memory_space<vmem>>) dst(%dma_wait3A_31 : memref<256x32xf32, #tpu.memory_space<hbm>>)
    %dma_start3A_32 = arith.constant 0 : i32
    %dma_start3A_33 = arith.constant 0 : i32
    %dma_start3A_34 = arith.constant 0 : i32
    %dma_start3A_35 = tpu.memref_slice %arg7[%dma_start3A_33, %dma_start3A_34] : memref<256x32xf32, #tpu.memory_space<vmem>> -> memref<128x32xf32, #tpu.memory_space<vmem>>
    %dma_start3A_36 = arith.constant 0 : i32
    %dma_start3A_37 = tpu.memref_slice %arg5[%dma_start3A_32, %dma_start3A_36] : memref<2x128xi32, #tpu.memory_space<vmem>> -> memref<1x128xi32, #tpu.memory_space<vmem>>
    %dma_start3A_38 = tpu.memref_squeeze %dma_start3A_37 : memref<1x128xi32, #tpu.memory_space<vmem>> -> memref<128xi32, #tpu.memory_space<vmem>>
    %dma_start3A_39 = arith.constant 0 : i32
    %dma_start3A_40 = arith.constant 0 : i32
    %dma_start3A_41 = tpu.memref_slice %arg2[%dma_start3A_39, %dma_start3A_40] : memref<50000x32xf32, #tpu.memory_space<hbm>> -> memref<50000x32xf32, #tpu.memory_space<hbm>>
    tpu.enqueue_indirect_dma source(%dma_start3A_41 : memref<50000x32xf32, #tpu.memory_space<hbm>>) target(%dma_start3A_35 : memref<128x32xf32, #tpu.memory_space<vmem>>) offsets(%dma_start3A_38 : memref<128xi32, #tpu.memory_space<vmem>>) semaphore(%arg11 : memref<!tpu.dma_semaphore, #tpu.memory_space<semaphore_mem>>)
    %dma_start3A_42 = arith.constant 1 : i32
    %dma_start3A_43 = arith.constant 128 : i32
    %dma_start3A_44 = arith.constant 0 : i32
    %dma_start3A_45 = tpu.memref_slice %arg7[%dma_start3A_43, %dma_start3A_44] : memref<256x32xf32, #tpu.memory_space<vmem>> -> memref<128x32xf32, #tpu.memory_space<vmem>>
    %dma_start3A_46 = arith.constant 0 : i32
    %dma_start3A_47 = tpu.memref_slice %arg5[%dma_start3A_42, %dma_start3A_46] : memref<2x128xi32, #tpu.memory_space<vmem>> -> memref<1x128xi32, #tpu.memory_space<vmem>>
    %dma_start3A_48 = tpu.memref_squeeze %dma_start3A_47 : memref<1x128xi32, #tpu.memory_space<vmem>> -> memref<128xi32, #tpu.memory_space<vmem>>
    %dma_start3A_49 = arith.constant 0 : i32
    %dma_start3A_50 = arith.constant 0 : i32
    %dma_start3A_51 = tpu.memref_slice %arg2[%dma_start3A_49, %dma_start3A_50] : memref<50000x32xf32, #tpu.memory_space<hbm>> -> memref<50000x32xf32, #tpu.memory_space<hbm>>
    tpu.enqueue_indirect_dma source(%dma_start3A_51 : memref<50000x32xf32, #tpu.memory_space<hbm>>) target(%dma_start3A_45 : memref<128x32xf32, #tpu.memory_space<vmem>>) offsets(%dma_start3A_48 : memref<128xi32, #tpu.memory_space<vmem>>) semaphore(%arg11 : memref<!tpu.dma_semaphore, #tpu.memory_space<semaphore_mem>>)
    %dma_wait3A_52 = arith.constant 0 : i32
    %dma_wait3A_53 = arith.constant 0 : i32
    %dma_wait3A_54 = arith.constant 0 : i32
    %dma_wait3A_55 = tpu.memref_slice %arg7[%dma_wait3A_53, %dma_wait3A_54] : memref<256x32xf32, #tpu.memory_space<vmem>> -> memref<128x32xf32, #tpu.memory_space<vmem>>
    %dma_wait3A_56 = arith.constant 0 : i32
    %dma_wait3A_57 = tpu.memref_slice %arg5[%dma_wait3A_52, %dma_wait3A_56] : memref<2x128xi32, #tpu.memory_space<vmem>> -> memref<1x128xi32, #tpu.memory_space<vmem>>
    %dma_wait3A_58 = tpu.memref_squeeze %dma_wait3A_57 : memref<1x128xi32, #tpu.memory_space<vmem>> -> memref<128xi32, #tpu.memory_space<vmem>>
    %dma_wait3A_59 = arith.constant 0 : i32
    %dma_wait3A_60 = arith.constant 0 : i32
    %dma_wait3A_61 = tpu.memref_slice %arg2[%dma_wait3A_59, %dma_wait3A_60] : memref<50000x32xf32, #tpu.memory_space<hbm>> -> memref<50000x32xf32, #tpu.memory_space<hbm>>
    tpu.wait_indirect_dma semaphore(%arg11 : memref<!tpu.dma_semaphore, #tpu.memory_space<semaphore_mem>>) src(%dma_wait3A_61 : memref<50000x32xf32, #tpu.memory_space<hbm>>) dst(%dma_wait3A_55 : memref<128x32xf32, #tpu.memory_space<vmem>>)
    %dma_wait3A_62 = arith.constant 1 : i32
    %dma_wait3A_63 = arith.constant 128 : i32
    %dma_wait3A_64 = arith.constant 0 : i32
    %dma_wait3A_65 = tpu.memref_slice %arg7[%dma_wait3A_63, %dma_wait3A_64] : memref<256x32xf32, #tpu.memory_space<vmem>> -> memref<128x32xf32, #tpu.memory_space<vmem>>
    %dma_wait3A_66 = arith.constant 0 : i32
    %dma_wait3A_67 = tpu.memref_slice %arg5[%dma_wait3A_62, %dma_wait3A_66] : memref<2x128xi32, #tpu.memory_space<vmem>> -> memref<1x128xi32, #tpu.memory_space<vmem>>
    %dma_wait3A_68 = tpu.memref_squeeze %dma_wait3A_67 : memref<1x128xi32, #tpu.memory_space<vmem>> -> memref<128xi32, #tpu.memory_space<vmem>>
    %dma_wait3A_69 = arith.constant 0 : i32
    %dma_wait3A_70 = arith.constant 0 : i32
    %dma_wait3A_71 = tpu.memref_slice %arg2[%dma_wait3A_69, %dma_wait3A_70] : memref<50000x32xf32, #tpu.memory_space<hbm>> -> memref<50000x32xf32, #tpu.memory_space<hbm>>
    tpu.wait_indirect_dma semaphore(%arg11 : memref<!tpu.dma_semaphore, #tpu.memory_space<semaphore_mem>>) src(%dma_wait3A_71 : memref<50000x32xf32, #tpu.memory_space<hbm>>) dst(%dma_wait3A_65 : memref<128x32xf32, #tpu.memory_space<vmem>>)
    %mul3A_72 = arith.constant 256 : i32
    %mul3A_73 = arith.muli %add3A_20, %mul3A_72 : i32
    %dma_start3A_74 = arith.constant 0 : i32
    %dma_start3A_75 = tpu.memref_slice %arg4[%mul3A_73, %dma_start3A_74] : memref<800000x32xf32, #tpu.memory_space<hbm>> -> memref<256x32xf32, #tpu.memory_space<hbm>>
    %dma_start3A_76 = arith.constant 0 : i32
    %dma_start3A_77 = tpu.memref_slice %arg4[%mul3A_73, %dma_start3A_76] : memref<800000x32xf32, #tpu.memory_space<hbm>> -> memref<256x32xf32, #tpu.memory_space<hbm>>
    tpu.enqueue_dma source(%arg7 : memref<256x32xf32, #tpu.memory_space<vmem>>) target(%dma_start3A_77 : memref<256x32xf32, #tpu.memory_space<hbm>>) target_semaphore(%arg12 : memref<!tpu.dma_semaphore, #tpu.memory_space<semaphore_mem>>)
    %add3A_78 = arith.constant 3104 : i32
    %add3A_79 = arith.addi %add3A, %add3A_78 : i32
    %min3A = arith.constant 3124 : i32
    %min3A_80 = arith.minsi %add3A_79, %min3A : i32
    %mul3A_81 = arith.constant 2 : i32
    %mul3A_82 = arith.muli %min3A_80, %mul3A_81 : i32
    %dma_wait3A_83 = arith.constant 0 : i32
    %dma_wait3A_84 = tpu.memref_slice %arg3[%mul3A_82, %dma_wait3A_83] : memref<6250x128xi32, #tpu.memory_space<hbm>> -> memref<2x128xi32, #tpu.memory_space<hbm>>
    %dma_wait3A_85 = arith.constant 0 : i32
    %dma_wait3A_86 = tpu.memref_slice %arg3[%mul3A_82, %dma_wait3A_85] : memref<6250x128xi32, #tpu.memory_space<hbm>> -> memref<2x128xi32, #tpu.memory_space<hbm>>
    tpu.wait_dma2 semaphore(%arg10 : memref<!tpu.dma_semaphore, #tpu.memory_space<semaphore_mem>>) src(%dma_wait3A_86 : memref<2x128xi32, #tpu.memory_space<hbm>>) dst(%arg6 : memref<2x128xi32, #tpu.memory_space<vmem>>)
    %le3A = arith.constant 3124 : i32
    %le3A_87 = arith.cmpi sle, %add3A_79, %le3A : i32
    %convert_element_type3A = arith.extui %le3A_87 : i1 to i32
    %cond3A = arith.constant 0 : i32
    %cond3A_88 = arith.cmpi ne, %convert_element_type3A, %cond3A : i32
    scf.if %cond3A_88 {
      %mul3A_101 = arith.constant 256 : i32
      %mul3A_102 = arith.muli %add3A_79, %mul3A_101 : i32
      %dma_wait3A_103 = arith.constant 0 : i32
      %dma_wait3A_104 = tpu.memref_slice %arg4[%mul3A_102, %dma_wait3A_103] : memref<800000x32xf32, #tpu.memory_space<hbm>> -> memref<256x32xf32, #tpu.memory_space<hbm>>
      %dma_wait3A_105 = arith.constant 0 : i32
      %dma_wait3A_106 = tpu.memref_slice %arg4[%mul3A_102, %dma_wait3A_105] : memref<800000x32xf32, #tpu.memory_space<hbm>> -> memref<256x32xf32, #tpu.memory_space<hbm>>
      tpu.wait_dma2 semaphore(%arg13 : memref<!tpu.dma_semaphore, #tpu.memory_space<semaphore_mem>>) src(%arg8 : memref<256x32xf32, #tpu.memory_space<vmem>>) dst(%dma_wait3A_106 : memref<256x32xf32, #tpu.memory_space<hbm>>)
      %dma_start3A_107 = arith.constant 0 : i32
      %dma_start3A_108 = arith.constant 0 : i32
      %dma_start3A_109 = arith.constant 0 : i32
      %dma_start3A_110 = tpu.memref_slice %arg8[%dma_start3A_108, %dma_start3A_109] : memref<256x32xf32, #tpu.memory_space<vmem>> -> memref<128x32xf32, #tpu.memory_space<vmem>>
      %dma_start3A_111 = arith.constant 0 : i32
      %dma_start3A_112 = tpu.memref_slice %arg6[%dma_start3A_107, %dma_start3A_111] : memref<2x128xi32, #tpu.memory_space<vmem>> -> memref<1x128xi32, #tpu.memory_space<vmem>>
      %dma_start3A_113 = tpu.memref_squeeze %dma_start3A_112 : memref<1x128xi32, #tpu.memory_space<vmem>> -> memref<128xi32, #tpu.memory_space<vmem>>
      %dma_start3A_114 = arith.constant 0 : i32
      %dma_start3A_115 = arith.constant 0 : i32
      %dma_start3A_116 = tpu.memref_slice %arg2[%dma_start3A_114, %dma_start3A_115] : memref<50000x32xf32, #tpu.memory_space<hbm>> -> memref<50000x32xf32, #tpu.memory_space<hbm>>
      tpu.enqueue_indirect_dma source(%dma_start3A_116 : memref<50000x32xf32, #tpu.memory_space<hbm>>) target(%dma_start3A_110 : memref<128x32xf32, #tpu.memory_space<vmem>>) offsets(%dma_start3A_113 : memref<128xi32, #tpu.memory_space<vmem>>) semaphore(%arg11 : memref<!tpu.dma_semaphore, #tpu.memory_space<semaphore_mem>>)
      %dma_start3A_117 = arith.constant 1 : i32
      %dma_start3A_118 = arith.constant 128 : i32
      %dma_start3A_119 = arith.constant 0 : i32
      %dma_start3A_120 = tpu.memref_slice %arg8[%dma_start3A_118, %dma_start3A_119] : memref<256x32xf32, #tpu.memory_space<vmem>> -> memref<128x32xf32, #tpu.memory_space<vmem>>
      %dma_start3A_121 = arith.constant 0 : i32
      %dma_start3A_122 = tpu.memref_slice %arg6[%dma_start3A_117, %dma_start3A_121] : memref<2x128xi32, #tpu.memory_space<vmem>> -> memref<1x128xi32, #tpu.memory_space<vmem>>
      %dma_start3A_123 = tpu.memref_squeeze %dma_start3A_122 : memref<1x128xi32, #tpu.memory_space<vmem>> -> memref<128xi32, #tpu.memory_space<vmem>>
      %dma_start3A_124 = arith.constant 0 : i32
      %dma_start3A_125 = arith.constant 0 : i32
      %dma_start3A_126 = tpu.memref_slice %arg2[%dma_start3A_124, %dma_start3A_125] : memref<50000x32xf32, #tpu.memory_space<hbm>> -> memref<50000x32xf32, #tpu.memory_space<hbm>>
      tpu.enqueue_indirect_dma source(%dma_start3A_126 : memref<50000x32xf32, #tpu.memory_space<hbm>>) target(%dma_start3A_120 : memref<128x32xf32, #tpu.memory_space<vmem>>) offsets(%dma_start3A_123 : memref<128xi32, #tpu.memory_space<vmem>>) semaphore(%arg11 : memref<!tpu.dma_semaphore, #tpu.memory_space<semaphore_mem>>)
      %dma_wait3A_127 = arith.constant 0 : i32
      %dma_wait3A_128 = arith.constant 0 : i32
      %dma_wait3A_129 = arith.constant 0 : i32
      %dma_wait3A_130 = tpu.memref_slice %arg8[%dma_wait3A_128, %dma_wait3A_129] : memref<256x32xf32, #tpu.memory_space<vmem>> -> memref<128x32xf32, #tpu.memory_space<vmem>>
      %dma_wait3A_131 = arith.constant 0 : i32
      %dma_wait3A_132 = tpu.memref_slice %arg6[%dma_wait3A_127, %dma_wait3A_131] : memref<2x128xi32, #tpu.memory_space<vmem>> -> memref<1x128xi32, #tpu.memory_space<vmem>>
      %dma_wait3A_133 = tpu.memref_squeeze %dma_wait3A_132 : memref<1x128xi32, #tpu.memory_space<vmem>> -> memref<128xi32, #tpu.memory_space<vmem>>
      %dma_wait3A_134 = arith.constant 0 : i32
      %dma_wait3A_135 = arith.constant 0 : i32
      %dma_wait3A_136 = tpu.memref_slice %arg2[%dma_wait3A_134, %dma_wait3A_135] : memref<50000x32xf32, #tpu.memory_space<hbm>> -> memref<50000x32xf32, #tpu.memory_space<hbm>>
      tpu.wait_indirect_dma semaphore(%arg11 : memref<!tpu.dma_semaphore, #tpu.memory_space<semaphore_mem>>) src(%dma_wait3A_136 : memref<50000x32xf32, #tpu.memory_space<hbm>>) dst(%dma_wait3A_130 : memref<128x32xf32, #tpu.memory_space<vmem>>)
      %dma_wait3A_137 = arith.constant 1 : i32
      %dma_wait3A_138 = arith.constant 128 : i32
      %dma_wait3A_139 = arith.constant 0 : i32
      %dma_wait3A_140 = tpu.memref_slice %arg8[%dma_wait3A_138, %dma_wait3A_139] : memref<256x32xf32, #tpu.memory_space<vmem>> -> memref<128x32xf32, #tpu.memory_space<vmem>>
      %dma_wait3A_141 = arith.constant 0 : i32
      %dma_wait3A_142 = tpu.memref_slice %arg6[%dma_wait3A_137, %dma_wait3A_141] : memref<2x128xi32, #tpu.memory_space<vmem>> -> memref<1x128xi32, #tpu.memory_space<vmem>>
      %dma_wait3A_143 = tpu.memref_squeeze %dma_wait3A_142 : memref<1x128xi32, #tpu.memory_space<vmem>> -> memref<128xi32, #tpu.memory_space<vmem>>
      %dma_wait3A_144 = arith.constant 0 : i32
      %dma_wait3A_145 = arith.constant 0 : i32
      %dma_wait3A_146 = tpu.memref_slice %arg2[%dma_wait3A_144, %dma_wait3A_145] : memref<50000x32xf32, #tpu.memory_space<hbm>> -> memref<50000x32xf32, #tpu.memory_space<hbm>>
      tpu.wait_indirect_dma semaphore(%arg11 : memref<!tpu.dma_semaphore, #tpu.memory_space<semaphore_mem>>) src(%dma_wait3A_146 : memref<50000x32xf32, #tpu.memory_space<hbm>>) dst(%dma_wait3A_140 : memref<128x32xf32, #tpu.memory_space<vmem>>)
      %mul3A_147 = arith.constant 256 : i32
      %mul3A_148 = arith.muli %add3A_79, %mul3A_147 : i32
      %dma_start3A_149 = arith.constant 0 : i32
      %dma_start3A_150 = tpu.memref_slice %arg4[%mul3A_148, %dma_start3A_149] : memref<800000x32xf32, #tpu.memory_space<hbm>> -> memref<256x32xf32, #tpu.memory_space<hbm>>
      %dma_start3A_151 = arith.constant 0 : i32
      %dma_start3A_152 = tpu.memref_slice %arg4[%mul3A_148, %dma_start3A_151] : memref<800000x32xf32, #tpu.memory_space<hbm>> -> memref<256x32xf32, #tpu.memory_space<hbm>>
      tpu.enqueue_dma source(%arg8 : memref<256x32xf32, #tpu.memory_space<vmem>>) target(%dma_start3A_152 : memref<256x32xf32, #tpu.memory_space<hbm>>) target_semaphore(%arg13 : memref<!tpu.dma_semaphore, #tpu.memory_space<semaphore_mem>>)
    } else {
    }
    %mul3A_89 = arith.constant 256 : i32
    %mul3A_90 = arith.muli %add3A, %mul3A_89 : i32
    %dma_wait3A_91 = arith.constant 0 : i32
    %dma_wait3A_92 = tpu.memref_slice %arg4[%mul3A_90, %dma_wait3A_91] : memref<800000x32xf32, #tpu.memory_space<hbm>> -> memref<256x32xf32, #tpu.memory_space<hbm>>
    %dma_wait3A_93 = arith.constant 0 : i32
    %dma_wait3A_94 = tpu.memref_slice %arg4[%mul3A_90, %dma_wait3A_93] : memref<800000x32xf32, #tpu.memory_space<hbm>> -> memref<256x32xf32, #tpu.memory_space<hbm>>
    tpu.wait_dma2 semaphore(%arg12 : memref<!tpu.dma_semaphore, #tpu.memory_space<semaphore_mem>>) src(%arg7 : memref<256x32xf32, #tpu.memory_space<vmem>>) dst(%dma_wait3A_94 : memref<256x32xf32, #tpu.memory_space<hbm>>)
    %mul3A_95 = arith.constant 256 : i32
    %mul3A_96 = arith.muli %add3A, %mul3A_95 : i32
    %dma_wait3A_97 = arith.constant 0 : i32
    %dma_wait3A_98 = tpu.memref_slice %arg4[%mul3A_96, %dma_wait3A_97] : memref<800000x32xf32, #tpu.memory_space<hbm>> -> memref<256x32xf32, #tpu.memory_space<hbm>>
    %dma_wait3A_99 = arith.constant 0 : i32
    %dma_wait3A_100 = tpu.memref_slice %arg4[%mul3A_96, %dma_wait3A_99] : memref<800000x32xf32, #tpu.memory_space<hbm>> -> memref<256x32xf32, #tpu.memory_space<hbm>>
    tpu.wait_dma2 semaphore(%arg13 : memref<!tpu.dma_semaphore, #tpu.memory_space<semaphore_mem>>) src(%arg8 : memref<256x32xf32, #tpu.memory_space<vmem>>) dst(%dma_wait3A_100 : memref<256x32xf32, #tpu.memory_space<hbm>>)
    return
  }
}

#map = affine_map<(d0, d1) -> (0, 0)>
module attributes {stable_mosaic.version = 14 : i64} {
  func.func @k(%arg0: i32, %arg1: i32, %arg2: memref<50000x32xf32, #tpu.memory_space<hbm>>, %arg3: memref<3126x128xi32, #tpu.memory_space<hbm>>, %arg4: memref<400128x32xf32, #tpu.memory_space<hbm>>, %arg5: memref<2x128xi32, #tpu.memory_space<vmem>>, %arg6: memref<2x128xi32, #tpu.memory_space<vmem>>, %arg7: memref<256x32xf32, #tpu.memory_space<vmem>>, %arg8: memref<256x32xf32, #tpu.memory_space<vmem>>, %arg9: memref<!tpu.dma_semaphore, #tpu.memory_space<semaphore_mem>>, %arg10: memref<!tpu.dma_semaphore, #tpu.memory_space<semaphore_mem>>, %arg11: memref<!tpu.dma_semaphore, #tpu.memory_space<semaphore_mem>>, %arg12: memref<!tpu.dma_semaphore, #tpu.memory_space<semaphore_mem>>, %arg13: memref<!tpu.dma_semaphore, #tpu.memory_space<semaphore_mem>>) attributes {dimension_semantics = [#tpu.dimension_semantics<core_parallel>, #tpu.dimension_semantics<subcore_parallel>], iteration_bounds = array<i64: 2, 16>, scalar_prefetch = 0 : i64, scratch_operands = 9 : i64, tpu.core_type = #tpu.core_type<sc_vector_subcore>, window_params = [{transform_indices = #map}, {transform_indices = #map}, {transform_indices = #map}]} {
    %mul3A = arith.constant 16 : i32
    %mul3A_0 = arith.muli %arg0, %mul3A : i32
    %add3A = arith.addi %mul3A_0, %arg1 : i32
    %mul3A_1 = arith.constant 2 : i32
    %mul3A_2 = arith.muli %add3A, %mul3A_1 : i32
    %dma_start3A = arith.constant 0 : i32
    %dma_start3A_3 = tpu.memref_slice %arg3[%mul3A_2, %dma_start3A] : memref<3126x128xi32, #tpu.memory_space<hbm>> -> memref<2x128xi32, #tpu.memory_space<hbm>>
    %dma_start3A_4 = arith.constant 0 : i32
    %dma_start3A_5 = tpu.memref_slice %arg3[%mul3A_2, %dma_start3A_4] : memref<3126x128xi32, #tpu.memory_space<hbm>> -> memref<2x128xi32, #tpu.memory_space<hbm>>
    tpu.enqueue_dma source(%dma_start3A_5 : memref<2x128xi32, #tpu.memory_space<hbm>>) target(%arg5 : memref<2x128xi32, #tpu.memory_space<vmem>>) target_semaphore(%arg9 : memref<!tpu.dma_semaphore, #tpu.memory_space<semaphore_mem>>)
    %add3A_6 = arith.constant 32 : i32
    %add3A_7 = arith.addi %add3A, %add3A_6 : i32
    %mul3A_8 = arith.constant 2 : i32
    %mul3A_9 = arith.muli %add3A_7, %mul3A_8 : i32
    %dma_start3A_10 = arith.constant 0 : i32
    %dma_start3A_11 = tpu.memref_slice %arg3[%mul3A_9, %dma_start3A_10] : memref<3126x128xi32, #tpu.memory_space<hbm>> -> memref<2x128xi32, #tpu.memory_space<hbm>>
    %dma_start3A_12 = arith.constant 0 : i32
    %dma_start3A_13 = tpu.memref_slice %arg3[%mul3A_9, %dma_start3A_12] : memref<3126x128xi32, #tpu.memory_space<hbm>> -> memref<2x128xi32, #tpu.memory_space<hbm>>
    tpu.enqueue_dma source(%dma_start3A_13 : memref<2x128xi32, #tpu.memory_space<hbm>>) target(%arg6 : memref<2x128xi32, #tpu.memory_space<vmem>>) target_semaphore(%arg10 : memref<!tpu.dma_semaphore, #tpu.memory_space<semaphore_mem>>)
    %scan3A = arith.constant 0 : i32
    %scan3A_14 = arith.constant 0 : i32
    %scan3A_15 = arith.constant 24 : i32
    %scan3A_16 = arith.addi %scan3A_14, %scan3A_15 : i32
    %scan3A_17 = arith.constant 1 : i32
    scf.for %scan3A_41 = %scan3A_14 to %scan3A_16 step %scan3A_17  : i32 {
      %mul3A_42 = arith.constant 2 : i32
      %mul3A_43 = arith.muli %mul3A_42, %scan3A_41 : i32
      %mul3A_44 = arith.constant 32 : i32
      %mul3A_45 = arith.muli %mul3A_43, %mul3A_44 : i32
      %add3A_46 = arith.addi %add3A, %mul3A_45 : i32
      %gt3A = arith.constant 0 : i32
      %gt3A_47 = arith.cmpi sgt, %scan3A_41, %gt3A : i32
      %mul3A_48 = arith.constant 2 : i32
      %mul3A_49 = arith.muli %add3A_46, %mul3A_48 : i32
      %dma_wait3A_50 = arith.constant 0 : i32
      %dma_wait3A_51 = tpu.memref_slice %arg3[%mul3A_49, %dma_wait3A_50] : memref<3126x128xi32, #tpu.memory_space<hbm>> -> memref<2x128xi32, #tpu.memory_space<hbm>>
      %dma_wait3A_52 = arith.constant 0 : i32
      %dma_wait3A_53 = tpu.memref_slice %arg3[%mul3A_49, %dma_wait3A_52] : memref<3126x128xi32, #tpu.memory_space<hbm>> -> memref<2x128xi32, #tpu.memory_space<hbm>>
      tpu.wait_dma2 semaphore(%arg9 : memref<!tpu.dma_semaphore, #tpu.memory_space<semaphore_mem>>) src(%dma_wait3A_53 : memref<2x128xi32, #tpu.memory_space<hbm>>) dst(%arg5 : memref<2x128xi32, #tpu.memory_space<vmem>>)
      %convert_element_type3A_54 = arith.extui %gt3A_47 : i1 to i32
      %cond3A_55 = arith.constant 0 : i32
      %cond3A_56 = arith.cmpi ne, %convert_element_type3A_54, %cond3A_55 : i32
      scf.if %cond3A_56 {
        %mul3A_176 = arith.constant 256 : i32
        %mul3A_177 = arith.muli %add3A_46, %mul3A_176 : i32
        %dma_wait3A_178 = arith.constant 0 : i32
        %dma_wait3A_179 = tpu.memref_slice %arg4[%mul3A_177, %dma_wait3A_178] : memref<400128x32xf32, #tpu.memory_space<hbm>> -> memref<256x32xf32, #tpu.memory_space<hbm>>
        %dma_wait3A_180 = arith.constant 0 : i32
        %dma_wait3A_181 = tpu.memref_slice %arg4[%mul3A_177, %dma_wait3A_180] : memref<400128x32xf32, #tpu.memory_space<hbm>> -> memref<256x32xf32, #tpu.memory_space<hbm>>
        tpu.wait_dma2 semaphore(%arg12 : memref<!tpu.dma_semaphore, #tpu.memory_space<semaphore_mem>>) src(%arg7 : memref<256x32xf32, #tpu.memory_space<vmem>>) dst(%dma_wait3A_181 : memref<256x32xf32, #tpu.memory_space<hbm>>)
      } else {
      }
      %dma_start3A_57 = arith.constant 0 : i32
      %dma_start3A_58 = arith.constant 0 : i32
      %dma_start3A_59 = arith.constant 0 : i32
      %dma_start3A_60 = tpu.memref_slice %arg7[%dma_start3A_58, %dma_start3A_59] : memref<256x32xf32, #tpu.memory_space<vmem>> -> memref<128x32xf32, #tpu.memory_space<vmem>>
      %dma_start3A_61 = arith.constant 0 : i32
      %dma_start3A_62 = tpu.memref_slice %arg5[%dma_start3A_57, %dma_start3A_61] : memref<2x128xi32, #tpu.memory_space<vmem>> -> memref<1x128xi32, #tpu.memory_space<vmem>>
      %dma_start3A_63 = tpu.memref_squeeze %dma_start3A_62 : memref<1x128xi32, #tpu.memory_space<vmem>> -> memref<128xi32, #tpu.memory_space<vmem>>
      %dma_start3A_64 = arith.constant 0 : i32
      %dma_start3A_65 = arith.constant 0 : i32
      %dma_start3A_66 = tpu.memref_slice %arg2[%dma_start3A_64, %dma_start3A_65] : memref<50000x32xf32, #tpu.memory_space<hbm>> -> memref<50000x32xf32, #tpu.memory_space<hbm>>
      tpu.enqueue_indirect_dma source(%dma_start3A_66 : memref<50000x32xf32, #tpu.memory_space<hbm>>) target(%dma_start3A_60 : memref<128x32xf32, #tpu.memory_space<vmem>>) offsets(%dma_start3A_63 : memref<128xi32, #tpu.memory_space<vmem>>) semaphore(%arg11 : memref<!tpu.dma_semaphore, #tpu.memory_space<semaphore_mem>>)
      %dma_start3A_67 = arith.constant 1 : i32
      %dma_start3A_68 = arith.constant 128 : i32
      %dma_start3A_69 = arith.constant 0 : i32
      %dma_start3A_70 = tpu.memref_slice %arg7[%dma_start3A_68, %dma_start3A_69] : memref<256x32xf32, #tpu.memory_space<vmem>> -> memref<128x32xf32, #tpu.memory_space<vmem>>
      %dma_start3A_71 = arith.constant 0 : i32
      %dma_start3A_72 = tpu.memref_slice %arg5[%dma_start3A_67, %dma_start3A_71] : memref<2x128xi32, #tpu.memory_space<vmem>> -> memref<1x128xi32, #tpu.memory_space<vmem>>
      %dma_start3A_73 = tpu.memref_squeeze %dma_start3A_72 : memref<1x128xi32, #tpu.memory_space<vmem>> -> memref<128xi32, #tpu.memory_space<vmem>>
      %dma_start3A_74 = arith.constant 0 : i32
      %dma_start3A_75 = arith.constant 0 : i32
      %dma_start3A_76 = tpu.memref_slice %arg2[%dma_start3A_74, %dma_start3A_75] : memref<50000x32xf32, #tpu.memory_space<hbm>> -> memref<50000x32xf32, #tpu.memory_space<hbm>>
      tpu.enqueue_indirect_dma source(%dma_start3A_76 : memref<50000x32xf32, #tpu.memory_space<hbm>>) target(%dma_start3A_70 : memref<128x32xf32, #tpu.memory_space<vmem>>) offsets(%dma_start3A_73 : memref<128xi32, #tpu.memory_space<vmem>>) semaphore(%arg11 : memref<!tpu.dma_semaphore, #tpu.memory_space<semaphore_mem>>)
      %dma_wait3A_77 = arith.constant 0 : i32
      %dma_wait3A_78 = arith.constant 0 : i32
      %dma_wait3A_79 = arith.constant 0 : i32
      %dma_wait3A_80 = tpu.memref_slice %arg7[%dma_wait3A_78, %dma_wait3A_79] : memref<256x32xf32, #tpu.memory_space<vmem>> -> memref<128x32xf32, #tpu.memory_space<vmem>>
      %dma_wait3A_81 = arith.constant 0 : i32
      %dma_wait3A_82 = tpu.memref_slice %arg5[%dma_wait3A_77, %dma_wait3A_81] : memref<2x128xi32, #tpu.memory_space<vmem>> -> memref<1x128xi32, #tpu.memory_space<vmem>>
      %dma_wait3A_83 = tpu.memref_squeeze %dma_wait3A_82 : memref<1x128xi32, #tpu.memory_space<vmem>> -> memref<128xi32, #tpu.memory_space<vmem>>
      %dma_wait3A_84 = arith.constant 0 : i32
      %dma_wait3A_85 = arith.constant 0 : i32
      %dma_wait3A_86 = tpu.memref_slice %arg2[%dma_wait3A_84, %dma_wait3A_85] : memref<50000x32xf32, #tpu.memory_space<hbm>> -> memref<50000x32xf32, #tpu.memory_space<hbm>>
      tpu.wait_indirect_dma semaphore(%arg11 : memref<!tpu.dma_semaphore, #tpu.memory_space<semaphore_mem>>) src(%dma_wait3A_86 : memref<50000x32xf32, #tpu.memory_space<hbm>>) dst(%dma_wait3A_80 : memref<128x32xf32, #tpu.memory_space<vmem>>)
      %dma_wait3A_87 = arith.constant 1 : i32
      %dma_wait3A_88 = arith.constant 128 : i32
      %dma_wait3A_89 = arith.constant 0 : i32
      %dma_wait3A_90 = tpu.memref_slice %arg7[%dma_wait3A_88, %dma_wait3A_89] : memref<256x32xf32, #tpu.memory_space<vmem>> -> memref<128x32xf32, #tpu.memory_space<vmem>>
      %dma_wait3A_91 = arith.constant 0 : i32
      %dma_wait3A_92 = tpu.memref_slice %arg5[%dma_wait3A_87, %dma_wait3A_91] : memref<2x128xi32, #tpu.memory_space<vmem>> -> memref<1x128xi32, #tpu.memory_space<vmem>>
      %dma_wait3A_93 = tpu.memref_squeeze %dma_wait3A_92 : memref<1x128xi32, #tpu.memory_space<vmem>> -> memref<128xi32, #tpu.memory_space<vmem>>
      %dma_wait3A_94 = arith.constant 0 : i32
      %dma_wait3A_95 = arith.constant 0 : i32
      %dma_wait3A_96 = tpu.memref_slice %arg2[%dma_wait3A_94, %dma_wait3A_95] : memref<50000x32xf32, #tpu.memory_space<hbm>> -> memref<50000x32xf32, #tpu.memory_space<hbm>>
      tpu.wait_indirect_dma semaphore(%arg11 : memref<!tpu.dma_semaphore, #tpu.memory_space<semaphore_mem>>) src(%dma_wait3A_96 : memref<50000x32xf32, #tpu.memory_space<hbm>>) dst(%dma_wait3A_90 : memref<128x32xf32, #tpu.memory_space<vmem>>)
      %add3A_97 = arith.constant 64 : i32
      %add3A_98 = arith.addi %add3A_46, %add3A_97 : i32
      %min3A_99 = arith.constant 1562 : i32
      %min3A_100 = arith.minsi %add3A_98, %min3A_99 : i32
      %mul3A_101 = arith.constant 2 : i32
      %mul3A_102 = arith.muli %min3A_100, %mul3A_101 : i32
      %dma_start3A_103 = arith.constant 0 : i32
      %dma_start3A_104 = tpu.memref_slice %arg3[%mul3A_102, %dma_start3A_103] : memref<3126x128xi32, #tpu.memory_space<hbm>> -> memref<2x128xi32, #tpu.memory_space<hbm>>
      %dma_start3A_105 = arith.constant 0 : i32
      %dma_start3A_106 = tpu.memref_slice %arg3[%mul3A_102, %dma_start3A_105] : memref<3126x128xi32, #tpu.memory_space<hbm>> -> memref<2x128xi32, #tpu.memory_space<hbm>>
      tpu.enqueue_dma source(%dma_start3A_106 : memref<2x128xi32, #tpu.memory_space<hbm>>) target(%arg5 : memref<2x128xi32, #tpu.memory_space<vmem>>) target_semaphore(%arg9 : memref<!tpu.dma_semaphore, #tpu.memory_space<semaphore_mem>>)
      %mul3A_107 = arith.constant 256 : i32
      %mul3A_108 = arith.muli %add3A_46, %mul3A_107 : i32
      %dma_start3A_109 = arith.constant 0 : i32
      %dma_start3A_110 = tpu.memref_slice %arg4[%mul3A_108, %dma_start3A_109] : memref<400128x32xf32, #tpu.memory_space<hbm>> -> memref<256x32xf32, #tpu.memory_space<hbm>>
      %dma_start3A_111 = arith.constant 0 : i32
      %dma_start3A_112 = tpu.memref_slice %arg4[%mul3A_108, %dma_start3A_111] : memref<400128x32xf32, #tpu.memory_space<hbm>> -> memref<256x32xf32, #tpu.memory_space<hbm>>
      tpu.enqueue_dma source(%arg7 : memref<256x32xf32, #tpu.memory_space<vmem>>) target(%dma_start3A_112 : memref<256x32xf32, #tpu.memory_space<hbm>>) target_semaphore(%arg12 : memref<!tpu.dma_semaphore, #tpu.memory_space<semaphore_mem>>)
      %lt3A = arith.constant 23 : i32
      %lt3A_113 = arith.cmpi slt, %scan3A_41, %lt3A : i32
      %add3A_114 = arith.constant 32 : i32
      %add3A_115 = arith.addi %add3A_46, %add3A_114 : i32
      %gt3A_116 = arith.constant 0 : i32
      %gt3A_117 = arith.cmpi sgt, %scan3A_41, %gt3A_116 : i32
      %mul3A_118 = arith.constant 2 : i32
      %mul3A_119 = arith.muli %add3A_115, %mul3A_118 : i32
      %dma_wait3A_120 = arith.constant 0 : i32
      %dma_wait3A_121 = tpu.memref_slice %arg3[%mul3A_119, %dma_wait3A_120] : memref<3126x128xi32, #tpu.memory_space<hbm>> -> memref<2x128xi32, #tpu.memory_space<hbm>>
      %dma_wait3A_122 = arith.constant 0 : i32
      %dma_wait3A_123 = tpu.memref_slice %arg3[%mul3A_119, %dma_wait3A_122] : memref<3126x128xi32, #tpu.memory_space<hbm>> -> memref<2x128xi32, #tpu.memory_space<hbm>>
      tpu.wait_dma2 semaphore(%arg10 : memref<!tpu.dma_semaphore, #tpu.memory_space<semaphore_mem>>) src(%dma_wait3A_123 : memref<2x128xi32, #tpu.memory_space<hbm>>) dst(%arg6 : memref<2x128xi32, #tpu.memory_space<vmem>>)
      %convert_element_type3A_124 = arith.extui %gt3A_117 : i1 to i32
      %cond3A_125 = arith.constant 0 : i32
      %cond3A_126 = arith.cmpi ne, %convert_element_type3A_124, %cond3A_125 : i32
      scf.if %cond3A_126 {
        %mul3A_176 = arith.constant 256 : i32
        %mul3A_177 = arith.muli %add3A_115, %mul3A_176 : i32
        %dma_wait3A_178 = arith.constant 0 : i32
        %dma_wait3A_179 = tpu.memref_slice %arg4[%mul3A_177, %dma_wait3A_178] : memref<400128x32xf32, #tpu.memory_space<hbm>> -> memref<256x32xf32, #tpu.memory_space<hbm>>
        %dma_wait3A_180 = arith.constant 0 : i32
        %dma_wait3A_181 = tpu.memref_slice %arg4[%mul3A_177, %dma_wait3A_180] : memref<400128x32xf32, #tpu.memory_space<hbm>> -> memref<256x32xf32, #tpu.memory_space<hbm>>
        tpu.wait_dma2 semaphore(%arg13 : memref<!tpu.dma_semaphore, #tpu.memory_space<semaphore_mem>>) src(%arg8 : memref<256x32xf32, #tpu.memory_space<vmem>>) dst(%dma_wait3A_181 : memref<256x32xf32, #tpu.memory_space<hbm>>)
      } else {
      }
      %dma_start3A_127 = arith.constant 0 : i32
      %dma_start3A_128 = arith.constant 0 : i32
      %dma_start3A_129 = arith.constant 0 : i32
      %dma_start3A_130 = tpu.memref_slice %arg8[%dma_start3A_128, %dma_start3A_129] : memref<256x32xf32, #tpu.memory_space<vmem>> -> memref<128x32xf32, #tpu.memory_space<vmem>>
      %dma_start3A_131 = arith.constant 0 : i32
      %dma_start3A_132 = tpu.memref_slice %arg6[%dma_start3A_127, %dma_start3A_131] : memref<2x128xi32, #tpu.memory_space<vmem>> -> memref<1x128xi32, #tpu.memory_space<vmem>>
      %dma_start3A_133 = tpu.memref_squeeze %dma_start3A_132 : memref<1x128xi32, #tpu.memory_space<vmem>> -> memref<128xi32, #tpu.memory_space<vmem>>
      %dma_start3A_134 = arith.constant 0 : i32
      %dma_start3A_135 = arith.constant 0 : i32
      %dma_start3A_136 = tpu.memref_slice %arg2[%dma_start3A_134, %dma_start3A_135] : memref<50000x32xf32, #tpu.memory_space<hbm>> -> memref<50000x32xf32, #tpu.memory_space<hbm>>
      tpu.enqueue_indirect_dma source(%dma_start3A_136 : memref<50000x32xf32, #tpu.memory_space<hbm>>) target(%dma_start3A_130 : memref<128x32xf32, #tpu.memory_space<vmem>>) offsets(%dma_start3A_133 : memref<128xi32, #tpu.memory_space<vmem>>) semaphore(%arg11 : memref<!tpu.dma_semaphore, #tpu.memory_space<semaphore_mem>>)
      %dma_start3A_137 = arith.constant 1 : i32
      %dma_start3A_138 = arith.constant 128 : i32
      %dma_start3A_139 = arith.constant 0 : i32
      %dma_start3A_140 = tpu.memref_slice %arg8[%dma_start3A_138, %dma_start3A_139] : memref<256x32xf32, #tpu.memory_space<vmem>> -> memref<128x32xf32, #tpu.memory_space<vmem>>
      %dma_start3A_141 = arith.constant 0 : i32
      %dma_start3A_142 = tpu.memref_slice %arg6[%dma_start3A_137, %dma_start3A_141] : memref<2x128xi32, #tpu.memory_space<vmem>> -> memref<1x128xi32, #tpu.memory_space<vmem>>
      %dma_start3A_143 = tpu.memref_squeeze %dma_start3A_142 : memref<1x128xi32, #tpu.memory_space<vmem>> -> memref<128xi32, #tpu.memory_space<vmem>>
      %dma_start3A_144 = arith.constant 0 : i32
      %dma_start3A_145 = arith.constant 0 : i32
      %dma_start3A_146 = tpu.memref_slice %arg2[%dma_start3A_144, %dma_start3A_145] : memref<50000x32xf32, #tpu.memory_space<hbm>> -> memref<50000x32xf32, #tpu.memory_space<hbm>>
      tpu.enqueue_indirect_dma source(%dma_start3A_146 : memref<50000x32xf32, #tpu.memory_space<hbm>>) target(%dma_start3A_140 : memref<128x32xf32, #tpu.memory_space<vmem>>) offsets(%dma_start3A_143 : memref<128xi32, #tpu.memory_space<vmem>>) semaphore(%arg11 : memref<!tpu.dma_semaphore, #tpu.memory_space<semaphore_mem>>)
      %dma_wait3A_147 = arith.constant 0 : i32
      %dma_wait3A_148 = arith.constant 0 : i32
      %dma_wait3A_149 = arith.constant 0 : i32
      %dma_wait3A_150 = tpu.memref_slice %arg8[%dma_wait3A_148, %dma_wait3A_149] : memref<256x32xf32, #tpu.memory_space<vmem>> -> memref<128x32xf32, #tpu.memory_space<vmem>>
      %dma_wait3A_151 = arith.constant 0 : i32
      %dma_wait3A_152 = tpu.memref_slice %arg6[%dma_wait3A_147, %dma_wait3A_151] : memref<2x128xi32, #tpu.memory_space<vmem>> -> memref<1x128xi32, #tpu.memory_space<vmem>>
      %dma_wait3A_153 = tpu.memref_squeeze %dma_wait3A_152 : memref<1x128xi32, #tpu.memory_space<vmem>> -> memref<128xi32, #tpu.memory_space<vmem>>
      %dma_wait3A_154 = arith.constant 0 : i32
      %dma_wait3A_155 = arith.constant 0 : i32
      %dma_wait3A_156 = tpu.memref_slice %arg2[%dma_wait3A_154, %dma_wait3A_155] : memref<50000x32xf32, #tpu.memory_space<hbm>> -> memref<50000x32xf32, #tpu.memory_space<hbm>>
      tpu.wait_indirect_dma semaphore(%arg11 : memref<!tpu.dma_semaphore, #tpu.memory_space<semaphore_mem>>) src(%dma_wait3A_156 : memref<50000x32xf32, #tpu.memory_space<hbm>>) dst(%dma_wait3A_150 : memref<128x32xf32, #tpu.memory_space<vmem>>)
      %dma_wait3A_157 = arith.constant 1 : i32
      %dma_wait3A_158 = arith.constant 128 : i32
      %dma_wait3A_159 = arith.constant 0 : i32
      %dma_wait3A_160 = tpu.memref_slice %arg8[%dma_wait3A_158, %dma_wait3A_159] : memref<256x32xf32, #tpu.memory_space<vmem>> -> memref<128x32xf32, #tpu.memory_space<vmem>>
      %dma_wait3A_161 = arith.constant 0 : i32
      %dma_wait3A_162 = tpu.memref_slice %arg6[%dma_wait3A_157, %dma_wait3A_161] : memref<2x128xi32, #tpu.memory_space<vmem>> -> memref<1x128xi32, #tpu.memory_space<vmem>>
      %dma_wait3A_163 = tpu.memref_squeeze %dma_wait3A_162 : memref<1x128xi32, #tpu.memory_space<vmem>> -> memref<128xi32, #tpu.memory_space<vmem>>
      %dma_wait3A_164 = arith.constant 0 : i32
      %dma_wait3A_165 = arith.constant 0 : i32
      %dma_wait3A_166 = tpu.memref_slice %arg2[%dma_wait3A_164, %dma_wait3A_165] : memref<50000x32xf32, #tpu.memory_space<hbm>> -> memref<50000x32xf32, #tpu.memory_space<hbm>>
      tpu.wait_indirect_dma semaphore(%arg11 : memref<!tpu.dma_semaphore, #tpu.memory_space<semaphore_mem>>) src(%dma_wait3A_166 : memref<50000x32xf32, #tpu.memory_space<hbm>>) dst(%dma_wait3A_160 : memref<128x32xf32, #tpu.memory_space<vmem>>)
      %convert_element_type3A_167 = arith.extui %lt3A_113 : i1 to i32
      %cond3A_168 = arith.constant 0 : i32
      %cond3A_169 = arith.cmpi ne, %convert_element_type3A_167, %cond3A_168 : i32
      scf.if %cond3A_169 {
        %add3A_176 = arith.constant 64 : i32
        %add3A_177 = arith.addi %add3A_115, %add3A_176 : i32
        %min3A_178 = arith.constant 1562 : i32
        %min3A_179 = arith.minsi %add3A_177, %min3A_178 : i32
        %mul3A_180 = arith.constant 2 : i32
        %mul3A_181 = arith.muli %min3A_179, %mul3A_180 : i32
        %dma_start3A_182 = arith.constant 0 : i32
        %dma_start3A_183 = tpu.memref_slice %arg3[%mul3A_181, %dma_start3A_182] : memref<3126x128xi32, #tpu.memory_space<hbm>> -> memref<2x128xi32, #tpu.memory_space<hbm>>
        %dma_start3A_184 = arith.constant 0 : i32
        %dma_start3A_185 = tpu.memref_slice %arg3[%mul3A_181, %dma_start3A_184] : memref<3126x128xi32, #tpu.memory_space<hbm>> -> memref<2x128xi32, #tpu.memory_space<hbm>>
        tpu.enqueue_dma source(%dma_start3A_185 : memref<2x128xi32, #tpu.memory_space<hbm>>) target(%arg6 : memref<2x128xi32, #tpu.memory_space<vmem>>) target_semaphore(%arg10 : memref<!tpu.dma_semaphore, #tpu.memory_space<semaphore_mem>>)
      } else {
      }
      %mul3A_170 = arith.constant 256 : i32
      %mul3A_171 = arith.muli %add3A_115, %mul3A_170 : i32
      %dma_start3A_172 = arith.constant 0 : i32
      %dma_start3A_173 = tpu.memref_slice %arg4[%mul3A_171, %dma_start3A_172] : memref<400128x32xf32, #tpu.memory_space<hbm>> -> memref<256x32xf32, #tpu.memory_space<hbm>>
      %dma_start3A_174 = arith.constant 0 : i32
      %dma_start3A_175 = tpu.memref_slice %arg4[%mul3A_171, %dma_start3A_174] : memref<400128x32xf32, #tpu.memory_space<hbm>> -> memref<256x32xf32, #tpu.memory_space<hbm>>
      tpu.enqueue_dma source(%arg8 : memref<256x32xf32, #tpu.memory_space<vmem>>) target(%dma_start3A_175 : memref<256x32xf32, #tpu.memory_space<hbm>>) target_semaphore(%arg13 : memref<!tpu.dma_semaphore, #tpu.memory_space<semaphore_mem>>)
    }
    %scan3A_18 = arith.constant 24 : i32
    %add3A_19 = arith.constant 1536 : i32
    %add3A_20 = arith.addi %add3A, %add3A_19 : i32
    %min3A = arith.constant 1562 : i32
    %min3A_21 = arith.minsi %add3A_20, %min3A : i32
    %mul3A_22 = arith.constant 2 : i32
    %mul3A_23 = arith.muli %min3A_21, %mul3A_22 : i32
    %dma_wait3A = arith.constant 0 : i32
    %dma_wait3A_24 = tpu.memref_slice %arg3[%mul3A_23, %dma_wait3A] : memref<3126x128xi32, #tpu.memory_space<hbm>> -> memref<2x128xi32, #tpu.memory_space<hbm>>
    %dma_wait3A_25 = arith.constant 0 : i32
    %dma_wait3A_26 = tpu.memref_slice %arg3[%mul3A_23, %dma_wait3A_25] : memref<3126x128xi32, #tpu.memory_space<hbm>> -> memref<2x128xi32, #tpu.memory_space<hbm>>
    tpu.wait_dma2 semaphore(%arg9 : memref<!tpu.dma_semaphore, #tpu.memory_space<semaphore_mem>>) src(%dma_wait3A_26 : memref<2x128xi32, #tpu.memory_space<hbm>>) dst(%arg5 : memref<2x128xi32, #tpu.memory_space<vmem>>)
    %le3A = arith.constant 1562 : i32
    %le3A_27 = arith.cmpi sle, %add3A_20, %le3A : i32
    %convert_element_type3A = arith.extui %le3A_27 : i1 to i32
    %cond3A = arith.constant 0 : i32
    %cond3A_28 = arith.cmpi ne, %convert_element_type3A, %cond3A : i32
    scf.if %cond3A_28 {
      %mul3A_41 = arith.constant 256 : i32
      %mul3A_42 = arith.muli %add3A_20, %mul3A_41 : i32
      %dma_wait3A_43 = arith.constant 0 : i32
      %dma_wait3A_44 = tpu.memref_slice %arg4[%mul3A_42, %dma_wait3A_43] : memref<400128x32xf32, #tpu.memory_space<hbm>> -> memref<256x32xf32, #tpu.memory_space<hbm>>
      %dma_wait3A_45 = arith.constant 0 : i32
      %dma_wait3A_46 = tpu.memref_slice %arg4[%mul3A_42, %dma_wait3A_45] : memref<400128x32xf32, #tpu.memory_space<hbm>> -> memref<256x32xf32, #tpu.memory_space<hbm>>
      tpu.wait_dma2 semaphore(%arg12 : memref<!tpu.dma_semaphore, #tpu.memory_space<semaphore_mem>>) src(%arg7 : memref<256x32xf32, #tpu.memory_space<vmem>>) dst(%dma_wait3A_46 : memref<256x32xf32, #tpu.memory_space<hbm>>)
      %dma_start3A_47 = arith.constant 0 : i32
      %dma_start3A_48 = arith.constant 0 : i32
      %dma_start3A_49 = arith.constant 0 : i32
      %dma_start3A_50 = tpu.memref_slice %arg7[%dma_start3A_48, %dma_start3A_49] : memref<256x32xf32, #tpu.memory_space<vmem>> -> memref<128x32xf32, #tpu.memory_space<vmem>>
      %dma_start3A_51 = arith.constant 0 : i32
      %dma_start3A_52 = tpu.memref_slice %arg5[%dma_start3A_47, %dma_start3A_51] : memref<2x128xi32, #tpu.memory_space<vmem>> -> memref<1x128xi32, #tpu.memory_space<vmem>>
      %dma_start3A_53 = tpu.memref_squeeze %dma_start3A_52 : memref<1x128xi32, #tpu.memory_space<vmem>> -> memref<128xi32, #tpu.memory_space<vmem>>
      %dma_start3A_54 = arith.constant 0 : i32
      %dma_start3A_55 = arith.constant 0 : i32
      %dma_start3A_56 = tpu.memref_slice %arg2[%dma_start3A_54, %dma_start3A_55] : memref<50000x32xf32, #tpu.memory_space<hbm>> -> memref<50000x32xf32, #tpu.memory_space<hbm>>
      tpu.enqueue_indirect_dma source(%dma_start3A_56 : memref<50000x32xf32, #tpu.memory_space<hbm>>) target(%dma_start3A_50 : memref<128x32xf32, #tpu.memory_space<vmem>>) offsets(%dma_start3A_53 : memref<128xi32, #tpu.memory_space<vmem>>) semaphore(%arg11 : memref<!tpu.dma_semaphore, #tpu.memory_space<semaphore_mem>>)
      %dma_start3A_57 = arith.constant 1 : i32
      %dma_start3A_58 = arith.constant 128 : i32
      %dma_start3A_59 = arith.constant 0 : i32
      %dma_start3A_60 = tpu.memref_slice %arg7[%dma_start3A_58, %dma_start3A_59] : memref<256x32xf32, #tpu.memory_space<vmem>> -> memref<128x32xf32, #tpu.memory_space<vmem>>
      %dma_start3A_61 = arith.constant 0 : i32
      %dma_start3A_62 = tpu.memref_slice %arg5[%dma_start3A_57, %dma_start3A_61] : memref<2x128xi32, #tpu.memory_space<vmem>> -> memref<1x128xi32, #tpu.memory_space<vmem>>
      %dma_start3A_63 = tpu.memref_squeeze %dma_start3A_62 : memref<1x128xi32, #tpu.memory_space<vmem>> -> memref<128xi32, #tpu.memory_space<vmem>>
      %dma_start3A_64 = arith.constant 0 : i32
      %dma_start3A_65 = arith.constant 0 : i32
      %dma_start3A_66 = tpu.memref_slice %arg2[%dma_start3A_64, %dma_start3A_65] : memref<50000x32xf32, #tpu.memory_space<hbm>> -> memref<50000x32xf32, #tpu.memory_space<hbm>>
      tpu.enqueue_indirect_dma source(%dma_start3A_66 : memref<50000x32xf32, #tpu.memory_space<hbm>>) target(%dma_start3A_60 : memref<128x32xf32, #tpu.memory_space<vmem>>) offsets(%dma_start3A_63 : memref<128xi32, #tpu.memory_space<vmem>>) semaphore(%arg11 : memref<!tpu.dma_semaphore, #tpu.memory_space<semaphore_mem>>)
      %dma_wait3A_67 = arith.constant 0 : i32
      %dma_wait3A_68 = arith.constant 0 : i32
      %dma_wait3A_69 = arith.constant 0 : i32
      %dma_wait3A_70 = tpu.memref_slice %arg7[%dma_wait3A_68, %dma_wait3A_69] : memref<256x32xf32, #tpu.memory_space<vmem>> -> memref<128x32xf32, #tpu.memory_space<vmem>>
      %dma_wait3A_71 = arith.constant 0 : i32
      %dma_wait3A_72 = tpu.memref_slice %arg5[%dma_wait3A_67, %dma_wait3A_71] : memref<2x128xi32, #tpu.memory_space<vmem>> -> memref<1x128xi32, #tpu.memory_space<vmem>>
      %dma_wait3A_73 = tpu.memref_squeeze %dma_wait3A_72 : memref<1x128xi32, #tpu.memory_space<vmem>> -> memref<128xi32, #tpu.memory_space<vmem>>
      %dma_wait3A_74 = arith.constant 0 : i32
      %dma_wait3A_75 = arith.constant 0 : i32
      %dma_wait3A_76 = tpu.memref_slice %arg2[%dma_wait3A_74, %dma_wait3A_75] : memref<50000x32xf32, #tpu.memory_space<hbm>> -> memref<50000x32xf32, #tpu.memory_space<hbm>>
      tpu.wait_indirect_dma semaphore(%arg11 : memref<!tpu.dma_semaphore, #tpu.memory_space<semaphore_mem>>) src(%dma_wait3A_76 : memref<50000x32xf32, #tpu.memory_space<hbm>>) dst(%dma_wait3A_70 : memref<128x32xf32, #tpu.memory_space<vmem>>)
      %dma_wait3A_77 = arith.constant 1 : i32
      %dma_wait3A_78 = arith.constant 128 : i32
      %dma_wait3A_79 = arith.constant 0 : i32
      %dma_wait3A_80 = tpu.memref_slice %arg7[%dma_wait3A_78, %dma_wait3A_79] : memref<256x32xf32, #tpu.memory_space<vmem>> -> memref<128x32xf32, #tpu.memory_space<vmem>>
      %dma_wait3A_81 = arith.constant 0 : i32
      %dma_wait3A_82 = tpu.memref_slice %arg5[%dma_wait3A_77, %dma_wait3A_81] : memref<2x128xi32, #tpu.memory_space<vmem>> -> memref<1x128xi32, #tpu.memory_space<vmem>>
      %dma_wait3A_83 = tpu.memref_squeeze %dma_wait3A_82 : memref<1x128xi32, #tpu.memory_space<vmem>> -> memref<128xi32, #tpu.memory_space<vmem>>
      %dma_wait3A_84 = arith.constant 0 : i32
      %dma_wait3A_85 = arith.constant 0 : i32
      %dma_wait3A_86 = tpu.memref_slice %arg2[%dma_wait3A_84, %dma_wait3A_85] : memref<50000x32xf32, #tpu.memory_space<hbm>> -> memref<50000x32xf32, #tpu.memory_space<hbm>>
      tpu.wait_indirect_dma semaphore(%arg11 : memref<!tpu.dma_semaphore, #tpu.memory_space<semaphore_mem>>) src(%dma_wait3A_86 : memref<50000x32xf32, #tpu.memory_space<hbm>>) dst(%dma_wait3A_80 : memref<128x32xf32, #tpu.memory_space<vmem>>)
      %mul3A_87 = arith.constant 256 : i32
      %mul3A_88 = arith.muli %add3A_20, %mul3A_87 : i32
      %dma_start3A_89 = arith.constant 0 : i32
      %dma_start3A_90 = tpu.memref_slice %arg4[%mul3A_88, %dma_start3A_89] : memref<400128x32xf32, #tpu.memory_space<hbm>> -> memref<256x32xf32, #tpu.memory_space<hbm>>
      %dma_start3A_91 = arith.constant 0 : i32
      %dma_start3A_92 = tpu.memref_slice %arg4[%mul3A_88, %dma_start3A_91] : memref<400128x32xf32, #tpu.memory_space<hbm>> -> memref<256x32xf32, #tpu.memory_space<hbm>>
      tpu.enqueue_dma source(%arg7 : memref<256x32xf32, #tpu.memory_space<vmem>>) target(%dma_start3A_92 : memref<256x32xf32, #tpu.memory_space<hbm>>) target_semaphore(%arg12 : memref<!tpu.dma_semaphore, #tpu.memory_space<semaphore_mem>>)
    } else {
    }
    %mul3A_29 = arith.constant 256 : i32
    %mul3A_30 = arith.muli %add3A, %mul3A_29 : i32
    %dma_wait3A_31 = arith.constant 0 : i32
    %dma_wait3A_32 = tpu.memref_slice %arg4[%mul3A_30, %dma_wait3A_31] : memref<400128x32xf32, #tpu.memory_space<hbm>> -> memref<256x32xf32, #tpu.memory_space<hbm>>
    %dma_wait3A_33 = arith.constant 0 : i32
    %dma_wait3A_34 = tpu.memref_slice %arg4[%mul3A_30, %dma_wait3A_33] : memref<400128x32xf32, #tpu.memory_space<hbm>> -> memref<256x32xf32, #tpu.memory_space<hbm>>
    tpu.wait_dma2 semaphore(%arg12 : memref<!tpu.dma_semaphore, #tpu.memory_space<semaphore_mem>>) src(%arg7 : memref<256x32xf32, #tpu.memory_space<vmem>>) dst(%dma_wait3A_34 : memref<256x32xf32, #tpu.memory_space<hbm>>)
    %mul3A_35 = arith.constant 256 : i32
    %mul3A_36 = arith.muli %add3A, %mul3A_35 : i32
    %dma_wait3A_37 = arith.constant 0 : i32
    %dma_wait3A_38 = tpu.memref_slice %arg4[%mul3A_36, %dma_wait3A_37] : memref<400128x32xf32, #tpu.memory_space<hbm>> -> memref<256x32xf32, #tpu.memory_space<hbm>>
    %dma_wait3A_39 = arith.constant 0 : i32
    %dma_wait3A_40 = tpu.memref_slice %arg4[%mul3A_36, %dma_wait3A_39] : memref<400128x32xf32, #tpu.memory_space<hbm>> -> memref<256x32xf32, #tpu.memory_space<hbm>>
    tpu.wait_dma2 semaphore(%arg13 : memref<!tpu.dma_semaphore, #tpu.memory_space<semaphore_mem>>) src(%arg8 : memref<256x32xf32, #tpu.memory_space<vmem>>) dst(%dma_wait3A_40 : memref<256x32xf32, #tpu.memory_space<hbm>>)
    return
  }
}

module attributes {stable_mosaic.version = 14 : i64} {
  func.func @_repack_body(%arg0: i32, %arg1: memref<32x3200xf32, #tpu.memory_space<vmem>>, %arg2: memref<800x128xf32, #tpu.memory_space<vmem>>) attributes {dimension_semantics = [#tpu.dimension_semantics<arbitrary>], iteration_bounds = array<i64: 250>, scalar_prefetch = 0 : i64, scratch_operands = 0 : i64, tpu.core_type = #tpu.core_type<tc>, window_params = [{transform_indices = @transform_0, window_bounds = array<i64: 32, 3200>}, {transform_indices = @transform_1, window_bounds = array<i64: 800, 128>}]} {
    %get3A = arith.constant 0 : index
    %get3A_0 = arith.constant 0 : index
    %get3A_1 = vector.load %arg1[%get3A, %get3A_0] : memref<32x3200xf32, #tpu.memory_space<vmem>>, vector<32x3200xf32>
    %slice3A = vector.extract_strided_slice %get3A_1 {offsets = [0, 0], sizes = [32, 800], strides = [1, 1]} : vector<32x3200xf32> to vector<32x800xf32>
    %transpose3A = tpu.transpose %slice3A, [1, 0] : vector<32x800xf32> -> vector<800x32xf32>
    %slice3A_2 = vector.extract_strided_slice %get3A_1 {offsets = [0, 800], sizes = [32, 800], strides = [1, 1]} : vector<32x3200xf32> to vector<32x800xf32>
    %transpose3A_3 = tpu.transpose %slice3A_2, [1, 0] : vector<32x800xf32> -> vector<800x32xf32>
    %slice3A_4 = vector.extract_strided_slice %get3A_1 {offsets = [0, 1600], sizes = [32, 800], strides = [1, 1]} : vector<32x3200xf32> to vector<32x800xf32>
    %transpose3A_5 = tpu.transpose %slice3A_4, [1, 0] : vector<32x800xf32> -> vector<800x32xf32>
    %slice3A_6 = vector.extract_strided_slice %get3A_1 {offsets = [0, 2400], sizes = [32, 800], strides = [1, 1]} : vector<32x3200xf32> to vector<32x800xf32>
    %transpose3A_7 = tpu.transpose %slice3A_6, [1, 0] : vector<32x800xf32> -> vector<800x32xf32>
    %concatenate3A = tpu.concatenate %transpose3A, %transpose3A_3, %transpose3A_5, %transpose3A_7 in 1 : vector<800x32xf32>, vector<800x32xf32>, vector<800x32xf32>, vector<800x32xf32> -> vector<800x128xf32>
    %swap3A = arith.constant 0 : index
    %swap3A_8 = arith.constant 0 : index
    %swap3A_9 = vector.load %arg2[%swap3A, %swap3A_8] : memref<800x128xf32, #tpu.memory_space<vmem>>, vector<800x128xf32>
    tpu.vector_store %arg2[%swap3A, %swap3A_8], %concatenate3A {strides = array<i32>} : memref<800x128xf32, #tpu.memory_space<vmem>>, vector<800x128xf32>,
    return
  }
  func.func @transform_0(%arg0: i32) -> (i32, i32) {
    %c0_i32 = arith.constant 0 : i32
    %c0_i32_0 = arith.constant 0 : i32
    return %c0_i32, %arg0 : i32, i32
  }
  func.func @transform_1(%arg0: i32) -> (i32, i32) {
    %c0_i32 = arith.constant 0 : i32
    %c0_i32_0 = arith.constant 0 : i32
    return %arg0, %c0_i32 : i32, i32
  }
}

module attributes {stable_mosaic.version = 14 : i64} {
  func.func @_node_body(%arg0: i32, %arg1: memref<2x2000x32xf32, #tpu.memory_space<vmem>>, %arg2: memref<2x2000x16xf32, #tpu.memory_space<vmem>>, %arg3: memref<2000x32xf32, #tpu.memory_space<vmem>>, %arg4: memref<32x32xf32, #tpu.memory_space<vmem>>, %arg5: memref<1x32xf32, #tpu.memory_space<vmem>>, %arg6: memref<1x32xf32, #tpu.memory_space<vmem>>, %arg7: memref<1x32xf32, #tpu.memory_space<vmem>>, %arg8: memref<2000x32xf32, #tpu.memory_space<vmem>>) attributes {dimension_semantics = [#tpu.dimension_semantics<arbitrary>], iteration_bounds = array<i64: 25>, scalar_prefetch = 0 : i64, scratch_operands = 0 : i64, tpu.core_type = #tpu.core_type<tc>, window_params = [{transform_indices = @transform_0, window_bounds = array<i64: 2, 2000, 32>}, {transform_indices = @transform_1, window_bounds = array<i64: 2, 2000, 16>}, {transform_indices = @transform_2, window_bounds = array<i64: 2000, 32>}, {pipeline_mode = #tpu.pipeline_mode<synchronous>, transform_indices = @transform_3, window_bounds = array<i64: 32, 32>}, {pipeline_mode = #tpu.pipeline_mode<synchronous>, transform_indices = @transform_4, window_bounds = array<i64: 1, 32>}, {pipeline_mode = #tpu.pipeline_mode<synchronous>, transform_indices = @transform_5, window_bounds = array<i64: 1, 32>}, {pipeline_mode = #tpu.pipeline_mode<synchronous>, transform_indices = @transform_6, window_bounds = array<i64: 1, 32>}, {transform_indices = @transform_7, window_bounds = array<i64: 2000, 32>}]} {
    %get3A = arith.constant 0 : index
    %get3A_0 = arith.constant 0 : index
    %get3A_1 = arith.constant 0 : index
    %get3A_2 = vector.load %arg1[%get3A, %get3A_0, %get3A_1] : memref<2x2000x32xf32, #tpu.memory_space<vmem>>, vector<1x2000x32xf32>
    %get3A_3 = vector.shape_cast %get3A_2 : vector<1x2000x32xf32> to vector<2000x32xf32>
    %get3A_4 = arith.constant 1 : index
    %get3A_5 = arith.constant 0 : index
    %get3A_6 = arith.constant 0 : index
    %get3A_7 = vector.load %arg1[%get3A_4, %get3A_5, %get3A_6] : memref<2x2000x32xf32, #tpu.memory_space<vmem>>, vector<1x2000x32xf32>
    %get3A_8 = vector.shape_cast %get3A_7 : vector<1x2000x32xf32> to vector<2000x32xf32>
    %add3A = arith.addf %get3A_3, %get3A_8 : vector<2000x32xf32>
    %get3A_9 = arith.constant 0 : index
    %get3A_10 = arith.constant 0 : index
    %get3A_11 = arith.constant 0 : index
    %get3A_12 = vector.load %arg2[%get3A_9, %get3A_10, %get3A_11] : memref<2x2000x16xf32, #tpu.memory_space<vmem>>, vector<1x2000x1xf32>
    %get3A_13 = vector.shape_cast %get3A_12 : vector<1x2000x1xf32> to vector<2000x1xf32>
    %get3A_14 = arith.constant 1 : index
    %get3A_15 = arith.constant 0 : index
    %get3A_16 = arith.constant 0 : index
    %get3A_17 = vector.load %arg2[%get3A_14, %get3A_15, %get3A_16] : memref<2x2000x16xf32, #tpu.memory_space<vmem>>, vector<1x2000x1xf32>
    %get3A_18 = vector.shape_cast %get3A_17 : vector<1x2000x1xf32> to vector<2000x1xf32>
    %add3A_19 = arith.addf %get3A_13, %get3A_18 : vector<2000x1xf32>
    %get3A_20 = arith.constant 0 : index
    %get3A_21 = arith.constant 0 : index
    %get3A_22 = vector.load %arg4[%get3A_20, %get3A_21] : memref<32x32xf32, #tpu.memory_space<vmem>>, vector<32x32xf32>
    %dot_general3A = arith.constant dense<0.000000e+00> : vector<2000x32xf32>
    %dot_general3A_23 = tpu.matmul %add3A, %get3A_22, %dot_general3A {dimension_numbers = #tpu.dot_dimension_numbers<[1], [0], [0], [1], [0, 0, 1, 1], [], []>, transpose_lhs_hint = false} : vector<2000x32xf32>, vector<32x32xf32>, vector<2000x32xf32> -> vector<2000x32xf32>
    %get3A_24 = arith.constant 0 : index
    %get3A_25 = arith.constant 0 : index
    %get3A_26 = vector.load %arg5[%get3A_24, %get3A_25] : memref<1x32xf32, #tpu.memory_space<vmem>>, vector<1x32xf32>
    %mul3A = vector.broadcast %add3A_19 : vector<2000x1xf32> to vector<2000x32xf32>
    %mul3A_27 = vector.broadcast %get3A_26 : vector<1x32xf32> to vector<2000x32xf32>
    %mul3A_28 = arith.mulf %mul3A, %mul3A_27 : vector<2000x32xf32>
    %add3A_29 = arith.addf %dot_general3A_23, %mul3A_28 : vector<2000x32xf32>
    %get3A_30 = arith.constant 0 : index
    %get3A_31 = arith.constant 0 : index
    %get3A_32 = vector.load %arg3[%get3A_30, %get3A_31] : memref<2000x32xf32, #tpu.memory_space<vmem>>, vector<2000x32xf32>
    %max3A = arith.constant 1.000000e+00 : f32
    %max3A_33 = vector.broadcast %max3A : f32 to vector<2000x1xf32>
    %max3A_34 = arith.maximumf %add3A_19, %max3A_33 : vector<2000x1xf32>
    %div3A = vector.broadcast %max3A_34 : vector<2000x1xf32> to vector<2000x32xf32>
    %div3A_35 = arith.divf %add3A_29, %div3A : vector<2000x32xf32>
    %mul3A_36 = arith.mulf %get3A_32, %div3A_35 : vector<2000x32xf32>
    %reduce_sum3A = arith.constant dense<0.000000e+00> : vector<2000xf32>
    %reduce_sum3A_37 = vector.multi_reduction <add>, %mul3A_36, %reduce_sum3A [1] : vector<2000x32xf32> to vector<2000xf32>
    %broadcast_in_dim3A = vector.shape_cast %reduce_sum3A_37 : vector<2000xf32> to vector<2000x1xf32>
    %div3A_38 = arith.constant 3.200000e+01 : f32
    %div3A_39 = vector.broadcast %div3A_38 : f32 to vector<2000x1xf32>
    %div3A_40 = arith.divf %broadcast_in_dim3A, %div3A_39 : vector<2000x1xf32>
    %sub3A = vector.broadcast %div3A_40 : vector<2000x1xf32> to vector<2000x32xf32>
    %sub3A_41 = arith.subf %mul3A_36, %sub3A : vector<2000x32xf32>
    %integer_pow3A = arith.mulf %sub3A_41, %sub3A_41 : vector<2000x32xf32>
    %reduce_sum3A_42 = arith.constant dense<0.000000e+00> : vector<2000xf32>
    %reduce_sum3A_43 = vector.multi_reduction <add>, %integer_pow3A, %reduce_sum3A_42 [1] : vector<2000x32xf32> to vector<2000xf32>
    %broadcast_in_dim3A_44 = vector.shape_cast %reduce_sum3A_43 : vector<2000xf32> to vector<2000x1xf32>
    %div3A_45 = arith.constant 3.200000e+01 : f32
    %div3A_46 = vector.broadcast %div3A_45 : f32 to vector<2000x1xf32>
    %div3A_47 = arith.divf %broadcast_in_dim3A_44, %div3A_46 : vector<2000x1xf32>
    %sub3A_48 = vector.broadcast %div3A_40 : vector<2000x1xf32> to vector<2000x32xf32>
    %sub3A_49 = arith.subf %mul3A_36, %sub3A_48 : vector<2000x32xf32>
    %add3A_50 = arith.constant 9.99999974E-6 : f32
    %add3A_51 = vector.broadcast %add3A_50 : f32 to vector<2000x1xf32>
    %add3A_52 = arith.addf %div3A_47, %add3A_51 : vector<2000x1xf32>
    %rsqrt3A = math.rsqrt %add3A_52 : vector<2000x1xf32>
    %mul3A_53 = vector.broadcast %rsqrt3A : vector<2000x1xf32> to vector<2000x32xf32>
    %mul3A_54 = arith.mulf %sub3A_49, %mul3A_53 : vector<2000x32xf32>
    %get3A_55 = arith.constant 0 : index
    %get3A_56 = arith.constant 0 : index
    %get3A_57 = vector.load %arg6[%get3A_55, %get3A_56] : memref<1x32xf32, #tpu.memory_space<vmem>>, vector<1x32xf32>
    %mul3A_58 = vector.broadcast %get3A_57 : vector<1x32xf32> to vector<2000x32xf32>
    %mul3A_59 = arith.mulf %mul3A_54, %mul3A_58 : vector<2000x32xf32>
    %get3A_60 = arith.constant 0 : index
    %get3A_61 = arith.constant 0 : index
    %get3A_62 = vector.load %arg7[%get3A_60, %get3A_61] : memref<1x32xf32, #tpu.memory_space<vmem>>, vector<1x32xf32>
    %add3A_63 = vector.broadcast %get3A_62 : vector<1x32xf32> to vector<2000x32xf32>
    %add3A_64 = arith.addf %mul3A_59, %add3A_63 : vector<2000x32xf32>
    %mul3A_65 = arith.constant 0.89442718 : f32
    %mul3A_66 = vector.broadcast %mul3A_65 : f32 to vector<2000x32xf32>
    %mul3A_67 = arith.mulf %mul3A_66, %get3A_32 : vector<2000x32xf32>
    %mul3A_68 = arith.constant 4.472000e-01 : f32
    %mul3A_69 = vector.broadcast %mul3A_68 : f32 to vector<2000x32xf32>
    %mul3A_70 = arith.mulf %mul3A_69, %add3A_64 : vector<2000x32xf32>
    %add3A_71 = arith.addf %mul3A_67, %mul3A_70 : vector<2000x32xf32>
    %swap3A = arith.constant 0 : index
    %swap3A_72 = arith.constant 0 : index
    %swap3A_73 = vector.load %arg8[%swap3A, %swap3A_72] : memref<2000x32xf32, #tpu.memory_space<vmem>>, vector<2000x32xf32>
    tpu.vector_store %arg8[%swap3A, %swap3A_72], %add3A_71 {strides = array<i32>} : memref<2000x32xf32, #tpu.memory_space<vmem>>, vector<2000x32xf32>,
    return
  }
  func.func @transform_0(%arg0: i32) -> (i32, i32, i32) {
    %c0_i32 = arith.constant 0 : i32
    %c0_i32_0 = arith.constant 0 : i32
    %c0_i32_1 = arith.constant 0 : i32
    return %c0_i32, %arg0, %c0_i32_0 : i32, i32, i32
  }
  func.func @transform_1(%arg0: i32) -> (i32, i32, i32) {
    %c0_i32 = arith.constant 0 : i32
    %c0_i32_0 = arith.constant 0 : i32
    %c0_i32_1 = arith.constant 0 : i32
    return %c0_i32, %arg0, %c0_i32_0 : i32, i32, i32
  }
  func.func @transform_2(%arg0: i32) -> (i32, i32) {
    %c0_i32 = arith.constant 0 : i32
    %c0_i32_0 = arith.constant 0 : i32
    return %arg0, %c0_i32 : i32, i32
  }
  func.func @transform_3(%arg0: i32) -> (i32, i32) {
    %c0_i32 = arith.constant 0 : i32
    %c0_i32_0 = arith.constant 0 : i32
    %c0_i32_1 = arith.constant 0 : i32
    return %c0_i32, %c0_i32_0 : i32, i32
  }
  func.func @transform_4(%arg0: i32) -> (i32, i32) {
    %c0_i32 = arith.constant 0 : i32
    %c0_i32_0 = arith.constant 0 : i32
    %c0_i32_1 = arith.constant 0 : i32
    return %c0_i32, %c0_i32_0 : i32, i32
  }
  func.func @transform_5(%arg0: i32) -> (i32, i32) {
    %c0_i32 = arith.constant 0 : i32
    %c0_i32_0 = arith.constant 0 : i32
    %c0_i32_1 = arith.constant 0 : i32
    return %c0_i32, %c0_i32_0 : i32, i32
  }
  func.func @transform_6(%arg0: i32) -> (i32, i32) {
    %c0_i32 = arith.constant 0 : i32
    %c0_i32_0 = arith.constant 0 : i32
    %c0_i32_1 = arith.constant 0 : i32
    return %c0_i32, %c0_i32_0 : i32, i32
  }
  func.func @transform_7(%arg0: i32) -> (i32, i32) {
    %c0_i32 = arith.constant 0 : i32
    %c0_i32_0 = arith.constant 0 : i32
    return %arg0, %c0_i32 : i32, i32
  }
}

module attributes {stable_mosaic.version = 14 : i64} {
  func.func @_branch_body(%arg0: i32, %arg1: memref<800x128xf32, #tpu.memory_space<vmem>>, %arg2: memref<32x3200xf32, #tpu.memory_space<vmem>>, %arg3: memref<32x3200xf32, #tpu.memory_space<vmem>>, %arg4: memref<1x3200xf32, #tpu.memory_space<vmem>>, %arg5: memref<32x64xf32, #tpu.memory_space<vmem>>, %arg6: memref<32x64xf32, #tpu.memory_space<vmem>>, %arg7: memref<64x1xf32, #tpu.memory_space<vmem>>, %arg8: memref<64x32xf32, #tpu.memory_space<vmem>>, %arg9: memref<32x1xf32, #tpu.memory_space<vmem>>, %arg10: memref<32x64xf32, #tpu.memory_space<vmem>>, %arg11: memref<32x64xf32, #tpu.memory_space<vmem>>, %arg12: memref<64x1xf32, #tpu.memory_space<vmem>>, %arg13: memref<64x32xf32, #tpu.memory_space<vmem>>, %arg14: memref<32x1xf32, #tpu.memory_space<vmem>>, %arg15: memref<32x1xf32, #tpu.memory_space<vmem>>, %arg16: memref<32x1xf32, #tpu.memory_space<vmem>>, %arg17: memref<32x3200xf32, #tpu.memory_space<vmem>>, %arg18: memref<32x3200xf32, #tpu.memory_space<vmem>>) attributes {dimension_semantics = [#tpu.dimension_semantics<arbitrary>], iteration_bounds = array<i64: 250>, scalar_prefetch = 0 : i64, scratch_operands = 0 : i64, tpu.core_type = #tpu.core_type<tc>, window_params = [{transform_indices = @transform_0, window_bounds = array<i64: 800, 128>}, {transform_indices = @transform_1, window_bounds = array<i64: 32, 3200>}, {transform_indices = @transform_2, window_bounds = array<i64: 32, 3200>}, {transform_indices = @transform_3, window_bounds = array<i64: 1, 3200>}, {pipeline_mode = #tpu.pipeline_mode<synchronous>, transform_indices = @transform_4, window_bounds = array<i64: 32, 64>}, {pipeline_mode = #tpu.pipeline_mode<synchronous>, transform_indices = @transform_5, window_bounds = array<i64: 32, 64>}, {pipeline_mode = #tpu.pipeline_mode<synchronous>, transform_indices = @transform_6, window_bounds = array<i64: 64, 1>}, {pipeline_mode = #tpu.pipeline_mode<synchronous>, transform_indices = @transform_7, window_bounds = array<i64: 64, 32>}, {pipeline_mode = #tpu.pipeline_mode<synchronous>, transform_indices = @transform_8, window_bounds = array<i64: 32, 1>}, {pipeline_mode = #tpu.pipeline_mode<synchronous>, transform_indices = @transform_9, window_bounds = array<i64: 32, 64>}, {pipeline_mode = #tpu.pipeline_mode<synchronous>, transform_indices = @transform_10, window_bounds = array<i64: 32, 64>}, {pipeline_mode = #tpu.pipeline_mode<synchronous>, transform_indices = @transform_11, window_bounds = array<i64: 64, 1>}, {pipeline_mode = #tpu.pipeline_mode<synchronous>, transform_indices = @transform_12, window_bounds = array<i64: 64, 32>}, {pipeline_mode = #tpu.pipeline_mode<synchronous>, transform_indices = @transform_13, window_bounds = array<i64: 32, 1>}, {pipeline_mode = #tpu.pipeline_mode<synchronous>, transform_indices = @transform_14, window_bounds = array<i64: 32, 1>}, {pipeline_mode = #tpu.pipeline_mode<synchronous>, transform_indices = @transform_15, window_bounds = array<i64: 32, 1>}, {transform_indices = @transform_16, window_bounds = array<i64: 32, 3200>}, {transform_indices = @transform_17, window_bounds = array<i64: 32, 3200>}]} {
    %get3A = arith.constant 0 : index
    %get3A_0 = arith.constant 0 : index
    %get3A_1 = vector.load %arg1[%get3A, %get3A_0] : memref<800x128xf32, #tpu.memory_space<vmem>>, vector<800x128xf32>
    %iota3A = tpu.iota {dimensions = array<i32: 0>} : vector<32x32xi32>
    %iota3A_2 = tpu.iota {dimensions = array<i32: 1>} : vector<32x32xi32>
    %eq3A = arith.cmpi eq, %iota3A, %iota3A_2 : vector<32x32xi32>
    %convert_element_type3A = arith.extui %eq3A : vector<32x32xi1> to vector<32x32xi32>
    %convert_element_type3A_3 = arith.sitofp %convert_element_type3A : vector<32x32xi32> to vector<32x32xf32>
    %slice3A = vector.extract_strided_slice %get3A_1 {offsets = [0, 0], sizes = [800, 32], strides = [1, 1]} : vector<800x128xf32> to vector<800x32xf32>
    %dot_general3A = arith.constant dense<0.000000e+00> : vector<32x800xf32>
    %dot_general3A_4 = tpu.matmul %convert_element_type3A_3, %slice3A, %dot_general3A {dimension_numbers = #tpu.dot_dimension_numbers<[1], [1], [0], [0], [0, 0, 1, 0], [], []>, transpose_lhs_hint = false} : vector<32x32xf32>, vector<800x32xf32>, vector<32x800xf32> -> vector<32x800xf32>
    %slice3A_5 = vector.extract_strided_slice %get3A_1 {offsets = [0, 32], sizes = [800, 32], strides = [1, 1]} : vector<800x128xf32> to vector<800x32xf32>
    %dot_general3A_6 = arith.constant dense<0.000000e+00> : vector<32x800xf32>
    %dot_general3A_7 = tpu.matmul %convert_element_type3A_3, %slice3A_5, %dot_general3A_6 {dimension_numbers = #tpu.dot_dimension_numbers<[1], [1], [0], [0], [0, 0, 1, 0], [], []>, transpose_lhs_hint = false} : vector<32x32xf32>, vector<800x32xf32>, vector<32x800xf32> -> vector<32x800xf32>
    %slice3A_8 = vector.extract_strided_slice %get3A_1 {offsets = [0, 64], sizes = [800, 32], strides = [1, 1]} : vector<800x128xf32> to vector<800x32xf32>
    %dot_general3A_9 = arith.constant dense<0.000000e+00> : vector<32x800xf32>
    %dot_general3A_10 = tpu.matmul %convert_element_type3A_3, %slice3A_8, %dot_general3A_9 {dimension_numbers = #tpu.dot_dimension_numbers<[1], [1], [0], [0], [0, 0, 1, 0], [], []>, transpose_lhs_hint = false} : vector<32x32xf32>, vector<800x32xf32>, vector<32x800xf32> -> vector<32x800xf32>
    %slice3A_11 = vector.extract_strided_slice %get3A_1 {offsets = [0, 96], sizes = [800, 32], strides = [1, 1]} : vector<800x128xf32> to vector<800x32xf32>
    %dot_general3A_12 = arith.constant dense<0.000000e+00> : vector<32x800xf32>
    %dot_general3A_13 = tpu.matmul %convert_element_type3A_3, %slice3A_11, %dot_general3A_12 {dimension_numbers = #tpu.dot_dimension_numbers<[1], [1], [0], [0], [0, 0, 1, 0], [], []>, transpose_lhs_hint = false} : vector<32x32xf32>, vector<800x32xf32>, vector<32x800xf32> -> vector<32x800xf32>
    %concatenate3A = tpu.concatenate %dot_general3A_4, %dot_general3A_7, %dot_general3A_10, %dot_general3A_13 in 1 : vector<32x800xf32>, vector<32x800xf32>, vector<32x800xf32>, vector<32x800xf32> -> vector<32x3200xf32>
    %get3A_14 = arith.constant 0 : index
    %get3A_15 = arith.constant 0 : index
    %get3A_16 = vector.load %arg2[%get3A_14, %get3A_15] : memref<32x3200xf32, #tpu.memory_space<vmem>>, vector<32x3200xf32>
    %get3A_17 = arith.constant 0 : index
    %get3A_18 = arith.constant 0 : index
    %get3A_19 = vector.load %arg3[%get3A_17, %get3A_18] : memref<32x3200xf32, #tpu.memory_space<vmem>>, vector<32x3200xf32>
    %get3A_20 = arith.constant 0 : index
    %get3A_21 = arith.constant 0 : index
    %get3A_22 = vector.load %arg5[%get3A_20, %get3A_21] : memref<32x64xf32, #tpu.memory_space<vmem>>, vector<32x64xf32>
    %convert_element_type3A_23 = arith.truncf %get3A_22 : vector<32x64xf32> to vector<32x64xbf16>
    %convert_element_type3A_24 = arith.truncf %concatenate3A : vector<32x3200xf32> to vector<32x3200xbf16>
    %dot_general3A_25 = arith.constant dense<0.000000e+00> : vector<64x3200xf32>
    %dot_general3A_26 = tpu.matmul %convert_element_type3A_23, %convert_element_type3A_24, %dot_general3A_25 {dimension_numbers = #tpu.dot_dimension_numbers<[0], [0], [1], [1], [0, 1, 1, 1], [], []>, transpose_lhs_hint = false} : vector<32x64xbf16>, vector<32x3200xbf16>, vector<64x3200xf32> -> vector<64x3200xf32>
    %get3A_27 = arith.constant 0 : index
    %get3A_28 = arith.constant 0 : index
    %get3A_29 = vector.load %arg6[%get3A_27, %get3A_28] : memref<32x64xf32, #tpu.memory_space<vmem>>, vector<32x64xf32>
    %convert_element_type3A_30 = arith.truncf %get3A_29 : vector<32x64xf32> to vector<32x64xbf16>
    %convert_element_type3A_31 = arith.truncf %get3A_16 : vector<32x3200xf32> to vector<32x3200xbf16>
    %dot_general3A_32 = arith.constant dense<0.000000e+00> : vector<64x3200xf32>
    %dot_general3A_33 = tpu.matmul %convert_element_type3A_30, %convert_element_type3A_31, %dot_general3A_32 {dimension_numbers = #tpu.dot_dimension_numbers<[0], [0], [1], [1], [0, 1, 1, 1], [], []>, transpose_lhs_hint = false} : vector<32x64xbf16>, vector<32x3200xbf16>, vector<64x3200xf32> -> vector<64x3200xf32>
    %add3A = arith.addf %dot_general3A_26, %dot_general3A_33 : vector<64x3200xf32>
    %get3A_34 = arith.constant 0 : index
    %get3A_35 = arith.constant 0 : index
    %get3A_36 = vector.load %arg7[%get3A_34, %get3A_35] : memref<64x1xf32, #tpu.memory_space<vmem>>, vector<64x1xf32>
    %add3A_37 = vector.broadcast %get3A_36 : vector<64x1xf32> to vector<64x3200xf32>
    %add3A_38 = arith.addf %add3A, %add3A_37 : vector<64x3200xf32>
    %neg3A = arith.constant 0.000000e+00 : f32
    %neg3A_39 = vector.broadcast %neg3A : f32 to vector<64x3200xf32>
    %neg3A_40 = arith.subf %neg3A_39, %add3A_38 : vector<64x3200xf32>
    %exp3A = math.exp %neg3A_40 : vector<64x3200xf32>
    %add3A_41 = arith.constant 1.000000e+00 : f32
    %add3A_42 = vector.broadcast %add3A_41 : f32 to vector<64x3200xf32>
    %add3A_43 = arith.addf %add3A_42, %exp3A : vector<64x3200xf32>
    %div3A = arith.divf %add3A_38, %add3A_43 : vector<64x3200xf32>
    %get3A_44 = arith.constant 0 : index
    %get3A_45 = arith.constant 0 : index
    %get3A_46 = vector.load %arg8[%get3A_44, %get3A_45] : memref<64x32xf32, #tpu.memory_space<vmem>>, vector<64x32xf32>
    %convert_element_type3A_47 = arith.truncf %get3A_46 : vector<64x32xf32> to vector<64x32xbf16>
    %convert_element_type3A_48 = arith.truncf %div3A : vector<64x3200xf32> to vector<64x3200xbf16>
    %dot_general3A_49 = arith.constant dense<0.000000e+00> : vector<32x3200xf32>
    %dot_general3A_50 = tpu.matmul %convert_element_type3A_47, %convert_element_type3A_48, %dot_general3A_49 {dimension_numbers = #tpu.dot_dimension_numbers<[0], [0], [1], [1], [0, 1, 1, 1], [], []>, transpose_lhs_hint = false} : vector<64x32xbf16>, vector<64x3200xbf16>, vector<32x3200xf32> -> vector<32x3200xf32>
    %get3A_51 = arith.constant 0 : index
    %get3A_52 = arith.constant 0 : index
    %get3A_53 = vector.load %arg9[%get3A_51, %get3A_52] : memref<32x1xf32, #tpu.memory_space<vmem>>, vector<32x1xf32>
    %add3A_54 = vector.broadcast %get3A_53 : vector<32x1xf32> to vector<32x3200xf32>
    %add3A_55 = arith.addf %dot_general3A_50, %add3A_54 : vector<32x3200xf32>
    %swap3A = arith.constant 0 : index
    %swap3A_56 = arith.constant 0 : index
    %swap3A_57 = vector.load %arg17[%swap3A, %swap3A_56] : memref<32x3200xf32, #tpu.memory_space<vmem>>, vector<32x3200xf32>
    tpu.vector_store %arg17[%swap3A, %swap3A_56], %add3A_55 {strides = array<i32>} : memref<32x3200xf32, #tpu.memory_space<vmem>>, vector<32x3200xf32>,
    %get3A_58 = arith.constant 0 : index
    %get3A_59 = arith.constant 0 : index
    %get3A_60 = vector.load %arg10[%get3A_58, %get3A_59] : memref<32x64xf32, #tpu.memory_space<vmem>>, vector<32x64xf32>
    %convert_element_type3A_61 = arith.truncf %get3A_60 : vector<32x64xf32> to vector<32x64xbf16>
    %convert_element_type3A_62 = arith.truncf %get3A_19 : vector<32x3200xf32> to vector<32x3200xbf16>
    %dot_general3A_63 = arith.constant dense<0.000000e+00> : vector<64x3200xf32>
    %dot_general3A_64 = tpu.matmul %convert_element_type3A_61, %convert_element_type3A_62, %dot_general3A_63 {dimension_numbers = #tpu.dot_dimension_numbers<[0], [0], [1], [1], [0, 1, 1, 1], [], []>, transpose_lhs_hint = false} : vector<32x64xbf16>, vector<32x3200xbf16>, vector<64x3200xf32> -> vector<64x3200xf32>
    %get3A_65 = arith.constant 0 : index
    %get3A_66 = arith.constant 0 : index
    %get3A_67 = vector.load %arg11[%get3A_65, %get3A_66] : memref<32x64xf32, #tpu.memory_space<vmem>>, vector<32x64xf32>
    %convert_element_type3A_68 = arith.truncf %get3A_67 : vector<32x64xf32> to vector<32x64xbf16>
    %convert_element_type3A_69 = arith.truncf %add3A_55 : vector<32x3200xf32> to vector<32x3200xbf16>
    %dot_general3A_70 = arith.constant dense<0.000000e+00> : vector<64x3200xf32>
    %dot_general3A_71 = tpu.matmul %convert_element_type3A_68, %convert_element_type3A_69, %dot_general3A_70 {dimension_numbers = #tpu.dot_dimension_numbers<[0], [0], [1], [1], [0, 1, 1, 1], [], []>, transpose_lhs_hint = false} : vector<32x64xbf16>, vector<32x3200xbf16>, vector<64x3200xf32> -> vector<64x3200xf32>
    %add3A_72 = arith.addf %dot_general3A_64, %dot_general3A_71 : vector<64x3200xf32>
    %get3A_73 = arith.constant 0 : index
    %get3A_74 = arith.constant 0 : index
    %get3A_75 = vector.load %arg12[%get3A_73, %get3A_74] : memref<64x1xf32, #tpu.memory_space<vmem>>, vector<64x1xf32>
    %add3A_76 = vector.broadcast %get3A_75 : vector<64x1xf32> to vector<64x3200xf32>
    %add3A_77 = arith.addf %add3A_72, %add3A_76 : vector<64x3200xf32>
    %neg3A_78 = arith.constant 0.000000e+00 : f32
    %neg3A_79 = vector.broadcast %neg3A_78 : f32 to vector<64x3200xf32>
    %neg3A_80 = arith.subf %neg3A_79, %add3A_77 : vector<64x3200xf32>
    %exp3A_81 = math.exp %neg3A_80 : vector<64x3200xf32>
    %add3A_82 = arith.constant 1.000000e+00 : f32
    %add3A_83 = vector.broadcast %add3A_82 : f32 to vector<64x3200xf32>
    %add3A_84 = arith.addf %add3A_83, %exp3A_81 : vector<64x3200xf32>
    %div3A_85 = arith.divf %add3A_77, %add3A_84 : vector<64x3200xf32>
    %get3A_86 = arith.constant 0 : index
    %get3A_87 = arith.constant 0 : index
    %get3A_88 = vector.load %arg13[%get3A_86, %get3A_87] : memref<64x32xf32, #tpu.memory_space<vmem>>, vector<64x32xf32>
    %convert_element_type3A_89 = arith.truncf %get3A_88 : vector<64x32xf32> to vector<64x32xbf16>
    %convert_element_type3A_90 = arith.truncf %div3A_85 : vector<64x3200xf32> to vector<64x3200xbf16>
    %dot_general3A_91 = arith.constant dense<0.000000e+00> : vector<32x3200xf32>
    %dot_general3A_92 = tpu.matmul %convert_element_type3A_89, %convert_element_type3A_90, %dot_general3A_91 {dimension_numbers = #tpu.dot_dimension_numbers<[0], [0], [1], [1], [0, 1, 1, 1], [], []>, transpose_lhs_hint = false} : vector<64x32xbf16>, vector<64x3200xbf16>, vector<32x3200xf32> -> vector<32x3200xf32>
    %get3A_93 = arith.constant 0 : index
    %get3A_94 = arith.constant 0 : index
    %get3A_95 = vector.load %arg14[%get3A_93, %get3A_94] : memref<32x1xf32, #tpu.memory_space<vmem>>, vector<32x1xf32>
    %add3A_96 = vector.broadcast %get3A_95 : vector<32x1xf32> to vector<32x3200xf32>
    %add3A_97 = arith.addf %dot_general3A_92, %add3A_96 : vector<32x3200xf32>
    %reduce_sum3A = arith.constant dense<0.000000e+00> : vector<3200xf32>
    %reduce_sum3A_98 = vector.multi_reduction <add>, %add3A_97, %reduce_sum3A [0] : vector<32x3200xf32> to vector<3200xf32>
    %broadcast_in_dim3A = vector.shape_cast %reduce_sum3A_98 : vector<3200xf32> to vector<1x3200xf32>
    %div3A_99 = arith.constant 3.200000e+01 : f32
    %div3A_100 = vector.broadcast %div3A_99 : f32 to vector<1x3200xf32>
    %div3A_101 = arith.divf %broadcast_in_dim3A, %div3A_100 : vector<1x3200xf32>
    %sub3A = vector.broadcast %div3A_101 : vector<1x3200xf32> to vector<32x3200xf32>
    %sub3A_102 = arith.subf %add3A_97, %sub3A : vector<32x3200xf32>
    %integer_pow3A = arith.mulf %sub3A_102, %sub3A_102 : vector<32x3200xf32>
    %reduce_sum3A_103 = arith.constant dense<0.000000e+00> : vector<3200xf32>
    %reduce_sum3A_104 = vector.multi_reduction <add>, %integer_pow3A, %reduce_sum3A_103 [0] : vector<32x3200xf32> to vector<3200xf32>
    %broadcast_in_dim3A_105 = vector.shape_cast %reduce_sum3A_104 : vector<3200xf32> to vector<1x3200xf32>
    %div3A_106 = arith.constant 3.200000e+01 : f32
    %div3A_107 = vector.broadcast %div3A_106 : f32 to vector<1x3200xf32>
    %div3A_108 = arith.divf %broadcast_in_dim3A_105, %div3A_107 : vector<1x3200xf32>
    %sub3A_109 = vector.broadcast %div3A_101 : vector<1x3200xf32> to vector<32x3200xf32>
    %sub3A_110 = arith.subf %add3A_97, %sub3A_109 : vector<32x3200xf32>
    %add3A_111 = arith.constant 9.99999974E-6 : f32
    %add3A_112 = vector.broadcast %add3A_111 : f32 to vector<1x3200xf32>
    %add3A_113 = arith.addf %div3A_108, %add3A_112 : vector<1x3200xf32>
    %rsqrt3A = math.rsqrt %add3A_113 : vector<1x3200xf32>
    %mul3A = vector.broadcast %rsqrt3A : vector<1x3200xf32> to vector<32x3200xf32>
    %mul3A_114 = arith.mulf %sub3A_110, %mul3A : vector<32x3200xf32>
    %get3A_115 = arith.constant 0 : index
    %get3A_116 = arith.constant 0 : index
    %get3A_117 = vector.load %arg15[%get3A_115, %get3A_116] : memref<32x1xf32, #tpu.memory_space<vmem>>, vector<32x1xf32>
    %mul3A_118 = vector.broadcast %get3A_117 : vector<32x1xf32> to vector<32x3200xf32>
    %mul3A_119 = arith.mulf %mul3A_114, %mul3A_118 : vector<32x3200xf32>
    %get3A_120 = arith.constant 0 : index
    %get3A_121 = arith.constant 0 : index
    %get3A_122 = vector.load %arg16[%get3A_120, %get3A_121] : memref<32x1xf32, #tpu.memory_space<vmem>>, vector<32x1xf32>
    %add3A_123 = vector.broadcast %get3A_122 : vector<32x1xf32> to vector<32x3200xf32>
    %add3A_124 = arith.addf %mul3A_119, %add3A_123 : vector<32x3200xf32>
    %get3A_125 = arith.constant 0 : index
    %get3A_126 = arith.constant 0 : index
    %get3A_127 = vector.load %arg4[%get3A_125, %get3A_126] : memref<1x3200xf32, #tpu.memory_space<vmem>>, vector<1x3200xf32>
    %mul3A_128 = arith.constant 2.000000e-01 : f32
    %mul3A_129 = vector.broadcast %mul3A_128 : f32 to vector<1x3200xf32>
    %mul3A_130 = arith.mulf %get3A_127, %mul3A_129 : vector<1x3200xf32>
    %mul3A_131 = arith.mulf %mul3A_130, %mul3A_130 : vector<1x3200xf32>
    %mul3A_132 = arith.mulf %mul3A_131, %mul3A_130 : vector<1x3200xf32>
    %mul3A_133 = arith.mulf %mul3A_132, %mul3A_132 : vector<1x3200xf32>
    %mul3A_134 = arith.constant 2.800000e+01 : f32
    %mul3A_135 = vector.broadcast %mul3A_134 : f32 to vector<1x3200xf32>
    %mul3A_136 = arith.mulf %mul3A_135, %mul3A_133 : vector<1x3200xf32>
    %sub3A_137 = arith.constant 1.000000e+00 : f32
    %sub3A_138 = vector.broadcast %sub3A_137 : f32 to vector<1x3200xf32>
    %sub3A_139 = arith.subf %sub3A_138, %mul3A_136 : vector<1x3200xf32>
    %mul3A_140 = arith.constant 4.800000e+01 : f32
    %mul3A_141 = vector.broadcast %mul3A_140 : f32 to vector<1x3200xf32>
    %mul3A_142 = arith.mulf %mul3A_141, %mul3A_133 : vector<1x3200xf32>
    %mul3A_143 = arith.mulf %mul3A_142, %mul3A_130 : vector<1x3200xf32>
    %add3A_144 = arith.addf %sub3A_139, %mul3A_143 : vector<1x3200xf32>
    %mul3A_145 = arith.constant 2.100000e+01 : f32
    %mul3A_146 = vector.broadcast %mul3A_145 : f32 to vector<1x3200xf32>
    %mul3A_147 = arith.mulf %mul3A_146, %mul3A_133 : vector<1x3200xf32>
    %mul3A_148 = arith.mulf %mul3A_147, %mul3A_131 : vector<1x3200xf32>
    %sub3A_149 = arith.subf %add3A_144, %mul3A_148 : vector<1x3200xf32>
    %lt3A = arith.constant 5.000000e+00 : f32
    %lt3A_150 = vector.broadcast %lt3A : f32 to vector<1x3200xf32>
    %lt3A_151 = arith.cmpf olt, %get3A_127, %lt3A_150 : vector<1x3200xf32>
    %convert_element_type3A_152 = arith.extui %lt3A_151 : vector<1x3200xi1> to vector<1x3200xi32>
    %convert_element_type3A_153 = arith.sitofp %convert_element_type3A_152 : vector<1x3200xi32> to vector<1x3200xf32>
    %mul3A_154 = arith.mulf %sub3A_149, %convert_element_type3A_153 : vector<1x3200xf32>
    %mul3A_155 = arith.constant 0.89442718 : f32
    %mul3A_156 = vector.broadcast %mul3A_155 : f32 to vector<32x3200xf32>
    %mul3A_157 = arith.mulf %mul3A_156, %get3A_19 : vector<32x3200xf32>
    %mul3A_158 = arith.constant 4.472000e-01 : f32
    %mul3A_159 = vector.broadcast %mul3A_158 : f32 to vector<1x3200xf32>
    %mul3A_160 = arith.mulf %mul3A_159, %mul3A_154 : vector<1x3200xf32>
    %mul3A_161 = vector.broadcast %mul3A_160 : vector<1x3200xf32> to vector<32x3200xf32>
    %mul3A_162 = arith.mulf %mul3A_161, %add3A_124 : vector<32x3200xf32>
    %add3A_163 = arith.addf %mul3A_157, %mul3A_162 : vector<32x3200xf32>
    %swap3A_164 = arith.constant 0 : index
    %swap3A_165 = arith.constant 0 : index
    %swap3A_166 = vector.load %arg18[%swap3A_164, %swap3A_165] : memref<32x3200xf32, #tpu.memory_space<vmem>>, vector<32x3200xf32>
    tpu.vector_store %arg18[%swap3A_164, %swap3A_165], %add3A_163 {strides = array<i32>} : memref<32x3200xf32, #tpu.memory_space<vmem>>, vector<32x3200xf32>,
    return
  }
  func.func @transform_0(%arg0: i32) -> (i32, i32) {
    %c0_i32 = arith.constant 0 : i32
    %c0_i32_0 = arith.constant 0 : i32
    return %arg0, %c0_i32 : i32, i32
  }
  func.func @transform_1(%arg0: i32) -> (i32, i32) {
    %c0_i32 = arith.constant 0 : i32
    %c0_i32_0 = arith.constant 0 : i32
    return %c0_i32, %arg0 : i32, i32
  }
  func.func @transform_2(%arg0: i32) -> (i32, i32) {
    %c0_i32 = arith.constant 0 : i32
    %c0_i32_0 = arith.constant 0 : i32
    return %c0_i32, %arg0 : i32, i32
  }
  func.func @transform_3(%arg0: i32) -> (i32, i32) {
    %c0_i32 = arith.constant 0 : i32
    %c0_i32_0 = arith.constant 0 : i32
    return %c0_i32, %arg0 : i32, i32
  }
  func.func @transform_4(%arg0: i32) -> (i32, i32) {
    %c0_i32 = arith.constant 0 : i32
    %c0_i32_0 = arith.constant 0 : i32
    %c0_i32_1 = arith.constant 0 : i32
    return %c0_i32, %c0_i32_0 : i32, i32
  }
  func.func @transform_5(%arg0: i32) -> (i32, i32) {
    %c0_i32 = arith.constant 0 : i32
    %c0_i32_0 = arith.constant 0 : i32
    %c0_i32_1 = arith.constant 0 : i32
    return %c0_i32, %c0_i32_0 : i32, i32
  }
  func.func @transform_6(%arg0: i32) -> (i32, i32) {
    %c0_i32 = arith.constant 0 : i32
    %c0_i32_0 = arith.constant 0 : i32
    %c0_i32_1 = arith.constant 0 : i32
    return %c0_i32, %c0_i32_0 : i32, i32
  }
  func.func @transform_7(%arg0: i32) -> (i32, i32) {
    %c0_i32 = arith.constant 0 : i32
    %c0_i32_0 = arith.constant 0 : i32
    %c0_i32_1 = arith.constant 0 : i32
    return %c0_i32, %c0_i32_0 : i32, i32
  }
  func.func @transform_8(%arg0: i32) -> (i32, i32) {
    %c0_i32 = arith.constant 0 : i32
    %c0_i32_0 = arith.constant 0 : i32
    %c0_i32_1 = arith.constant 0 : i32
    return %c0_i32, %c0_i32_0 : i32, i32
  }
  func.func @transform_9(%arg0: i32) -> (i32, i32) {
    %c0_i32 = arith.constant 0 : i32
    %c0_i32_0 = arith.constant 0 : i32
    %c0_i32_1 = arith.constant 0 : i32
    return %c0_i32, %c0_i32_0 : i32, i32
  }
  func.func @transform_10(%arg0: i32) -> (i32, i32) {
    %c0_i32 = arith.constant 0 : i32
    %c0_i32_0 = arith.constant 0 : i32
    %c0_i32_1 = arith.constant 0 : i32
    return %c0_i32, %c0_i32_0 : i32, i32
  }
  func.func @transform_11(%arg0: i32) -> (i32, i32) {
    %c0_i32 = arith.constant 0 : i32
    %c0_i32_0 = arith.constant 0 : i32
    %c0_i32_1 = arith.constant 0 : i32
    return %c0_i32, %c0_i32_0 : i32, i32
  }
  func.func @transform_12(%arg0: i32) -> (i32, i32) {
    %c0_i32 = arith.constant 0 : i32
    %c0_i32_0 = arith.constant 0 : i32
    %c0_i32_1 = arith.constant 0 : i32
    return %c0_i32, %c0_i32_0 : i32, i32
  }
  func.func @transform_13(%arg0: i32) -> (i32, i32) {
    %c0_i32 = arith.constant 0 : i32
    %c0_i32_0 = arith.constant 0 : i32
    %c0_i32_1 = arith.constant 0 : i32
    return %c0_i32, %c0_i32_0 : i32, i32
  }
  func.func @transform_14(%arg0: i32) -> (i32, i32) {
    %c0_i32 = arith.constant 0 : i32
    %c0_i32_0 = arith.constant 0 : i32
    %c0_i32_1 = arith.constant 0 : i32
    return %c0_i32, %c0_i32_0 : i32, i32
  }
  func.func @transform_15(%arg0: i32) -> (i32, i32) {
    %c0_i32 = arith.constant 0 : i32
    %c0_i32_0 = arith.constant 0 : i32
    %c0_i32_1 = arith.constant 0 : i32
    return %c0_i32, %c0_i32_0 : i32, i32
  }
  func.func @transform_16(%arg0: i32) -> (i32, i32) {
    %c0_i32 = arith.constant 0 : i32
    %c0_i32_0 = arith.constant 0 : i32
    return %c0_i32, %arg0 : i32, i32
  }
  func.func @transform_17(%arg0: i32) -> (i32, i32) {
    %c0_i32 = arith.constant 0 : i32
    %c0_i32_0 = arith.constant 0 : i32
    return %c0_i32, %arg0 : i32, i32
  }
}

module attributes {stable_mosaic.version = 14 : i64} {
  func.func @_branch_body(%arg0: i32, %arg1: memref<800x128xf32, #tpu.memory_space<vmem>>, %arg2: memref<32x3200xf32, #tpu.memory_space<vmem>>, %arg3: memref<32x3200xf32, #tpu.memory_space<vmem>>, %arg4: memref<1x3200xf32, #tpu.memory_space<vmem>>, %arg5: memref<32x64xf32, #tpu.memory_space<vmem>>, %arg6: memref<32x64xf32, #tpu.memory_space<vmem>>, %arg7: memref<64x1xf32, #tpu.memory_space<vmem>>, %arg8: memref<64x32xf32, #tpu.memory_space<vmem>>, %arg9: memref<32x1xf32, #tpu.memory_space<vmem>>, %arg10: memref<32x64xf32, #tpu.memory_space<vmem>>, %arg11: memref<32x64xf32, #tpu.memory_space<vmem>>, %arg12: memref<64x1xf32, #tpu.memory_space<vmem>>, %arg13: memref<64x32xf32, #tpu.memory_space<vmem>>, %arg14: memref<32x1xf32, #tpu.memory_space<vmem>>, %arg15: memref<32x1xf32, #tpu.memory_space<vmem>>, %arg16: memref<32x1xf32, #tpu.memory_space<vmem>>, %arg17: memref<32x3200xf32, #tpu.memory_space<vmem>>, %arg18: memref<32x3200xf32, #tpu.memory_space<vmem>>) attributes {dimension_semantics = [#tpu.dimension_semantics<arbitrary>], iteration_bounds = array<i64: 125>, scalar_prefetch = 0 : i64, scratch_operands = 0 : i64, tpu.core_type = #tpu.core_type<tc>, window_params = [{transform_indices = @transform_0, window_bounds = array<i64: 800, 128>}, {transform_indices = @transform_1, window_bounds = array<i64: 32, 3200>}, {transform_indices = @transform_2, window_bounds = array<i64: 32, 3200>}, {transform_indices = @transform_3, window_bounds = array<i64: 1, 3200>}, {pipeline_mode = #tpu.pipeline_mode<synchronous>, transform_indices = @transform_4, window_bounds = array<i64: 32, 64>}, {pipeline_mode = #tpu.pipeline_mode<synchronous>, transform_indices = @transform_5, window_bounds = array<i64: 32, 64>}, {pipeline_mode = #tpu.pipeline_mode<synchronous>, transform_indices = @transform_6, window_bounds = array<i64: 64, 1>}, {pipeline_mode = #tpu.pipeline_mode<synchronous>, transform_indices = @transform_7, window_bounds = array<i64: 64, 32>}, {pipeline_mode = #tpu.pipeline_mode<synchronous>, transform_indices = @transform_8, window_bounds = array<i64: 32, 1>}, {pipeline_mode = #tpu.pipeline_mode<synchronous>, transform_indices = @transform_9, window_bounds = array<i64: 32, 64>}, {pipeline_mode = #tpu.pipeline_mode<synchronous>, transform_indices = @transform_10, window_bounds = array<i64: 32, 64>}, {pipeline_mode = #tpu.pipeline_mode<synchronous>, transform_indices = @transform_11, window_bounds = array<i64: 64, 1>}, {pipeline_mode = #tpu.pipeline_mode<synchronous>, transform_indices = @transform_12, window_bounds = array<i64: 64, 32>}, {pipeline_mode = #tpu.pipeline_mode<synchronous>, transform_indices = @transform_13, window_bounds = array<i64: 32, 1>}, {pipeline_mode = #tpu.pipeline_mode<synchronous>, transform_indices = @transform_14, window_bounds = array<i64: 32, 1>}, {pipeline_mode = #tpu.pipeline_mode<synchronous>, transform_indices = @transform_15, window_bounds = array<i64: 32, 1>}, {transform_indices = @transform_16, window_bounds = array<i64: 32, 3200>}, {transform_indices = @transform_17, window_bounds = array<i64: 32, 3200>}]} {
    %get3A = arith.constant 0 : index
    %get3A_0 = arith.constant 0 : index
    %get3A_1 = vector.load %arg1[%get3A, %get3A_0] : memref<800x128xf32, #tpu.memory_space<vmem>>, vector<800x128xf32>
    %iota3A = tpu.iota {dimensions = array<i32: 0>} : vector<32x32xi32>
    %iota3A_2 = tpu.iota {dimensions = array<i32: 1>} : vector<32x32xi32>
    %eq3A = arith.cmpi eq, %iota3A, %iota3A_2 : vector<32x32xi32>
    %convert_element_type3A = arith.extui %eq3A : vector<32x32xi1> to vector<32x32xi32>
    %convert_element_type3A_3 = arith.sitofp %convert_element_type3A : vector<32x32xi32> to vector<32x32xf32>
    %slice3A = vector.extract_strided_slice %get3A_1 {offsets = [0, 0], sizes = [800, 32], strides = [1, 1]} : vector<800x128xf32> to vector<800x32xf32>
    %dot_general3A = arith.constant dense<0.000000e+00> : vector<32x800xf32>
    %dot_general3A_4 = tpu.matmul %convert_element_type3A_3, %slice3A, %dot_general3A {dimension_numbers = #tpu.dot_dimension_numbers<[1], [1], [0], [0], [0, 0, 1, 0], [], []>, transpose_lhs_hint = false} : vector<32x32xf32>, vector<800x32xf32>, vector<32x800xf32> -> vector<32x800xf32>
    %slice3A_5 = vector.extract_strided_slice %get3A_1 {offsets = [0, 32], sizes = [800, 32], strides = [1, 1]} : vector<800x128xf32> to vector<800x32xf32>
    %dot_general3A_6 = arith.constant dense<0.000000e+00> : vector<32x800xf32>
    %dot_general3A_7 = tpu.matmul %convert_element_type3A_3, %slice3A_5, %dot_general3A_6 {dimension_numbers = #tpu.dot_dimension_numbers<[1], [1], [0], [0], [0, 0, 1, 0], [], []>, transpose_lhs_hint = false} : vector<32x32xf32>, vector<800x32xf32>, vector<32x800xf32> -> vector<32x800xf32>
    %slice3A_8 = vector.extract_strided_slice %get3A_1 {offsets = [0, 64], sizes = [800, 32], strides = [1, 1]} : vector<800x128xf32> to vector<800x32xf32>
    %dot_general3A_9 = arith.constant dense<0.000000e+00> : vector<32x800xf32>
    %dot_general3A_10 = tpu.matmul %convert_element_type3A_3, %slice3A_8, %dot_general3A_9 {dimension_numbers = #tpu.dot_dimension_numbers<[1], [1], [0], [0], [0, 0, 1, 0], [], []>, transpose_lhs_hint = false} : vector<32x32xf32>, vector<800x32xf32>, vector<32x800xf32> -> vector<32x800xf32>
    %slice3A_11 = vector.extract_strided_slice %get3A_1 {offsets = [0, 96], sizes = [800, 32], strides = [1, 1]} : vector<800x128xf32> to vector<800x32xf32>
    %dot_general3A_12 = arith.constant dense<0.000000e+00> : vector<32x800xf32>
    %dot_general3A_13 = tpu.matmul %convert_element_type3A_3, %slice3A_11, %dot_general3A_12 {dimension_numbers = #tpu.dot_dimension_numbers<[1], [1], [0], [0], [0, 0, 1, 0], [], []>, transpose_lhs_hint = false} : vector<32x32xf32>, vector<800x32xf32>, vector<32x800xf32> -> vector<32x800xf32>
    %concatenate3A = tpu.concatenate %dot_general3A_4, %dot_general3A_7, %dot_general3A_10, %dot_general3A_13 in 1 : vector<32x800xf32>, vector<32x800xf32>, vector<32x800xf32>, vector<32x800xf32> -> vector<32x3200xf32>
    %get3A_14 = arith.constant 0 : index
    %get3A_15 = arith.constant 0 : index
    %get3A_16 = vector.load %arg2[%get3A_14, %get3A_15] : memref<32x3200xf32, #tpu.memory_space<vmem>>, vector<32x3200xf32>
    %get3A_17 = arith.constant 0 : index
    %get3A_18 = arith.constant 0 : index
    %get3A_19 = vector.load %arg3[%get3A_17, %get3A_18] : memref<32x3200xf32, #tpu.memory_space<vmem>>, vector<32x3200xf32>
    %get3A_20 = arith.constant 0 : index
    %get3A_21 = arith.constant 0 : index
    %get3A_22 = vector.load %arg5[%get3A_20, %get3A_21] : memref<32x64xf32, #tpu.memory_space<vmem>>, vector<32x64xf32>
    %convert_element_type3A_23 = arith.truncf %get3A_22 : vector<32x64xf32> to vector<32x64xbf16>
    %convert_element_type3A_24 = arith.truncf %concatenate3A : vector<32x3200xf32> to vector<32x3200xbf16>
    %dot_general3A_25 = arith.constant dense<0.000000e+00> : vector<64x3200xf32>
    %dot_general3A_26 = tpu.matmul %convert_element_type3A_23, %convert_element_type3A_24, %dot_general3A_25 {dimension_numbers = #tpu.dot_dimension_numbers<[0], [0], [1], [1], [0, 1, 1, 1], [], []>, transpose_lhs_hint = false} : vector<32x64xbf16>, vector<32x3200xbf16>, vector<64x3200xf32> -> vector<64x3200xf32>
    %get3A_27 = arith.constant 0 : index
    %get3A_28 = arith.constant 0 : index
    %get3A_29 = vector.load %arg6[%get3A_27, %get3A_28] : memref<32x64xf32, #tpu.memory_space<vmem>>, vector<32x64xf32>
    %convert_element_type3A_30 = arith.truncf %get3A_29 : vector<32x64xf32> to vector<32x64xbf16>
    %convert_element_type3A_31 = arith.truncf %get3A_16 : vector<32x3200xf32> to vector<32x3200xbf16>
    %dot_general3A_32 = arith.constant dense<0.000000e+00> : vector<64x3200xf32>
    %dot_general3A_33 = tpu.matmul %convert_element_type3A_30, %convert_element_type3A_31, %dot_general3A_32 {dimension_numbers = #tpu.dot_dimension_numbers<[0], [0], [1], [1], [0, 1, 1, 1], [], []>, transpose_lhs_hint = false} : vector<32x64xbf16>, vector<32x3200xbf16>, vector<64x3200xf32> -> vector<64x3200xf32>
    %add3A = arith.addf %dot_general3A_26, %dot_general3A_33 : vector<64x3200xf32>
    %get3A_34 = arith.constant 0 : index
    %get3A_35 = arith.constant 0 : index
    %get3A_36 = vector.load %arg7[%get3A_34, %get3A_35] : memref<64x1xf32, #tpu.memory_space<vmem>>, vector<64x1xf32>
    %add3A_37 = vector.broadcast %get3A_36 : vector<64x1xf32> to vector<64x3200xf32>
    %add3A_38 = arith.addf %add3A, %add3A_37 : vector<64x3200xf32>
    %neg3A = arith.constant 0.000000e+00 : f32
    %neg3A_39 = vector.broadcast %neg3A : f32 to vector<64x3200xf32>
    %neg3A_40 = arith.subf %neg3A_39, %add3A_38 : vector<64x3200xf32>
    %exp3A = math.exp %neg3A_40 : vector<64x3200xf32>
    %add3A_41 = arith.constant 1.000000e+00 : f32
    %add3A_42 = vector.broadcast %add3A_41 : f32 to vector<64x3200xf32>
    %add3A_43 = arith.addf %add3A_42, %exp3A : vector<64x3200xf32>
    %div3A = arith.divf %add3A_38, %add3A_43 : vector<64x3200xf32>
    %get3A_44 = arith.constant 0 : index
    %get3A_45 = arith.constant 0 : index
    %get3A_46 = vector.load %arg8[%get3A_44, %get3A_45] : memref<64x32xf32, #tpu.memory_space<vmem>>, vector<64x32xf32>
    %convert_element_type3A_47 = arith.truncf %get3A_46 : vector<64x32xf32> to vector<64x32xbf16>
    %convert_element_type3A_48 = arith.truncf %div3A : vector<64x3200xf32> to vector<64x3200xbf16>
    %dot_general3A_49 = arith.constant dense<0.000000e+00> : vector<32x3200xf32>
    %dot_general3A_50 = tpu.matmul %convert_element_type3A_47, %convert_element_type3A_48, %dot_general3A_49 {dimension_numbers = #tpu.dot_dimension_numbers<[0], [0], [1], [1], [0, 1, 1, 1], [], []>, transpose_lhs_hint = false} : vector<64x32xbf16>, vector<64x3200xbf16>, vector<32x3200xf32> -> vector<32x3200xf32>
    %get3A_51 = arith.constant 0 : index
    %get3A_52 = arith.constant 0 : index
    %get3A_53 = vector.load %arg9[%get3A_51, %get3A_52] : memref<32x1xf32, #tpu.memory_space<vmem>>, vector<32x1xf32>
    %add3A_54 = vector.broadcast %get3A_53 : vector<32x1xf32> to vector<32x3200xf32>
    %add3A_55 = arith.addf %dot_general3A_50, %add3A_54 : vector<32x3200xf32>
    %swap3A = arith.constant 0 : index
    %swap3A_56 = arith.constant 0 : index
    %swap3A_57 = vector.load %arg17[%swap3A, %swap3A_56] : memref<32x3200xf32, #tpu.memory_space<vmem>>, vector<32x3200xf32>
    tpu.vector_store %arg17[%swap3A, %swap3A_56], %add3A_55 {strides = array<i32>} : memref<32x3200xf32, #tpu.memory_space<vmem>>, vector<32x3200xf32>,
    %get3A_58 = arith.constant 0 : index
    %get3A_59 = arith.constant 0 : index
    %get3A_60 = vector.load %arg10[%get3A_58, %get3A_59] : memref<32x64xf32, #tpu.memory_space<vmem>>, vector<32x64xf32>
    %convert_element_type3A_61 = arith.truncf %get3A_60 : vector<32x64xf32> to vector<32x64xbf16>
    %convert_element_type3A_62 = arith.truncf %get3A_19 : vector<32x3200xf32> to vector<32x3200xbf16>
    %dot_general3A_63 = arith.constant dense<0.000000e+00> : vector<64x3200xf32>
    %dot_general3A_64 = tpu.matmul %convert_element_type3A_61, %convert_element_type3A_62, %dot_general3A_63 {dimension_numbers = #tpu.dot_dimension_numbers<[0], [0], [1], [1], [0, 1, 1, 1], [], []>, transpose_lhs_hint = false} : vector<32x64xbf16>, vector<32x3200xbf16>, vector<64x3200xf32> -> vector<64x3200xf32>
    %get3A_65 = arith.constant 0 : index
    %get3A_66 = arith.constant 0 : index
    %get3A_67 = vector.load %arg11[%get3A_65, %get3A_66] : memref<32x64xf32, #tpu.memory_space<vmem>>, vector<32x64xf32>
    %convert_element_type3A_68 = arith.truncf %get3A_67 : vector<32x64xf32> to vector<32x64xbf16>
    %convert_element_type3A_69 = arith.truncf %add3A_55 : vector<32x3200xf32> to vector<32x3200xbf16>
    %dot_general3A_70 = arith.constant dense<0.000000e+00> : vector<64x3200xf32>
    %dot_general3A_71 = tpu.matmul %convert_element_type3A_68, %convert_element_type3A_69, %dot_general3A_70 {dimension_numbers = #tpu.dot_dimension_numbers<[0], [0], [1], [1], [0, 1, 1, 1], [], []>, transpose_lhs_hint = false} : vector<32x64xbf16>, vector<32x3200xbf16>, vector<64x3200xf32> -> vector<64x3200xf32>
    %add3A_72 = arith.addf %dot_general3A_64, %dot_general3A_71 : vector<64x3200xf32>
    %get3A_73 = arith.constant 0 : index
    %get3A_74 = arith.constant 0 : index
    %get3A_75 = vector.load %arg12[%get3A_73, %get3A_74] : memref<64x1xf32, #tpu.memory_space<vmem>>, vector<64x1xf32>
    %add3A_76 = vector.broadcast %get3A_75 : vector<64x1xf32> to vector<64x3200xf32>
    %add3A_77 = arith.addf %add3A_72, %add3A_76 : vector<64x3200xf32>
    %neg3A_78 = arith.constant 0.000000e+00 : f32
    %neg3A_79 = vector.broadcast %neg3A_78 : f32 to vector<64x3200xf32>
    %neg3A_80 = arith.subf %neg3A_79, %add3A_77 : vector<64x3200xf32>
    %exp3A_81 = math.exp %neg3A_80 : vector<64x3200xf32>
    %add3A_82 = arith.constant 1.000000e+00 : f32
    %add3A_83 = vector.broadcast %add3A_82 : f32 to vector<64x3200xf32>
    %add3A_84 = arith.addf %add3A_83, %exp3A_81 : vector<64x3200xf32>
    %div3A_85 = arith.divf %add3A_77, %add3A_84 : vector<64x3200xf32>
    %get3A_86 = arith.constant 0 : index
    %get3A_87 = arith.constant 0 : index
    %get3A_88 = vector.load %arg13[%get3A_86, %get3A_87] : memref<64x32xf32, #tpu.memory_space<vmem>>, vector<64x32xf32>
    %convert_element_type3A_89 = arith.truncf %get3A_88 : vector<64x32xf32> to vector<64x32xbf16>
    %convert_element_type3A_90 = arith.truncf %div3A_85 : vector<64x3200xf32> to vector<64x3200xbf16>
    %dot_general3A_91 = arith.constant dense<0.000000e+00> : vector<32x3200xf32>
    %dot_general3A_92 = tpu.matmul %convert_element_type3A_89, %convert_element_type3A_90, %dot_general3A_91 {dimension_numbers = #tpu.dot_dimension_numbers<[0], [0], [1], [1], [0, 1, 1, 1], [], []>, transpose_lhs_hint = false} : vector<64x32xbf16>, vector<64x3200xbf16>, vector<32x3200xf32> -> vector<32x3200xf32>
    %get3A_93 = arith.constant 0 : index
    %get3A_94 = arith.constant 0 : index
    %get3A_95 = vector.load %arg14[%get3A_93, %get3A_94] : memref<32x1xf32, #tpu.memory_space<vmem>>, vector<32x1xf32>
    %add3A_96 = vector.broadcast %get3A_95 : vector<32x1xf32> to vector<32x3200xf32>
    %add3A_97 = arith.addf %dot_general3A_92, %add3A_96 : vector<32x3200xf32>
    %reduce_sum3A = arith.constant dense<0.000000e+00> : vector<3200xf32>
    %reduce_sum3A_98 = vector.multi_reduction <add>, %add3A_97, %reduce_sum3A [0] : vector<32x3200xf32> to vector<3200xf32>
    %broadcast_in_dim3A = vector.shape_cast %reduce_sum3A_98 : vector<3200xf32> to vector<1x3200xf32>
    %div3A_99 = arith.constant 3.200000e+01 : f32
    %div3A_100 = vector.broadcast %div3A_99 : f32 to vector<1x3200xf32>
    %div3A_101 = arith.divf %broadcast_in_dim3A, %div3A_100 : vector<1x3200xf32>
    %sub3A = vector.broadcast %div3A_101 : vector<1x3200xf32> to vector<32x3200xf32>
    %sub3A_102 = arith.subf %add3A_97, %sub3A : vector<32x3200xf32>
    %integer_pow3A = arith.mulf %sub3A_102, %sub3A_102 : vector<32x3200xf32>
    %reduce_sum3A_103 = arith.constant dense<0.000000e+00> : vector<3200xf32>
    %reduce_sum3A_104 = vector.multi_reduction <add>, %integer_pow3A, %reduce_sum3A_103 [0] : vector<32x3200xf32> to vector<3200xf32>
    %broadcast_in_dim3A_105 = vector.shape_cast %reduce_sum3A_104 : vector<3200xf32> to vector<1x3200xf32>
    %div3A_106 = arith.constant 3.200000e+01 : f32
    %div3A_107 = vector.broadcast %div3A_106 : f32 to vector<1x3200xf32>
    %div3A_108 = arith.divf %broadcast_in_dim3A_105, %div3A_107 : vector<1x3200xf32>
    %sub3A_109 = vector.broadcast %div3A_101 : vector<1x3200xf32> to vector<32x3200xf32>
    %sub3A_110 = arith.subf %add3A_97, %sub3A_109 : vector<32x3200xf32>
    %add3A_111 = arith.constant 9.99999974E-6 : f32
    %add3A_112 = vector.broadcast %add3A_111 : f32 to vector<1x3200xf32>
    %add3A_113 = arith.addf %div3A_108, %add3A_112 : vector<1x3200xf32>
    %rsqrt3A = math.rsqrt %add3A_113 : vector<1x3200xf32>
    %mul3A = vector.broadcast %rsqrt3A : vector<1x3200xf32> to vector<32x3200xf32>
    %mul3A_114 = arith.mulf %sub3A_110, %mul3A : vector<32x3200xf32>
    %get3A_115 = arith.constant 0 : index
    %get3A_116 = arith.constant 0 : index
    %get3A_117 = vector.load %arg15[%get3A_115, %get3A_116] : memref<32x1xf32, #tpu.memory_space<vmem>>, vector<32x1xf32>
    %mul3A_118 = vector.broadcast %get3A_117 : vector<32x1xf32> to vector<32x3200xf32>
    %mul3A_119 = arith.mulf %mul3A_114, %mul3A_118 : vector<32x3200xf32>
    %get3A_120 = arith.constant 0 : index
    %get3A_121 = arith.constant 0 : index
    %get3A_122 = vector.load %arg16[%get3A_120, %get3A_121] : memref<32x1xf32, #tpu.memory_space<vmem>>, vector<32x1xf32>
    %add3A_123 = vector.broadcast %get3A_122 : vector<32x1xf32> to vector<32x3200xf32>
    %add3A_124 = arith.addf %mul3A_119, %add3A_123 : vector<32x3200xf32>
    %get3A_125 = arith.constant 0 : index
    %get3A_126 = arith.constant 0 : index
    %get3A_127 = vector.load %arg4[%get3A_125, %get3A_126] : memref<1x3200xf32, #tpu.memory_space<vmem>>, vector<1x3200xf32>
    %mul3A_128 = arith.constant 2.000000e-01 : f32
    %mul3A_129 = vector.broadcast %mul3A_128 : f32 to vector<1x3200xf32>
    %mul3A_130 = arith.mulf %get3A_127, %mul3A_129 : vector<1x3200xf32>
    %mul3A_131 = arith.mulf %mul3A_130, %mul3A_130 : vector<1x3200xf32>
    %mul3A_132 = arith.mulf %mul3A_131, %mul3A_130 : vector<1x3200xf32>
    %mul3A_133 = arith.mulf %mul3A_132, %mul3A_132 : vector<1x3200xf32>
    %mul3A_134 = arith.constant 2.800000e+01 : f32
    %mul3A_135 = vector.broadcast %mul3A_134 : f32 to vector<1x3200xf32>
    %mul3A_136 = arith.mulf %mul3A_135, %mul3A_133 : vector<1x3200xf32>
    %sub3A_137 = arith.constant 1.000000e+00 : f32
    %sub3A_138 = vector.broadcast %sub3A_137 : f32 to vector<1x3200xf32>
    %sub3A_139 = arith.subf %sub3A_138, %mul3A_136 : vector<1x3200xf32>
    %mul3A_140 = arith.constant 4.800000e+01 : f32
    %mul3A_141 = vector.broadcast %mul3A_140 : f32 to vector<1x3200xf32>
    %mul3A_142 = arith.mulf %mul3A_141, %mul3A_133 : vector<1x3200xf32>
    %mul3A_143 = arith.mulf %mul3A_142, %mul3A_130 : vector<1x3200xf32>
    %add3A_144 = arith.addf %sub3A_139, %mul3A_143 : vector<1x3200xf32>
    %mul3A_145 = arith.constant 2.100000e+01 : f32
    %mul3A_146 = vector.broadcast %mul3A_145 : f32 to vector<1x3200xf32>
    %mul3A_147 = arith.mulf %mul3A_146, %mul3A_133 : vector<1x3200xf32>
    %mul3A_148 = arith.mulf %mul3A_147, %mul3A_131 : vector<1x3200xf32>
    %sub3A_149 = arith.subf %add3A_144, %mul3A_148 : vector<1x3200xf32>
    %lt3A = arith.constant 5.000000e+00 : f32
    %lt3A_150 = vector.broadcast %lt3A : f32 to vector<1x3200xf32>
    %lt3A_151 = arith.cmpf olt, %get3A_127, %lt3A_150 : vector<1x3200xf32>
    %convert_element_type3A_152 = arith.extui %lt3A_151 : vector<1x3200xi1> to vector<1x3200xi32>
    %convert_element_type3A_153 = arith.sitofp %convert_element_type3A_152 : vector<1x3200xi32> to vector<1x3200xf32>
    %mul3A_154 = arith.mulf %sub3A_149, %convert_element_type3A_153 : vector<1x3200xf32>
    %mul3A_155 = arith.constant 0.89442718 : f32
    %mul3A_156 = vector.broadcast %mul3A_155 : f32 to vector<32x3200xf32>
    %mul3A_157 = arith.mulf %mul3A_156, %get3A_19 : vector<32x3200xf32>
    %mul3A_158 = arith.constant 4.472000e-01 : f32
    %mul3A_159 = vector.broadcast %mul3A_158 : f32 to vector<1x3200xf32>
    %mul3A_160 = arith.mulf %mul3A_159, %mul3A_154 : vector<1x3200xf32>
    %mul3A_161 = vector.broadcast %mul3A_160 : vector<1x3200xf32> to vector<32x3200xf32>
    %mul3A_162 = arith.mulf %mul3A_161, %add3A_124 : vector<32x3200xf32>
    %add3A_163 = arith.addf %mul3A_157, %mul3A_162 : vector<32x3200xf32>
    %swap3A_164 = arith.constant 0 : index
    %swap3A_165 = arith.constant 0 : index
    %swap3A_166 = vector.load %arg18[%swap3A_164, %swap3A_165] : memref<32x3200xf32, #tpu.memory_space<vmem>>, vector<32x3200xf32>
    tpu.vector_store %arg18[%swap3A_164, %swap3A_165], %add3A_163 {strides = array<i32>} : memref<32x3200xf32, #tpu.memory_space<vmem>>, vector<32x3200xf32>,
    return
  }
  func.func @transform_0(%arg0: i32) -> (i32, i32) {
    %c0_i32 = arith.constant 0 : i32
    %c0_i32_0 = arith.constant 0 : i32
    return %arg0, %c0_i32 : i32, i32
  }
  func.func @transform_1(%arg0: i32) -> (i32, i32) {
    %c0_i32 = arith.constant 0 : i32
    %c0_i32_0 = arith.constant 0 : i32
    return %c0_i32, %arg0 : i32, i32
  }
  func.func @transform_2(%arg0: i32) -> (i32, i32) {
    %c0_i32 = arith.constant 0 : i32
    %c0_i32_0 = arith.constant 0 : i32
    return %c0_i32, %arg0 : i32, i32
  }
  func.func @transform_3(%arg0: i32) -> (i32, i32) {
    %c0_i32 = arith.constant 0 : i32
    %c0_i32_0 = arith.constant 0 : i32
    return %c0_i32, %arg0 : i32, i32
  }
  func.func @transform_4(%arg0: i32) -> (i32, i32) {
    %c0_i32 = arith.constant 0 : i32
    %c0_i32_0 = arith.constant 0 : i32
    %c0_i32_1 = arith.constant 0 : i32
    return %c0_i32, %c0_i32_0 : i32, i32
  }
  func.func @transform_5(%arg0: i32) -> (i32, i32) {
    %c0_i32 = arith.constant 0 : i32
    %c0_i32_0 = arith.constant 0 : i32
    %c0_i32_1 = arith.constant 0 : i32
    return %c0_i32, %c0_i32_0 : i32, i32
  }
  func.func @transform_6(%arg0: i32) -> (i32, i32) {
    %c0_i32 = arith.constant 0 : i32
    %c0_i32_0 = arith.constant 0 : i32
    %c0_i32_1 = arith.constant 0 : i32
    return %c0_i32, %c0_i32_0 : i32, i32
  }
  func.func @transform_7(%arg0: i32) -> (i32, i32) {
    %c0_i32 = arith.constant 0 : i32
    %c0_i32_0 = arith.constant 0 : i32
    %c0_i32_1 = arith.constant 0 : i32
    return %c0_i32, %c0_i32_0 : i32, i32
  }
  func.func @transform_8(%arg0: i32) -> (i32, i32) {
    %c0_i32 = arith.constant 0 : i32
    %c0_i32_0 = arith.constant 0 : i32
    %c0_i32_1 = arith.constant 0 : i32
    return %c0_i32, %c0_i32_0 : i32, i32
  }
  func.func @transform_9(%arg0: i32) -> (i32, i32) {
    %c0_i32 = arith.constant 0 : i32
    %c0_i32_0 = arith.constant 0 : i32
    %c0_i32_1 = arith.constant 0 : i32
    return %c0_i32, %c0_i32_0 : i32, i32
  }
  func.func @transform_10(%arg0: i32) -> (i32, i32) {
    %c0_i32 = arith.constant 0 : i32
    %c0_i32_0 = arith.constant 0 : i32
    %c0_i32_1 = arith.constant 0 : i32
    return %c0_i32, %c0_i32_0 : i32, i32
  }
  func.func @transform_11(%arg0: i32) -> (i32, i32) {
    %c0_i32 = arith.constant 0 : i32
    %c0_i32_0 = arith.constant 0 : i32
    %c0_i32_1 = arith.constant 0 : i32
    return %c0_i32, %c0_i32_0 : i32, i32
  }
  func.func @transform_12(%arg0: i32) -> (i32, i32) {
    %c0_i32 = arith.constant 0 : i32
    %c0_i32_0 = arith.constant 0 : i32
    %c0_i32_1 = arith.constant 0 : i32
    return %c0_i32, %c0_i32_0 : i32, i32
  }
  func.func @transform_13(%arg0: i32) -> (i32, i32) {
    %c0_i32 = arith.constant 0 : i32
    %c0_i32_0 = arith.constant 0 : i32
    %c0_i32_1 = arith.constant 0 : i32
    return %c0_i32, %c0_i32_0 : i32, i32
  }
  func.func @transform_14(%arg0: i32) -> (i32, i32) {
    %c0_i32 = arith.constant 0 : i32
    %c0_i32_0 = arith.constant 0 : i32
    %c0_i32_1 = arith.constant 0 : i32
    return %c0_i32, %c0_i32_0 : i32, i32
  }
  func.func @transform_15(%arg0: i32) -> (i32, i32) {
    %c0_i32 = arith.constant 0 : i32
    %c0_i32_0 = arith.constant 0 : i32
    %c0_i32_1 = arith.constant 0 : i32
    return %c0_i32, %c0_i32_0 : i32, i32
  }
  func.func @transform_16(%arg0: i32) -> (i32, i32) {
    %c0_i32 = arith.constant 0 : i32
    %c0_i32_0 = arith.constant 0 : i32
    return %c0_i32, %arg0 : i32, i32
  }
  func.func @transform_17(%arg0: i32) -> (i32, i32) {
    %c0_i32 = arith.constant 0 : i32
    %c0_i32_0 = arith.constant 0 : i32
    return %c0_i32, %arg0 : i32, i32
  }
}

</mosaic_0001>

<sc_bundles>
// kernel: kernel.10.cloned.1.call-start
scs
__scs_entry_jumppad:
0x0: {  	(pc) =	sbr.rel $0x88, $3  }
0x1: {  	(tag) =	ssettag $0x0;
	lr =	simm.s32 $0x1  }
0x2: {  	[smem:$0x3F8A] =	sst lr;
	_ =	strace $0xD0000000  }
0x3: {  	_ = 	snop  }
0x4: {  	_ = 	snop  }
0x5: {  	_ = 	snop  }
0x6: {  	_ = 	snop  }
0x7: {  	_ = 	snop  }
__scs_overlays_trampoline_lowered:
0x8: {  	[smem:$0x3F99] =	sst s0  }
0x9: {  	[smem:$0x3F9A] =	sst s1  }
0xa: {  	[smem:$0x3F9B] =	sst s2  }
0xb: {  	[smem:$0x3F9C] =	sst s3  }
0xc: {  	[smem:$0x3F9D] =	sst s4  }
0xd: {  	[smem:$0x3F9E] =	sst s5  }
0xe: {  	[smem:$0x3F9F] =	sst s6  }
0xf: {  	[smem:$0x3FA0] =	sst s7  }
0x10: {  	[smem:$0x3FA1] =	sst s8  }
0x11: {  	[smem:$0x3FA2] =	sst s9;
	s0 =	simm.s32 @!p0 $0x0  }
0x12: {  	s1 =	sld [smem:$0x3F88];
	s0 =	simm.s32 @p0 $0x1  }
0x13: {  	[smem:$0x3FA3] =	sst s0;
	s0 =	simm.s32 @!p1 $0x0  }
0x14: {  	s2 =	sld [smem:$0x3F87];
	s0 =	simm.s32 @p1 $0x1  }
0x15: {  	[smem:$0x3FA4] =	sst s0;
	s0 =	simm.s32 @!p2 $0x0  }
0x16: {  	s3 =	sld [smem:$0x3FDB];
	s0 =	simm.s32 @p2 $0x1  }
0x17: {  	s4 =	simm.s32 $0x1BF5;
	[smem:$0x3FA6] =	sst s0  }
0x18: {  	s0 =	sld [smem:$0x3F89];
	_ =	swait.ge [sflag:s4], $0x0  }
0x19: {  	s7 =	sld [smem:$0x3F8A]  }
0x1a: {  	s8 =	sadd.s32 $0xFFFFE003, lr  }
0x1b: {  	s9 =	sadd.s32 $0xFFFFFEF7, lr;
	s5 =	simm.s32 $0xFFFFFFFF;
	p2 =	slt.u32 s8, $0xFFFFF086  }
0x1c: {  	p1 =	slt.u32 s9, $0xF7A;
	s5 =	simm.s32 @!p2 $0x0  }
0x1d: {  	s5 =	simm.s32 @p1 $0x1;
	p0 =	seq.s32 s7, s2  }
0x1e: {  	s7 =	smul.u32 @!p0 $0xF7A, s2;
	p2 =	seq.s32 @!p0 s5, $0x0  }
0x1f: {  	s9 =	smul.u32 $0xF7A, s1;
	s8 =	simm.s32 @!p0 $0x1BF5;
	p2 =	por !p2, p0  }
0x20: {  	[sflag:s8] =	ssyncset.s32 @!p0 $0xFFFFF086;
	s6 =	sadd.s32 @!p0 s3, s7;
	s7 =	simm.s32 @!p0 $0x108  }
0x21: {  	s3 =	sadd.s32 s3, s9;
	s6 =	sadd.s32 @!p0 $0x88, s6;
	s7 =	simm.s32 @p2 $0x1082  }
0x22: {  	[simem:s7], [sflag:s8] =	dma.local @!p0 [hbm:s6], $0xF7A  }
0x23: {  	s9 =	sor.u32 $0xD0000000, s2;
	s6 =	simm.s32 $0x108;
	_ =	swait.ge @!p0 [sflag:s8], $0x0  }
0x24: {  	s3 =	sadd.s32 $0x88, s3;
	s6 =	simm.s32 @!p1 $0x1082;
	[sflag:s4] =	ssyncset.s32 $0xFFFFF086  }
0x25: {  	[simem:s6], [sflag:s4] =	dma.local [hbm:s3], $0xF7A  }
0x26: {  	[smem:$0x3F8A] =	sst s1;
	(tag) =	ssettag s2;
	_ =	strace s9  }
0x27: {  	s1 =	sld [smem:$0x3F9A]  }
0x28: {  	s2 =	sld [smem:$0x3F9B]  }
0x29: {  	s4 =	sld [smem:$0x3F9D]  }
0x2a: {  	p0 =	seq.s32 s5, $0x0;
	s5 =	sld [smem:$0x3F9E]  }
0x2b: {  	s6 =	sld [smem:$0x3F9F]  }
0x2c: {  	s7 =	sld [smem:$0x3FA0]  }
0x2d: {  	s3 =	simm.s32 $0x108;
	s8 =	sld [smem:$0x3FA1]  }
0x2e: {  	s3 =	simm.s32 @!p0 $0x1082;
	s9 =	sld [smem:$0x3FA2]  }
0x2f: {  	lr =	sadd.s32 s0, s3;
	s0 =	sld [smem:$0x3F99]  }
0x30: {  	s3 =	sld [smem:$0x3F9C]  }
0x31: {  	[smem:$0x3FA5] =	sst s10  }
0x32: {  	s10 =	sld [smem:$0x3FA3];
	_ =	sdelay $0x3  }
0x33: {  	p0 =	seq.s32 s10, $0x1;
	s10 =	sld [smem:$0x3FA5];
	_ =	sdelay $0x3  }
0x34: {  	[smem:$0x3FA5] =	sst s10  }
0x35: {  	s10 =	sld [smem:$0x3FA4];
	_ =	sdelay $0x3  }
0x36: {  	p1 =	seq.s32 s10, $0x1;
	s10 =	sld [smem:$0x3FA5];
	_ =	sdelay $0x3  }
0x37: {  	[smem:$0x3FA5] =	sst s10  }
0x38: {  	s10 =	sld [smem:$0x3FA6]  }
0x39: {  	_ = 	snop;
	(pc) =	sbr.ind lr, $3  }
0x3a: {  	_ = 	snop  }
0x3b: {  	_ = 	snop  }
0x3c: {  	p2 =	seq.s32 s10, $0x1;
	s10 =	sld [smem:$0x3FA5]  }
0x3d: {  	_ =	shalt  }
0x3e: {  	_ =	shalt  }
0x3f: {  	_ =	shalt  }
0x40: {  	_ =	shalt  }
0x41: {  	_ =	shalt  }
0x42: {  	_ =	shalt  }
0x43: {  	_ =	shalt  }
0x44: {  	_ =	shalt  }
0x45: {  	_ =	shalt  }
0x46: {  	_ =	shalt  }
0x47: {  	_ =	shalt  }
0x48: {  	_ =	shalt  }
0x49: {  	_ =	shalt  }
0x4a: {  	_ =	shalt  }
0x4b: {  	_ =	shalt  }
0x4c: {  	_ =	shalt  }
0x4d: {  	_ =	shalt  }
0x4e: {  	_ =	shalt  }
0x4f: {  	_ =	shalt  }
0x50: {  	_ =	shalt  }
0x51: {  	_ =	shalt  }
0x52: {  	_ =	shalt  }
0x53: {  	_ =	shalt  }
0x54: {  	_ =	shalt  }
0x55: {  	_ =	shalt  }
0x56: {  	_ =	shalt  }
0x57: {  	_ =	shalt  }
0x58: {  	_ =	shalt  }
0x59: {  	_ =	shalt  }
0x5a: {  	_ =	shalt  }
0x5b: {  	_ =	shalt  }
0x5c: {  	_ =	shalt  }
0x5d: {  	_ =	shalt  }
0x5e: {  	_ =	shalt  }
0x5f: {  	_ =	shalt  }
0x60: {  	_ =	shalt  }
0x61: {  	_ =	shalt  }
0x62: {  	_ =	shalt  }
0x63: {  	_ =	shalt  }
0x64: {  	_ =	shalt  }
0x65: {  	_ =	shalt  }
0x66: {  	_ =	shalt  }
0x67: {  	_ =	shalt  }
0x68: {  	_ =	shalt  }
0x69: {  	_ =	shalt  }
0x6a: {  	_ =	shalt  }
0x6b: {  	_ =	shalt  }
0x6c: {  	_ =	shalt  }
0x6d: {  	_ =	shalt  }
0x6e: {  	_ =	shalt  }
0x6f: {  	_ =	shalt  }
0x70: {  	_ =	shalt  }
0x71: {  	_ =	shalt  }
0x72: {  	_ =	shalt  }
0x73: {  	_ =	shalt  }
0x74: {  	_ =	shalt  }
0x75: {  	_ =	shalt  }
0x76: {  	_ =	shalt  }
0x77: {  	_ =	shalt  }
0x78: {  	_ =	shalt  }
0x79: {  	_ =	shalt  }
0x7a: {  	_ =	shalt  }
0x7b: {  	_ =	shalt  }
0x7c: {  	_ =	shalt  }
0x7d: {  	_ =	shalt  }
0x7e: {  	_ =	shalt  }
0x7f: {  	_ =	shalt  }
0x80: {  	_ =	shalt  }
0x81: {  	_ =	shalt  }
0x82: {  	_ =	shalt  }
0x83: {  	_ =	shalt  }
0x84: {  	_ =	shalt  }
0x85: {  	_ =	shalt  }
0x86: {  	_ =	shalt  }
0x87: {  	_ =	shalt  }
.Lfunc_end0:
.L_simem_size_0:
called_computation_lowered:
.L_overlay_start_0:
0x88: {  	s2 =	sld [smem:$0x3FD9]  }
0x89: {  	s3 =	sld [smem:$0x3FFE];
	_ =	sdelay $0x1  }
0x8a: {  	s1 =	srdreg.scid  }
0x8b: {  	s0 =	sand.u32 $0x1, s1  }
0x8c: {  	s14 =	sshll.u32 s0, $0xA;
	s2 =	sadd.s32 s3, s2  }
0x8d: {  	s2 =	sadd.s32 s2, s14  }
0x8e: {  	[smem:$0x3FB1] =	sst s2  }
0x8f: {  	_ = 	snop  }
0x90: {  	s2 =	sld [smem:$0x3FD0];
	_ =	sdelay $0x2  }
0x91: {  	s15 =	simm.s32 $0xB;
	s4 =	simm.s32 $0x10  }
0x92: {  	[smem:s4], [sflag:s15] =	dma.local [hbm:s2], $0x1  }
0x93: {  	_ =	swait.eq [sflag:s15], $0x1  }
0x94: {  	[sflag:s15] =	ssyncset.done $0x0  }
0x95: {  	s16 =	sld [smem:$0x10];
	[sflag:s15] =	ssyncadd.s32 $0xFFFFFFFF  }
0x96: {  	s17 =	sld [smem:$0x13];
	(tm) =	ssettm $0x1  }
0x97: {  	s18 =	sld [smem:$0x3FFB];
	_ =	sdelay $0x3  }
0x98: {  	_ =	strace s18  }
0x99: {  	s4 =	sld [smem:$0x3FFC];
	_ =	sdelay $0x3  }
0x9a: {  	_ =	strace s4  }
0x9b: {  	s4 =	sld [smem:$0x3FFD];
	_ =	sdelay $0x3  }
0x9c: {  	_ =	strace s4  }
0x9d: {  	_ =	strace $0x8FFFFFFF  }
0x9e: {  	s19 =	sld [smem:$0x3FDB];
	_ =	sdelay $0x1  }
0x9f: {  	s5 =	simm.s32 $_scs_section_size  }
0xa0: {  	s6 =	simm.s32 $_size__tile_overlayer_lowered;
	s7 =	simm.s32 $_tile_overlayer_lowered  }
0xa1: {  	s22 =	simm.s32 $0x1BFF;
	s21 =	sshll.u32 s7, $0x1;
	s4 =	sadd.s32 s5, s19  }
0xa2: {  	s8 =	simm.s32 $0x0;
	s20 =	sshll.u32 s6, $0x1;
	s6 =	sadd.s32 s21, s4  }
0xa3: {  	[timem:s8], [sflag:s22] =	dma.local [hbm:s6], s20  }
0xa4: {  	_ =	swait.ge [sflag:s22], s20  }
0xa5: {  	s5 =	ssub.s32 $0x0, s20;
	[sflag:s22] =	ssyncset.done $0x0  }
0xa6: {  	[sflag:s22] =	ssyncadd.s32 s5;
	_ =	sdelay $0x1  }
0xa7: {  	s23 =	simm.s32 $0x1B8B  }
0xa8: {  	_ =	swait.ge [sflag:s23], $0x1  }
0xa9: {  	[sflag:s23] =	ssyncset.done $0x0  }
0xaa: {  	s25 =	simm.s32 $0x1B8E;
	s24 =	sld [smem:$0x3FFE];
	[sflag:s23] =	ssyncadd.s32 $0xFFFFFFFF  }
0xab: {  	s26 =	simm.s32 $execute0_lowered;
	[smem:$0x3FD2] =	sst s25  }
0xac: {  	s6 =	sshll.u32 s26, $0x1;
	_ =	strace $0x80000046;
	[dreg:$0x1] =	wrdreg $0xFFFFFFFF  }
0xad: {  	s28 =	simm.s32 $_size_execute0_lowered;
	s4 =	sadd.s32 s4, s6;
	[dreg:$0x0] =	wrdreg $0x0  }
0xae: {  	s6 =	sshll.u32 s28, $0x1;
	[dreg:$0x2] =	wrdreg s4  }
0xaf: {  	[dreg:$0x3] =	wrdreg s6  }
0xb0: {  	[dreg:$0x4] =	wrdreg $0xC0  }
0xb1: {  	_ =	task [dreg:s8], $0x5FFFF  }
0xb2: {  	[dreg:$0x1] =	wrdreg $0xFFFFFFFF  }
0xb3: {  	[dreg:$0x0] =	wrdreg $0x60  }
0xb4: {  	[dreg:$0x2] =	wrdreg s16  }
0xb5: {  	[dreg:$0x3] =	wrdreg s24  }
0xb6: {  	[dreg:$0x4] =	wrdreg s17  }
0xb7: {  	[dreg:$0x5] =	wrdreg $0x42000  }
0xb8: {  	[dreg:$0x6] =	wrdreg $0x9  }
0xb9: {  	_ =	task.clear_ibuf [dreg:s8], $0x7FFFF;
	_ =	strace $0x90000046  }
0xba: {  	s29 =	simm.s32 $0x9;
	_ =	strace $0x80000048  }
0xbb: {  	_ =	swait.ge [sflag:s29], $0x1  }
0xbc: {  	[sflag:s29] =	ssyncadd.s32 $0xFFFFFFFF  }
0xbd: {  	_ =	strace $0x90000048  }
0xbe: {  	_ =	sfence  }
0xbf: {  	s30 =	sld [smem:$0x0];
	_ =	sdelay $0x2  }
0xc0: {  	s31 =	sshll.u32 s1, $0xD;
	s1 =	sshrl.u32 s1, $0x2  }
0xc1: {  	s3 =	sand.u32 $0x4000, s31;
	s1 =	sadd.s32 s1, s30  }
0xc2: {  	s0 =	sor.u32 s3, s0;
	s1 =	sshll.u32 s1, $0x11  }
0xc3: {  	s0 =	sor.u32 s1, s0  }
0xc4: {  	s0 =	sadd.s32 $0x8F2B, s0  }
0xc5: {  	[sflag:s0] =	ssyncadd.remote.s32 $0x1  }
0xc6: {  	_ =	sfence.sel $0xFFFF  }
0xc7: {  	[dreg:$0x0] =	wrdreg $0xFFFFFFFF;
	(pc) =	sbr.abs _section_cstart, $3  }
0xc8: {  	[dreg:$0x1] =	wrdreg $0xFFFFFFFF  }
0xc9: {  	_ =	task.clear_ibuf [dreg:s8], $0x2FFFF;
	_ =	strace $0x9FFFFFFF  }
0xca: {  	(tm) =	ssettm $0x7FFFFFFF  }
0xcb: {  	_ =	shalt  }
tec
execute0_lowered:
.L_overlay_start_1:
0x0: {  	(tag) =	ssettag $0x1  }
0x1: {  	s1 =	rddreg [dreg:$0x0]  }
0x2: {  	s0 =	rddreg [dreg:$0x1]  }
0x3: {  	s3 =	rddreg [dreg:$0x2]  }
0x4: {  	s2 =	rddreg [dreg:$0x3];
	s5 =	srdreg.scid  }
0x5: {  	s4 =	simm.s32 $0x0;
	s11 =	stileid.u32;
	s16 =	simm.s32 $0x200  }
0x6: {  	s17 =	simm.s32 $0x5;
	s18 =	simm.s32 $0x100;
	s19 =	simm.s32 $0x2200  }
0x7: {  	s20 =	simm.s32 $0x1;
	s28 =	simm.s32 $0x180;
	s29 =	simm.s32 $0x3200  }
0x8: {  	s30 =	simm.s32 $0x0;
	s7 =	sand.u32 $0x1, s5;
	s9 =	smul.u32 $0x64000, s11  }
0x9: {  	[smem:$0x7FF] =	sst s4;
	s5 =	sadd.s32 $0x4800, s0;
	s13 =	smul.u32 $0x19000, s11  }
0xa: {  	s6 =	ssub.s32 $0x2, s7;
	_ =	strace $0x80000047;
	s22 =	sshll.u32 s7, $0x4  }
0xb: {  	s10 =	smul.u32 $0x190000, s7;
	s8 =	sshrl.u32 s6, $0x1;
	s23 =	sshrl.u32 s9, $0x2  }
0xc: {  	s31 =	sadd.s32 s13, s2;
	s21 =	ssub.s32 s6, s8;
	s6 =	sor.u32 s11, s22  }
0xd: {  	s7 =	sadd.s32 s23, s2;
	s10 =	sadd.s32 s13, s10;
	s22 =	simm.s32 $0x80  }
0xe: {  	s23 =	simm.s32 $0x1200;
	s24 =	sshll.u32 s6, $0x5;
	s25 =	sshll.u32 s6, $0xA  }
0xf: {  	s26 =	sor.u32 $0x20, s6;
	s10 =	sshrl.u32 s10, $0x3;
	s13 =	smax.u32 s21, $0x1  }
0x10: {  	s21 =	simm.s32 $0x3;
	p0 =	sgt.u32 s6, $0x14;
	s8 =	sadd.s32 s5, s24  }
0x11: {  	s9 =	sadd.s32 s1, s25;
	s12 =	sshll.u32 s26, $0x5;
	s11 =	sshll.u32 s26, $0xA  }
0x12: {  	s3 =	sadd.s32 s3, s10;
	s24 =	simm.s32 $0x2;
	s25 =	sshrl.u32 s31, $0x3  }
0x13: {  	s26 =	simm.s32 $0x4;
	s12 =	sadd.s32 s5, s12;
	[dreg:$0x7] =	wrdreg s3  }
0x14: {  	s11 =	sadd.s32 s1, s11;
	s0 =	sadd.s32 $0x800, s8;
	[dreg:$0x5] =	wrdreg s12  }
0x15: {  	v0 =	vimm.f32 $0.0e+00;
	s3 =	sadd.s32 $0x10000, s9;
	[dreg:$0x6] =	wrdreg s11;
	s12 =	smov.u32 s8  }
.LBB2_1:
0x16: {  	s10 =	simm.s32 $0x0  }
.LBB2_2:
0x17: {  	p1 =	sne.s32 s10, $0x3F80  }
.Ltmp0:
0x18: {  	_ = 	snop;
	(pc) =	sbr.rel @p1 .LBB2_2-.Ltmp0, $4  }
0x19: {  	_ = 	snop  }
0x1a: {  	s14 =	sshra.s32 s10, $0x2  }
0x1b: {  	[tilespmem:s14+$0x200] =	vst v0  }
0x1c: {  	s10 =	sadd.s32 $0x80, s10;
	[tilespmem:s14+$0x210] =	vst v0  }
0x1d: {  	s10 =	sadd.s32 $0x0, s7  }
0x1e: {  	[spmem:s10] =	stream.linear.scatter [tilespmem:s16], [sflag:$0x5], $0x1000, $0x38;
	[tilespmem:$0x1D200] =	vst v63  }
0x1f: {  	s14 =	simm.s32 $0x4000;
	_ =	swait.ge [sflag:s17], $0x1000  }
.LBB2_4:
0x20: {  	s10 =	sshra.s32 s14, $0x2;
	[sflag:s17] =	ssyncset.done $0x0;
	p1 =	sne.s32 s14, $0x60000  }
.Ltmp1:
0x21: {  	s10 =	sadd.s32 s10, s7;
	[sflag:s17] =	ssyncadd.s32 $0xFFFFF000;
	(pc) =	sbr.rel @p1 .LBB2_4-.Ltmp1, $3  }
0x22: {  	[spmem:s10] =	stream.linear.scatter [tilespmem:s16], [sflag:$0x5], $0x1000, $0x38;
	[tilespmem:$0x1D200] =	vst v63  }
0x23: {  	s14 =	sadd.s32 $0x4000, s14;
	_ =	sdelay $0x1  }
0x24: {  	_ =	swait.ge [sflag:s17], $0x1000  }
0x25: {  	[sflag:s17] =	ssyncset.done $0x0  }
0x26: {  	[sflag:s17] =	ssyncadd.s32 $0xFFFFF000  }
0x27: {  	s10 =	simm.s32 $0x0;
	[bflag:$0x0] =	sbarrier.arrive $0xFFFF  }
0x28: {  	[tilespmem:s10], [sflag:$0x1] =	stream.linear.gather [hbm4b:s12+s10], $0x100, $0x38;
	[tilespmem:$0x1D200] =	vst v63  }
0x29: {  	_ = 	snop  }
0x2a: {  	[tilespmem:s16], [sflag:$0x3] =	stream.linear.gather [hbm4b:s9+s10], $0x2000, $0x38;
	[tilespmem:$0x1D200] =	vst v63  }
0x2b: {  	s8 =	rddreg [dreg:$0x5]  }
0x2c: {  	[tilespmem:s18], [sflag:$0x2] =	stream.linear.gather [hbm4b:s8+s10], $0x100, $0x38;
	[tilespmem:$0x1D200] =	vst v63  }
0x2d: {  	s15 =	rddreg [dreg:$0x6]  }
0x2e: {  	[tilespmem:s19], [sflag:$0x4] =	stream.linear.gather [hbm4b:s15+s10], $0x2000, $0x38;
	[tilespmem:$0x1D200] =	vst v63  }
0x2f: {  	_ =	swait.ge [sflag:s20], $0x100  }
0x30: {  	[sflag:s20] =	ssyncset.done $0x0  }
0x31: {  	[sflag:s20] =	ssyncadd.s32 $0xFFFFFF00  }
0x32: {  	_ =	swait.ge [sflag:s21], $0x2000  }
0x33: {  	[sflag:s21] =	ssyncset.done $0x0  }
0x34: {  	[sflag:s21] =	ssyncadd.s32 $0xFFFFE000  }
0x35: {  	[spmem:s2] =	stream.indirect.scatter.add.f32 [tilespmem:s16], [sflag:$0x5], $0x20, s4, s22, $0xb8;
	[tilespmem:$0x1D200] =	vst v63  }
0x36: {  	_ =	swait.ge [sflag:s17], $0x1000  }
0x37: {  	[sflag:s17] =	ssyncset.done $0x0  }
0x38: {  	[sflag:s17] =	ssyncadd.s32 $0xFFFFF000  }
0x39: {  	[spmem:s2] =	stream.indirect.scatter.add.f32 [tilespmem:s23], [sflag:$0x5], $0x20, s22, s22, $0xb8;
	[tilespmem:$0x1D200] =	vst v63  }
0x3a: {  	_ =	swait.ge [sflag:s17], $0x1000  }
0x3b: {  	[sflag:s17] =	ssyncset.done $0x0  }
0x3c: {  	[sflag:s17] =	ssyncadd.s32 $0xFFFFF000  }
0x3d: {  	[tilespmem:s4], [sflag:$0x1] =	stream.linear.gather [hbm4b:s0+s4], $0x100, $0x38;
	[tilespmem:$0x1D200] =	vst v63  }
0x3e: {  	_ = 	snop  }
0x3f: {  	[tilespmem:s16], [sflag:$0x3] =	stream.linear.gather [hbm4b:s3+s4], $0x2000, $0x38;
	[tilespmem:$0x1D200] =	vst v63  }
0x40: {  	_ =	swait.ge [sflag:s24], $0x100  }
0x41: {  	[sflag:s24] =	ssyncset.done $0x0  }
0x42: {  	[sflag:s24] =	ssyncadd.s32 $0xFFFFFF00  }
0x43: {  	_ =	swait.ge [sflag:s26], $0x2000  }
0x44: {  	[sflag:s26] =	ssyncset.done $0x0  }
0x45: {  	s10 =	sadd.s32 $0x0, s6;
	[sflag:s26] =	ssyncadd.s32 $0xFFFFE000  }
0x46: {  	[spmem:s2] =	stream.indirect.scatter.add.f32 [tilespmem:s19], [sflag:$0x5], $0x20, s18, s22, $0xb8;
	[tilespmem:$0x1D200] =	vst v63  }
0x47: {  	p1 =	slt.s32 s10, $0xBD4;
	_ =	swait.ge [sflag:s17], $0x1000  }
0x48: {  	s10 =	simm.s32 @!p1 $0xBD4;
	[sflag:s17] =	ssyncset.done $0x0  }
0x49: {  	s10 =	sadd.s32 $0x60, s10;
	[sflag:s17] =	ssyncadd.s32 $0xFFFFF000  }
0x4a: {  	[spmem:s2] =	stream.indirect.scatter.add.f32 [tilespmem:s29], [sflag:$0x5], $0x20, s28, s22, $0xb8;
	[tilespmem:$0x1D200] =	vst v63  }
0x4b: {  	s14 =	sshll.u32 s10, $0x5;
	_ =	swait.ge [sflag:s17], $0x1000  }
0x4c: {  	s31 =	simm.s32 $0x40;
	s14 =	sand.u32 $0x1FFFFFE0, s14;
	[sflag:s17] =	ssyncset.done $0x0  }
0x4d: {  	s10 =	sshll.u32 s10, $0xA;
	s14 =	sadd.s32 s5, s14;
	[sflag:s17] =	ssyncadd.s32 $0xFFFFF000  }
0x4e: {  	[tilespmem:s18], [sflag:$0x2] =	stream.linear.gather [hbm4b:s14+s4], $0x100, $0x38;
	[tilespmem:$0x1D200] =	vst v63  }
0x4f: {  	s15 =	smov.u32 s3;
	s10 =	sand.u32 $0x1FFFFC00, s10;
	s14 =	smov.u32 s0  }
.LBB2_6:
0x50: {  	s10 =	sadd.s32 s1, s10  }
0x51: {  	s14 =	sadd.s32 $0x800, s14;
	s15 =	sadd.s32 $0x10000, s15;
	s8 =	smov.u32 s31  }
0x52: {  	[tilespmem:s19], [sflag:$0x4] =	stream.linear.gather [hbm4b:s10+s4], $0x2000, $0x38;
	[tilespmem:$0x1D200] =	vst v63  }
0x53: {  	p1 =	sne.s32 s31, $0xBC0;
	s31 =	sadd.s32 $0x40, s31;
	_ =	swait.ge [sflag:s20], $0x100  }
0x54: {  	[sflag:s20] =	ssyncset.done $0x0  }
0x55: {  	[sflag:s20] =	ssyncadd.s32 $0xFFFFFF00  }
0x56: {  	_ =	swait.ge [sflag:s21], $0x2000  }
0x57: {  	[sflag:s21] =	ssyncset.done $0x0  }
0x58: {  	[sflag:s21] =	ssyncadd.s32 $0xFFFFE000  }
0x59: {  	[spmem:s2] =	stream.indirect.scatter.add.f32 [tilespmem:s16], [sflag:$0x5], $0x20, s4, s22, $0xb8;
	[tilespmem:$0x1D200] =	vst v63  }
0x5a: {  	_ =	swait.ge [sflag:s17], $0x1000  }
0x5b: {  	[sflag:s17] =	ssyncset.done $0x0  }
0x5c: {  	[sflag:s17] =	ssyncadd.s32 $0xFFFFF000  }
0x5d: {  	[spmem:s2] =	stream.indirect.scatter.add.f32 [tilespmem:s23], [sflag:$0x5], $0x20, s22, s22, $0xb8;
	[tilespmem:$0x1D200] =	vst v63  }
0x5e: {  	_ =	swait.ge [sflag:s17], $0x1000  }
0x5f: {  	[sflag:s17] =	ssyncset.done $0x0  }
0x60: {  	[sflag:s17] =	ssyncadd.s32 $0xFFFFF000  }
0x61: {  	[tilespmem:s4], [sflag:$0x1] =	stream.linear.gather [hbm4b:s14+s4], $0x100, $0x38;
	[tilespmem:$0x1D200] =	vst v63  }
0x62: {  	_ = 	snop  }
0x63: {  	[tilespmem:s16], [sflag:$0x3] =	stream.linear.gather [hbm4b:s15+s4], $0x2000, $0x38;
	[tilespmem:$0x1D200] =	vst v63  }
0x64: {  	_ =	swait.ge [sflag:s24], $0x100  }
0x65: {  	[sflag:s24] =	ssyncset.done $0x0  }
0x66: {  	[sflag:s24] =	ssyncadd.s32 $0xFFFFFF00  }
0x67: {  	_ =	swait.ge [sflag:s26], $0x2000  }
0x68: {  	[sflag:s26] =	ssyncset.done $0x0  }
0x69: {  	[sflag:s26] =	ssyncadd.s32 $0xFFFFE000  }
0x6a: {  	[spmem:s2] =	stream.indirect.scatter.add.f32 [tilespmem:s19], [sflag:$0x5], $0x20, s18, s22, $0xb8;
	[tilespmem:$0x1D200] =	vst v63  }
0x6b: {  	s8 =	sadd.s32 s8, s6;
	_ =	swait.ge [sflag:s17], $0x1000  }
0x6c: {  	p2 =	slt.s32 s8, $0xBD4;
	[sflag:s17] =	ssyncset.done $0x0  }
0x6d: {  	s8 =	simm.s32 @!p2 $0xBD4;
	[sflag:s17] =	ssyncadd.s32 $0xFFFFF000  }
0x6e: {  	[spmem:s2] =	stream.indirect.scatter.add.f32 [tilespmem:s29], [sflag:$0x5], $0x20, s28, s22, $0xb8;
	[tilespmem:$0x1D200] =	vst v63  }
.Ltmp2:
0x6f: {  	s8 =	sadd.s32 $0x60, s8;
	_ =	swait.ge [sflag:s17], $0x1000;
	(pc) =	sbr.rel @p1 .LBB2_6-.Ltmp2, $4  }
0x70: {  	s10 =	sshll.u32 s8, $0x5;
	s8 =	sshll.u32 s8, $0xA;
	[sflag:s17] =	ssyncset.done $0x0  }
0x71: {  	s10 =	sand.u32 $0x1FFFFFE0, s10;
	[sflag:s17] =	ssyncadd.s32 $0xFFFFF000  }
0x72: {  	s11 =	sadd.s32 s5, s10;
	s10 =	sand.u32 $0x1FFFFC00, s8  }
0x73: {  	[tilespmem:s18], [sflag:$0x2] =	stream.linear.gather [hbm4b:s11+s4], $0x100, $0x38;
	[tilespmem:$0x1D200] =	vst v63  }
0x74: {  	s8 =	sadd.s32 s1, s10  }
0x75: {  	[tilespmem:s19], [sflag:$0x4] =	stream.linear.gather [hbm4b:s8+s4], $0x2000, $0x38;
	[tilespmem:$0x1D200] =	vst v63  }
0x76: {  	_ =	swait.ge [sflag:s20], $0x100  }
0x77: {  	[sflag:s20] =	ssyncset.done $0x0  }
0x78: {  	[sflag:s20] =	ssyncadd.s32 $0xFFFFFF00  }
0x79: {  	_ =	swait.ge [sflag:s21], $0x2000  }
0x7a: {  	[sflag:s21] =	ssyncset.done $0x0  }
0x7b: {  	[sflag:s21] =	ssyncadd.s32 $0xFFFFE000  }
0x7c: {  	[spmem:s2] =	stream.indirect.scatter.add.f32 [tilespmem:s16], [sflag:$0x5], $0x20, s4, s22, $0xb8;
	[tilespmem:$0x1D200] =	vst v63  }
0x7d: {  	_ =	swait.ge [sflag:s17], $0x1000  }
0x7e: {  	[sflag:s17] =	ssyncset.done $0x0  }
0x7f: {  	[sflag:s17] =	ssyncadd.s32 $0xFFFFF000  }
0x80: {  	[spmem:s2] =	stream.indirect.scatter.add.f32 [tilespmem:s23], [sflag:$0x5], $0x20, s22, s22, $0xb8;
	[tilespmem:$0x1D200] =	vst v63  }
0x81: {  	_ =	swait.ge [sflag:s17], $0x1000  }
0x82: {  	[sflag:s17] =	ssyncset.done $0x0  }
0x83: {  	[sflag:s17] =	ssyncadd.s32 $0xFFFFF000  }
0x84: {  	_ =	swait.ge [sflag:s24], $0x100  }
0x85: {  	[sflag:s24] =	ssyncset.done $0x0  }
0x86: {  	[sflag:s24] =	ssyncadd.s32 $0xFFFFFF00  }
0x87: {  	_ =	swait.ge [sflag:s26], $0x2000  }
0x88: {  	s10 =	simm.s32 @!p0 $0x100;
	[sflag:s26] =	ssyncset.done $0x0  }
0x89: {  	s11 =	simm.s32 @!p0 $0x2200;
	s8 =	simm.s32 @!p0 $0x80;
	[sflag:s26] =	ssyncadd.s32 $0xFFFFE000  }
0x8a: {  	[spmem:s2] =	stream.indirect.scatter.add.f32 @!p0 [tilespmem:s11], [sflag:$0x5], $0x20, s10, s8, $0xb8;
	[tilespmem:$0x1D200] =	vst v63  }
0x8b: {  	s10 =	simm.s32 @!p0 $0x5  }
0x8c: {  	_ =	swait.ge @!p0 [sflag:s10], $0x1000  }
0x8d: {  	[sflag:s10] =	ssyncset.done @!p0 $0x0  }
0x8e: {  	s14 =	simm.s32 @!p0 $0x3200;
	s11 =	simm.s32 @!p0 $0x180;
	[sflag:s10] =	ssyncadd.s32 @!p0 $0xFFFFF000  }
0x8f: {  	[spmem:s2] =	stream.indirect.scatter.add.f32 @!p0 [tilespmem:s14], [sflag:$0x5], $0x20, s11, s8, $0xb8;
	[tilespmem:$0x1D200] =	vst v63  }
0x90: {  	_ =	swait.ge @!p0 [sflag:s10], $0x1000  }
0x91: {  	[sflag:s10] =	ssyncset.done @!p0 $0x0  }
0x92: {  	s15 =	stileid.u32;
	s30 =	sadd.s32 $0x1, s30;
	[sflag:s10] =	ssyncadd.s32 @!p0 $0xFFFFF000  }
0x93: {  	p1 =	sne.s32 s30, s13;
	s8 =	sshll.u32 s15, $0x6;
	[bflag:$0x0] =	sbarrier.arrive $0xFFFF  }
.Ltmp3:
0x94: {  	s8 =	sor.u32 $0x1C05, s8;
	s31 =	rddreg [dreg:$0x7];
	(pc) =	sbr.rel @p1 .LBB2_1-.Ltmp3, $4  }
0x95: {  	[hbm:s31], [sflag:s8] =	dma.local [spmem:s25], $0x3200  }
0x96: {  	_ =	swait.ge [sflag:s17], $0x3200  }
0x97: {  	[sflag:s17] =	ssyncset.done $0x0  }
0x98: {  	[sflag:s17] =	ssyncadd.s32 $0xFFFFCE00  }
0x99: {  	_ =	sfence.sel $0x180000  }
0x9a: {  	[bflag:$0x0] =	sbarrier.arrive $0xFFFF  }
0x9b: {  	_ =	strace $0x90000047  }
0x9c: {  	s0 =	stileid.u32;
	[bflag:$0x2] =	sbarrier.arrive $0xFFFF  }
0x9d: {  	p0 =	sne.s32 s0, $0x0;
	s0 =	rddreg [dreg:$0x4]  }
0x9e: {  	s0 =	sadd.s32 @!p0 $0x100000, s0  }
0x9f: {  	[sflag:s0] =	ssyncadd.tile.s32 @!p0 $0x1;
	_ =	shalt  }
.Lfunc_end2:
_tile_overlayer_lowered:
.L_overlay_start_2:
0xa0: {  	(tag) =	ssettag $0x2  }
0xa1: {  	s0 =	rddreg [dreg:$0x0];
	s2 =	stileid.u32  }
0xa2: {  	s1 =	rddreg [dreg:$0x1];
	p0 =	sne.s32 s2, $0x0  }
0xa3: {  	s3 =	rddreg [dreg:$0x2];
	[bflag:$0x3] =	sbarrier.arrive $0xFFFF;
	s2 =	simm.s32 @!p0 $0x1C05  }
0xa4: {  	[timem:s3], [sflag:s2] =	dma.local @!p0 [hbm:s0], s1  }
0xa5: {  	s0 =	simm.s32 @!p0 $0x5  }
0xa6: {  	_ =	swait.ge @!p0 [sflag:s0], s1  }
0xa7: {  	s1 =	ssub.s32 @!p0 $0x0, s1;
	[sflag:s0] =	ssyncset.done @!p0 $0x0  }
0xa8: {  	[sflag:s0] =	ssyncadd.s32 @!p0 s1  }
0xa9: {  	[bflag:$0x3] =	sbarrier.arrive $0xFFFF  }
0xaa: {  	_ =	shalt  }

// kernel: kernel.13.cloned.1.call-start
scs
__scs_entry_jumppad:
0x0: {  	(pc) =	sbr.rel $0x88, $3  }
0x1: {  	(tag) =	ssettag $0x0;
	lr =	simm.s32 $0x1  }
0x2: {  	[smem:$0x3F8A] =	sst lr;
	_ =	strace $0xD0000000  }
0x3: {  	_ = 	snop  }
0x4: {  	_ = 	snop  }
0x5: {  	_ = 	snop  }
0x6: {  	_ = 	snop  }
0x7: {  	_ = 	snop  }
__scs_overlays_trampoline_lowered:
0x8: {  	[smem:$0x3F99] =	sst s0  }
0x9: {  	[smem:$0x3F9A] =	sst s1  }
0xa: {  	[smem:$0x3F9B] =	sst s2  }
0xb: {  	[smem:$0x3F9C] =	sst s3  }
0xc: {  	[smem:$0x3F9D] =	sst s4  }
0xd: {  	[smem:$0x3F9E] =	sst s5  }
0xe: {  	[smem:$0x3F9F] =	sst s6  }
0xf: {  	[smem:$0x3FA0] =	sst s7  }
0x10: {  	[smem:$0x3FA1] =	sst s8  }
0x11: {  	[smem:$0x3FA2] =	sst s9;
	s0 =	simm.s32 @!p0 $0x0  }
0x12: {  	s1 =	sld [smem:$0x3F88];
	s0 =	simm.s32 @p0 $0x1  }
0x13: {  	[smem:$0x3FA3] =	sst s0;
	s0 =	simm.s32 @!p1 $0x0  }
0x14: {  	s2 =	sld [smem:$0x3F87];
	s0 =	simm.s32 @p1 $0x1  }
0x15: {  	[smem:$0x3FA4] =	sst s0;
	s0 =	simm.s32 @!p2 $0x0  }
0x16: {  	s3 =	sld [smem:$0x3FDB];
	s0 =	simm.s32 @p2 $0x1  }
0x17: {  	s4 =	simm.s32 $0x1BF5;
	[smem:$0x3FA6] =	sst s0  }
0x18: {  	s0 =	sld [smem:$0x3F89];
	_ =	swait.ge [sflag:s4], $0x0  }
0x19: {  	s7 =	sld [smem:$0x3F8A]  }
0x1a: {  	s8 =	sadd.s32 $0xFFFFE003, lr  }
0x1b: {  	s9 =	sadd.s32 $0xFFFFFEF7, lr;
	s5 =	simm.s32 $0xFFFFFFFF;
	p2 =	slt.u32 s8, $0xFFFFF086  }
0x1c: {  	p1 =	slt.u32 s9, $0xF7A;
	s5 =	simm.s32 @!p2 $0x0  }
0x1d: {  	s5 =	simm.s32 @p1 $0x1;
	p0 =	seq.s32 s7, s2  }
0x1e: {  	s7 =	smul.u32 @!p0 $0xF7A, s2;
	p2 =	seq.s32 @!p0 s5, $0x0  }
0x1f: {  	s9 =	smul.u32 $0xF7A, s1;
	s8 =	simm.s32 @!p0 $0x1BF5;
	p2 =	por !p2, p0  }
0x20: {  	[sflag:s8] =	ssyncset.s32 @!p0 $0xFFFFF086;
	s6 =	sadd.s32 @!p0 s3, s7;
	s7 =	simm.s32 @!p0 $0x108  }
0x21: {  	s3 =	sadd.s32 s3, s9;
	s6 =	sadd.s32 @!p0 $0x88, s6;
	s7 =	simm.s32 @p2 $0x1082  }
0x22: {  	[simem:s7], [sflag:s8] =	dma.local @!p0 [hbm:s6], $0xF7A  }
0x23: {  	s9 =	sor.u32 $0xD0000000, s2;
	s6 =	simm.s32 $0x108;
	_ =	swait.ge @!p0 [sflag:s8], $0x0  }
0x24: {  	s3 =	sadd.s32 $0x88, s3;
	s6 =	simm.s32 @!p1 $0x1082;
	[sflag:s4] =	ssyncset.s32 $0xFFFFF086  }
0x25: {  	[simem:s6], [sflag:s4] =	dma.local [hbm:s3], $0xF7A  }
0x26: {  	[smem:$0x3F8A] =	sst s1;
	(tag) =	ssettag s2;
	_ =	strace s9  }
0x27: {  	s1 =	sld [smem:$0x3F9A]  }
0x28: {  	s2 =	sld [smem:$0x3F9B]  }
0x29: {  	s4 =	sld [smem:$0x3F9D]  }
0x2a: {  	p0 =	seq.s32 s5, $0x0;
	s5 =	sld [smem:$0x3F9E]  }
0x2b: {  	s6 =	sld [smem:$0x3F9F]  }
0x2c: {  	s7 =	sld [smem:$0x3FA0]  }
0x2d: {  	s3 =	simm.s32 $0x108;
	s8 =	sld [smem:$0x3FA1]  }
0x2e: {  	s3 =	simm.s32 @!p0 $0x1082;
	s9 =	sld [smem:$0x3FA2]  }
0x2f: {  	lr =	sadd.s32 s0, s3;
	s0 =	sld [smem:$0x3F99]  }
0x30: {  	s3 =	sld [smem:$0x3F9C]  }
0x31: {  	[smem:$0x3FA5] =	sst s10  }
0x32: {  	s10 =	sld [smem:$0x3FA3];
	_ =	sdelay $0x3  }
0x33: {  	p0 =	seq.s32 s10, $0x1;
	s10 =	sld [smem:$0x3FA5];
	_ =	sdelay $0x3  }
0x34: {  	[smem:$0x3FA5] =	sst s10  }
0x35: {  	s10 =	sld [smem:$0x3FA4];
	_ =	sdelay $0x3  }
0x36: {  	p1 =	seq.s32 s10, $0x1;
	s10 =	sld [smem:$0x3FA5];
	_ =	sdelay $0x3  }
0x37: {  	[smem:$0x3FA5] =	sst s10  }
0x38: {  	s10 =	sld [smem:$0x3FA6]  }
0x39: {  	_ = 	snop;
	(pc) =	sbr.ind lr, $3  }
0x3a: {  	_ = 	snop  }
0x3b: {  	_ = 	snop  }
0x3c: {  	p2 =	seq.s32 s10, $0x1;
	s10 =	sld [smem:$0x3FA5]  }
0x3d: {  	_ =	shalt  }
0x3e: {  	_ =	shalt  }
0x3f: {  	_ =	shalt  }
0x40: {  	_ =	shalt  }
0x41: {  	_ =	shalt  }
0x42: {  	_ =	shalt  }
0x43: {  	_ =	shalt  }
0x44: {  	_ =	shalt  }
0x45: {  	_ =	shalt  }
0x46: {  	_ =	shalt  }
0x47: {  	_ =	shalt  }
0x48: {  	_ =	shalt  }
0x49: {  	_ =	shalt  }
0x4a: {  	_ =	shalt  }
0x4b: {  	_ =	shalt  }
0x4c: {  	_ =	shalt  }
0x4d: {  	_ =	shalt  }
0x4e: {  	_ =	shalt  }
0x4f: {  	_ =	shalt  }
0x50: {  	_ =	shalt  }
0x51: {  	_ =	shalt  }
0x52: {  	_ =	shalt  }
0x53: {  	_ =	shalt  }
0x54: {  	_ =	shalt  }
0x55: {  	_ =	shalt  }
0x56: {  	_ =	shalt  }
0x57: {  	_ =	shalt  }
0x58: {  	_ =	shalt  }
0x59: {  	_ =	shalt  }
0x5a: {  	_ =	shalt  }
0x5b: {  	_ =	shalt  }
0x5c: {  	_ =	shalt  }
0x5d: {  	_ =	shalt  }
0x5e: {  	_ =	shalt  }
0x5f: {  	_ =	shalt  }
0x60: {  	_ =	shalt  }
0x61: {  	_ =	shalt  }
0x62: {  	_ =	shalt  }
0x63: {  	_ =	shalt  }
0x64: {  	_ =	shalt  }
0x65: {  	_ =	shalt  }
0x66: {  	_ =	shalt  }
0x67: {  	_ =	shalt  }
0x68: {  	_ =	shalt  }
0x69: {  	_ =	shalt  }
0x6a: {  	_ =	shalt  }
0x6b: {  	_ =	shalt  }
0x6c: {  	_ =	shalt  }
0x6d: {  	_ =	shalt  }
0x6e: {  	_ =	shalt  }
0x6f: {  	_ =	shalt  }
0x70: {  	_ =	shalt  }
0x71: {  	_ =	shalt  }
0x72: {  	_ =	shalt  }
0x73: {  	_ =	shalt  }
0x74: {  	_ =	shalt  }
0x75: {  	_ =	shalt  }
0x76: {  	_ =	shalt  }
0x77: {  	_ =	shalt  }
0x78: {  	_ =	shalt  }
0x79: {  	_ =	shalt  }
0x7a: {  	_ =	shalt  }
0x7b: {  	_ =	shalt  }
0x7c: {  	_ =	shalt  }
0x7d: {  	_ =	shalt  }
0x7e: {  	_ =	shalt  }
0x7f: {  	_ =	shalt  }
0x80: {  	_ =	shalt  }
0x81: {  	_ =	shalt  }
0x82: {  	_ =	shalt  }
0x83: {  	_ =	shalt  }
0x84: {  	_ =	shalt  }
0x85: {  	_ =	shalt  }
0x86: {  	_ =	shalt  }
0x87: {  	_ =	shalt  }
.Lfunc_end0:
.L_simem_size_0:
called_computation.1_lowered:
.L_overlay_start_0:
0x88: {  	s2 =	sld [smem:$0x3FD9]  }
0x89: {  	s3 =	sld [smem:$0x3FFE];
	_ =	sdelay $0x1  }
0x8a: {  	s1 =	srdreg.scid  }
0x8b: {  	s0 =	sand.u32 $0x1, s1  }
0x8c: {  	s17 =	sshll.u32 s0, $0xA;
	s2 =	sadd.s32 s3, s2  }
0x8d: {  	s2 =	sadd.s32 s2, s17  }
0x8e: {  	[smem:$0x3FB1] =	sst s2  }
0x8f: {  	_ = 	snop  }
0x90: {  	(tm) =	ssettm $0x1  }
0x91: {  	s18 =	sld [smem:$0x3FFB];
	_ =	sdelay $0x3  }
0x92: {  	_ =	strace s18  }
0x93: {  	s2 =	sld [smem:$0x3FFC];
	_ =	sdelay $0x3  }
0x94: {  	_ =	strace s2  }
0x95: {  	s2 =	sld [smem:$0x3FFD];
	_ =	sdelay $0x3  }
0x96: {  	_ =	strace s2  }
0x97: {  	_ =	strace $0x8FFFFFFF  }
0x98: {  	s19 =	sld [smem:$0x3FDB];
	_ =	sdelay $0x1  }
0x99: {  	s20 =	simm.s32 $_scs_section_size  }
0x9a: {  	s4 =	simm.s32 $_size__tile_overlayer_lowered;
	s5 =	simm.s32 $_tile_overlayer_lowered  }
0x9b: {  	s6 =	simm.s32 $0x1BFF;
	s21 =	sshll.u32 s5, $0x1;
	s3 =	sadd.s32 s20, s19  }
0x9c: {  	s22 =	simm.s32 $0x0;
	s4 =	sshll.u32 s4, $0x1;
	s5 =	sadd.s32 s21, s3  }
0x9d: {  	[timem:s22], [sflag:s6] =	dma.local [hbm:s5], s4  }
0x9e: {  	_ =	swait.ge [sflag:s6], s4  }
0x9f: {  	s4 =	ssub.s32 $0x0, s4;
	[sflag:s6] =	ssyncset.done $0x0  }
0xa0: {  	[sflag:s6] =	ssyncadd.s32 s4;
	_ =	sdelay $0x1  }
0xa1: {  	s23 =	simm.s32 $0x1B8B  }
0xa2: {  	_ =	swait.ge [sflag:s23], $0x1  }
0xa3: {  	[sflag:s23] =	ssyncset.done $0x0  }
0xa4: {  	[sflag:s23] =	ssyncadd.s32 $0xFFFFFFFF  }
0xa5: {  	s4 =	sld [smem:$0x0]  }
0xa6: {  	s5 =	sand.u32 $0xFFFFFFFE, s1  }
0xa7: {  	p0 =	sne.s32 s1, s5  }
0xa8: {  	s5 =	sshll.u32 @p0 s5, $0xE  }
0xa9: {  	s5 =	sadd.s32 @p0 $0x11B8D, s5;
	s6 =	sshll.u32 @p0 s4, $0x11  }
0xaa: {  	s5 =	sor.u32 @p0 s6, s5  }
0xab: {  	[sflag:s5] =	ssyncadd.remote.s32 @p0 $0x1;
	_ =	sdelay $0x1  }
0xac: {  	s5 =	simm.s32 @p0 $0x1B8D  }
0xad: {  	_ =	swait.eq @p0 [sflag:s5], $0x1  }
0xae: {  	[sflag:s5] =	ssyncadd.s32 @p0 $0xFFFFFFFF  }
0xaf: {  	s6 =	sshll.u32 @!p0 s1, $0xE  }
0xb0: {  	s6 =	sor.u32 @!p0 $0x4000, s6;
	s5 =	simm.s32 @!p0 $0x1B8D  }
0xb1: {  	s4 =	sshll.u32 @!p0 s4, $0x11;
	s6 =	sadd.s32 @!p0 $0x11B8D, s6;
	_ =	swait.eq @!p0 [sflag:s5], $0x1  }
0xb2: {  	s4 =	sor.u32 @!p0 s4, s6;
	[sflag:s5] =	ssyncadd.s32 @!p0 $0xFFFFFFFF  }
0xb3: {  	s25 =	simm.s32 $0x1B8E;
	s24 =	sld [smem:$0x3FFE];
	[sflag:s4] =	ssyncadd.remote.s32 @!p0 $0x1  }
0xb4: {  	s26 =	simm.s32 $execute0_lowered;
	[smem:$0x3FD2] =	sst s25  }
0xb5: {  	s5 =	sshll.u32 s26, $0x1;
	_ =	strace $0x80000049;
	[dreg:$0x1] =	wrdreg $0xFFFFFFFF  }
0xb6: {  	s28 =	simm.s32 $_size_execute0_lowered;
	s3 =	sadd.s32 s3, s5;
	[dreg:$0x0] =	wrdreg $0x0  }
0xb7: {  	s5 =	sshll.u32 s28, $0x1;
	[dreg:$0x2] =	wrdreg s3  }
0xb8: {  	[dreg:$0x3] =	wrdreg s5  }
0xb9: {  	[dreg:$0x4] =	wrdreg $0xC0  }
0xba: {  	_ =	task [dreg:s22], $0x5FFFF  }
0xbb: {  	[dreg:$0x1] =	wrdreg $0xFFFFFFFF  }
0xbc: {  	[dreg:$0x0] =	wrdreg $0x60  }
0xbd: {  	[dreg:$0x2] =	wrdreg s24  }
0xbe: {  	[dreg:$0x3] =	wrdreg $0x12000  }
0xbf: {  	[dreg:$0x4] =	wrdreg $0xA  }
0xc0: {  	_ =	task.clear_ibuf [dreg:s22], $0x5FFFF;
	_ =	strace $0x90000049  }
0xc1: {  	s29 =	simm.s32 $0xA;
	_ =	strace $0x8000004B  }
0xc2: {  	_ =	swait.ge [sflag:s29], $0x1  }
0xc3: {  	[sflag:s29] =	ssyncadd.s32 $0xFFFFFFFF  }
0xc4: {  	_ =	strace $0x9000004B  }
0xc5: {  	_ =	sfence  }
0xc6: {  	s30 =	sld [smem:$0x0];
	_ =	sdelay $0x2  }
0xc7: {  	s31 =	sshll.u32 s1, $0xD;
	s1 =	sshrl.u32 s1, $0x2  }
0xc8: {  	s4 =	sand.u32 $0x4000, s31;
	s1 =	sadd.s32 s1, s30  }
0xc9: {  	s0 =	sor.u32 s4, s0;
	s1 =	sshll.u32 s1, $0x11  }
0xca: {  	s0 =	sor.u32 s1, s0  }
0xcb: {  	s0 =	sadd.s32 $0x8F2B, s0  }
0xcc: {  	[sflag:s0] =	ssyncadd.remote.s32 $0x1  }
0xcd: {  	_ =	sfence.sel $0xFFFF  }
0xce: {  	[dreg:$0x0] =	wrdreg $0xFFFFFFFF;
	(pc) =	sbr.abs _section_cstart, $3  }
0xcf: {  	[dreg:$0x1] =	wrdreg $0xFFFFFFFF  }
0xd0: {  	_ =	task.clear_ibuf [dreg:s22], $0x2FFFF;
	_ =	strace $0x9FFFFFFF  }
0xd1: {  	(tm) =	ssettm $0x7FFFFFFF  }
tec
execute0_lowered:
.L_overlay_start_1:
0x0: {  	(tag) =	ssettag $0x1  }
0x1: {  	s6 =	rddreg [dreg:$0x0]  }
0x2: {  	s0 =	srdreg.scid;
	s2 =	rddreg [dreg:$0x1]  }
0x3: {  	s1 =	stileid.u32;
	s3 =	simm.s32 $0x0;
	s14 =	simm.s32 $0x100  }
0x4: {  	s15 =	simm.s32 $0x1;
	s16 =	simm.s32 $0x80;
	s17 =	simm.s32 $0x200  }
0x5: {  	s18 =	simm.s32 $0x2;
	s19 =	simm.s32 $0x180;
	s21 =	simm.s32 $0x0  }
0x6: {  	s9 =	sand.u32 $0x1, s0;
	s0 =	rddreg [dreg:$0x2];
	s10 =	smul.u32 $0xC800, s1  }
0x7: {  	[smem:$0x7FF] =	sst s3;
	s11 =	smul.u32 $0x32000, s1;
	s31 =	sshll.u32 s1, $0x5  }
0x8: {  	s4 =	smul.u32 $0xC8000, s9;
	_ =	strace $0x8000004A;
	s8 =	ssub.s32 $0x2, s9  }
0x9: {  	s25 =	sshll.u32 s9, $0x4;
	s30 =	sshll.u32 s9, $0x9;
	s26 =	sshrl.u32 s8, $0x1  }
0xa: {  	s29 =	sshrl.u32 s11, $0x2;
	s20 =	sadd.s32 s10, s2;
	s5 =	sadd.s32 s10, s4  }
0xb: {  	s4 =	sadd.s32 $0x4800, s6;
	s13 =	ssub.s32 s8, s26;
	s20 =	sshrl.u32 s20, $0x3  }
0xc: {  	s7 =	sshrl.u32 s5, $0x3;
	s5 =	sor.u32 s1, s25;
	s11 =	sadd.s32 s30, s4  }
0xd: {  	s10 =	smax.u32 s13, $0x1;
	s13 =	simm.s32 $0x3;
	s12 =	sadd.s32 s7, s6  }
0xe: {  	s28 =	sshll.u32 s5, $0x5;
	s7 =	sadd.s32 s29, s2;
	s11 =	sadd.s32 s31, s11  }
0xf: {  	p0 =	sgt.u32 s5, $0x14;
	s6 =	sadd.s32 s4, s28;
	s9 =	sadd.s32 $0x1D000, s12  }
0x10: {  	v0 =	vimm.f32 $1.000000000e+00;
	v1 =	vimm.f32 $0.0e+00;
	s11 =	sadd.s32 $0x800, s11;
	s12 =	simm.s32 $0xA00;
	s8 =	sadd.s32 $0x400, s6  }
.LBB2_1:
0x11: {  	s22 =	simm.s32 $0x0  }
.LBB2_2:
0x12: {  	p1 =	sne.s32 s22, $0x1FC0  }
.Ltmp0:
0x13: {  	_ = 	snop;
	(pc) =	sbr.rel @p1 .LBB2_2-.Ltmp0, $4  }
0x14: {  	_ = 	snop  }
0x15: {  	s23 =	sshra.s32 s22, $0x2  }
0x16: {  	[tilespmem:s23+$0x200] =	vst v0  }
0x17: {  	s22 =	sadd.s32 $0x40, s22;
	[tilespmem:s23+$0xA00] =	vst v1  }
0x18: {  	s22 =	sadd.s32 $0x0, s7  }
0x19: {  	[spmem:s22] =	stream.linear.scatter [tilespmem:s12], [sflag:$0x3], $0x800, $0x38;
	[tilespmem:$0xDA00] =	vst v63  }
0x1a: {  	s22 =	simm.s32 $0x2000;
	_ =	swait.ge [sflag:s13], $0x800  }
.LBB2_4:
0x1b: {  	s23 =	sshra.s32 s22, $0x2;
	[sflag:s13] =	ssyncset.done $0x0;
	p1 =	sne.s32 s22, $0x30000  }
.Ltmp1:
0x1c: {  	s23 =	sadd.s32 s23, s7;
	[sflag:s13] =	ssyncadd.s32 $0xFFFFF800;
	(pc) =	sbr.rel @p1 .LBB2_4-.Ltmp1, $3  }
0x1d: {  	[spmem:s23] =	stream.linear.scatter [tilespmem:s12], [sflag:$0x3], $0x800, $0x38;
	[tilespmem:$0xDA00] =	vst v63  }
0x1e: {  	s22 =	sadd.s32 $0x2000, s22;
	_ =	sdelay $0x1  }
0x1f: {  	_ =	swait.ge [sflag:s13], $0x800  }
0x20: {  	[sflag:s13] =	ssyncset.done $0x0  }
0x21: {  	[sflag:s13] =	ssyncadd.s32 $0xFFFFF800  }
0x22: {  	s22 =	simm.s32 $0x0;
	[bflag:$0x0] =	sbarrier.arrive $0xFFFF  }
0x23: {  	[tilespmem:s22], [sflag:$0x1] =	stream.linear.gather [hbm4b:s6+s22], $0x100, $0x38;
	[tilespmem:$0xDA00] =	vst v63  }
0x24: {  	_ = 	snop  }
0x25: {  	[tilespmem:s14], [sflag:$0x2] =	stream.linear.gather [hbm4b:s8+s22], $0x100, $0x38;
	[tilespmem:$0xDA00] =	vst v63  }
0x26: {  	_ =	swait.ge [sflag:s15], $0x100  }
0x27: {  	[sflag:s15] =	ssyncset.done $0x0  }
0x28: {  	[sflag:s15] =	ssyncadd.s32 $0xFFFFFF00  }
0x29: {  	[spmem:s2] =	stream.indirect.scatter.add.f32 [tilespmem:s17], [sflag:$0x3], $0x10, s3, s16, $0xb8;
	[tilespmem:$0xDA00] =	vst v63  }
0x2a: {  	_ =	swait.ge [sflag:s13], $0x800  }
0x2b: {  	[sflag:s13] =	ssyncset.done $0x0  }
0x2c: {  	[sflag:s13] =	ssyncadd.s32 $0xFFFFF800  }
0x2d: {  	[spmem:s2] =	stream.indirect.scatter.add.f32 [tilespmem:s17], [sflag:$0x3], $0x10, s16, s16, $0xb8;
	[tilespmem:$0xDA00] =	vst v63  }
0x2e: {  	_ =	swait.ge [sflag:s13], $0x800  }
0x2f: {  	[sflag:s13] =	ssyncset.done $0x0  }
0x30: {  	[sflag:s13] =	ssyncadd.s32 $0xFFFFF800  }
0x31: {  	[tilespmem:s3], [sflag:$0x1] =	stream.linear.gather [hbm4b:s11+s3], $0x100, $0x38;
	[tilespmem:$0xDA00] =	vst v63  }
0x32: {  	_ =	swait.ge [sflag:s18], $0x100  }
0x33: {  	[sflag:s18] =	ssyncset.done $0x0  }
0x34: {  	s22 =	sadd.s32 $0x0, s5;
	[sflag:s18] =	ssyncadd.s32 $0xFFFFFF00  }
0x35: {  	[spmem:s2] =	stream.indirect.scatter.add.f32 [tilespmem:s17], [sflag:$0x3], $0x10, s14, s16, $0xb8;
	[tilespmem:$0xDA00] =	vst v63  }
0x36: {  	p1 =	slt.s32 s22, $0xBD4;
	_ =	swait.ge [sflag:s13], $0x800  }
0x37: {  	s22 =	simm.s32 @!p1 $0xBD4;
	[sflag:s13] =	ssyncset.done $0x0  }
0x38: {  	s22 =	sshll.u32 s22, $0x5;
	[sflag:s13] =	ssyncadd.s32 $0xFFFFF800  }
0x39: {  	[spmem:s2] =	stream.indirect.scatter.add.f32 [tilespmem:s17], [sflag:$0x3], $0x10, s19, s16, $0xb8;
	[tilespmem:$0xDA00] =	vst v63  }
0x3a: {  	s23 =	sadd.s32 $0xC00, s22;
	s22 =	simm.s32 $0x40;
	_ =	swait.ge [sflag:s13], $0x800  }
0x3b: {  	s24 =	sand.u32 $0x1FFFFFE0, s23;
	s23 =	smov.u32 s11;
	[sflag:s13] =	ssyncset.done $0x0  }
.LBB2_6:
0x3c: {  	[sflag:s13] =	ssyncadd.s32 $0xFFFFF800  }
0x3d: {  	s24 =	sadd.s32 s4, s24;
	s23 =	sadd.s32 $0x800, s23;
	s25 =	smov.u32 s22  }
0x3e: {  	[tilespmem:s14], [sflag:$0x2] =	stream.linear.gather [hbm4b:s24+s3], $0x100, $0x38;
	[tilespmem:$0xDA00] =	vst v63  }
0x3f: {  	p1 =	sne.s32 s22, $0xBC0;
	s22 =	sadd.s32 $0x40, s22;
	_ =	swait.ge [sflag:s15], $0x100  }
0x40: {  	[sflag:s15] =	ssyncset.done $0x0  }
0x41: {  	[sflag:s15] =	ssyncadd.s32 $0xFFFFFF00  }
0x42: {  	[spmem:s2] =	stream.indirect.scatter.add.f32 [tilespmem:s17], [sflag:$0x3], $0x10, s3, s16, $0xb8;
	[tilespmem:$0xDA00] =	vst v63  }
0x43: {  	_ =	swait.ge [sflag:s13], $0x800  }
0x44: {  	[sflag:s13] =	ssyncset.done $0x0  }
0x45: {  	[sflag:s13] =	ssyncadd.s32 $0xFFFFF800  }
0x46: {  	[spmem:s2] =	stream.indirect.scatter.add.f32 [tilespmem:s17], [sflag:$0x3], $0x10, s16, s16, $0xb8;
	[tilespmem:$0xDA00] =	vst v63  }
0x47: {  	_ =	swait.ge [sflag:s13], $0x800  }
0x48: {  	[sflag:s13] =	ssyncset.done $0x0  }
0x49: {  	[sflag:s13] =	ssyncadd.s32 $0xFFFFF800  }
0x4a: {  	[tilespmem:s3], [sflag:$0x1] =	stream.linear.gather [hbm4b:s23+s3], $0x100, $0x38;
	[tilespmem:$0xDA00] =	vst v63  }
0x4b: {  	_ =	swait.ge [sflag:s18], $0x100  }
0x4c: {  	[sflag:s18] =	ssyncset.done $0x0  }
0x4d: {  	s24 =	sadd.s32 s25, s5;
	[sflag:s18] =	ssyncadd.s32 $0xFFFFFF00  }
0x4e: {  	[spmem:s2] =	stream.indirect.scatter.add.f32 [tilespmem:s17], [sflag:$0x3], $0x10, s14, s16, $0xb8;
	[tilespmem:$0xDA00] =	vst v63  }
0x4f: {  	p2 =	slt.s32 s24, $0xBD4;
	_ =	swait.ge [sflag:s13], $0x800  }
.Ltmp2:
0x50: {  	s24 =	simm.s32 @!p2 $0xBD4;
	[sflag:s13] =	ssyncset.done $0x0;
	(pc) =	sbr.rel @p1 .LBB2_6-.Ltmp2, $4  }
0x51: {  	s24 =	sshll.u32 s24, $0x5;
	[sflag:s13] =	ssyncadd.s32 $0xFFFFF800  }
0x52: {  	[spmem:s2] =	stream.indirect.scatter.add.f32 [tilespmem:s17], [sflag:$0x3], $0x10, s19, s16, $0xb8;
	[tilespmem:$0xDA00] =	vst v63  }
0x53: {  	s24 =	sadd.s32 $0xC00, s24;
	_ =	swait.ge [sflag:s13], $0x800  }
0x54: {  	s24 =	sand.u32 $0x1FFFFFE0, s24;
	[sflag:s13] =	ssyncset.done $0x0  }
0x55: {  	[sflag:s13] =	ssyncadd.s32 $0xFFFFF800;
	s22 =	sadd.s32 s4, s24  }
0x56: {  	[tilespmem:s14], [sflag:$0x2] =	stream.linear.gather [hbm4b:s22+s3], $0x100, $0x38;
	[tilespmem:$0xDA00] =	vst v63  }
0x57: {  	_ =	swait.ge [sflag:s15], $0x100  }
0x58: {  	[sflag:s15] =	ssyncset.done $0x0  }
0x59: {  	[sflag:s15] =	ssyncadd.s32 $0xFFFFFF00  }
0x5a: {  	[spmem:s2] =	stream.indirect.scatter.add.f32 [tilespmem:s17], [sflag:$0x3], $0x10, s3, s16, $0xb8;
	[tilespmem:$0xDA00] =	vst v63  }
0x5b: {  	_ =	swait.ge [sflag:s13], $0x800  }
0x5c: {  	[sflag:s13] =	ssyncset.done $0x0  }
0x5d: {  	[sflag:s13] =	ssyncadd.s32 $0xFFFFF800  }
0x5e: {  	[spmem:s2] =	stream.indirect.scatter.add.f32 [tilespmem:s17], [sflag:$0x3], $0x10, s16, s16, $0xb8;
	[tilespmem:$0xDA00] =	vst v63  }
0x5f: {  	_ =	swait.ge [sflag:s13], $0x800  }
0x60: {  	[sflag:s13] =	ssyncset.done $0x0  }
0x61: {  	[sflag:s13] =	ssyncadd.s32 $0xFFFFF800  }
0x62: {  	_ =	swait.ge [sflag:s18], $0x100  }
0x63: {  	s23 =	simm.s32 @!p0 $0x100;
	[sflag:s18] =	ssyncset.done $0x0  }
0x64: {  	s24 =	simm.s32 @!p0 $0x200;
	s22 =	simm.s32 @!p0 $0x80;
	[sflag:s18] =	ssyncadd.s32 $0xFFFFFF00  }
0x65: {  	[spmem:s2] =	stream.indirect.scatter.add.f32 @!p0 [tilespmem:s24], [sflag:$0x3], $0x10, s23, s22, $0xb8;
	[tilespmem:$0xDA00] =	vst v63  }
0x66: {  	s23 =	simm.s32 @!p0 $0x3  }
0x67: {  	_ =	swait.ge @!p0 [sflag:s23], $0x800  }
0x68: {  	[sflag:s23] =	ssyncset.done @!p0 $0x0  }
0x69: {  	s25 =	simm.s32 @!p0 $0x180;
	[sflag:s23] =	ssyncadd.s32 @!p0 $0xFFFFF800  }
0x6a: {  	[spmem:s2] =	stream.indirect.scatter.add.f32 @!p0 [tilespmem:s24], [sflag:$0x3], $0x10, s25, s22, $0xb8;
	[tilespmem:$0xDA00] =	vst v63  }
0x6b: {  	_ =	swait.ge @!p0 [sflag:s23], $0x800  }
0x6c: {  	s21 =	sadd.s32 $0x1, s21;
	[sflag:s23] =	ssyncset.done @!p0 $0x0  }
0x6d: {  	s31 =	sshll.u32 s1, $0x6;
	p1 =	sne.s32 s21, s10;
	[sflag:s23] =	ssyncadd.s32 @!p0 $0xFFFFF800  }
.Ltmp3:
0x6e: {  	s22 =	sor.u32 $0x1C03, s31;
	[bflag:$0x0] =	sbarrier.arrive $0xFFFF;
	(pc) =	sbr.rel @p1 .LBB2_1-.Ltmp3, $4  }
0x6f: {  	[hbm:s9], [sflag:s22] =	dma.local [spmem:s20], $0x1900  }
0x70: {  	_ =	swait.ge [sflag:s13], $0x1900  }
0x71: {  	[sflag:s13] =	ssyncset.done $0x0  }
0x72: {  	[sflag:s13] =	ssyncadd.s32 $0xFFFFE700  }
0x73: {  	_ =	sfence.sel $0x180000  }
0x74: {  	[bflag:$0x0] =	sbarrier.arrive $0xFFFF  }
0x75: {  	p0 =	sne.s32 s1, $0x0;
	_ =	strace $0x9000004A  }
0x76: {  	s0 =	sadd.s32 @!p0 $0x100000, s0;
	[bflag:$0x2] =	sbarrier.arrive $0xFFFF  }
0x77: {  	[sflag:s0] =	ssyncadd.tile.s32 @!p0 $0x1;
	_ =	shalt  }
.Lfunc_end2:
_tile_overlayer_lowered:
.L_overlay_start_2:
0x78: {  	(tag) =	ssettag $0x2  }
0x79: {  	s0 =	rddreg [dreg:$0x0];
	s2 =	stileid.u32  }
0x7a: {  	s1 =	rddreg [dreg:$0x1];
	p0 =	sne.s32 s2, $0x0  }
0x7b: {  	s3 =	rddreg [dreg:$0x2];
	[bflag:$0x3] =	sbarrier.arrive $0xFFFF;
	s2 =	simm.s32 @!p0 $0x1C03  }
0x7c: {  	[timem:s3], [sflag:s2] =	dma.local @!p0 [hbm:s0], s1  }
0x7d: {  	s0 =	simm.s32 @!p0 $0x3  }
0x7e: {  	_ =	swait.ge @!p0 [sflag:s0], s1  }
0x7f: {  	s1 =	ssub.s32 @!p0 $0x0, s1;
	[sflag:s0] =	ssyncset.done @!p0 $0x0  }
0x80: {  	[sflag:s0] =	ssyncadd.s32 @!p0 s1  }
0x81: {  	[bflag:$0x3] =	sbarrier.arrive $0xFFFF  }
0x82: {  	_ =	shalt  }

// kernel: kernel.16.cloned.1.call-start
scs
__scs_entry_jumppad:
0x0: {  	(pc) =	sbr.rel $0x88, $3  }
0x1: {  	(tag) =	ssettag $0x0;
	lr =	simm.s32 $0x1  }
0x2: {  	[smem:$0x3F8A] =	sst lr;
	_ =	strace $0xD0000000  }
0x3: {  	_ = 	snop  }
0x4: {  	_ = 	snop  }
0x5: {  	_ = 	snop  }
0x6: {  	_ = 	snop  }
0x7: {  	_ = 	snop  }
__scs_overlays_trampoline_lowered:
0x8: {  	[smem:$0x3F99] =	sst s0  }
0x9: {  	[smem:$0x3F9A] =	sst s1  }
0xa: {  	[smem:$0x3F9B] =	sst s2  }
0xb: {  	[smem:$0x3F9C] =	sst s3  }
0xc: {  	[smem:$0x3F9D] =	sst s4  }
0xd: {  	[smem:$0x3F9E] =	sst s5  }
0xe: {  	[smem:$0x3F9F] =	sst s6  }
0xf: {  	[smem:$0x3FA0] =	sst s7  }
0x10: {  	[smem:$0x3FA1] =	sst s8  }
0x11: {  	[smem:$0x3FA2] =	sst s9;
	s0 =	simm.s32 @!p0 $0x0  }
0x12: {  	s1 =	sld [smem:$0x3F88];
	s0 =	simm.s32 @p0 $0x1  }
0x13: {  	[smem:$0x3FA3] =	sst s0;
	s0 =	simm.s32 @!p1 $0x0  }
0x14: {  	s2 =	sld [smem:$0x3F87];
	s0 =	simm.s32 @p1 $0x1  }
0x15: {  	[smem:$0x3FA4] =	sst s0;
	s0 =	simm.s32 @!p2 $0x0  }
0x16: {  	s3 =	sld [smem:$0x3FDB];
	s0 =	simm.s32 @p2 $0x1  }
0x17: {  	s4 =	simm.s32 $0x1BF5;
	[smem:$0x3FA6] =	sst s0  }
0x18: {  	s0 =	sld [smem:$0x3F89];
	_ =	swait.ge [sflag:s4], $0x0  }
0x19: {  	s7 =	sld [smem:$0x3F8A]  }
0x1a: {  	s8 =	sadd.s32 $0xFFFFE003, lr  }
0x1b: {  	s9 =	sadd.s32 $0xFFFFFEF7, lr;
	s5 =	simm.s32 $0xFFFFFFFF;
	p2 =	slt.u32 s8, $0xFFFFF086  }
0x1c: {  	p1 =	slt.u32 s9, $0xF7A;
	s5 =	simm.s32 @!p2 $0x0  }
0x1d: {  	s5 =	simm.s32 @p1 $0x1;
	p0 =	seq.s32 s7, s2  }
0x1e: {  	s7 =	smul.u32 @!p0 $0xF7A, s2;
	p2 =	seq.s32 @!p0 s5, $0x0  }
0x1f: {  	s9 =	smul.u32 $0xF7A, s1;
	s8 =	simm.s32 @!p0 $0x1BF5;
	p2 =	por !p2, p0  }
0x20: {  	[sflag:s8] =	ssyncset.s32 @!p0 $0xFFFFF086;
	s6 =	sadd.s32 @!p0 s3, s7;
	s7 =	simm.s32 @!p0 $0x108  }
0x21: {  	s3 =	sadd.s32 s3, s9;
	s6 =	sadd.s32 @!p0 $0x88, s6;
	s7 =	simm.s32 @p2 $0x1082  }
0x22: {  	[simem:s7], [sflag:s8] =	dma.local @!p0 [hbm:s6], $0xF7A  }
0x23: {  	s9 =	sor.u32 $0xD0000000, s2;
	s6 =	simm.s32 $0x108;
	_ =	swait.ge @!p0 [sflag:s8], $0x0  }
0x24: {  	s3 =	sadd.s32 $0x88, s3;
	s6 =	simm.s32 @!p1 $0x1082;
	[sflag:s4] =	ssyncset.s32 $0xFFFFF086  }
0x25: {  	[simem:s6], [sflag:s4] =	dma.local [hbm:s3], $0xF7A  }
0x26: {  	[smem:$0x3F8A] =	sst s1;
	(tag) =	ssettag s2;
	_ =	strace s9  }
0x27: {  	s1 =	sld [smem:$0x3F9A]  }
0x28: {  	s2 =	sld [smem:$0x3F9B]  }
0x29: {  	s4 =	sld [smem:$0x3F9D]  }
0x2a: {  	p0 =	seq.s32 s5, $0x0;
	s5 =	sld [smem:$0x3F9E]  }
0x2b: {  	s6 =	sld [smem:$0x3F9F]  }
0x2c: {  	s7 =	sld [smem:$0x3FA0]  }
0x2d: {  	s3 =	simm.s32 $0x108;
	s8 =	sld [smem:$0x3FA1]  }
0x2e: {  	s3 =	simm.s32 @!p0 $0x1082;
	s9 =	sld [smem:$0x3FA2]  }
0x2f: {  	lr =	sadd.s32 s0, s3;
	s0 =	sld [smem:$0x3F99]  }
0x30: {  	s3 =	sld [smem:$0x3F9C]  }
0x31: {  	[smem:$0x3FA5] =	sst s10  }
0x32: {  	s10 =	sld [smem:$0x3FA3];
	_ =	sdelay $0x3  }
0x33: {  	p0 =	seq.s32 s10, $0x1;
	s10 =	sld [smem:$0x3FA5];
	_ =	sdelay $0x3  }
0x34: {  	[smem:$0x3FA5] =	sst s10  }
0x35: {  	s10 =	sld [smem:$0x3FA4];
	_ =	sdelay $0x3  }
0x36: {  	p1 =	seq.s32 s10, $0x1;
	s10 =	sld [smem:$0x3FA5];
	_ =	sdelay $0x3  }
0x37: {  	[smem:$0x3FA5] =	sst s10  }
0x38: {  	s10 =	sld [smem:$0x3FA6]  }
0x39: {  	_ = 	snop;
	(pc) =	sbr.ind lr, $3  }
0x3a: {  	_ = 	snop  }
0x3b: {  	_ = 	snop  }
0x3c: {  	p2 =	seq.s32 s10, $0x1;
	s10 =	sld [smem:$0x3FA5]  }
0x3d: {  	_ =	shalt  }
0x3e: {  	_ =	shalt  }
0x3f: {  	_ =	shalt  }
0x40: {  	_ =	shalt  }
0x41: {  	_ =	shalt  }
0x42: {  	_ =	shalt  }
0x43: {  	_ =	shalt  }
0x44: {  	_ =	shalt  }
0x45: {  	_ =	shalt  }
0x46: {  	_ =	shalt  }
0x47: {  	_ =	shalt  }
0x48: {  	_ =	shalt  }
0x49: {  	_ =	shalt  }
0x4a: {  	_ =	shalt  }
0x4b: {  	_ =	shalt  }
0x4c: {  	_ =	shalt  }
0x4d: {  	_ =	shalt  }
0x4e: {  	_ =	shalt  }
0x4f: {  	_ =	shalt  }
0x50: {  	_ =	shalt  }
0x51: {  	_ =	shalt  }
0x52: {  	_ =	shalt  }
0x53: {  	_ =	shalt  }
0x54: {  	_ =	shalt  }
0x55: {  	_ =	shalt  }
0x56: {  	_ =	shalt  }
0x57: {  	_ =	shalt  }
0x58: {  	_ =	shalt  }
0x59: {  	_ =	shalt  }
0x5a: {  	_ =	shalt  }
0x5b: {  	_ =	shalt  }
0x5c: {  	_ =	shalt  }
0x5d: {  	_ =	shalt  }
0x5e: {  	_ =	shalt  }
0x5f: {  	_ =	shalt  }
0x60: {  	_ =	shalt  }
0x61: {  	_ =	shalt  }
0x62: {  	_ =	shalt  }
0x63: {  	_ =	shalt  }
0x64: {  	_ =	shalt  }
0x65: {  	_ =	shalt  }
0x66: {  	_ =	shalt  }
0x67: {  	_ =	shalt  }
0x68: {  	_ =	shalt  }
0x69: {  	_ =	shalt  }
0x6a: {  	_ =	shalt  }
0x6b: {  	_ =	shalt  }
0x6c: {  	_ =	shalt  }
0x6d: {  	_ =	shalt  }
0x6e: {  	_ =	shalt  }
0x6f: {  	_ =	shalt  }
0x70: {  	_ =	shalt  }
0x71: {  	_ =	shalt  }
0x72: {  	_ =	shalt  }
0x73: {  	_ =	shalt  }
0x74: {  	_ =	shalt  }
0x75: {  	_ =	shalt  }
0x76: {  	_ =	shalt  }
0x77: {  	_ =	shalt  }
0x78: {  	_ =	shalt  }
0x79: {  	_ =	shalt  }
0x7a: {  	_ =	shalt  }
0x7b: {  	_ =	shalt  }
0x7c: {  	_ =	shalt  }
0x7d: {  	_ =	shalt  }
0x7e: {  	_ =	shalt  }
0x7f: {  	_ =	shalt  }
0x80: {  	_ =	shalt  }
0x81: {  	_ =	shalt  }
0x82: {  	_ =	shalt  }
0x83: {  	_ =	shalt  }
0x84: {  	_ =	shalt  }
0x85: {  	_ =	shalt  }
0x86: {  	_ =	shalt  }
0x87: {  	_ =	shalt  }
.Lfunc_end0:
.L_simem_size_0:
called_computation.2_lowered:
.L_overlay_start_0:
0x88: {  	s2 =	sld [smem:$0x3FD9]  }
0x89: {  	s3 =	sld [smem:$0x3FFE];
	_ =	sdelay $0x1  }
0x8a: {  	s1 =	srdreg.scid  }
0x8b: {  	s0 =	sand.u32 $0x1, s1  }
0x8c: {  	s16 =	sshll.u32 s0, $0xA;
	s2 =	sadd.s32 s3, s2  }
0x8d: {  	s2 =	sadd.s32 s2, s16  }
0x8e: {  	[smem:$0x3FB1] =	sst s2  }
0x8f: {  	_ = 	snop  }
0x90: {  	(tm) =	ssettm $0x1  }
0x91: {  	s17 =	sld [smem:$0x3FFB];
	_ =	sdelay $0x3  }
0x92: {  	_ =	strace s17  }
0x93: {  	s2 =	sld [smem:$0x3FFC];
	_ =	sdelay $0x3  }
0x94: {  	_ =	strace s2  }
0x95: {  	s2 =	sld [smem:$0x3FFD];
	_ =	sdelay $0x3  }
0x96: {  	_ =	strace s2  }
0x97: {  	_ =	strace $0x8FFFFFFF  }
0x98: {  	s18 =	sld [smem:$0x3FDB];
	_ =	sdelay $0x1  }
0x99: {  	s19 =	simm.s32 $_scs_section_size  }
0x9a: {  	s4 =	simm.s32 $_size__tile_overlayer_lowered;
	s5 =	simm.s32 $_tile_overlayer_lowered  }
0x9b: {  	s22 =	simm.s32 $0x1BFF;
	s21 =	sshll.u32 s5, $0x1;
	s2 =	sadd.s32 s19, s18  }
0x9c: {  	s6 =	simm.s32 $0x0;
	s20 =	sshll.u32 s4, $0x1;
	s4 =	sadd.s32 s21, s2  }
0x9d: {  	[timem:s6], [sflag:s22] =	dma.local [hbm:s4], s20  }
0x9e: {  	_ =	swait.ge [sflag:s22], s20  }
0x9f: {  	s3 =	ssub.s32 $0x0, s20;
	[sflag:s22] =	ssyncset.done $0x0  }
0xa0: {  	[sflag:s22] =	ssyncadd.s32 s3;
	_ =	sdelay $0x1  }
0xa1: {  	s23 =	simm.s32 $0x1B8B  }
0xa2: {  	_ =	swait.ge [sflag:s23], $0x1  }
0xa3: {  	[sflag:s23] =	ssyncset.done $0x0  }
0xa4: {  	s25 =	simm.s32 $0x1B8E;
	s24 =	sld [smem:$0x3FFE];
	[sflag:s23] =	ssyncadd.s32 $0xFFFFFFFF  }
0xa5: {  	s26 =	simm.s32 $execute0_lowered;
	[smem:$0x3FD2] =	sst s25  }
0xa6: {  	s4 =	sshll.u32 s26, $0x1;
	_ =	strace $0x8000004C;
	[dreg:$0x1] =	wrdreg $0xFFFFFFFF  }
0xa7: {  	s28 =	simm.s32 $_size_execute0_lowered;
	s2 =	sadd.s32 s2, s4;
	[dreg:$0x0] =	wrdreg $0x0  }
0xa8: {  	s4 =	sshll.u32 s28, $0x1;
	[dreg:$0x2] =	wrdreg s2  }
0xa9: {  	[dreg:$0x3] =	wrdreg s4  }
0xaa: {  	[dreg:$0x4] =	wrdreg $0xC0  }
0xab: {  	_ =	task [dreg:s6], $0x5FFFF  }
0xac: {  	[dreg:$0x1] =	wrdreg $0xFFFFFFFF  }
0xad: {  	[dreg:$0x0] =	wrdreg $0x60  }
0xae: {  	[dreg:$0x2] =	wrdreg s24  }
0xaf: {  	[dreg:$0x3] =	wrdreg $0x9  }
0xb0: {  	_ =	task.clear_ibuf [dreg:s6], $0x4FFFF;
	_ =	strace $0x9000004C  }
0xb1: {  	s29 =	simm.s32 $0x9;
	_ =	strace $0x8000004E  }
0xb2: {  	_ =	swait.ge [sflag:s29], $0x1  }
0xb3: {  	[sflag:s29] =	ssyncadd.s32 $0xFFFFFFFF  }
0xb4: {  	_ =	strace $0x9000004E  }
0xb5: {  	_ =	sfence  }
0xb6: {  	s30 =	sld [smem:$0x0];
	_ =	sdelay $0x2  }
0xb7: {  	s31 =	sshll.u32 s1, $0xD;
	s1 =	sshrl.u32 s1, $0x2  }
0xb8: {  	s3 =	sand.u32 $0x4000, s31;
	s1 =	sadd.s32 s1, s30  }
0xb9: {  	s0 =	sor.u32 s3, s0;
	s1 =	sshll.u32 s1, $0x11  }
0xba: {  	s0 =	sor.u32 s1, s0  }
0xbb: {  	s0 =	sadd.s32 $0x8F2B, s0  }
0xbc: {  	[sflag:s0] =	ssyncadd.remote.s32 $0x1  }
0xbd: {  	_ =	sfence.sel $0xFFFF  }
0xbe: {  	[dreg:$0x0] =	wrdreg $0xFFFFFFFF;
	(pc) =	sbr.abs _section_cstart, $3  }
0xbf: {  	[dreg:$0x1] =	wrdreg $0xFFFFFFFF  }
0xc0: {  	_ =	task.clear_ibuf [dreg:s6], $0x2FFFF;
	_ =	strace $0x9FFFFFFF  }
0xc1: {  	(tm) =	ssettm $0x7FFFFFFF  }
tec
execute0_lowered:
.L_overlay_start_1:
0x0: {  	(tag) =	ssettag $0x1  }
0x1: {  	s0 =	rddreg [dreg:$0x0];
	s1 =	simm.s32 $0x0  }
0x2: {  	s2 =	srdreg.scid;
	s10 =	stileid.u32;
	s17 =	simm.s32 $0x100  }
0x3: {  	s18 =	simm.s32 $0x1;
	s19 =	simm.s32 $0x80;
	s20 =	simm.s32 $0x200  }
0x4: {  	s21 =	simm.s32 $0x1200;
	s22 =	simm.s32 $0x3;
	s23 =	simm.s32 $0x2  }
0x5: {  	s28 =	simm.s32 $0x4;
	s29 =	simm.s32 $0x5;
	s30 =	simm.s32 $0x0  }
0x6: {  	[smem:$0x7FF] =	sst s1;
	s2 =	sand.u32 $0x1, s2;
	s3 =	sadd.s32 $0x4800, s0  }
0x7: {  	s4 =	sadd.s32 $0x4F000, s0;
	s0 =	sadd.s32 $0x67800, s0;
	s14 =	sshll.u32 s10, $0x5  }
0x8: {  	s31 =	sshll.u32 s10, $0xA;
	_ =	strace $0x8000004D;
	s5 =	sshll.u32 s2, $0x4  }
0x9: {  	s7 =	ssub.s32 $0x2, s2;
	s26 =	sshll.u32 s2, $0x9;
	s5 =	sor.u32 s10, s5  }
0xa: {  	s2 =	sshll.u32 s2, $0xE;
	s8 =	sshrl.u32 s7, $0x1;
	s6 =	sshll.u32 s5, $0x5  }
0xb: {  	s9 =	sshll.u32 s5, $0xA;
	s7 =	ssub.s32 s7, s8;
	p0 =	sgt.u32 s5, $0x14  }
0xc: {  	s6 =	sadd.s32 s4, s6;
	s8 =	sadd.s32 s0, s9;
	s11 =	smax.u32 s7, $0x1  }
0xd: {  	s7 =	sadd.s32 s26, s4;
	s0 =	sadd.s32 s2, s0;
	s26 =	simm.s32 $0x3200  }
0xe: {  	s24 =	sadd.s32 $0x400, s6;
	s9 =	sadd.s32 $0x300000, s8;
	s25 =	sadd.s32 $0x308000, s8  }
0xf: {  	s12 =	sadd.s32 $0x800, s6;
	s13 =	sadd.s32 $0xC00, s6;
	[dreg:$0x2] =	wrdreg s24  }
0x10: {  	s7 =	sadd.s32 s14, s7;
	s14 =	sadd.s32 $0x8000, s8;
	[dreg:$0x3] =	wrdreg s9  }
0x11: {  	s0 =	sadd.s32 s31, s0;
	[dreg:$0x4] =	wrdreg s25;
	s15 =	sadd.s32 $0x1000, s7  }
0x12: {  	s7 =	sadd.s32 $0x18000, s0;
	s24 =	simm.s32 $0x2200;
	s25 =	simm.s32 $0x180  }
.LBB2_1:
0x13: {  	[tilespmem:s1], [sflag:$0x1] =	stream.linear.gather [hbm4b:s6+s1], $0x100, $0x38;
	[tilespmem:$0x4200] =	vst v63  }
0x14: {  	s0 =	rddreg [dreg:$0x2]  }
0x15: {  	[tilespmem:s17], [sflag:$0x2] =	stream.linear.gather [hbm4b:s0+s1], $0x100, $0x38;
	[tilespmem:$0x4200] =	vst v63  }
0x16: {  	_ =	swait.ge [sflag:s18], $0x100  }
0x17: {  	[sflag:s18] =	ssyncset.done $0x0  }
0x18: {  	[sflag:s18] =	ssyncadd.s32 $0xFFFFFF00  }
0x19: {  	[tilespmem:s20], [sflag:$0x3] =	stream.indirect.gather [hbm4b:s3+s19], $0x20, s1, s19, $0xb8;
	[tilespmem:$0x4200] =	vst v63  }
0x1a: {  	_ = 	snop  }
0x1b: {  	[tilespmem:s21], [sflag:$0x3] =	stream.indirect.gather [hbm4b:s3+s19], $0x20, s19, s19, $0xb8;
	[tilespmem:$0x4200] =	vst v63  }
0x1c: {  	_ =	swait.ge [sflag:s22], $0x1000  }
0x1d: {  	[sflag:s22] =	ssyncset.done $0x0  }
0x1e: {  	[sflag:s22] =	ssyncadd.s32 $0xFFFFF000  }
0x1f: {  	_ =	swait.ge [sflag:s22], $0x1000  }
0x20: {  	[sflag:s22] =	ssyncset.done $0x0  }
0x21: {  	[sflag:s22] =	ssyncadd.s32 $0xFFFFF000  }
0x22: {  	[tilespmem:s1], [sflag:$0x1] =	stream.linear.gather [hbm4b:s12+s1], $0x100, $0x38;
	[tilespmem:$0x4200] =	vst v63  }
0x23: {  	_ = 	snop  }
0x24: {  	[hbm4b:s8+s1] =	stream.linear.scatter [tilespmem:s20], [sflag:$0x4], $0x2000, $0x38;
	[tilespmem:$0x4200] =	vst v63  }
0x25: {  	_ =	swait.ge [sflag:s23], $0x100  }
0x26: {  	[sflag:s23] =	ssyncset.done $0x0  }
0x27: {  	[sflag:s23] =	ssyncadd.s32 $0xFFFFFF00  }
0x28: {  	[tilespmem:s24], [sflag:$0x3] =	stream.indirect.gather [hbm4b:s3+s19], $0x20, s17, s19, $0xb8;
	[tilespmem:$0x4200] =	vst v63  }
0x29: {  	_ = 	snop  }
0x2a: {  	[tilespmem:s26], [sflag:$0x3] =	stream.indirect.gather [hbm4b:s3+s19], $0x20, s25, s19, $0xb8;
	[tilespmem:$0x4200] =	vst v63  }
0x2b: {  	_ =	swait.ge [sflag:s22], $0x1000  }
0x2c: {  	[sflag:s22] =	ssyncset.done $0x0  }
0x2d: {  	[sflag:s22] =	ssyncadd.s32 $0xFFFFF000  }
0x2e: {  	_ =	swait.ge [sflag:s22], $0x1000  }
0x2f: {  	[sflag:s22] =	ssyncset.done $0x0  }
0x30: {  	[sflag:s22] =	ssyncadd.s32 $0xFFFFF000  }
0x31: {  	[tilespmem:s17], [sflag:$0x2] =	stream.linear.gather [hbm4b:s13+s1], $0x100, $0x38;
	[tilespmem:$0x4200] =	vst v63  }
0x32: {  	_ = 	snop  }
0x33: {  	[hbm4b:s14+s1] =	stream.linear.scatter [tilespmem:s24], [sflag:$0x5], $0x2000, $0x38;
	[tilespmem:$0x4200] =	vst v63  }
0x34: {  	_ =	swait.ge [sflag:s18], $0x100  }
0x35: {  	[sflag:s18] =	ssyncset.done $0x0  }
0x36: {  	[sflag:s18] =	ssyncadd.s32 $0xFFFFFF00  }
0x37: {  	_ =	swait.ge [sflag:s28], $0x2000  }
0x38: {  	[sflag:s28] =	ssyncset.done $0x0  }
0x39: {  	[sflag:s28] =	ssyncadd.s32 $0xFFFFE000  }
0x3a: {  	[tilespmem:s20], [sflag:$0x3] =	stream.indirect.gather [hbm4b:s3+s19], $0x20, s1, s19, $0xb8;
	[tilespmem:$0x4200] =	vst v63  }
0x3b: {  	_ = 	snop  }
0x3c: {  	[tilespmem:s21], [sflag:$0x3] =	stream.indirect.gather [hbm4b:s3+s19], $0x20, s19, s19, $0xb8;
	[tilespmem:$0x4200] =	vst v63  }
0x3d: {  	_ =	swait.ge [sflag:s22], $0x1000  }
0x3e: {  	[sflag:s22] =	ssyncset.done $0x0  }
0x3f: {  	[sflag:s22] =	ssyncadd.s32 $0xFFFFF000  }
0x40: {  	_ =	swait.ge [sflag:s22], $0x1000  }
0x41: {  	[sflag:s22] =	ssyncset.done $0x0  }
0x42: {  	[sflag:s22] =	ssyncadd.s32 $0xFFFFF000  }
0x43: {  	[tilespmem:s1], [sflag:$0x1] =	stream.linear.gather [hbm4b:s15+s1], $0x100, $0x38;
	[tilespmem:$0x4200] =	vst v63  }
0x44: {  	s16 =	sadd.s32 $0xFFFF8000, s7  }
0x45: {  	[hbm4b:s16+s1] =	stream.linear.scatter [tilespmem:s20], [sflag:$0x4], $0x2000, $0x38;
	[tilespmem:$0x4200] =	vst v63  }
0x46: {  	_ =	swait.ge [sflag:s23], $0x100  }
0x47: {  	[sflag:s23] =	ssyncset.done $0x0  }
0x48: {  	[sflag:s23] =	ssyncadd.s32 $0xFFFFFF00  }
0x49: {  	_ =	swait.ge [sflag:s29], $0x2000  }
0x4a: {  	[sflag:s29] =	ssyncset.done $0x0  }
0x4b: {  	[sflag:s29] =	ssyncadd.s32 $0xFFFFE000  }
0x4c: {  	[tilespmem:s24], [sflag:$0x3] =	stream.indirect.gather [hbm4b:s3+s19], $0x20, s17, s19, $0xb8;
	[tilespmem:$0x4200] =	vst v63  }
0x4d: {  	s0 =	sadd.s32 $0x40, s5  }
0x4e: {  	[tilespmem:s26], [sflag:$0x3] =	stream.indirect.gather [hbm4b:s3+s19], $0x20, s25, s19, $0xb8;
	[tilespmem:$0x4200] =	vst v63  }
0x4f: {  	p1 =	slt.s32 s0, $0xBD4;
	_ =	swait.ge [sflag:s22], $0x1000  }
0x50: {  	s0 =	simm.s32 @!p1 $0xBD4;
	[sflag:s22] =	ssyncset.done $0x0  }
0x51: {  	s0 =	sshll.u32 s0, $0x5;
	[sflag:s22] =	ssyncadd.s32 $0xFFFFF000  }
0x52: {  	s0 =	sadd.s32 $0xC00, s0;
	_ =	swait.ge [sflag:s22], $0x1000  }
0x53: {  	s0 =	sand.u32 $0x1FFFFFE0, s0;
	[sflag:s22] =	ssyncset.done $0x0  }
0x54: {  	s31 =	simm.s32 $0x80;
	s0 =	sadd.s32 s4, s0;
	[sflag:s22] =	ssyncadd.s32 $0xFFFFF000  }
0x55: {  	[tilespmem:s17], [sflag:$0x2] =	stream.linear.gather [hbm4b:s0+s1], $0x100, $0x38;
	[tilespmem:$0x4200] =	vst v63  }
0x56: {  	s2 =	sadd.s32 $0x10000, s7;
	s16 =	smov.u32 s7;
	s0 =	sadd.s32 $0x800, s15  }
.LBB2_2:
0x57: {  	[hbm4b:s16+s1] =	stream.linear.scatter [tilespmem:s24], [sflag:$0x5], $0x2000, $0x38;
	[tilespmem:$0x4200] =	vst v63  }
0x58: {  	s9 =	smov.u32 s31;
	s16 =	smov.u32 s2  }
0x59: {  	p1 =	sne.s32 s31, $0xBC0;
	s31 =	sadd.s32 $0x40, s31;
	_ =	swait.ge [sflag:s18], $0x100  }
0x5a: {  	[sflag:s18] =	ssyncset.done $0x0  }
0x5b: {  	[sflag:s18] =	ssyncadd.s32 $0xFFFFFF00  }
0x5c: {  	_ =	swait.ge [sflag:s28], $0x2000  }
0x5d: {  	[sflag:s28] =	ssyncset.done $0x0  }
0x5e: {  	[sflag:s28] =	ssyncadd.s32 $0xFFFFE000  }
0x5f: {  	[tilespmem:s20], [sflag:$0x3] =	stream.indirect.gather [hbm4b:s3+s19], $0x20, s1, s19, $0xb8;
	[tilespmem:$0x4200] =	vst v63  }
0x60: {  	_ = 	snop  }
0x61: {  	[tilespmem:s21], [sflag:$0x3] =	stream.indirect.gather [hbm4b:s3+s19], $0x20, s19, s19, $0xb8;
	[tilespmem:$0x4200] =	vst v63  }
0x62: {  	_ =	swait.ge [sflag:s22], $0x1000  }
0x63: {  	[sflag:s22] =	ssyncset.done $0x0  }
0x64: {  	[sflag:s22] =	ssyncadd.s32 $0xFFFFF000  }
0x65: {  	_ =	swait.ge [sflag:s22], $0x1000  }
0x66: {  	[sflag:s22] =	ssyncset.done $0x0  }
0x67: {  	[sflag:s22] =	ssyncadd.s32 $0xFFFFF000  }
0x68: {  	[tilespmem:s1], [sflag:$0x1] =	stream.linear.gather [hbm4b:s0+s1], $0x100, $0x38;
	[tilespmem:$0x4200] =	vst v63  }
0x69: {  	s10 =	sadd.s32 $0xFFFF8000, s2  }
0x6a: {  	[hbm4b:s10+s1] =	stream.linear.scatter [tilespmem:s20], [sflag:$0x4], $0x2000, $0x38;
	[tilespmem:$0x4200] =	vst v63  }
0x6b: {  	_ =	swait.ge [sflag:s23], $0x100  }
0x6c: {  	[sflag:s23] =	ssyncset.done $0x0  }
0x6d: {  	[sflag:s23] =	ssyncadd.s32 $0xFFFFFF00  }
0x6e: {  	_ =	swait.ge [sflag:s29], $0x2000  }
0x6f: {  	[sflag:s29] =	ssyncset.done $0x0  }
0x70: {  	[sflag:s29] =	ssyncadd.s32 $0xFFFFE000  }
0x71: {  	[tilespmem:s24], [sflag:$0x3] =	stream.indirect.gather [hbm4b:s3+s19], $0x20, s17, s19, $0xb8;
	[tilespmem:$0x4200] =	vst v63  }
0x72: {  	s9 =	sadd.s32 s9, s5  }
0x73: {  	[tilespmem:s26], [sflag:$0x3] =	stream.indirect.gather [hbm4b:s3+s19], $0x20, s25, s19, $0xb8;
	[tilespmem:$0x4200] =	vst v63  }
0x74: {  	p2 =	slt.s32 s9, $0xBD4;
	_ =	swait.ge [sflag:s22], $0x1000  }
0x75: {  	s9 =	simm.s32 @!p2 $0xBD4;
	[sflag:s22] =	ssyncset.done $0x0  }
0x76: {  	s9 =	sshll.u32 s9, $0x5;
	[sflag:s22] =	ssyncadd.s32 $0xFFFFF000  }
.Ltmp0:
0x77: {  	s9 =	sadd.s32 $0xC00, s9;
	_ =	swait.ge [sflag:s22], $0x1000;
	(pc) =	sbr.rel @p1 .LBB2_2-.Ltmp0, $4  }
0x78: {  	s9 =	sand.u32 $0x1FFFFFE0, s9;
	[sflag:s22] =	ssyncset.done $0x0  }
0x79: {  	s9 =	sadd.s32 s4, s9;
	[sflag:s22] =	ssyncadd.s32 $0xFFFFF000  }
0x7a: {  	[tilespmem:s17], [sflag:$0x2] =	stream.linear.gather [hbm4b:s9+s1], $0x100, $0x38;
	[tilespmem:$0x4200] =	vst v63  }
0x7b: {  	s2 =	sadd.s32 $0x10000, s2;
	s0 =	sadd.s32 $0x800, s0  }
0x7c: {  	[hbm4b:s16+s1] =	stream.linear.scatter [tilespmem:s24], [sflag:$0x5], $0x2000, $0x38;
	[tilespmem:$0x4200] =	vst v63  }
0x7d: {  	_ =	swait.ge [sflag:s18], $0x100  }
0x7e: {  	[sflag:s18] =	ssyncset.done $0x0  }
0x7f: {  	[sflag:s18] =	ssyncadd.s32 $0xFFFFFF00  }
0x80: {  	_ =	swait.ge [sflag:s28], $0x2000  }
0x81: {  	[sflag:s28] =	ssyncset.done $0x0  }
0x82: {  	[sflag:s28] =	ssyncadd.s32 $0xFFFFE000  }
0x83: {  	[tilespmem:s20], [sflag:$0x3] =	stream.indirect.gather [hbm4b:s3+s19], $0x20, s1, s19, $0xb8;
	[tilespmem:$0x4200] =	vst v63  }
0x84: {  	_ = 	snop  }
0x85: {  	[tilespmem:s21], [sflag:$0x3] =	stream.indirect.gather [hbm4b:s3+s19], $0x20, s19, s19, $0xb8;
	[tilespmem:$0x4200] =	vst v63  }
0x86: {  	_ =	swait.ge [sflag:s22], $0x1000  }
0x87: {  	[sflag:s22] =	ssyncset.done $0x0  }
0x88: {  	[sflag:s22] =	ssyncadd.s32 $0xFFFFF000  }
0x89: {  	_ =	swait.ge [sflag:s22], $0x1000  }
0x8a: {  	[sflag:s22] =	ssyncset.done $0x0  }
0x8b: {  	s0 =	rddreg [dreg:$0x3];
	[sflag:s22] =	ssyncadd.s32 $0xFFFFF000  }
0x8c: {  	[hbm4b:s0+s1] =	stream.linear.scatter [tilespmem:s20], [sflag:$0x4], $0x2000, $0x38;
	[tilespmem:$0x4200] =	vst v63  }
0x8d: {  	_ =	swait.ge [sflag:s23], $0x100  }
0x8e: {  	[sflag:s23] =	ssyncset.done $0x0  }
0x8f: {  	s0 =	simm.s32 @!p0 $0x5;
	[sflag:s23] =	ssyncadd.s32 $0xFFFFFF00  }
0x90: {  	_ =	swait.ge @!p0 [sflag:s0], $0x2000  }
0x91: {  	s2 =	simm.s32 @!p0 $0x100;
	[sflag:s0] =	ssyncset.done @!p0 $0x0  }
0x92: {  	s9 =	simm.s32 @!p0 $0x2200;
	[sflag:s0] =	ssyncadd.s32 @!p0 $0xFFFFE000;
	s0 =	simm.s32 @!p0 $0x80  }
0x93: {  	[tilespmem:s9], [sflag:$0x3] =	stream.indirect.gather @!p0 [hbm4b:s3+s0], $0x20, s2, s0, $0xb8;
	[tilespmem:$0x4200] =	vst v63  }
0x94: {  	s10 =	simm.s32 @!p0 $0x3200;
	s2 =	simm.s32 @!p0 $0x180  }
0x95: {  	[tilespmem:s10], [sflag:$0x3] =	stream.indirect.gather @!p0 [hbm4b:s3+s0], $0x20, s2, s0, $0xb8;
	[tilespmem:$0x4200] =	vst v63  }
0x96: {  	s0 =	simm.s32 @!p0 $0x3  }
0x97: {  	_ =	swait.ge @!p0 [sflag:s0], $0x1000  }
0x98: {  	[sflag:s0] =	ssyncset.done @!p0 $0x0  }
0x99: {  	[sflag:s0] =	ssyncadd.s32 @!p0 $0xFFFFF000  }
0x9a: {  	_ =	swait.ge @!p0 [sflag:s0], $0x1000  }
0x9b: {  	s30 =	sadd.s32 $0x1, s30;
	[sflag:s0] =	ssyncset.done @!p0 $0x0  }
0x9c: {  	s2 =	rddreg [dreg:$0x4];
	[sflag:s0] =	ssyncadd.s32 @!p0 $0xFFFFF000;
	s0 =	simm.s32 @!p0 $0x0  }
0x9d: {  	[hbm4b:s2+s0] =	stream.linear.scatter @!p0 [tilespmem:s9], [sflag:$0x5], $0x2000, $0x38;
	[tilespmem:$0x4200] =	vst v63  }
0x9e: {  	p1 =	sne.s32 s30, s11;
	_ =	swait.ge [sflag:s28], $0x2000  }
.Ltmp1:
0x9f: {  	[sflag:s28] =	ssyncset.done $0x0;
	(pc) =	sbr.rel @p1 .LBB2_1-.Ltmp1, $4  }
0xa0: {  	[sflag:s28] =	ssyncadd.s32 $0xFFFFE000  }
0xa1: {  	_ =	swait.ge [sflag:s29], $0x2000  }
0xa2: {  	[sflag:s29] =	ssyncset.done $0x0  }
0xa3: {  	[sflag:s29] =	ssyncadd.s32 $0xFFFFE000  }
0xa4: {  	_ =	sfence.sel $0x180000  }
0xa5: {  	[bflag:$0x0] =	sbarrier.arrive $0xFFFF  }
0xa6: {  	_ =	strace $0x9000004D  }
0xa7: {  	s0 =	stileid.u32;
	[bflag:$0x2] =	sbarrier.arrive $0xFFFF  }
0xa8: {  	p0 =	sne.s32 s0, $0x0;
	s0 =	rddreg [dreg:$0x1]  }
0xa9: {  	s0 =	sadd.s32 @!p0 $0x100000, s0  }
0xaa: {  	[sflag:s0] =	ssyncadd.tile.s32 @!p0 $0x1;
	_ =	shalt  }
.Lfunc_end2:
_tile_overlayer_lowered:
.L_overlay_start_2:
0xab: {  	(tag) =	ssettag $0x2  }
0xac: {  	s0 =	rddreg [dreg:$0x0];
	s2 =	stileid.u32  }
0xad: {  	s1 =	rddreg [dreg:$0x1];
	p0 =	sne.s32 s2, $0x0  }
0xae: {  	s3 =	rddreg [dreg:$0x2];
	[bflag:$0x3] =	sbarrier.arrive $0xFFFF;
	s2 =	simm.s32 @!p0 $0x1C06  }
0xaf: {  	[timem:s3], [sflag:s2] =	dma.local @!p0 [hbm:s0], s1  }
0xb0: {  	s0 =	simm.s32 @!p0 $0x6  }
0xb1: {  	_ =	swait.ge @!p0 [sflag:s0], s1  }
0xb2: {  	s1 =	ssub.s32 @!p0 $0x0, s1;
	[sflag:s0] =	ssyncset.done @!p0 $0x0  }
0xb3: {  	[sflag:s0] =	ssyncadd.s32 @!p0 s1  }
0xb4: {  	[bflag:$0x3] =	sbarrier.arrive $0xFFFF  }
0xb5: {  	_ =	shalt  }

// kernel: kernel.19.cloned.1.call-start
scs
__scs_entry_jumppad:
0x0: {  	(pc) =	sbr.rel $0x88, $3  }
0x1: {  	(tag) =	ssettag $0x0;
	lr =	simm.s32 $0x1  }
0x2: {  	[smem:$0x3F8A] =	sst lr;
	_ =	strace $0xD0000000  }
0x3: {  	_ = 	snop  }
0x4: {  	_ = 	snop  }
0x5: {  	_ = 	snop  }
0x6: {  	_ = 	snop  }
0x7: {  	_ = 	snop  }
__scs_overlays_trampoline_lowered:
0x8: {  	[smem:$0x3F99] =	sst s0  }
0x9: {  	[smem:$0x3F9A] =	sst s1  }
0xa: {  	[smem:$0x3F9B] =	sst s2  }
0xb: {  	[smem:$0x3F9C] =	sst s3  }
0xc: {  	[smem:$0x3F9D] =	sst s4  }
0xd: {  	[smem:$0x3F9E] =	sst s5  }
0xe: {  	[smem:$0x3F9F] =	sst s6  }
0xf: {  	[smem:$0x3FA0] =	sst s7  }
0x10: {  	[smem:$0x3FA1] =	sst s8  }
0x11: {  	[smem:$0x3FA2] =	sst s9;
	s0 =	simm.s32 @!p0 $0x0  }
0x12: {  	s1 =	sld [smem:$0x3F88];
	s0 =	simm.s32 @p0 $0x1  }
0x13: {  	[smem:$0x3FA3] =	sst s0;
	s0 =	simm.s32 @!p1 $0x0  }
0x14: {  	s2 =	sld [smem:$0x3F87];
	s0 =	simm.s32 @p1 $0x1  }
0x15: {  	[smem:$0x3FA4] =	sst s0;
	s0 =	simm.s32 @!p2 $0x0  }
0x16: {  	s3 =	sld [smem:$0x3FDB];
	s0 =	simm.s32 @p2 $0x1  }
0x17: {  	s4 =	simm.s32 $0x1BF5;
	[smem:$0x3FA6] =	sst s0  }
0x18: {  	s0 =	sld [smem:$0x3F89];
	_ =	swait.ge [sflag:s4], $0x0  }
0x19: {  	s7 =	sld [smem:$0x3F8A]  }
0x1a: {  	s8 =	sadd.s32 $0xFFFFE003, lr  }
0x1b: {  	s9 =	sadd.s32 $0xFFFFFEF7, lr;
	s5 =	simm.s32 $0xFFFFFFFF;
	p2 =	slt.u32 s8, $0xFFFFF086  }
0x1c: {  	p1 =	slt.u32 s9, $0xF7A;
	s5 =	simm.s32 @!p2 $0x0  }
0x1d: {  	s5 =	simm.s32 @p1 $0x1;
	p0 =	seq.s32 s7, s2  }
0x1e: {  	s7 =	smul.u32 @!p0 $0xF7A, s2;
	p2 =	seq.s32 @!p0 s5, $0x0  }
0x1f: {  	s9 =	smul.u32 $0xF7A, s1;
	s8 =	simm.s32 @!p0 $0x1BF5;
	p2 =	por !p2, p0  }
0x20: {  	[sflag:s8] =	ssyncset.s32 @!p0 $0xFFFFF086;
	s6 =	sadd.s32 @!p0 s3, s7;
	s7 =	simm.s32 @!p0 $0x108  }
0x21: {  	s3 =	sadd.s32 s3, s9;
	s6 =	sadd.s32 @!p0 $0x88, s6;
	s7 =	simm.s32 @p2 $0x1082  }
0x22: {  	[simem:s7], [sflag:s8] =	dma.local @!p0 [hbm:s6], $0xF7A  }
0x23: {  	s9 =	sor.u32 $0xD0000000, s2;
	s6 =	simm.s32 $0x108;
	_ =	swait.ge @!p0 [sflag:s8], $0x0  }
0x24: {  	s3 =	sadd.s32 $0x88, s3;
	s6 =	simm.s32 @!p1 $0x1082;
	[sflag:s4] =	ssyncset.s32 $0xFFFFF086  }
0x25: {  	[simem:s6], [sflag:s4] =	dma.local [hbm:s3], $0xF7A  }
0x26: {  	[smem:$0x3F8A] =	sst s1;
	(tag) =	ssettag s2;
	_ =	strace s9  }
0x27: {  	s1 =	sld [smem:$0x3F9A]  }
0x28: {  	s2 =	sld [smem:$0x3F9B]  }
0x29: {  	s4 =	sld [smem:$0x3F9D]  }
0x2a: {  	p0 =	seq.s32 s5, $0x0;
	s5 =	sld [smem:$0x3F9E]  }
0x2b: {  	s6 =	sld [smem:$0x3F9F]  }
0x2c: {  	s7 =	sld [smem:$0x3FA0]  }
0x2d: {  	s3 =	simm.s32 $0x108;
	s8 =	sld [smem:$0x3FA1]  }
0x2e: {  	s3 =	simm.s32 @!p0 $0x1082;
	s9 =	sld [smem:$0x3FA2]  }
0x2f: {  	lr =	sadd.s32 s0, s3;
	s0 =	sld [smem:$0x3F99]  }
0x30: {  	s3 =	sld [smem:$0x3F9C]  }
0x31: {  	[smem:$0x3FA5] =	sst s10  }
0x32: {  	s10 =	sld [smem:$0x3FA3];
	_ =	sdelay $0x3  }
0x33: {  	p0 =	seq.s32 s10, $0x1;
	s10 =	sld [smem:$0x3FA5];
	_ =	sdelay $0x3  }
0x34: {  	[smem:$0x3FA5] =	sst s10  }
0x35: {  	s10 =	sld [smem:$0x3FA4];
	_ =	sdelay $0x3  }
0x36: {  	p1 =	seq.s32 s10, $0x1;
	s10 =	sld [smem:$0x3FA5];
	_ =	sdelay $0x3  }
0x37: {  	[smem:$0x3FA5] =	sst s10  }
0x38: {  	s10 =	sld [smem:$0x3FA6]  }
0x39: {  	_ = 	snop;
	(pc) =	sbr.ind lr, $3  }
0x3a: {  	_ = 	snop  }
0x3b: {  	_ = 	snop  }
0x3c: {  	p2 =	seq.s32 s10, $0x1;
	s10 =	sld [smem:$0x3FA5]  }
0x3d: {  	_ =	shalt  }
0x3e: {  	_ =	shalt  }
0x3f: {  	_ =	shalt  }
0x40: {  	_ =	shalt  }
0x41: {  	_ =	shalt  }
0x42: {  	_ =	shalt  }
0x43: {  	_ =	shalt  }
0x44: {  	_ =	shalt  }
0x45: {  	_ =	shalt  }
0x46: {  	_ =	shalt  }
0x47: {  	_ =	shalt  }
0x48: {  	_ =	shalt  }
0x49: {  	_ =	shalt  }
0x4a: {  	_ =	shalt  }
0x4b: {  	_ =	shalt  }
0x4c: {  	_ =	shalt  }
0x4d: {  	_ =	shalt  }
0x4e: {  	_ =	shalt  }
0x4f: {  	_ =	shalt  }
0x50: {  	_ =	shalt  }
0x51: {  	_ =	shalt  }
0x52: {  	_ =	shalt  }
0x53: {  	_ =	shalt  }
0x54: {  	_ =	shalt  }
0x55: {  	_ =	shalt  }
0x56: {  	_ =	shalt  }
0x57: {  	_ =	shalt  }
0x58: {  	_ =	shalt  }
0x59: {  	_ =	shalt  }
0x5a: {  	_ =	shalt  }
0x5b: {  	_ =	shalt  }
0x5c: {  	_ =	shalt  }
0x5d: {  	_ =	shalt  }
0x5e: {  	_ =	shalt  }
0x5f: {  	_ =	shalt  }
0x60: {  	_ =	shalt  }
0x61: {  	_ =	shalt  }
0x62: {  	_ =	shalt  }
0x63: {  	_ =	shalt  }
0x64: {  	_ =	shalt  }
0x65: {  	_ =	shalt  }
0x66: {  	_ =	shalt  }
0x67: {  	_ =	shalt  }
0x68: {  	_ =	shalt  }
0x69: {  	_ =	shalt  }
0x6a: {  	_ =	shalt  }
0x6b: {  	_ =	shalt  }
0x6c: {  	_ =	shalt  }
0x6d: {  	_ =	shalt  }
0x6e: {  	_ =	shalt  }
0x6f: {  	_ =	shalt  }
0x70: {  	_ =	shalt  }
0x71: {  	_ =	shalt  }
0x72: {  	_ =	shalt  }
0x73: {  	_ =	shalt  }
0x74: {  	_ =	shalt  }
0x75: {  	_ =	shalt  }
0x76: {  	_ =	shalt  }
0x77: {  	_ =	shalt  }
0x78: {  	_ =	shalt  }
0x79: {  	_ =	shalt  }
0x7a: {  	_ =	shalt  }
0x7b: {  	_ =	shalt  }
0x7c: {  	_ =	shalt  }
0x7d: {  	_ =	shalt  }
0x7e: {  	_ =	shalt  }
0x7f: {  	_ =	shalt  }
0x80: {  	_ =	shalt  }
0x81: {  	_ =	shalt  }
0x82: {  	_ =	shalt  }
0x83: {  	_ =	shalt  }
0x84: {  	_ =	shalt  }
0x85: {  	_ =	shalt  }
0x86: {  	_ =	shalt  }
0x87: {  	_ =	shalt  }
.Lfunc_end0:
.L_simem_size_0:
called_computation.3_lowered:
.L_overlay_start_0:
0x88: {  	s2 =	sld [smem:$0x3FD9]  }
0x89: {  	s3 =	sld [smem:$0x3FFE];
	_ =	sdelay $0x1  }
0x8a: {  	s1 =	srdreg.scid  }
0x8b: {  	s0 =	sand.u32 $0x1, s1  }
0x8c: {  	s15 =	sshll.u32 s0, $0xA;
	s2 =	sadd.s32 s3, s2  }
0x8d: {  	s2 =	sadd.s32 s2, s15  }
0x8e: {  	[smem:$0x3FB1] =	sst s2  }
0x8f: {  	_ = 	snop  }
0x90: {  	s2 =	sld [smem:$0x3FD0];
	_ =	sdelay $0x2  }
0x91: {  	s16 =	simm.s32 $0xB;
	s4 =	simm.s32 $0x10  }
0x92: {  	[smem:s4], [sflag:s16] =	dma.local [hbm:s2], $0x1  }
0x93: {  	_ =	swait.eq [sflag:s16], $0x1  }
0x94: {  	[sflag:s16] =	ssyncset.done $0x0  }
0x95: {  	[sflag:s16] =	ssyncadd.s32 $0xFFFFFFFF  }
0x96: {  	s17 =	sld [smem:$0x12];
	(tm) =	ssettm $0x1  }
0x97: {  	s18 =	sld [smem:$0x3FFB];
	_ =	sdelay $0x3  }
0x98: {  	_ =	strace s18  }
0x99: {  	s2 =	sld [smem:$0x3FFC];
	_ =	sdelay $0x3  }
0x9a: {  	_ =	strace s2  }
0x9b: {  	s2 =	sld [smem:$0x3FFD];
	_ =	sdelay $0x3  }
0x9c: {  	_ =	strace s2  }
0x9d: {  	_ =	strace $0x8FFFFFFF  }
0x9e: {  	s19 =	sld [smem:$0x3FDB];
	_ =	sdelay $0x1  }
0x9f: {  	s20 =	simm.s32 $_scs_section_size  }
0xa0: {  	s5 =	simm.s32 $_size__tile_overlayer_lowered;
	s6 =	simm.s32 $_tile_overlayer_lowered  }
0xa1: {  	s7 =	simm.s32 $0x1BFF;
	s21 =	sshll.u32 s6, $0x1;
	s4 =	sadd.s32 s20, s19  }
0xa2: {  	s22 =	simm.s32 $0x0;
	s5 =	sshll.u32 s5, $0x1;
	s6 =	sadd.s32 s21, s4  }
0xa3: {  	[timem:s22], [sflag:s7] =	dma.local [hbm:s6], s5  }
0xa4: {  	_ =	swait.ge [sflag:s7], s5  }
0xa5: {  	s5 =	ssub.s32 $0x0, s5;
	[sflag:s7] =	ssyncset.done $0x0  }
0xa6: {  	[sflag:s7] =	ssyncadd.s32 s5;
	_ =	sdelay $0x1  }
0xa7: {  	s23 =	simm.s32 $0x1B8B  }
0xa8: {  	_ =	swait.ge [sflag:s23], $0x1  }
0xa9: {  	[sflag:s23] =	ssyncset.done $0x0  }
0xaa: {  	[sflag:s23] =	ssyncadd.s32 $0xFFFFFFFF  }
0xab: {  	s5 =	sld [smem:$0x0]  }
0xac: {  	s6 =	sand.u32 $0xFFFFFFFE, s1  }
0xad: {  	p0 =	sne.s32 s1, s6  }
0xae: {  	s6 =	sshll.u32 @p0 s6, $0xE  }
0xaf: {  	s6 =	sadd.s32 @p0 $0x11B8D, s6;
	s7 =	sshll.u32 @p0 s5, $0x11  }
0xb0: {  	s6 =	sor.u32 @p0 s7, s6  }
0xb1: {  	[sflag:s6] =	ssyncadd.remote.s32 @p0 $0x1;
	_ =	sdelay $0x1  }
0xb2: {  	s6 =	simm.s32 @p0 $0x1B8D  }
0xb3: {  	_ =	swait.eq @p0 [sflag:s6], $0x1  }
0xb4: {  	[sflag:s6] =	ssyncadd.s32 @p0 $0xFFFFFFFF  }
0xb5: {  	s7 =	sshll.u32 @!p0 s1, $0xE  }
0xb6: {  	s7 =	sor.u32 @!p0 $0x4000, s7;
	s6 =	simm.s32 @!p0 $0x1B8D  }
0xb7: {  	s5 =	sshll.u32 @!p0 s5, $0x11;
	s7 =	sadd.s32 @!p0 $0x11B8D, s7;
	_ =	swait.eq @!p0 [sflag:s6], $0x1  }
0xb8: {  	s5 =	sor.u32 @!p0 s5, s7;
	[sflag:s6] =	ssyncadd.s32 @!p0 $0xFFFFFFFF  }
0xb9: {  	s25 =	simm.s32 $0x1B8E;
	s24 =	sld [smem:$0x3FFE];
	[sflag:s5] =	ssyncadd.remote.s32 @!p0 $0x1  }
0xba: {  	s26 =	simm.s32 $execute0_lowered;
	[smem:$0x3FD2] =	sst s25  }
0xbb: {  	s6 =	sshll.u32 s26, $0x1;
	_ =	strace $0x8000004F;
	[dreg:$0x1] =	wrdreg $0xFFFFFFFF  }
0xbc: {  	s28 =	simm.s32 $_size_execute0_lowered;
	s4 =	sadd.s32 s4, s6;
	[dreg:$0x0] =	wrdreg $0x0  }
0xbd: {  	s6 =	sshll.u32 s28, $0x1;
	[dreg:$0x2] =	wrdreg s4  }
0xbe: {  	[dreg:$0x3] =	wrdreg s6  }
0xbf: {  	[dreg:$0x4] =	wrdreg $0xC0  }
0xc0: {  	_ =	task [dreg:s22], $0x5FFFF  }
0xc1: {  	[dreg:$0x1] =	wrdreg $0xFFFFFFFF  }
0xc2: {  	[dreg:$0x0] =	wrdreg $0x60  }
0xc3: {  	[dreg:$0x2] =	wrdreg s24  }
0xc4: {  	[dreg:$0x3] =	wrdreg s17  }
0xc5: {  	[dreg:$0x4] =	wrdreg $0xA  }
0xc6: {  	_ =	task.clear_ibuf [dreg:s22], $0x5FFFF;
	_ =	strace $0x9000004F  }
0xc7: {  	s29 =	simm.s32 $0xA;
	_ =	strace $0x80000051  }
0xc8: {  	_ =	swait.ge [sflag:s29], $0x1  }
0xc9: {  	[sflag:s29] =	ssyncadd.s32 $0xFFFFFFFF  }
0xca: {  	_ =	strace $0x90000051  }
0xcb: {  	_ =	sfence  }
0xcc: {  	s30 =	sld [smem:$0x0];
	_ =	sdelay $0x2  }
0xcd: {  	s31 =	sshll.u32 s1, $0xD;
	s1 =	sshrl.u32 s1, $0x2  }
0xce: {  	s4 =	sand.u32 $0x4000, s31;
	s1 =	sadd.s32 s1, s30  }
0xcf: {  	s0 =	sor.u32 s4, s0;
	s1 =	sshll.u32 s1, $0x11  }
0xd0: {  	s0 =	sor.u32 s1, s0  }
0xd1: {  	s0 =	sadd.s32 $0x8F2B, s0  }
0xd2: {  	[sflag:s0] =	ssyncadd.remote.s32 $0x1  }
0xd3: {  	_ =	sfence.sel $0xFFFF  }
0xd4: {  	[dreg:$0x0] =	wrdreg $0xFFFFFFFF;
	(pc) =	sbr.abs _section_cstart, $3  }
0xd5: {  	[dreg:$0x1] =	wrdreg $0xFFFFFFFF  }
0xd6: {  	_ =	task.clear_ibuf [dreg:s22], $0x2FFFF;
	_ =	strace $0x9FFFFFFF  }
0xd7: {  	(tm) =	ssettm $0x7FFFFFFF  }
tec
execute0_lowered:
.L_overlay_start_1:
0x0: {  	(tag) =	ssettag $0x1  }
0x1: {  	s0 =	rddreg [dreg:$0x0]  }
0x2: {  	s2 =	rddreg [dreg:$0x1]  }
0x3: {  	s1 =	simm.s32 $0x0;
	s3 =	srdreg.scid;
	s7 =	stileid.u32  }
0x4: {  	s21 =	simm.s32 $0x1200;
	s22 =	simm.s32 $0x3;
	s28 =	simm.s32 $0x4  }
0x5: {  	s29 =	simm.s32 $0x5;
	s30 =	simm.s32 $0x0;
	[smem:$0x7FF] =	sst s1  }
0x6: {  	s14 =	sand.u32 $0x1, s3;
	s3 =	sadd.s32 $0x4800, s0;
	s15 =	sadd.s32 $0x374C00, s0  }
0x7: {  	s0 =	sadd.s32 $0x37CC00, s0;
	s26 =	sshll.u32 s7, $0x5;
	s20 =	sshll.u32 s7, $0xA  }
0x8: {  	_ =	strace $0x80000050;
	s4 =	sshll.u32 s14, $0x4;
	s5 =	ssub.s32 $0x2, s14  }
0x9: {  	s18 =	sshll.u32 s14, $0x9;
	s14 =	sshll.u32 s14, $0xE;
	s16 =	sor.u32 s7, s4  }
0xa: {  	s23 =	sshrl.u32 s5, $0x1;
	s19 =	sadd.s32 s14, s15;
	s6 =	sshll.u32 s16, $0x5  }
0xb: {  	s8 =	ssub.s32 s5, s23;
	s11 =	sshll.u32 s16, $0xA;
	s13 =	sor.u32 $0x5C0, s16  }
0xc: {  	s31 =	sadd.s32 s20, s19;
	s19 =	simm.s32 $0x80;
	s20 =	simm.s32 $0x200  }
0xd: {  	s23 =	simm.s32 $0x2;
	p0 =	sgt.u32 s16, $0x1A;
	s4 =	sadd.s32 s2, s6  }
0xe: {  	s6 =	sadd.s32 s15, s11;
	s10 =	smin.u32 s13, $0x5DA;
	s8 =	smax.u32 s8, $0x1  }
0xf: {  	s11 =	sadd.s32 s11, s0;
	s17 =	sshll.u32 s13, $0xA;
	s24 =	sadd.s32 $0x400, s4  }
0x10: {  	s25 =	sadd.s32 $0x180000, s6;
	s9 =	sadd.s32 $0x800, s4;
	s12 =	sshll.u32 s10, $0x5  }
0x11: {  	s10 =	sadd.s32 $0xC00, s4;
	s13 =	sadd.s32 s15, s17;
	[dreg:$0x3] =	wrdreg s24  }
0x12: {  	s14 =	sadd.s32 s17, s0;
	s17 =	simm.s32 $0x100;
	[dreg:$0x4] =	wrdreg s25  }
0x13: {  	s12 =	sadd.s32 s2, s12;
	s2 =	sadd.s32 s18, s2;
	s18 =	simm.s32 $0x1  }
0x14: {  	s24 =	simm.s32 $0x2200;
	s25 =	simm.s32 $0x180;
	s12 =	sadd.s32 $0x800, s12  }
0x15: {  	s15 =	sadd.s32 s26, s2;
	s2 =	sadd.s32 $0x18000, s31;
	s26 =	simm.s32 $0x3200  }
.LBB2_1:
0x16: {  	[tilespmem:s1], [sflag:$0x1] =	stream.linear.gather [hbm4b:s4+s1], $0x100, $0x38;
	[tilespmem:$0x4200] =	vst v63  }
0x17: {  	s0 =	rddreg [dreg:$0x3]  }
0x18: {  	[tilespmem:s17], [sflag:$0x2] =	stream.linear.gather [hbm4b:s0+s1], $0x100, $0x38;
	[tilespmem:$0x4200] =	vst v63  }
0x19: {  	_ =	swait.ge [sflag:s18], $0x100  }
0x1a: {  	[sflag:s18] =	ssyncset.done $0x0  }
0x1b: {  	[sflag:s18] =	ssyncadd.s32 $0xFFFFFF00  }
0x1c: {  	[tilespmem:s20], [sflag:$0x3] =	stream.indirect.gather [hbm4b:s3+s19], $0x20, s1, s19, $0xb8;
	[tilespmem:$0x4200] =	vst v63  }
0x1d: {  	_ = 	snop  }
0x1e: {  	[tilespmem:s21], [sflag:$0x3] =	stream.indirect.gather [hbm4b:s3+s19], $0x20, s19, s19, $0xb8;
	[tilespmem:$0x4200] =	vst v63  }
0x1f: {  	_ =	swait.ge [sflag:s22], $0x1000  }
0x20: {  	[sflag:s22] =	ssyncset.done $0x0  }
0x21: {  	[sflag:s22] =	ssyncadd.s32 $0xFFFFF000  }
0x22: {  	_ =	swait.ge [sflag:s22], $0x1000  }
0x23: {  	[sflag:s22] =	ssyncset.done $0x0  }
0x24: {  	[sflag:s22] =	ssyncadd.s32 $0xFFFFF000  }
0x25: {  	[tilespmem:s1], [sflag:$0x1] =	stream.linear.gather [hbm4b:s9+s1], $0x100, $0x38;
	[tilespmem:$0x4200] =	vst v63  }
0x26: {  	_ = 	snop  }
0x27: {  	[hbm4b:s6+s1] =	stream.linear.scatter [tilespmem:s20], [sflag:$0x4], $0x2000, $0x38;
	[tilespmem:$0x4200] =	vst v63  }
0x28: {  	_ =	swait.ge [sflag:s23], $0x100  }
0x29: {  	[sflag:s23] =	ssyncset.done $0x0  }
0x2a: {  	[sflag:s23] =	ssyncadd.s32 $0xFFFFFF00  }
0x2b: {  	[tilespmem:s24], [sflag:$0x3] =	stream.indirect.gather [hbm4b:s3+s19], $0x20, s17, s19, $0xb8;
	[tilespmem:$0x4200] =	vst v63  }
0x2c: {  	_ = 	snop  }
0x2d: {  	[tilespmem:s26], [sflag:$0x3] =	stream.indirect.gather [hbm4b:s3+s19], $0x20, s25, s19, $0xb8;
	[tilespmem:$0x4200] =	vst v63  }
0x2e: {  	_ =	swait.ge [sflag:s22], $0x1000  }
0x2f: {  	[sflag:s22] =	ssyncset.done $0x0  }
0x30: {  	[sflag:s22] =	ssyncadd.s32 $0xFFFFF000  }
0x31: {  	_ =	swait.ge [sflag:s22], $0x1000  }
0x32: {  	[sflag:s22] =	ssyncset.done $0x0  }
0x33: {  	[sflag:s22] =	ssyncadd.s32 $0xFFFFF000  }
0x34: {  	[tilespmem:s17], [sflag:$0x2] =	stream.linear.gather [hbm4b:s10+s1], $0x100, $0x38;
	[tilespmem:$0x4200] =	vst v63  }
0x35: {  	_ = 	snop  }
0x36: {  	[hbm4b:s11+s1] =	stream.linear.scatter [tilespmem:s24], [sflag:$0x5], $0x2000, $0x38;
	[tilespmem:$0x4200] =	vst v63  }
0x37: {  	_ =	swait.ge [sflag:s18], $0x100  }
0x38: {  	[sflag:s18] =	ssyncset.done $0x0  }
0x39: {  	[sflag:s18] =	ssyncadd.s32 $0xFFFFFF00  }
0x3a: {  	_ =	swait.ge [sflag:s28], $0x2000  }
0x3b: {  	[sflag:s28] =	ssyncset.done $0x0  }
0x3c: {  	[sflag:s28] =	ssyncadd.s32 $0xFFFFE000  }
0x3d: {  	[tilespmem:s20], [sflag:$0x3] =	stream.indirect.gather [hbm4b:s3+s19], $0x20, s1, s19, $0xb8;
	[tilespmem:$0x4200] =	vst v63  }
0x3e: {  	_ = 	snop  }
0x3f: {  	[tilespmem:s21], [sflag:$0x3] =	stream.indirect.gather [hbm4b:s3+s19], $0x20, s19, s19, $0xb8;
	[tilespmem:$0x4200] =	vst v63  }
0x40: {  	_ =	swait.ge [sflag:s22], $0x1000  }
0x41: {  	[sflag:s22] =	ssyncset.done $0x0  }
0x42: {  	[sflag:s22] =	ssyncadd.s32 $0xFFFFF000  }
0x43: {  	_ =	swait.ge [sflag:s22], $0x1000  }
0x44: {  	s5 =	sadd.s32 $0x0, s15;
	[sflag:s22] =	ssyncset.done $0x0  }
0x45: {  	s16 =	sadd.s32 $0x1000, s5;
	[sflag:s22] =	ssyncadd.s32 $0xFFFFF000  }
0x46: {  	[tilespmem:s1], [sflag:$0x1] =	stream.linear.gather [hbm4b:s16+s1], $0x100, $0x38;
	[tilespmem:$0x4200] =	vst v63  }
0x47: {  	s7 =	sadd.s32 $0xFFFF8000, s2  }
0x48: {  	[hbm4b:s7+s1] =	stream.linear.scatter [tilespmem:s20], [sflag:$0x4], $0x2000, $0x38;
	[tilespmem:$0x4200] =	vst v63  }
0x49: {  	_ =	swait.ge [sflag:s23], $0x100  }
0x4a: {  	[sflag:s23] =	ssyncset.done $0x0  }
0x4b: {  	[sflag:s23] =	ssyncadd.s32 $0xFFFFFF00  }
0x4c: {  	_ =	swait.ge [sflag:s29], $0x2000  }
0x4d: {  	[sflag:s29] =	ssyncset.done $0x0  }
0x4e: {  	[sflag:s29] =	ssyncadd.s32 $0xFFFFE000  }
0x4f: {  	[tilespmem:s24], [sflag:$0x3] =	stream.indirect.gather [hbm4b:s3+s19], $0x20, s17, s19, $0xb8;
	[tilespmem:$0x4200] =	vst v63  }
0x50: {  	_ = 	snop  }
0x51: {  	[tilespmem:s26], [sflag:$0x3] =	stream.indirect.gather [hbm4b:s3+s19], $0x20, s25, s19, $0xb8;
	[tilespmem:$0x4200] =	vst v63  }
0x52: {  	_ =	swait.ge [sflag:s22], $0x1000  }
0x53: {  	[sflag:s22] =	ssyncset.done $0x0  }
0x54: {  	[sflag:s22] =	ssyncadd.s32 $0xFFFFF000  }
0x55: {  	_ =	swait.ge [sflag:s22], $0x1000  }
0x56: {  	[sflag:s22] =	ssyncset.done $0x0  }
0x57: {  	s0 =	sadd.s32 $0x1400, s5;
	[sflag:s22] =	ssyncadd.s32 $0xFFFFF000  }
0x58: {  	[tilespmem:s17], [sflag:$0x2] =	stream.linear.gather [hbm4b:s0+s1], $0x100, $0x38;
	[tilespmem:$0x4200] =	vst v63  }
0x59: {  	s31 =	simm.s32 $0x800;
	s16 =	smov.u32 s2;
	s0 =	sadd.s32 $0x10000, s2  }
.LBB2_2:
0x5a: {  	[hbm4b:s16+s1] =	stream.linear.scatter [tilespmem:s24], [sflag:$0x5], $0x2000, $0x38;
	[tilespmem:$0x4200] =	vst v63  }
0x5b: {  	s5 =	smov.u32 s31;
	s16 =	smov.u32 s0  }
0x5c: {  	p1 =	sne.s32 s31, $0xA800;
	s31 =	sadd.s32 $0x800, s31;
	_ =	swait.ge [sflag:s18], $0x100  }
0x5d: {  	[sflag:s18] =	ssyncset.done $0x0  }
0x5e: {  	[sflag:s18] =	ssyncadd.s32 $0xFFFFFF00  }
0x5f: {  	_ =	swait.ge [sflag:s28], $0x2000  }
0x60: {  	[sflag:s28] =	ssyncset.done $0x0  }
0x61: {  	[sflag:s28] =	ssyncadd.s32 $0xFFFFE000  }
0x62: {  	[tilespmem:s20], [sflag:$0x3] =	stream.indirect.gather [hbm4b:s3+s19], $0x20, s1, s19, $0xb8;
	[tilespmem:$0x4200] =	vst v63  }
0x63: {  	_ = 	snop  }
0x64: {  	[tilespmem:s21], [sflag:$0x3] =	stream.indirect.gather [hbm4b:s3+s19], $0x20, s19, s19, $0xb8;
	[tilespmem:$0x4200] =	vst v63  }
0x65: {  	_ =	swait.ge [sflag:s22], $0x1000  }
0x66: {  	[sflag:s22] =	ssyncset.done $0x0  }
0x67: {  	[sflag:s22] =	ssyncadd.s32 $0xFFFFF000  }
0x68: {  	_ =	swait.ge [sflag:s22], $0x1000  }
0x69: {  	s5 =	sadd.s32 s5, s15;
	[sflag:s22] =	ssyncset.done $0x0  }
0x6a: {  	s7 =	sadd.s32 $0x1000, s5;
	[sflag:s22] =	ssyncadd.s32 $0xFFFFF000  }
0x6b: {  	[tilespmem:s1], [sflag:$0x1] =	stream.linear.gather [hbm4b:s7+s1], $0x100, $0x38;
	[tilespmem:$0x4200] =	vst v63  }
0x6c: {  	s7 =	sadd.s32 $0xFFFF8000, s0  }
0x6d: {  	[hbm4b:s7+s1] =	stream.linear.scatter [tilespmem:s20], [sflag:$0x4], $0x2000, $0x38;
	[tilespmem:$0x4200] =	vst v63  }
0x6e: {  	_ =	swait.ge [sflag:s23], $0x100  }
0x6f: {  	[sflag:s23] =	ssyncset.done $0x0  }
0x70: {  	[sflag:s23] =	ssyncadd.s32 $0xFFFFFF00  }
0x71: {  	_ =	swait.ge [sflag:s29], $0x2000  }
0x72: {  	[sflag:s29] =	ssyncset.done $0x0  }
0x73: {  	[sflag:s29] =	ssyncadd.s32 $0xFFFFE000  }
0x74: {  	[tilespmem:s24], [sflag:$0x3] =	stream.indirect.gather [hbm4b:s3+s19], $0x20, s17, s19, $0xb8;
	[tilespmem:$0x4200] =	vst v63  }
0x75: {  	_ = 	snop  }
0x76: {  	[tilespmem:s26], [sflag:$0x3] =	stream.indirect.gather [hbm4b:s3+s19], $0x20, s25, s19, $0xb8;
	[tilespmem:$0x4200] =	vst v63  }
0x77: {  	_ =	swait.ge [sflag:s22], $0x1000  }
0x78: {  	[sflag:s22] =	ssyncset.done $0x0  }
0x79: {  	[sflag:s22] =	ssyncadd.s32 $0xFFFFF000  }
.Ltmp0:
0x7a: {  	_ =	swait.ge [sflag:s22], $0x1000;
	(pc) =	sbr.rel @p1 .LBB2_2-.Ltmp0, $4  }
0x7b: {  	[sflag:s22] =	ssyncset.done $0x0  }
0x7c: {  	s5 =	sadd.s32 $0x1400, s5;
	[sflag:s22] =	ssyncadd.s32 $0xFFFFF000  }
0x7d: {  	[tilespmem:s17], [sflag:$0x2] =	stream.linear.gather [hbm4b:s5+s1], $0x100, $0x38;
	[tilespmem:$0x4200] =	vst v63  }
0x7e: {  	s0 =	sadd.s32 $0x10000, s0  }
0x7f: {  	[hbm4b:s16+s1] =	stream.linear.scatter [tilespmem:s24], [sflag:$0x5], $0x2000, $0x38;
	[tilespmem:$0x4200] =	vst v63  }
0x80: {  	_ =	swait.ge [sflag:s18], $0x100  }
0x81: {  	[sflag:s18] =	ssyncset.done $0x0  }
0x82: {  	[sflag:s18] =	ssyncadd.s32 $0xFFFFFF00  }
0x83: {  	_ =	swait.ge [sflag:s28], $0x2000  }
0x84: {  	[sflag:s28] =	ssyncset.done $0x0  }
0x85: {  	[sflag:s28] =	ssyncadd.s32 $0xFFFFE000  }
0x86: {  	[tilespmem:s20], [sflag:$0x3] =	stream.indirect.gather [hbm4b:s3+s19], $0x20, s1, s19, $0xb8;
	[tilespmem:$0x4200] =	vst v63  }
0x87: {  	_ = 	snop  }
0x88: {  	[tilespmem:s21], [sflag:$0x3] =	stream.indirect.gather [hbm4b:s3+s19], $0x20, s19, s19, $0xb8;
	[tilespmem:$0x4200] =	vst v63  }
0x89: {  	_ =	swait.ge [sflag:s22], $0x1000  }
0x8a: {  	[sflag:s22] =	ssyncset.done $0x0  }
0x8b: {  	[sflag:s22] =	ssyncadd.s32 $0xFFFFF000  }
0x8c: {  	_ =	swait.ge [sflag:s22], $0x1000  }
0x8d: {  	[sflag:s22] =	ssyncset.done $0x0  }
0x8e: {  	[sflag:s22] =	ssyncadd.s32 $0xFFFFF000  }
0x8f: {  	[tilespmem:s1], [sflag:$0x1] =	stream.linear.gather [hbm4b:s12+s1], $0x100, $0x38;
	[tilespmem:$0x4200] =	vst v63  }
0x90: {  	_ = 	snop  }
0x91: {  	[hbm4b:s13+s1] =	stream.linear.scatter [tilespmem:s20], [sflag:$0x4], $0x2000, $0x38;
	[tilespmem:$0x4200] =	vst v63  }
0x92: {  	_ =	swait.ge [sflag:s23], $0x100  }
0x93: {  	[sflag:s23] =	ssyncset.done $0x0  }
0x94: {  	[sflag:s23] =	ssyncadd.s32 $0xFFFFFF00  }
0x95: {  	_ =	swait.ge [sflag:s29], $0x2000  }
0x96: {  	[sflag:s29] =	ssyncset.done $0x0  }
0x97: {  	[sflag:s29] =	ssyncadd.s32 $0xFFFFE000  }
0x98: {  	[tilespmem:s24], [sflag:$0x3] =	stream.indirect.gather [hbm4b:s3+s19], $0x20, s17, s19, $0xb8;
	[tilespmem:$0x4200] =	vst v63  }
0x99: {  	_ = 	snop  }
0x9a: {  	[tilespmem:s26], [sflag:$0x3] =	stream.indirect.gather [hbm4b:s3+s19], $0x20, s25, s19, $0xb8;
	[tilespmem:$0x4200] =	vst v63  }
0x9b: {  	_ =	swait.ge [sflag:s22], $0x1000  }
0x9c: {  	[sflag:s22] =	ssyncset.done $0x0  }
0x9d: {  	[sflag:s22] =	ssyncadd.s32 $0xFFFFF000  }
0x9e: {  	_ =	swait.ge [sflag:s22], $0x1000  }
0x9f: {  	[sflag:s22] =	ssyncset.done $0x0  }
0xa0: {  	[sflag:s22] =	ssyncadd.s32 $0xFFFFF000  }
0xa1: {  	[hbm4b:s14+s1] =	stream.linear.scatter [tilespmem:s24], [sflag:$0x5], $0x2000, $0x38;
	[tilespmem:$0x4200] =	vst v63  }
0xa2: {  	_ =	swait.ge [sflag:s18], $0x100  }
0xa3: {  	[sflag:s18] =	ssyncset.done $0x0  }
0xa4: {  	s0 =	simm.s32 @!p0 $0x4;
	[sflag:s18] =	ssyncadd.s32 $0xFFFFFF00  }
0xa5: {  	_ =	swait.ge @!p0 [sflag:s0], $0x2000  }
0xa6: {  	s5 =	simm.s32 @!p0 $0x0;
	[sflag:s0] =	ssyncset.done @!p0 $0x0  }
0xa7: {  	s7 =	simm.s32 @!p0 $0x200;
	[sflag:s0] =	ssyncadd.s32 @!p0 $0xFFFFE000;
	s0 =	simm.s32 @!p0 $0x80  }
0xa8: {  	[tilespmem:s7], [sflag:$0x3] =	stream.indirect.gather @!p0 [hbm4b:s3+s0], $0x20, s5, s0, $0xb8;
	[tilespmem:$0x4200] =	vst v63  }
0xa9: {  	s16 =	simm.s32 @!p0 $0x1200  }
0xaa: {  	[tilespmem:s16], [sflag:$0x3] =	stream.indirect.gather @!p0 [hbm4b:s3+s0], $0x20, s0, s0, $0xb8;
	[tilespmem:$0x4200] =	vst v63  }
0xab: {  	s0 =	simm.s32 @!p0 $0x3  }
0xac: {  	_ =	swait.ge @!p0 [sflag:s0], $0x1000  }
0xad: {  	[sflag:s0] =	ssyncset.done @!p0 $0x0  }
0xae: {  	[sflag:s0] =	ssyncadd.s32 @!p0 $0xFFFFF000  }
0xaf: {  	_ =	swait.ge @!p0 [sflag:s0], $0x1000  }
0xb0: {  	[sflag:s0] =	ssyncset.done @!p0 $0x0  }
0xb1: {  	s30 =	sadd.s32 $0x1, s30;
	[sflag:s0] =	ssyncadd.s32 @!p0 $0xFFFFF000;
	s0 =	rddreg [dreg:$0x4]  }
0xb2: {  	[hbm4b:s0+s5] =	stream.linear.scatter @!p0 [tilespmem:s7], [sflag:$0x4], $0x2000, $0x38;
	[tilespmem:$0x4200] =	vst v63  }
0xb3: {  	p1 =	sne.s32 s30, s8;
	_ =	swait.ge [sflag:s28], $0x2000  }
.Ltmp1:
0xb4: {  	[sflag:s28] =	ssyncset.done $0x0;
	(pc) =	sbr.rel @p1 .LBB2_1-.Ltmp1, $4  }
0xb5: {  	[sflag:s28] =	ssyncadd.s32 $0xFFFFE000  }
0xb6: {  	_ =	swait.ge [sflag:s29], $0x2000  }
0xb7: {  	[sflag:s29] =	ssyncset.done $0x0  }
0xb8: {  	[sflag:s29] =	ssyncadd.s32 $0xFFFFE000  }
0xb9: {  	_ =	sfence.sel $0x180000  }
0xba: {  	[bflag:$0x0] =	sbarrier.arrive $0xFFFF  }
0xbb: {  	_ =	strace $0x90000050  }
0xbc: {  	s0 =	stileid.u32;
	[bflag:$0x2] =	sbarrier.arrive $0xFFFF  }
0xbd: {  	p0 =	sne.s32 s0, $0x0;
	s0 =	rddreg [dreg:$0x2]  }
0xbe: {  	s0 =	sadd.s32 @!p0 $0x100000, s0  }
0xbf: {  	[sflag:s0] =	ssyncadd.tile.s32 @!p0 $0x1;
	_ =	shalt  }
.Lfunc_end2:
_tile_overlayer_lowered:
.L_overlay_start_2:
0xc0: {  	(tag) =	ssettag $0x2  }
0xc1: {  	s0 =	rddreg [dreg:$0x0];
	s2 =	stileid.u32  }
0xc2: {  	s1 =	rddreg [dreg:$0x1];
	p0 =	sne.s32 s2, $0x0  }
0xc3: {  	s3 =	rddreg [dreg:$0x2];
	[bflag:$0x3] =	sbarrier.arrive $0xFFFF;
	s2 =	simm.s32 @!p0 $0x1C06  }
0xc4: {  	[timem:s3], [sflag:s2] =	dma.local @!p0 [hbm:s0], s1  }
0xc5: {  	s0 =	simm.s32 @!p0 $0x6  }
0xc6: {  	_ =	swait.ge @!p0 [sflag:s0], s1  }
0xc7: {  	s1 =	ssub.s32 @!p0 $0x0, s1;
	[sflag:s0] =	ssyncset.done @!p0 $0x0  }
0xc8: {  	[sflag:s0] =	ssyncadd.s32 @!p0 s1  }
0xc9: {  	[bflag:$0x3] =	sbarrier.arrive $0xFFFF  }
0xca: {  	_ =	shalt  }

</sc_bundles>
